<compile_context>
chip_gen: v7x
topology: tpu7x:2x2x1
jax: 0.10.2.dev20260603
libtpu: 0.0.44.dev20260713+nightly
codegen_flags: <defaults>
</compile_context>

<pallas_src>
import functools

import jax
import jax.numpy as jnp
from jax import lax
from jax.experimental import pallas as pl
from jax.experimental.pallas import tpu as pltpu
from jax.experimental.pallas import tpu_sc as plsc

_N = 32
_F = 100
_W = 384

_RGB_RPF = 3 * 384
_G = 96
_NG = _RGB_RPF // _G
_NB = 3

_SMALL_W = 128
_MB = 32


def _sc_rgb_gather(rgb2, rgb_cidx):
    info = plsc.get_sparse_core_info()
    nc = info.num_cores
    mesh = plsc.VectorSubcoreMesh(core_axis_name="c", subcore_axis_name="s")

    out_type = jax.ShapeDtypeStruct((_N * _RGB_RPF, _W), jnp.float32)
    scratch = [
        pltpu.VMEM((_NG, _G), jnp.int32),
        [pltpu.VMEM((_G, _W), jnp.float32) for _ in range(_NB)],
        pltpu.SemaphoreType.DMA,
        pltpu.SemaphoreType.DMA,
    ]

    @functools.partial(
        pl.kernel, out_type=out_type, mesh=mesh, scratch_types=scratch
    )
    def rgb_kernel(rgb_hbm, cidx_hbm, rgb_out, cidx_v, bufs, rsem, wsem):
        w = lax.axis_index("s") * nc + lax.axis_index("c")
        pltpu.sync_copy(cidx_hbm.at[w], cidx_v)

        def src_of(i):
            return rgb_hbm.at[cidx_v.at[i]]

        def dst_of(i):
            return rgb_out.at[pl.ds(w * _RGB_RPF + i * _G, _G)]

        gath = [None] * _NG
        wr = [None] * _NG
        gath[0] = pltpu.async_copy(src_of(0), bufs[0], rsem)
        gath[1] = pltpu.async_copy(src_of(1), bufs[1], rsem)
        for i in range(_NG):
            gath[i].wait()
            if i + 2 < _NG:
                if i >= 1:
                    wr[i - 1].wait()
                gath[i + 2] = pltpu.async_copy(
                    src_of(i + 2), bufs[(i + 2) % _NB], rsem
                )
            wr[i] = pltpu.async_copy(bufs[i % _NB], dst_of(i), wsem)

        for i in range(_NG - 3, _NG):
            wr[i].wait()

    return rgb_kernel(rgb2, rgb_cidx)


def _tc_rest_gather(mask_list, small2, index):
    any_spec = pl.BlockSpec(memory_space=pl.ANY)
    grid_spec = pltpu.PrefetchScalarGridSpec(
        num_scalar_prefetch=1,
        grid=(1,),
        in_specs=[any_spec, any_spec],
        out_specs=(any_spec, any_spec),
        scratch_shapes=(
            [pltpu.VMEM((384, 384), jnp.float32) for _ in range(_MB)]
            + [
                pltpu.VMEM((_N, _SMALL_W), jnp.float32),
                pltpu.SemaphoreType.DMA,
                pltpu.SemaphoreType.DMA,
                pltpu.SemaphoreType.DMA,
                pltpu.SemaphoreType.DMA,
            ]
        ),
    )
    out_shape = (
        jax.ShapeDtypeStruct((_N, 384, 384), jnp.float32),
        jax.ShapeDtypeStruct((_N, _SMALL_W), jnp.float32),
    )

    def body(idx_ref, mask_h, small_h, mask_o, small_o, *rest):
        bufs = rest[:_MB]
        sbuf, rsem, wsem, ssem, osem = rest[_MB:]

        rd = [None] * _N
        wr = [None] * _N
        for i in range(_N):
            rd[i] = pltpu.make_async_copy(
                mask_h.at[idx_ref[i]], bufs[i], rsem
            )
            rd[i].start()
        srd = []
        for i in range(_N):
            srd.append(
                pltpu.make_async_copy(small_h.at[idx_ref[i]], sbuf.at[i], ssem)
            )
            srd[-1].start()
        for i in range(_N):
            rd[i].wait()
            wr[i] = pltpu.make_async_copy(bufs[i], mask_o.at[i], wsem)
            wr[i].start()

        for c in srd:
            c.wait()
        so = pltpu.make_async_copy(sbuf, small_o, osem)
        so.start()
        so.wait()
        for i in range(_N):
            wr[i].wait()

    return pl.pallas_call(body, grid_spec=grid_spec, out_shape=out_shape)(
        index, mask_list, small2
    )


def kernel(rgb_list, mask_list, K_list, pose_base_list, pose_rest_list,
           global_trans_list, index):
    f = rgb_list.shape[0]
    rgb2 = rgb_list.transpose(0, 3, 1, 2).reshape(f * _RGB_RPF, _W)

    small2 = jnp.pad(
        jnp.concatenate(
            [
                K_list.reshape(f, 9),
                pose_base_list.reshape(f, 3),
                pose_rest_list.reshape(f, 69),
                global_trans_list,
            ],
            axis=1,
        ),
        ((0, 0), (0, _SMALL_W - 84)),
    )

    ar = jnp.arange(_RGB_RPF, dtype=jnp.int32)
    rgb_cidx = (index[:, None] * _RGB_RPF + ar).reshape(_N, _NG, _G)

    rgb_o = _sc_rgb_gather(rgb2, rgb_cidx)
    gt_mask, small_o = _tc_rest_gather(mask_list, small2, index)
    return (
        rgb_o.reshape(_N, 3, 384, 384).transpose(0, 2, 3, 1),
        gt_mask,
        small_o[:, 0:9].reshape(_N, 3, 3),
        small_o[:, 9:12].reshape(_N, 1, 3),
        small_o[:, 12:81].reshape(_N, 23, 3),
        small_o[:, 81:84],
        index,
    )

# --- scband reference (transcript-rebuilt; emitter-appended) ---
"""Pipeline reference for scband-real-data-optimizable-pose-provider-pose-21466246545698 (READ-ONLY COPY).

The authoritative reference and input builder live on the scoring server;
editing this copy changes nothing except your own understanding.
"""

import jax, jax.numpy as jnp
import numpy as np

F = 100
H = 384
W = 384
N = 32


def setup_inputs(seed: int = 0) -> dict:
    key = jax.random.key(seed)
    ks = jax.random.split(key, 7)
    rgb_list = jax.random.uniform(ks[0], (F, H, W, 3), dtype=jnp.float32)
    mask_list = (jax.random.uniform(ks[1], (F, H, W), dtype=jnp.float32) > 0.5).astype(jnp.float32)
    # apply the same compositing the torch module does at prepare time
    rgb_list = rgb_list * mask_list[..., None] + (1.0 - mask_list[..., None])
    K_list = jax.random.normal(ks[2], (F, 3, 3), dtype=jnp.float32)
    pose_base_list = jax.random.normal(ks[3], (F, 1, 3), dtype=jnp.float32) * 0.1
    pose_rest_list = jax.random.normal(ks[4], (F, 23, 3), dtype=jnp.float32) * 0.1
    global_trans_list = jax.random.normal(ks[5], (F, 3), dtype=jnp.float32)
    index = jax.random.randint(ks[6], (N,), 0, F, dtype=jnp.int32)
    return {
        "rgb_list": rgb_list,
        "mask_list": mask_list,
        "K_list": K_list,
        "pose_base_list": pose_base_list,
        "pose_rest_list": pose_rest_list,
        "global_trans_list": global_trans_list,
        "index": index,
    }


def reference(rgb_list, mask_list, K_list, pose_base_list, pose_rest_list, global_trans_list, index):
    # forward(index=...) path of RealDataOptimizablePoseProviderPose:
    # pure row gathers (embedding-lookup style) from per-frame buffers/parameters.
    t = index
    gt_rgb = jnp.take(rgb_list, t, axis=0)
    gt_mask = jnp.take(mask_list, t, axis=0)
    K = jnp.take(K_list, t, axis=0)
    pose_base = jnp.take(pose_base_list, t, axis=0)
    pose_rest = jnp.take(pose_rest_list, t, axis=0)
    global_trans = jnp.take(global_trans_list, t, axis=0)
    return (gt_rgb, gt_mask, K, pose_base, pose_rest, global_trans, t)

if __name__ == "__main__":
    import jax
    _d = setup_inputs()
    print(jax.jit(kernel)(*tuple(_d.values())))

</pallas_src>

<mosaic_0001>
#map = affine_map<(d0, d1) -> (0, 0)>
#map1 = affine_map<(d0, d1) -> (0, 0, 0)>
module attributes {stable_mosaic.version = 14 : i64} {
  func.func @rgb_kernel(%arg0: i32, %arg1: i32, %arg2: memref<115200x384xf32, #tpu.memory_space<hbm>>, %arg3: memref<32x12x96xi32, #tpu.memory_space<hbm>>, %arg4: memref<36864x384xf32, #tpu.memory_space<hbm>>, %arg5: memref<12x96xi32, #tpu.memory_space<vmem>>, %arg6: memref<96x384xf32, #tpu.memory_space<vmem>>, %arg7: memref<96x384xf32, #tpu.memory_space<vmem>>, %arg8: memref<96x384xf32, #tpu.memory_space<vmem>>, %arg9: memref<!tpu.dma_semaphore, #tpu.memory_space<semaphore_mem>>, %arg10: memref<!tpu.dma_semaphore, #tpu.memory_space<semaphore_mem>>) attributes {dimension_semantics = [#tpu.dimension_semantics<core_parallel>, #tpu.dimension_semantics<subcore_parallel>], iteration_bounds = array<i64: 2, 16>, scalar_prefetch = 0 : i64, scratch_operands = 6 : i64, tpu.core_type = #tpu.core_type<sc_vector_subcore>, window_params = [{transform_indices = #map}, {transform_indices = #map1}, {transform_indices = #map}]} {
    %mul3A = arith.constant 2 : i32
    %mul3A_0 = arith.muli %arg1, %mul3A : i32
    %add3A = arith.addi %mul3A_0, %arg0 : i32
    "tpu.region"() ({
      %run_scoped3A = tpu.sem_alloc : memref<!tpu.dma_semaphore, #tpu.memory_space<semaphore_mem>>
      %dma_start3A_311 = arith.constant 0 : i32
      %dma_start3A_312 = arith.constant 0 : i32
      %dma_start3A_313 = tpu.memref_slice %arg3[%add3A, %dma_start3A_311, %dma_start3A_312] : memref<32x12x96xi32, #tpu.memory_space<hbm>> -> memref<1x12x96xi32, #tpu.memory_space<hbm>>
      %dma_start3A_314 = tpu.memref_squeeze %dma_start3A_313 : memref<1x12x96xi32, #tpu.memory_space<hbm>> -> memref<12x96xi32, #tpu.memory_space<hbm>>
      %dma_start3A_315 = arith.constant 0 : i32
      %dma_start3A_316 = arith.constant 0 : i32
      %dma_start3A_317 = tpu.memref_slice %arg3[%add3A, %dma_start3A_315, %dma_start3A_316] : memref<32x12x96xi32, #tpu.memory_space<hbm>> -> memref<1x12x96xi32, #tpu.memory_space<hbm>>
      %dma_start3A_318 = tpu.memref_squeeze %dma_start3A_317 : memref<1x12x96xi32, #tpu.memory_space<hbm>> -> memref<12x96xi32, #tpu.memory_space<hbm>>
      tpu.enqueue_dma source(%dma_start3A_318 : memref<12x96xi32, #tpu.memory_space<hbm>>) target(%arg5 : memref<12x96xi32, #tpu.memory_space<vmem>>) target_semaphore(%run_scoped3A : memref<!tpu.dma_semaphore, #tpu.memory_space<semaphore_mem>>)
      %dma_wait3A_319 = arith.constant 0 : i32
      %dma_wait3A_320 = arith.constant 0 : i32
      %dma_wait3A_321 = tpu.memref_slice %arg3[%add3A, %dma_wait3A_319, %dma_wait3A_320] : memref<32x12x96xi32, #tpu.memory_space<hbm>> -> memref<1x12x96xi32, #tpu.memory_space<hbm>>
      %dma_wait3A_322 = tpu.memref_squeeze %dma_wait3A_321 : memref<1x12x96xi32, #tpu.memory_space<hbm>> -> memref<12x96xi32, #tpu.memory_space<hbm>>
      %dma_wait3A_323 = arith.constant 0 : i32
      %dma_wait3A_324 = arith.constant 0 : i32
      %dma_wait3A_325 = tpu.memref_slice %arg3[%add3A, %dma_wait3A_323, %dma_wait3A_324] : memref<32x12x96xi32, #tpu.memory_space<hbm>> -> memref<1x12x96xi32, #tpu.memory_space<hbm>>
      %dma_wait3A_326 = tpu.memref_squeeze %dma_wait3A_325 : memref<1x12x96xi32, #tpu.memory_space<hbm>> -> memref<12x96xi32, #tpu.memory_space<hbm>>
      tpu.wait_dma2 semaphore(%run_scoped3A : memref<!tpu.dma_semaphore, #tpu.memory_space<semaphore_mem>>) src(%dma_wait3A_326 : memref<12x96xi32, #tpu.memory_space<hbm>>) dst(%arg5 : memref<12x96xi32, #tpu.memory_space<vmem>>)
      tpu.yield
    }) : () -> ()
    %dma_start3A = arith.constant 0 : i32
    %dma_start3A_1 = arith.constant 0 : i32
    %dma_start3A_2 = tpu.memref_slice %arg5[%dma_start3A, %dma_start3A_1] : memref<12x96xi32, #tpu.memory_space<vmem>> -> memref<1x96xi32, #tpu.memory_space<vmem>>
    %dma_start3A_3 = tpu.memref_squeeze %dma_start3A_2 : memref<1x96xi32, #tpu.memory_space<vmem>> -> memref<96xi32, #tpu.memory_space<vmem>>
    %dma_start3A_4 = arith.constant 0 : i32
    %dma_start3A_5 = arith.constant 0 : i32
    %dma_start3A_6 = tpu.memref_slice %arg2[%dma_start3A_4, %dma_start3A_5] : memref<115200x384xf32, #tpu.memory_space<hbm>> -> memref<115200x384xf32, #tpu.memory_space<hbm>>
    tpu.enqueue_indirect_dma source(%dma_start3A_6 : memref<115200x384xf32, #tpu.memory_space<hbm>>) target(%arg6 : memref<96x384xf32, #tpu.memory_space<vmem>>) offsets(%dma_start3A_3 : memref<96xi32, #tpu.memory_space<vmem>>) semaphore(%arg9 : memref<!tpu.dma_semaphore, #tpu.memory_space<semaphore_mem>>)
    %dma_start3A_7 = arith.constant 1 : i32
    %dma_start3A_8 = arith.constant 0 : i32
    %dma_start3A_9 = tpu.memref_slice %arg5[%dma_start3A_7, %dma_start3A_8] : memref<12x96xi32, #tpu.memory_space<vmem>> -> memref<1x96xi32, #tpu.memory_space<vmem>>
    %dma_start3A_10 = tpu.memref_squeeze %dma_start3A_9 : memref<1x96xi32, #tpu.memory_space<vmem>> -> memref<96xi32, #tpu.memory_space<vmem>>
    %dma_start3A_11 = arith.constant 0 : i32
    %dma_start3A_12 = arith.constant 0 : i32
    %dma_start3A_13 = tpu.memref_slice %arg2[%dma_start3A_11, %dma_start3A_12] : memref<115200x384xf32, #tpu.memory_space<hbm>> -> memref<115200x384xf32, #tpu.memory_space<hbm>>
    tpu.enqueue_indirect_dma source(%dma_start3A_13 : memref<115200x384xf32, #tpu.memory_space<hbm>>) target(%arg7 : memref<96x384xf32, #tpu.memory_space<vmem>>) offsets(%dma_start3A_10 : memref<96xi32, #tpu.memory_space<vmem>>) semaphore(%arg9 : memref<!tpu.dma_semaphore, #tpu.memory_space<semaphore_mem>>)
    %dma_wait3A = arith.constant 0 : i32
    %dma_wait3A_14 = arith.constant 0 : i32
    %dma_wait3A_15 = tpu.memref_slice %arg5[%dma_wait3A, %dma_wait3A_14] : memref<12x96xi32, #tpu.memory_space<vmem>> -> memref<1x96xi32, #tpu.memory_space<vmem>>
    %dma_wait3A_16 = tpu.memref_squeeze %dma_wait3A_15 : memref<1x96xi32, #tpu.memory_space<vmem>> -> memref<96xi32, #tpu.memory_space<vmem>>
    %dma_wait3A_17 = arith.constant 0 : i32
    %dma_wait3A_18 = arith.constant 0 : i32
    %dma_wait3A_19 = tpu.memref_slice %arg2[%dma_wait3A_17, %dma_wait3A_18] : memref<115200x384xf32, #tpu.memory_space<hbm>> -> memref<115200x384xf32, #tpu.memory_space<hbm>>
    tpu.wait_indirect_dma semaphore(%arg9 : memref<!tpu.dma_semaphore, #tpu.memory_space<semaphore_mem>>) src(%dma_wait3A_19 : memref<115200x384xf32, #tpu.memory_space<hbm>>) dst(%arg6 : memref<96x384xf32, #tpu.memory_space<vmem>>)
    %dma_start3A_20 = arith.constant 2 : i32
    %dma_start3A_21 = arith.constant 0 : i32
    %dma_start3A_22 = tpu.memref_slice %arg5[%dma_start3A_20, %dma_start3A_21] : memref<12x96xi32, #tpu.memory_space<vmem>> -> memref<1x96xi32, #tpu.memory_space<vmem>>
    %dma_start3A_23 = tpu.memref_squeeze %dma_start3A_22 : memref<1x96xi32, #tpu.memory_space<vmem>> -> memref<96xi32, #tpu.memory_space<vmem>>
    %dma_start3A_24 = arith.constant 0 : i32
    %dma_start3A_25 = arith.constant 0 : i32
    %dma_start3A_26 = tpu.memref_slice %arg2[%dma_start3A_24, %dma_start3A_25] : memref<115200x384xf32, #tpu.memory_space<hbm>> -> memref<115200x384xf32, #tpu.memory_space<hbm>>
    tpu.enqueue_indirect_dma source(%dma_start3A_26 : memref<115200x384xf32, #tpu.memory_space<hbm>>) target(%arg8 : memref<96x384xf32, #tpu.memory_space<vmem>>) offsets(%dma_start3A_23 : memref<96xi32, #tpu.memory_space<vmem>>) semaphore(%arg9 : memref<!tpu.dma_semaphore, #tpu.memory_space<semaphore_mem>>)
    %mul3A_27 = arith.constant 1152 : i32
    %mul3A_28 = arith.muli %add3A, %mul3A_27 : i32
    %add3A_29 = arith.constant 0 : i32
    %add3A_30 = arith.addi %mul3A_28, %add3A_29 : i32
    %dma_start3A_31 = arith.constant 0 : i32
    %dma_start3A_32 = tpu.memref_slice %arg4[%add3A_30, %dma_start3A_31] : memref<36864x384xf32, #tpu.memory_space<hbm>> -> memref<96x384xf32, #tpu.memory_space<hbm>>
    %dma_start3A_33 = arith.constant 0 : i32
    %dma_start3A_34 = tpu.memref_slice %arg4[%add3A_30, %dma_start3A_33] : memref<36864x384xf32, #tpu.memory_space<hbm>> -> memref<96x384xf32, #tpu.memory_space<hbm>>
    tpu.enqueue_dma source(%arg6 : memref<96x384xf32, #tpu.memory_space<vmem>>) target(%dma_start3A_34 : memref<96x384xf32, #tpu.memory_space<hbm>>) target_semaphore(%arg10 : memref<!tpu.dma_semaphore, #tpu.memory_space<semaphore_mem>>)
    %dma_wait3A_35 = arith.constant 1 : i32
    %dma_wait3A_36 = arith.constant 0 : i32
    %dma_wait3A_37 = tpu.memref_slice %arg5[%dma_wait3A_35, %dma_wait3A_36] : memref<12x96xi32, #tpu.memory_space<vmem>> -> memref<1x96xi32, #tpu.memory_space<vmem>>
    %dma_wait3A_38 = tpu.memref_squeeze %dma_wait3A_37 : memref<1x96xi32, #tpu.memory_space<vmem>> -> memref<96xi32, #tpu.memory_space<vmem>>
    %dma_wait3A_39 = arith.constant 0 : i32
    %dma_wait3A_40 = arith.constant 0 : i32
    %dma_wait3A_41 = tpu.memref_slice %arg2[%dma_wait3A_39, %dma_wait3A_40] : memref<115200x384xf32, #tpu.memory_space<hbm>> -> memref<115200x384xf32, #tpu.memory_space<hbm>>
    tpu.wait_indirect_dma semaphore(%arg9 : memref<!tpu.dma_semaphore, #tpu.memory_space<semaphore_mem>>) src(%dma_wait3A_41 : memref<115200x384xf32, #tpu.memory_space<hbm>>) dst(%arg7 : memref<96x384xf32, #tpu.memory_space<vmem>>)
    %dma_wait3A_42 = arith.constant 0 : i32
    %dma_wait3A_43 = tpu.memref_slice %arg4[%add3A_30, %dma_wait3A_42] : memref<36864x384xf32, #tpu.memory_space<hbm>> -> memref<96x384xf32, #tpu.memory_space<hbm>>
    %dma_wait3A_44 = arith.constant 0 : i32
    %dma_wait3A_45 = tpu.memref_slice %arg4[%add3A_30, %dma_wait3A_44] : memref<36864x384xf32, #tpu.memory_space<hbm>> -> memref<96x384xf32, #tpu.memory_space<hbm>>
    tpu.wait_dma2 semaphore(%arg10 : memref<!tpu.dma_semaphore, #tpu.memory_space<semaphore_mem>>) src(%arg6 : memref<96x384xf32, #tpu.memory_space<vmem>>) dst(%dma_wait3A_45 : memref<96x384xf32, #tpu.memory_space<hbm>>)
    %dma_start3A_46 = arith.constant 3 : i32
    %dma_start3A_47 = arith.constant 0 : i32
    %dma_start3A_48 = tpu.memref_slice %arg5[%dma_start3A_46, %dma_start3A_47] : memref<12x96xi32, #tpu.memory_space<vmem>> -> memref<1x96xi32, #tpu.memory_space<vmem>>
    %dma_start3A_49 = tpu.memref_squeeze %dma_start3A_48 : memref<1x96xi32, #tpu.memory_space<vmem>> -> memref<96xi32, #tpu.memory_space<vmem>>
    %dma_start3A_50 = arith.constant 0 : i32
    %dma_start3A_51 = arith.constant 0 : i32
    %dma_start3A_52 = tpu.memref_slice %arg2[%dma_start3A_50, %dma_start3A_51] : memref<115200x384xf32, #tpu.memory_space<hbm>> -> memref<115200x384xf32, #tpu.memory_space<hbm>>
    tpu.enqueue_indirect_dma source(%dma_start3A_52 : memref<115200x384xf32, #tpu.memory_space<hbm>>) target(%arg6 : memref<96x384xf32, #tpu.memory_space<vmem>>) offsets(%dma_start3A_49 : memref<96xi32, #tpu.memory_space<vmem>>) semaphore(%arg9 : memref<!tpu.dma_semaphore, #tpu.memory_space<semaphore_mem>>)
    %mul3A_53 = arith.constant 1152 : i32
    %mul3A_54 = arith.muli %add3A, %mul3A_53 : i32
    %add3A_55 = arith.constant 96 : i32
    %add3A_56 = arith.addi %mul3A_54, %add3A_55 : i32
    %dma_start3A_57 = arith.constant 0 : i32
    %dma_start3A_58 = tpu.memref_slice %arg4[%add3A_56, %dma_start3A_57] : memref<36864x384xf32, #tpu.memory_space<hbm>> -> memref<96x384xf32, #tpu.memory_space<hbm>>
    %dma_start3A_59 = arith.constant 0 : i32
    %dma_start3A_60 = tpu.memref_slice %arg4[%add3A_56, %dma_start3A_59] : memref<36864x384xf32, #tpu.memory_space<hbm>> -> memref<96x384xf32, #tpu.memory_space<hbm>>
    tpu.enqueue_dma source(%arg7 : memref<96x384xf32, #tpu.memory_space<vmem>>) target(%dma_start3A_60 : memref<96x384xf32, #tpu.memory_space<hbm>>) target_semaphore(%arg10 : memref<!tpu.dma_semaphore, #tpu.memory_space<semaphore_mem>>)
    %dma_wait3A_61 = arith.constant 2 : i32
    %dma_wait3A_62 = arith.constant 0 : i32
    %dma_wait3A_63 = tpu.memref_slice %arg5[%dma_wait3A_61, %dma_wait3A_62] : memref<12x96xi32, #tpu.memory_space<vmem>> -> memref<1x96xi32, #tpu.memory_space<vmem>>
    %dma_wait3A_64 = tpu.memref_squeeze %dma_wait3A_63 : memref<1x96xi32, #tpu.memory_space<vmem>> -> memref<96xi32, #tpu.memory_space<vmem>>
    %dma_wait3A_65 = arith.constant 0 : i32
    %dma_wait3A_66 = arith.constant 0 : i32
    %dma_wait3A_67 = tpu.memref_slice %arg2[%dma_wait3A_65, %dma_wait3A_66] : memref<115200x384xf32, #tpu.memory_space<hbm>> -> memref<115200x384xf32, #tpu.memory_space<hbm>>
    tpu.wait_indirect_dma semaphore(%arg9 : memref<!tpu.dma_semaphore, #tpu.memory_space<semaphore_mem>>) src(%dma_wait3A_67 : memref<115200x384xf32, #tpu.memory_space<hbm>>) dst(%arg8 : memref<96x384xf32, #tpu.memory_space<vmem>>)
    %dma_wait3A_68 = arith.constant 0 : i32
    %dma_wait3A_69 = tpu.memref_slice %arg4[%add3A_56, %dma_wait3A_68] : memref<36864x384xf32, #tpu.memory_space<hbm>> -> memref<96x384xf32, #tpu.memory_space<hbm>>
    %dma_wait3A_70 = arith.constant 0 : i32
    %dma_wait3A_71 = tpu.memref_slice %arg4[%add3A_56, %dma_wait3A_70] : memref<36864x384xf32, #tpu.memory_space<hbm>> -> memref<96x384xf32, #tpu.memory_space<hbm>>
    tpu.wait_dma2 semaphore(%arg10 : memref<!tpu.dma_semaphore, #tpu.memory_space<semaphore_mem>>) src(%arg7 : memref<96x384xf32, #tpu.memory_space<vmem>>) dst(%dma_wait3A_71 : memref<96x384xf32, #tpu.memory_space<hbm>>)
    %dma_start3A_72 = arith.constant 4 : i32
    %dma_start3A_73 = arith.constant 0 : i32
    %dma_start3A_74 = tpu.memref_slice %arg5[%dma_start3A_72, %dma_start3A_73] : memref<12x96xi32, #tpu.memory_space<vmem>> -> memref<1x96xi32, #tpu.memory_space<vmem>>
    %dma_start3A_75 = tpu.memref_squeeze %dma_start3A_74 : memref<1x96xi32, #tpu.memory_space<vmem>> -> memref<96xi32, #tpu.memory_space<vmem>>
    %dma_start3A_76 = arith.constant 0 : i32
    %dma_start3A_77 = arith.constant 0 : i32
    %dma_start3A_78 = tpu.memref_slice %arg2[%dma_start3A_76, %dma_start3A_77] : memref<115200x384xf32, #tpu.memory_space<hbm>> -> memref<115200x384xf32, #tpu.memory_space<hbm>>
    tpu.enqueue_indirect_dma source(%dma_start3A_78 : memref<115200x384xf32, #tpu.memory_space<hbm>>) target(%arg7 : memref<96x384xf32, #tpu.memory_space<vmem>>) offsets(%dma_start3A_75 : memref<96xi32, #tpu.memory_space<vmem>>) semaphore(%arg9 : memref<!tpu.dma_semaphore, #tpu.memory_space<semaphore_mem>>)
    %mul3A_79 = arith.constant 1152 : i32
    %mul3A_80 = arith.muli %add3A, %mul3A_79 : i32
    %add3A_81 = arith.constant 192 : i32
    %add3A_82 = arith.addi %mul3A_80, %add3A_81 : i32
    %dma_start3A_83 = arith.constant 0 : i32
    %dma_start3A_84 = tpu.memref_slice %arg4[%add3A_82, %dma_start3A_83] : memref<36864x384xf32, #tpu.memory_space<hbm>> -> memref<96x384xf32, #tpu.memory_space<hbm>>
    %dma_start3A_85 = arith.constant 0 : i32
    %dma_start3A_86 = tpu.memref_slice %arg4[%add3A_82, %dma_start3A_85] : memref<36864x384xf32, #tpu.memory_space<hbm>> -> memref<96x384xf32, #tpu.memory_space<hbm>>
    tpu.enqueue_dma source(%arg8 : memref<96x384xf32, #tpu.memory_space<vmem>>) target(%dma_start3A_86 : memref<96x384xf32, #tpu.memory_space<hbm>>) target_semaphore(%arg10 : memref<!tpu.dma_semaphore, #tpu.memory_space<semaphore_mem>>)
    %dma_wait3A_87 = arith.constant 3 : i32
    %dma_wait3A_88 = arith.constant 0 : i32
    %dma_wait3A_89 = tpu.memref_slice %arg5[%dma_wait3A_87, %dma_wait3A_88] : memref<12x96xi32, #tpu.memory_space<vmem>> -> memref<1x96xi32, #tpu.memory_space<vmem>>
    %dma_wait3A_90 = tpu.memref_squeeze %dma_wait3A_89 : memref<1x96xi32, #tpu.memory_space<vmem>> -> memref<96xi32, #tpu.memory_space<vmem>>
    %dma_wait3A_91 = arith.constant 0 : i32
    %dma_wait3A_92 = arith.constant 0 : i32
    %dma_wait3A_93 = tpu.memref_slice %arg2[%dma_wait3A_91, %dma_wait3A_92] : memref<115200x384xf32, #tpu.memory_space<hbm>> -> memref<115200x384xf32, #tpu.memory_space<hbm>>
    tpu.wait_indirect_dma semaphore(%arg9 : memref<!tpu.dma_semaphore, #tpu.memory_space<semaphore_mem>>) src(%dma_wait3A_93 : memref<115200x384xf32, #tpu.memory_space<hbm>>) dst(%arg6 : memref<96x384xf32, #tpu.memory_space<vmem>>)
    %dma_wait3A_94 = arith.constant 0 : i32
    %dma_wait3A_95 = tpu.memref_slice %arg4[%add3A_82, %dma_wait3A_94] : memref<36864x384xf32, #tpu.memory_space<hbm>> -> memref<96x384xf32, #tpu.memory_space<hbm>>
    %dma_wait3A_96 = arith.constant 0 : i32
    %dma_wait3A_97 = tpu.memref_slice %arg4[%add3A_82, %dma_wait3A_96] : memref<36864x384xf32, #tpu.memory_space<hbm>> -> memref<96x384xf32, #tpu.memory_space<hbm>>
    tpu.wait_dma2 semaphore(%arg10 : memref<!tpu.dma_semaphore, #tpu.memory_space<semaphore_mem>>) src(%arg8 : memref<96x384xf32, #tpu.memory_space<vmem>>) dst(%dma_wait3A_97 : memref<96x384xf32, #tpu.memory_space<hbm>>)
    %dma_start3A_98 = arith.constant 5 : i32
    %dma_start3A_99 = arith.constant 0 : i32
    %dma_start3A_100 = tpu.memref_slice %arg5[%dma_start3A_98, %dma_start3A_99] : memref<12x96xi32, #tpu.memory_space<vmem>> -> memref<1x96xi32, #tpu.memory_space<vmem>>
    %dma_start3A_101 = tpu.memref_squeeze %dma_start3A_100 : memref<1x96xi32, #tpu.memory_space<vmem>> -> memref<96xi32, #tpu.memory_space<vmem>>
    %dma_start3A_102 = arith.constant 0 : i32
    %dma_start3A_103 = arith.constant 0 : i32
    %dma_start3A_104 = tpu.memref_slice %arg2[%dma_start3A_102, %dma_start3A_103] : memref<115200x384xf32, #tpu.memory_space<hbm>> -> memref<115200x384xf32, #tpu.memory_space<hbm>>
    tpu.enqueue_indirect_dma source(%dma_start3A_104 : memref<115200x384xf32, #tpu.memory_space<hbm>>) target(%arg8 : memref<96x384xf32, #tpu.memory_space<vmem>>) offsets(%dma_start3A_101 : memref<96xi32, #tpu.memory_space<vmem>>) semaphore(%arg9 : memref<!tpu.dma_semaphore, #tpu.memory_space<semaphore_mem>>)
    %mul3A_105 = arith.constant 1152 : i32
    %mul3A_106 = arith.muli %add3A, %mul3A_105 : i32
    %add3A_107 = arith.constant 288 : i32
    %add3A_108 = arith.addi %mul3A_106, %add3A_107 : i32
    %dma_start3A_109 = arith.constant 0 : i32
    %dma_start3A_110 = tpu.memref_slice %arg4[%add3A_108, %dma_start3A_109] : memref<36864x384xf32, #tpu.memory_space<hbm>> -> memref<96x384xf32, #tpu.memory_space<hbm>>
    %dma_start3A_111 = arith.constant 0 : i32
    %dma_start3A_112 = tpu.memref_slice %arg4[%add3A_108, %dma_start3A_111] : memref<36864x384xf32, #tpu.memory_space<hbm>> -> memref<96x384xf32, #tpu.memory_space<hbm>>
    tpu.enqueue_dma source(%arg6 : memref<96x384xf32, #tpu.memory_space<vmem>>) target(%dma_start3A_112 : memref<96x384xf32, #tpu.memory_space<hbm>>) target_semaphore(%arg10 : memref<!tpu.dma_semaphore, #tpu.memory_space<semaphore_mem>>)
    %dma_wait3A_113 = arith.constant 4 : i32
    %dma_wait3A_114 = arith.constant 0 : i32
    %dma_wait3A_115 = tpu.memref_slice %arg5[%dma_wait3A_113, %dma_wait3A_114] : memref<12x96xi32, #tpu.memory_space<vmem>> -> memref<1x96xi32, #tpu.memory_space<vmem>>
    %dma_wait3A_116 = tpu.memref_squeeze %dma_wait3A_115 : memref<1x96xi32, #tpu.memory_space<vmem>> -> memref<96xi32, #tpu.memory_space<vmem>>
    %dma_wait3A_117 = arith.constant 0 : i32
    %dma_wait3A_118 = arith.constant 0 : i32
    %dma_wait3A_119 = tpu.memref_slice %arg2[%dma_wait3A_117, %dma_wait3A_118] : memref<115200x384xf32, #tpu.memory_space<hbm>> -> memref<115200x384xf32, #tpu.memory_space<hbm>>
    tpu.wait_indirect_dma semaphore(%arg9 : memref<!tpu.dma_semaphore, #tpu.memory_space<semaphore_mem>>) src(%dma_wait3A_119 : memref<115200x384xf32, #tpu.memory_space<hbm>>) dst(%arg7 : memref<96x384xf32, #tpu.memory_space<vmem>>)
    %dma_wait3A_120 = arith.constant 0 : i32
    %dma_wait3A_121 = tpu.memref_slice %arg4[%add3A_108, %dma_wait3A_120] : memref<36864x384xf32, #tpu.memory_space<hbm>> -> memref<96x384xf32, #tpu.memory_space<hbm>>
    %dma_wait3A_122 = arith.constant 0 : i32
    %dma_wait3A_123 = tpu.memref_slice %arg4[%add3A_108, %dma_wait3A_122] : memref<36864x384xf32, #tpu.memory_space<hbm>> -> memref<96x384xf32, #tpu.memory_space<hbm>>
    tpu.wait_dma2 semaphore(%arg10 : memref<!tpu.dma_semaphore, #tpu.memory_space<semaphore_mem>>) src(%arg6 : memref<96x384xf32, #tpu.memory_space<vmem>>) dst(%dma_wait3A_123 : memref<96x384xf32, #tpu.memory_space<hbm>>)
    %dma_start3A_124 = arith.constant 6 : i32
    %dma_start3A_125 = arith.constant 0 : i32
    %dma_start3A_126 = tpu.memref_slice %arg5[%dma_start3A_124, %dma_start3A_125] : memref<12x96xi32, #tpu.memory_space<vmem>> -> memref<1x96xi32, #tpu.memory_space<vmem>>
    %dma_start3A_127 = tpu.memref_squeeze %dma_start3A_126 : memref<1x96xi32, #tpu.memory_space<vmem>> -> memref<96xi32, #tpu.memory_space<vmem>>
    %dma_start3A_128 = arith.constant 0 : i32
    %dma_start3A_129 = arith.constant 0 : i32
    %dma_start3A_130 = tpu.memref_slice %arg2[%dma_start3A_128, %dma_start3A_129] : memref<115200x384xf32, #tpu.memory_space<hbm>> -> memref<115200x384xf32, #tpu.memory_space<hbm>>
    tpu.enqueue_indirect_dma source(%dma_start3A_130 : memref<115200x384xf32, #tpu.memory_space<hbm>>) target(%arg6 : memref<96x384xf32, #tpu.memory_space<vmem>>) offsets(%dma_start3A_127 : memref<96xi32, #tpu.memory_space<vmem>>) semaphore(%arg9 : memref<!tpu.dma_semaphore, #tpu.memory_space<semaphore_mem>>)
    %mul3A_131 = arith.constant 1152 : i32
    %mul3A_132 = arith.muli %add3A, %mul3A_131 : i32
    %add3A_133 = arith.constant 384 : i32
    %add3A_134 = arith.addi %mul3A_132, %add3A_133 : i32
    %dma_start3A_135 = arith.constant 0 : i32
    %dma_start3A_136 = tpu.memref_slice %arg4[%add3A_134, %dma_start3A_135] : memref<36864x384xf32, #tpu.memory_space<hbm>> -> memref<96x384xf32, #tpu.memory_space<hbm>>
    %dma_start3A_137 = arith.constant 0 : i32
    %dma_start3A_138 = tpu.memref_slice %arg4[%add3A_134, %dma_start3A_137] : memref<36864x384xf32, #tpu.memory_space<hbm>> -> memref<96x384xf32, #tpu.memory_space<hbm>>
    tpu.enqueue_dma source(%arg7 : memref<96x384xf32, #tpu.memory_space<vmem>>) target(%dma_start3A_138 : memref<96x384xf32, #tpu.memory_space<hbm>>) target_semaphore(%arg10 : memref<!tpu.dma_semaphore, #tpu.memory_space<semaphore_mem>>)
    %dma_wait3A_139 = arith.constant 5 : i32
    %dma_wait3A_140 = arith.constant 0 : i32
    %dma_wait3A_141 = tpu.memref_slice %arg5[%dma_wait3A_139, %dma_wait3A_140] : memref<12x96xi32, #tpu.memory_space<vmem>> -> memref<1x96xi32, #tpu.memory_space<vmem>>
    %dma_wait3A_142 = tpu.memref_squeeze %dma_wait3A_141 : memref<1x96xi32, #tpu.memory_space<vmem>> -> memref<96xi32, #tpu.memory_space<vmem>>
    %dma_wait3A_143 = arith.constant 0 : i32
    %dma_wait3A_144 = arith.constant 0 : i32
    %dma_wait3A_145 = tpu.memref_slice %arg2[%dma_wait3A_143, %dma_wait3A_144] : memref<115200x384xf32, #tpu.memory_space<hbm>> -> memref<115200x384xf32, #tpu.memory_space<hbm>>
    tpu.wait_indirect_dma semaphore(%arg9 : memref<!tpu.dma_semaphore, #tpu.memory_space<semaphore_mem>>) src(%dma_wait3A_145 : memref<115200x384xf32, #tpu.memory_space<hbm>>) dst(%arg8 : memref<96x384xf32, #tpu.memory_space<vmem>>)
    %dma_wait3A_146 = arith.constant 0 : i32
    %dma_wait3A_147 = tpu.memref_slice %arg4[%add3A_134, %dma_wait3A_146] : memref<36864x384xf32, #tpu.memory_space<hbm>> -> memref<96x384xf32, #tpu.memory_space<hbm>>
    %dma_wait3A_148 = arith.constant 0 : i32
    %dma_wait3A_149 = tpu.memref_slice %arg4[%add3A_134, %dma_wait3A_148] : memref<36864x384xf32, #tpu.memory_space<hbm>> -> memref<96x384xf32, #tpu.memory_space<hbm>>
    tpu.wait_dma2 semaphore(%arg10 : memref<!tpu.dma_semaphore, #tpu.memory_space<semaphore_mem>>) src(%arg7 : memref<96x384xf32, #tpu.memory_space<vmem>>) dst(%dma_wait3A_149 : memref<96x384xf32, #tpu.memory_space<hbm>>)
    %dma_start3A_150 = arith.constant 7 : i32
    %dma_start3A_151 = arith.constant 0 : i32
    %dma_start3A_152 = tpu.memref_slice %arg5[%dma_start3A_150, %dma_start3A_151] : memref<12x96xi32, #tpu.memory_space<vmem>> -> memref<1x96xi32, #tpu.memory_space<vmem>>
    %dma_start3A_153 = tpu.memref_squeeze %dma_start3A_152 : memref<1x96xi32, #tpu.memory_space<vmem>> -> memref<96xi32, #tpu.memory_space<vmem>>
    %dma_start3A_154 = arith.constant 0 : i32
    %dma_start3A_155 = arith.constant 0 : i32
    %dma_start3A_156 = tpu.memref_slice %arg2[%dma_start3A_154, %dma_start3A_155] : memref<115200x384xf32, #tpu.memory_space<hbm>> -> memref<115200x384xf32, #tpu.memory_space<hbm>>
    tpu.enqueue_indirect_dma source(%dma_start3A_156 : memref<115200x384xf32, #tpu.memory_space<hbm>>) target(%arg7 : memref<96x384xf32, #tpu.memory_space<vmem>>) offsets(%dma_start3A_153 : memref<96xi32, #tpu.memory_space<vmem>>) semaphore(%arg9 : memref<!tpu.dma_semaphore, #tpu.memory_space<semaphore_mem>>)
    %mul3A_157 = arith.constant 1152 : i32
    %mul3A_158 = arith.muli %add3A, %mul3A_157 : i32
    %add3A_159 = arith.constant 480 : i32
    %add3A_160 = arith.addi %mul3A_158, %add3A_159 : i32
    %dma_start3A_161 = arith.constant 0 : i32
    %dma_start3A_162 = tpu.memref_slice %arg4[%add3A_160, %dma_start3A_161] : memref<36864x384xf32, #tpu.memory_space<hbm>> -> memref<96x384xf32, #tpu.memory_space<hbm>>
    %dma_start3A_163 = arith.constant 0 : i32
    %dma_start3A_164 = tpu.memref_slice %arg4[%add3A_160, %dma_start3A_163] : memref<36864x384xf32, #tpu.memory_space<hbm>> -> memref<96x384xf32, #tpu.memory_space<hbm>>
    tpu.enqueue_dma source(%arg8 : memref<96x384xf32, #tpu.memory_space<vmem>>) target(%dma_start3A_164 : memref<96x384xf32, #tpu.memory_space<hbm>>) target_semaphore(%arg10 : memref<!tpu.dma_semaphore, #tpu.memory_space<semaphore_mem>>)
    %dma_wait3A_165 = arith.constant 6 : i32
    %dma_wait3A_166 = arith.constant 0 : i32
    %dma_wait3A_167 = tpu.memref_slice %arg5[%dma_wait3A_165, %dma_wait3A_166] : memref<12x96xi32, #tpu.memory_space<vmem>> -> memref<1x96xi32, #tpu.memory_space<vmem>>
    %dma_wait3A_168 = tpu.memref_squeeze %dma_wait3A_167 : memref<1x96xi32, #tpu.memory_space<vmem>> -> memref<96xi32, #tpu.memory_space<vmem>>
    %dma_wait3A_169 = arith.constant 0 : i32
    %dma_wait3A_170 = arith.constant 0 : i32
    %dma_wait3A_171 = tpu.memref_slice %arg2[%dma_wait3A_169, %dma_wait3A_170] : memref<115200x384xf32, #tpu.memory_space<hbm>> -> memref<115200x384xf32, #tpu.memory_space<hbm>>
    tpu.wait_indirect_dma semaphore(%arg9 : memref<!tpu.dma_semaphore, #tpu.memory_space<semaphore_mem>>) src(%dma_wait3A_171 : memref<115200x384xf32, #tpu.memory_space<hbm>>) dst(%arg6 : memref<96x384xf32, #tpu.memory_space<vmem>>)
    %dma_wait3A_172 = arith.constant 0 : i32
    %dma_wait3A_173 = tpu.memref_slice %arg4[%add3A_160, %dma_wait3A_172] : memref<36864x384xf32, #tpu.memory_space<hbm>> -> memref<96x384xf32, #tpu.memory_space<hbm>>
    %dma_wait3A_174 = arith.constant 0 : i32
    %dma_wait3A_175 = tpu.memref_slice %arg4[%add3A_160, %dma_wait3A_174] : memref<36864x384xf32, #tpu.memory_space<hbm>> -> memref<96x384xf32, #tpu.memory_space<hbm>>
    tpu.wait_dma2 semaphore(%arg10 : memref<!tpu.dma_semaphore, #tpu.memory_space<semaphore_mem>>) src(%arg8 : memref<96x384xf32, #tpu.memory_space<vmem>>) dst(%dma_wait3A_175 : memref<96x384xf32, #tpu.memory_space<hbm>>)
    %dma_start3A_176 = arith.constant 8 : i32
    %dma_start3A_177 = arith.constant 0 : i32
    %dma_start3A_178 = tpu.memref_slice %arg5[%dma_start3A_176, %dma_start3A_177] : memref<12x96xi32, #tpu.memory_space<vmem>> -> memref<1x96xi32, #tpu.memory_space<vmem>>
    %dma_start3A_179 = tpu.memref_squeeze %dma_start3A_178 : memref<1x96xi32, #tpu.memory_space<vmem>> -> memref<96xi32, #tpu.memory_space<vmem>>
    %dma_start3A_180 = arith.constant 0 : i32
    %dma_start3A_181 = arith.constant 0 : i32
    %dma_start3A_182 = tpu.memref_slice %arg2[%dma_start3A_180, %dma_start3A_181] : memref<115200x384xf32, #tpu.memory_space<hbm>> -> memref<115200x384xf32, #tpu.memory_space<hbm>>
    tpu.enqueue_indirect_dma source(%dma_start3A_182 : memref<115200x384xf32, #tpu.memory_space<hbm>>) target(%arg8 : memref<96x384xf32, #tpu.memory_space<vmem>>) offsets(%dma_start3A_179 : memref<96xi32, #tpu.memory_space<vmem>>) semaphore(%arg9 : memref<!tpu.dma_semaphore, #tpu.memory_space<semaphore_mem>>)
    %mul3A_183 = arith.constant 1152 : i32
    %mul3A_184 = arith.muli %add3A, %mul3A_183 : i32
    %add3A_185 = arith.constant 576 : i32
    %add3A_186 = arith.addi %mul3A_184, %add3A_185 : i32
    %dma_start3A_187 = arith.constant 0 : i32
    %dma_start3A_188 = tpu.memref_slice %arg4[%add3A_186, %dma_start3A_187] : memref<36864x384xf32, #tpu.memory_space<hbm>> -> memref<96x384xf32, #tpu.memory_space<hbm>>
    %dma_start3A_189 = arith.constant 0 : i32
    %dma_start3A_190 = tpu.memref_slice %arg4[%add3A_186, %dma_start3A_189] : memref<36864x384xf32, #tpu.memory_space<hbm>> -> memref<96x384xf32, #tpu.memory_space<hbm>>
    tpu.enqueue_dma source(%arg6 : memref<96x384xf32, #tpu.memory_space<vmem>>) target(%dma_start3A_190 : memref<96x384xf32, #tpu.memory_space<hbm>>) target_semaphore(%arg10 : memref<!tpu.dma_semaphore, #tpu.memory_space<semaphore_mem>>)
    %dma_wait3A_191 = arith.constant 7 : i32
    %dma_wait3A_192 = arith.constant 0 : i32
    %dma_wait3A_193 = tpu.memref_slice %arg5[%dma_wait3A_191, %dma_wait3A_192] : memref<12x96xi32, #tpu.memory_space<vmem>> -> memref<1x96xi32, #tpu.memory_space<vmem>>
    %dma_wait3A_194 = tpu.memref_squeeze %dma_wait3A_193 : memref<1x96xi32, #tpu.memory_space<vmem>> -> memref<96xi32, #tpu.memory_space<vmem>>
    %dma_wait3A_195 = arith.constant 0 : i32
    %dma_wait3A_196 = arith.constant 0 : i32
    %dma_wait3A_197 = tpu.memref_slice %arg2[%dma_wait3A_195, %dma_wait3A_196] : memref<115200x384xf32, #tpu.memory_space<hbm>> -> memref<115200x384xf32, #tpu.memory_space<hbm>>
    tpu.wait_indirect_dma semaphore(%arg9 : memref<!tpu.dma_semaphore, #tpu.memory_space<semaphore_mem>>) src(%dma_wait3A_197 : memref<115200x384xf32, #tpu.memory_space<hbm>>) dst(%arg7 : memref<96x384xf32, #tpu.memory_space<vmem>>)
    %dma_wait3A_198 = arith.constant 0 : i32
    %dma_wait3A_199 = tpu.memref_slice %arg4[%add3A_186, %dma_wait3A_198] : memref<36864x384xf32, #tpu.memory_space<hbm>> -> memref<96x384xf32, #tpu.memory_space<hbm>>
    %dma_wait3A_200 = arith.constant 0 : i32
    %dma_wait3A_201 = tpu.memref_slice %arg4[%add3A_186, %dma_wait3A_200] : memref<36864x384xf32, #tpu.memory_space<hbm>> -> memref<96x384xf32, #tpu.memory_space<hbm>>
    tpu.wait_dma2 semaphore(%arg10 : memref<!tpu.dma_semaphore, #tpu.memory_space<semaphore_mem>>) src(%arg6 : memref<96x384xf32, #tpu.memory_space<vmem>>) dst(%dma_wait3A_201 : memref<96x384xf32, #tpu.memory_space<hbm>>)
    %dma_start3A_202 = arith.constant 9 : i32
    %dma_start3A_203 = arith.constant 0 : i32
    %dma_start3A_204 = tpu.memref_slice %arg5[%dma_start3A_202, %dma_start3A_203] : memref<12x96xi32, #tpu.memory_space<vmem>> -> memref<1x96xi32, #tpu.memory_space<vmem>>
    %dma_start3A_205 = tpu.memref_squeeze %dma_start3A_204 : memref<1x96xi32, #tpu.memory_space<vmem>> -> memref<96xi32, #tpu.memory_space<vmem>>
    %dma_start3A_206 = arith.constant 0 : i32
    %dma_start3A_207 = arith.constant 0 : i32
    %dma_start3A_208 = tpu.memref_slice %arg2[%dma_start3A_206, %dma_start3A_207] : memref<115200x384xf32, #tpu.memory_space<hbm>> -> memref<115200x384xf32, #tpu.memory_space<hbm>>
    tpu.enqueue_indirect_dma source(%dma_start3A_208 : memref<115200x384xf32, #tpu.memory_space<hbm>>) target(%arg6 : memref<96x384xf32, #tpu.memory_space<vmem>>) offsets(%dma_start3A_205 : memref<96xi32, #tpu.memory_space<vmem>>) semaphore(%arg9 : memref<!tpu.dma_semaphore, #tpu.memory_space<semaphore_mem>>)
    %mul3A_209 = arith.constant 1152 : i32
    %mul3A_210 = arith.muli %add3A, %mul3A_209 : i32
    %add3A_211 = arith.constant 672 : i32
    %add3A_212 = arith.addi %mul3A_210, %add3A_211 : i32
    %dma_start3A_213 = arith.constant 0 : i32
    %dma_start3A_214 = tpu.memref_slice %arg4[%add3A_212, %dma_start3A_213] : memref<36864x384xf32, #tpu.memory_space<hbm>> -> memref<96x384xf32, #tpu.memory_space<hbm>>
    %dma_start3A_215 = arith.constant 0 : i32
    %dma_start3A_216 = tpu.memref_slice %arg4[%add3A_212, %dma_start3A_215] : memref<36864x384xf32, #tpu.memory_space<hbm>> -> memref<96x384xf32, #tpu.memory_space<hbm>>
    tpu.enqueue_dma source(%arg7 : memref<96x384xf32, #tpu.memory_space<vmem>>) target(%dma_start3A_216 : memref<96x384xf32, #tpu.memory_space<hbm>>) target_semaphore(%arg10 : memref<!tpu.dma_semaphore, #tpu.memory_space<semaphore_mem>>)
    %dma_wait3A_217 = arith.constant 8 : i32
    %dma_wait3A_218 = arith.constant 0 : i32
    %dma_wait3A_219 = tpu.memref_slice %arg5[%dma_wait3A_217, %dma_wait3A_218] : memref<12x96xi32, #tpu.memory_space<vmem>> -> memref<1x96xi32, #tpu.memory_space<vmem>>
    %dma_wait3A_220 = tpu.memref_squeeze %dma_wait3A_219 : memref<1x96xi32, #tpu.memory_space<vmem>> -> memref<96xi32, #tpu.memory_space<vmem>>
    %dma_wait3A_221 = arith.constant 0 : i32
    %dma_wait3A_222 = arith.constant 0 : i32
    %dma_wait3A_223 = tpu.memref_slice %arg2[%dma_wait3A_221, %dma_wait3A_222] : memref<115200x384xf32, #tpu.memory_space<hbm>> -> memref<115200x384xf32, #tpu.memory_space<hbm>>
    tpu.wait_indirect_dma semaphore(%arg9 : memref<!tpu.dma_semaphore, #tpu.memory_space<semaphore_mem>>) src(%dma_wait3A_223 : memref<115200x384xf32, #tpu.memory_space<hbm>>) dst(%arg8 : memref<96x384xf32, #tpu.memory_space<vmem>>)
    %dma_wait3A_224 = arith.constant 0 : i32
    %dma_wait3A_225 = tpu.memref_slice %arg4[%add3A_212, %dma_wait3A_224] : memref<36864x384xf32, #tpu.memory_space<hbm>> -> memref<96x384xf32, #tpu.memory_space<hbm>>
    %dma_wait3A_226 = arith.constant 0 : i32
    %dma_wait3A_227 = tpu.memref_slice %arg4[%add3A_212, %dma_wait3A_226] : memref<36864x384xf32, #tpu.memory_space<hbm>> -> memref<96x384xf32, #tpu.memory_space<hbm>>
    tpu.wait_dma2 semaphore(%arg10 : memref<!tpu.dma_semaphore, #tpu.memory_space<semaphore_mem>>) src(%arg7 : memref<96x384xf32, #tpu.memory_space<vmem>>) dst(%dma_wait3A_227 : memref<96x384xf32, #tpu.memory_space<hbm>>)
    %dma_start3A_228 = arith.constant 10 : i32
    %dma_start3A_229 = arith.constant 0 : i32
    %dma_start3A_230 = tpu.memref_slice %arg5[%dma_start3A_228, %dma_start3A_229] : memref<12x96xi32, #tpu.memory_space<vmem>> -> memref<1x96xi32, #tpu.memory_space<vmem>>
    %dma_start3A_231 = tpu.memref_squeeze %dma_start3A_230 : memref<1x96xi32, #tpu.memory_space<vmem>> -> memref<96xi32, #tpu.memory_space<vmem>>
    %dma_start3A_232 = arith.constant 0 : i32
    %dma_start3A_233 = arith.constant 0 : i32
    %dma_start3A_234 = tpu.memref_slice %arg2[%dma_start3A_232, %dma_start3A_233] : memref<115200x384xf32, #tpu.memory_space<hbm>> -> memref<115200x384xf32, #tpu.memory_space<hbm>>
    tpu.enqueue_indirect_dma source(%dma_start3A_234 : memref<115200x384xf32, #tpu.memory_space<hbm>>) target(%arg7 : memref<96x384xf32, #tpu.memory_space<vmem>>) offsets(%dma_start3A_231 : memref<96xi32, #tpu.memory_space<vmem>>) semaphore(%arg9 : memref<!tpu.dma_semaphore, #tpu.memory_space<semaphore_mem>>)
    %mul3A_235 = arith.constant 1152 : i32
    %mul3A_236 = arith.muli %add3A, %mul3A_235 : i32
    %add3A_237 = arith.constant 768 : i32
    %add3A_238 = arith.addi %mul3A_236, %add3A_237 : i32
    %dma_start3A_239 = arith.constant 0 : i32
    %dma_start3A_240 = tpu.memref_slice %arg4[%add3A_238, %dma_start3A_239] : memref<36864x384xf32, #tpu.memory_space<hbm>> -> memref<96x384xf32, #tpu.memory_space<hbm>>
    %dma_start3A_241 = arith.constant 0 : i32
    %dma_start3A_242 = tpu.memref_slice %arg4[%add3A_238, %dma_start3A_241] : memref<36864x384xf32, #tpu.memory_space<hbm>> -> memref<96x384xf32, #tpu.memory_space<hbm>>
    tpu.enqueue_dma source(%arg8 : memref<96x384xf32, #tpu.memory_space<vmem>>) target(%dma_start3A_242 : memref<96x384xf32, #tpu.memory_space<hbm>>) target_semaphore(%arg10 : memref<!tpu.dma_semaphore, #tpu.memory_space<semaphore_mem>>)
    %dma_wait3A_243 = arith.constant 9 : i32
    %dma_wait3A_244 = arith.constant 0 : i32
    %dma_wait3A_245 = tpu.memref_slice %arg5[%dma_wait3A_243, %dma_wait3A_244] : memref<12x96xi32, #tpu.memory_space<vmem>> -> memref<1x96xi32, #tpu.memory_space<vmem>>
    %dma_wait3A_246 = tpu.memref_squeeze %dma_wait3A_245 : memref<1x96xi32, #tpu.memory_space<vmem>> -> memref<96xi32, #tpu.memory_space<vmem>>
    %dma_wait3A_247 = arith.constant 0 : i32
    %dma_wait3A_248 = arith.constant 0 : i32
    %dma_wait3A_249 = tpu.memref_slice %arg2[%dma_wait3A_247, %dma_wait3A_248] : memref<115200x384xf32, #tpu.memory_space<hbm>> -> memref<115200x384xf32, #tpu.memory_space<hbm>>
    tpu.wait_indirect_dma semaphore(%arg9 : memref<!tpu.dma_semaphore, #tpu.memory_space<semaphore_mem>>) src(%dma_wait3A_249 : memref<115200x384xf32, #tpu.memory_space<hbm>>) dst(%arg6 : memref<96x384xf32, #tpu.memory_space<vmem>>)
    %dma_wait3A_250 = arith.constant 0 : i32
    %dma_wait3A_251 = tpu.memref_slice %arg4[%add3A_238, %dma_wait3A_250] : memref<36864x384xf32, #tpu.memory_space<hbm>> -> memref<96x384xf32, #tpu.memory_space<hbm>>
    %dma_wait3A_252 = arith.constant 0 : i32
    %dma_wait3A_253 = tpu.memref_slice %arg4[%add3A_238, %dma_wait3A_252] : memref<36864x384xf32, #tpu.memory_space<hbm>> -> memref<96x384xf32, #tpu.memory_space<hbm>>
    tpu.wait_dma2 semaphore(%arg10 : memref<!tpu.dma_semaphore, #tpu.memory_space<semaphore_mem>>) src(%arg8 : memref<96x384xf32, #tpu.memory_space<vmem>>) dst(%dma_wait3A_253 : memref<96x384xf32, #tpu.memory_space<hbm>>)
    %dma_start3A_254 = arith.constant 11 : i32
    %dma_start3A_255 = arith.constant 0 : i32
    %dma_start3A_256 = tpu.memref_slice %arg5[%dma_start3A_254, %dma_start3A_255] : memref<12x96xi32, #tpu.memory_space<vmem>> -> memref<1x96xi32, #tpu.memory_space<vmem>>
    %dma_start3A_257 = tpu.memref_squeeze %dma_start3A_256 : memref<1x96xi32, #tpu.memory_space<vmem>> -> memref<96xi32, #tpu.memory_space<vmem>>
    %dma_start3A_258 = arith.constant 0 : i32
    %dma_start3A_259 = arith.constant 0 : i32
    %dma_start3A_260 = tpu.memref_slice %arg2[%dma_start3A_258, %dma_start3A_259] : memref<115200x384xf32, #tpu.memory_space<hbm>> -> memref<115200x384xf32, #tpu.memory_space<hbm>>
    tpu.enqueue_indirect_dma source(%dma_start3A_260 : memref<115200x384xf32, #tpu.memory_space<hbm>>) target(%arg8 : memref<96x384xf32, #tpu.memory_space<vmem>>) offsets(%dma_start3A_257 : memref<96xi32, #tpu.memory_space<vmem>>) semaphore(%arg9 : memref<!tpu.dma_semaphore, #tpu.memory_space<semaphore_mem>>)
    %mul3A_261 = arith.constant 1152 : i32
    %mul3A_262 = arith.muli %add3A, %mul3A_261 : i32
    %add3A_263 = arith.constant 864 : i32
    %add3A_264 = arith.addi %mul3A_262, %add3A_263 : i32
    %dma_start3A_265 = arith.constant 0 : i32
    %dma_start3A_266 = tpu.memref_slice %arg4[%add3A_264, %dma_start3A_265] : memref<36864x384xf32, #tpu.memory_space<hbm>> -> memref<96x384xf32, #tpu.memory_space<hbm>>
    %dma_start3A_267 = arith.constant 0 : i32
    %dma_start3A_268 = tpu.memref_slice %arg4[%add3A_264, %dma_start3A_267] : memref<36864x384xf32, #tpu.memory_space<hbm>> -> memref<96x384xf32, #tpu.memory_space<hbm>>
    tpu.enqueue_dma source(%arg6 : memref<96x384xf32, #tpu.memory_space<vmem>>) target(%dma_start3A_268 : memref<96x384xf32, #tpu.memory_space<hbm>>) target_semaphore(%arg10 : memref<!tpu.dma_semaphore, #tpu.memory_space<semaphore_mem>>)
    %dma_wait3A_269 = arith.constant 10 : i32
    %dma_wait3A_270 = arith.constant 0 : i32
    %dma_wait3A_271 = tpu.memref_slice %arg5[%dma_wait3A_269, %dma_wait3A_270] : memref<12x96xi32, #tpu.memory_space<vmem>> -> memref<1x96xi32, #tpu.memory_space<vmem>>
    %dma_wait3A_272 = tpu.memref_squeeze %dma_wait3A_271 : memref<1x96xi32, #tpu.memory_space<vmem>> -> memref<96xi32, #tpu.memory_space<vmem>>
    %dma_wait3A_273 = arith.constant 0 : i32
    %dma_wait3A_274 = arith.constant 0 : i32
    %dma_wait3A_275 = tpu.memref_slice %arg2[%dma_wait3A_273, %dma_wait3A_274] : memref<115200x384xf32, #tpu.memory_space<hbm>> -> memref<115200x384xf32, #tpu.memory_space<hbm>>
    tpu.wait_indirect_dma semaphore(%arg9 : memref<!tpu.dma_semaphore, #tpu.memory_space<semaphore_mem>>) src(%dma_wait3A_275 : memref<115200x384xf32, #tpu.memory_space<hbm>>) dst(%arg7 : memref<96x384xf32, #tpu.memory_space<vmem>>)
    %mul3A_276 = arith.constant 1152 : i32
    %mul3A_277 = arith.muli %add3A, %mul3A_276 : i32
    %add3A_278 = arith.constant 960 : i32
    %add3A_279 = arith.addi %mul3A_277, %add3A_278 : i32
    %dma_start3A_280 = arith.constant 0 : i32
    %dma_start3A_281 = tpu.memref_slice %arg4[%add3A_279, %dma_start3A_280] : memref<36864x384xf32, #tpu.memory_space<hbm>> -> memref<96x384xf32, #tpu.memory_space<hbm>>
    %dma_start3A_282 = arith.constant 0 : i32
    %dma_start3A_283 = tpu.memref_slice %arg4[%add3A_279, %dma_start3A_282] : memref<36864x384xf32, #tpu.memory_space<hbm>> -> memref<96x384xf32, #tpu.memory_space<hbm>>
    tpu.enqueue_dma source(%arg7 : memref<96x384xf32, #tpu.memory_space<vmem>>) target(%dma_start3A_283 : memref<96x384xf32, #tpu.memory_space<hbm>>) target_semaphore(%arg10 : memref<!tpu.dma_semaphore, #tpu.memory_space<semaphore_mem>>)
    %dma_wait3A_284 = arith.constant 11 : i32
    %dma_wait3A_285 = arith.constant 0 : i32
    %dma_wait3A_286 = tpu.memref_slice %arg5[%dma_wait3A_284, %dma_wait3A_285] : memref<12x96xi32, #tpu.memory_space<vmem>> -> memref<1x96xi32, #tpu.memory_space<vmem>>
    %dma_wait3A_287 = tpu.memref_squeeze %dma_wait3A_286 : memref<1x96xi32, #tpu.memory_space<vmem>> -> memref<96xi32, #tpu.memory_space<vmem>>
    %dma_wait3A_288 = arith.constant 0 : i32
    %dma_wait3A_289 = arith.constant 0 : i32
    %dma_wait3A_290 = tpu.memref_slice %arg2[%dma_wait3A_288, %dma_wait3A_289] : memref<115200x384xf32, #tpu.memory_space<hbm>> -> memref<115200x384xf32, #tpu.memory_space<hbm>>
    tpu.wait_indirect_dma semaphore(%arg9 : memref<!tpu.dma_semaphore, #tpu.memory_space<semaphore_mem>>) src(%dma_wait3A_290 : memref<115200x384xf32, #tpu.memory_space<hbm>>) dst(%arg8 : memref<96x384xf32, #tpu.memory_space<vmem>>)
    %mul3A_291 = arith.constant 1152 : i32
    %mul3A_292 = arith.muli %add3A, %mul3A_291 : i32
    %add3A_293 = arith.constant 1056 : i32
    %add3A_294 = arith.addi %mul3A_292, %add3A_293 : i32
    %dma_start3A_295 = arith.constant 0 : i32
    %dma_start3A_296 = tpu.memref_slice %arg4[%add3A_294, %dma_start3A_295] : memref<36864x384xf32, #tpu.memory_space<hbm>> -> memref<96x384xf32, #tpu.memory_space<hbm>>
    %dma_start3A_297 = arith.constant 0 : i32
    %dma_start3A_298 = tpu.memref_slice %arg4[%add3A_294, %dma_start3A_297] : memref<36864x384xf32, #tpu.memory_space<hbm>> -> memref<96x384xf32, #tpu.memory_space<hbm>>
    tpu.enqueue_dma source(%arg8 : memref<96x384xf32, #tpu.memory_space<vmem>>) target(%dma_start3A_298 : memref<96x384xf32, #tpu.memory_space<hbm>>) target_semaphore(%arg10 : memref<!tpu.dma_semaphore, #tpu.memory_space<semaphore_mem>>)
    %dma_wait3A_299 = arith.constant 0 : i32
    %dma_wait3A_300 = tpu.memref_slice %arg4[%add3A_264, %dma_wait3A_299] : memref<36864x384xf32, #tpu.memory_space<hbm>> -> memref<96x384xf32, #tpu.memory_space<hbm>>
    %dma_wait3A_301 = arith.constant 0 : i32
    %dma_wait3A_302 = tpu.memref_slice %arg4[%add3A_264, %dma_wait3A_301] : memref<36864x384xf32, #tpu.memory_space<hbm>> -> memref<96x384xf32, #tpu.memory_space<hbm>>
    tpu.wait_dma2 semaphore(%arg10 : memref<!tpu.dma_semaphore, #tpu.memory_space<semaphore_mem>>) src(%arg6 : memref<96x384xf32, #tpu.memory_space<vmem>>) dst(%dma_wait3A_302 : memref<96x384xf32, #tpu.memory_space<hbm>>)
    %dma_wait3A_303 = arith.constant 0 : i32
    %dma_wait3A_304 = tpu.memref_slice %arg4[%add3A_279, %dma_wait3A_303] : memref<36864x384xf32, #tpu.memory_space<hbm>> -> memref<96x384xf32, #tpu.memory_space<hbm>>
    %dma_wait3A_305 = arith.constant 0 : i32
    %dma_wait3A_306 = tpu.memref_slice %arg4[%add3A_279, %dma_wait3A_305] : memref<36864x384xf32, #tpu.memory_space<hbm>> -> memref<96x384xf32, #tpu.memory_space<hbm>>
    tpu.wait_dma2 semaphore(%arg10 : memref<!tpu.dma_semaphore, #tpu.memory_space<semaphore_mem>>) src(%arg7 : memref<96x384xf32, #tpu.memory_space<vmem>>) dst(%dma_wait3A_306 : memref<96x384xf32, #tpu.memory_space<hbm>>)
    %dma_wait3A_307 = arith.constant 0 : i32
    %dma_wait3A_308 = tpu.memref_slice %arg4[%add3A_294, %dma_wait3A_307] : memref<36864x384xf32, #tpu.memory_space<hbm>> -> memref<96x384xf32, #tpu.memory_space<hbm>>
    %dma_wait3A_309 = arith.constant 0 : i32
    %dma_wait3A_310 = tpu.memref_slice %arg4[%add3A_294, %dma_wait3A_309] : memref<36864x384xf32, #tpu.memory_space<hbm>> -> memref<96x384xf32, #tpu.memory_space<hbm>>
    tpu.wait_dma2 semaphore(%arg10 : memref<!tpu.dma_semaphore, #tpu.memory_space<semaphore_mem>>) src(%arg8 : memref<96x384xf32, #tpu.memory_space<vmem>>) dst(%dma_wait3A_310 : memref<96x384xf32, #tpu.memory_space<hbm>>)
    return
  }
}

module attributes {stable_mosaic.version = 14 : i64} {
  func.func @body(%arg0: i32, %arg1: memref<32xi32, #tpu.memory_space<smem>>, %arg2: memref<100x384x384xf32, #tpu.memory_space<any>>, %arg3: memref<100x128xf32, #tpu.memory_space<any>>, %arg4: memref<32x384x384xf32, #tpu.memory_space<any>>, %arg5: memref<32x128xf32, #tpu.memory_space<any>>, %arg6: memref<384x384xf32, #tpu.memory_space<vmem>>, %arg7: memref<384x384xf32, #tpu.memory_space<vmem>>, %arg8: memref<384x384xf32, #tpu.memory_space<vmem>>, %arg9: memref<384x384xf32, #tpu.memory_space<vmem>>, %arg10: memref<384x384xf32, #tpu.memory_space<vmem>>, %arg11: memref<384x384xf32, #tpu.memory_space<vmem>>, %arg12: memref<384x384xf32, #tpu.memory_space<vmem>>, %arg13: memref<384x384xf32, #tpu.memory_space<vmem>>, %arg14: memref<384x384xf32, #tpu.memory_space<vmem>>, %arg15: memref<384x384xf32, #tpu.memory_space<vmem>>, %arg16: memref<384x384xf32, #tpu.memory_space<vmem>>, %arg17: memref<384x384xf32, #tpu.memory_space<vmem>>, %arg18: memref<384x384xf32, #tpu.memory_space<vmem>>, %arg19: memref<384x384xf32, #tpu.memory_space<vmem>>, %arg20: memref<384x384xf32, #tpu.memory_space<vmem>>, %arg21: memref<384x384xf32, #tpu.memory_space<vmem>>, %arg22: memref<384x384xf32, #tpu.memory_space<vmem>>, %arg23: memref<384x384xf32, #tpu.memory_space<vmem>>, %arg24: memref<384x384xf32, #tpu.memory_space<vmem>>, %arg25: memref<384x384xf32, #tpu.memory_space<vmem>>, %arg26: memref<384x384xf32, #tpu.memory_space<vmem>>, %arg27: memref<384x384xf32, #tpu.memory_space<vmem>>, %arg28: memref<384x384xf32, #tpu.memory_space<vmem>>, %arg29: memref<384x384xf32, #tpu.memory_space<vmem>>, %arg30: memref<384x384xf32, #tpu.memory_space<vmem>>, %arg31: memref<384x384xf32, #tpu.memory_space<vmem>>, %arg32: memref<384x384xf32, #tpu.memory_space<vmem>>, %arg33: memref<384x384xf32, #tpu.memory_space<vmem>>, %arg34: memref<384x384xf32, #tpu.memory_space<vmem>>, %arg35: memref<384x384xf32, #tpu.memory_space<vmem>>, %arg36: memref<384x384xf32, #tpu.memory_space<vmem>>, %arg37: memref<384x384xf32, #tpu.memory_space<vmem>>, %arg38: memref<32x128xf32, #tpu.memory_space<vmem>>, %arg39: memref<!tpu.dma_semaphore, #tpu.memory_space<semaphore_mem>>, %arg40: memref<!tpu.dma_semaphore, #tpu.memory_space<semaphore_mem>>, %arg41: memref<!tpu.dma_semaphore, #tpu.memory_space<semaphore_mem>>, %arg42: memref<!tpu.dma_semaphore, #tpu.memory_space<semaphore_mem>>) attributes {dimension_semantics = [#tpu.dimension_semantics<arbitrary>], iteration_bounds = array<i64: 1>, scalar_prefetch = 1 : i64, scratch_operands = 37 : i64, tpu.core_type = #tpu.core_type<tc>, window_params = [{}, {}, {}, {}]} {
    %get3A = arith.constant 0 : index
    %get3A_0 = memref.load %arg1[%get3A] : memref<32xi32, #tpu.memory_space<smem>>
    %dma_start3A = arith.constant 0 : i32
    %dma_start3A_1 = arith.constant 0 : i32
    %dma_start3A_2 = tpu.memref_slice %arg2[%get3A_0, %dma_start3A, %dma_start3A_1] : memref<100x384x384xf32, #tpu.memory_space<any>> -> memref<1x384x384xf32, #tpu.memory_space<any>>
    %dma_start3A_3 = tpu.memref_squeeze %dma_start3A_2 : memref<1x384x384xf32, #tpu.memory_space<any>> -> memref<384x384xf32, #tpu.memory_space<any>>
    tpu.enqueue_dma source(%dma_start3A_3 : memref<384x384xf32, #tpu.memory_space<any>>) target(%arg6 : memref<384x384xf32, #tpu.memory_space<vmem>>) target_semaphore(%arg39 : memref<!tpu.dma_semaphore, #tpu.memory_space<semaphore_mem>>)
    %get3A_4 = arith.constant 1 : index
    %get3A_5 = memref.load %arg1[%get3A_4] : memref<32xi32, #tpu.memory_space<smem>>
    %dma_start3A_6 = arith.constant 0 : i32
    %dma_start3A_7 = arith.constant 0 : i32
    %dma_start3A_8 = tpu.memref_slice %arg2[%get3A_5, %dma_start3A_6, %dma_start3A_7] : memref<100x384x384xf32, #tpu.memory_space<any>> -> memref<1x384x384xf32, #tpu.memory_space<any>>
    %dma_start3A_9 = tpu.memref_squeeze %dma_start3A_8 : memref<1x384x384xf32, #tpu.memory_space<any>> -> memref<384x384xf32, #tpu.memory_space<any>>
    tpu.enqueue_dma source(%dma_start3A_9 : memref<384x384xf32, #tpu.memory_space<any>>) target(%arg7 : memref<384x384xf32, #tpu.memory_space<vmem>>) target_semaphore(%arg39 : memref<!tpu.dma_semaphore, #tpu.memory_space<semaphore_mem>>)
    %get3A_10 = arith.constant 2 : index
    %get3A_11 = memref.load %arg1[%get3A_10] : memref<32xi32, #tpu.memory_space<smem>>
    %dma_start3A_12 = arith.constant 0 : i32
    %dma_start3A_13 = arith.constant 0 : i32
    %dma_start3A_14 = tpu.memref_slice %arg2[%get3A_11, %dma_start3A_12, %dma_start3A_13] : memref<100x384x384xf32, #tpu.memory_space<any>> -> memref<1x384x384xf32, #tpu.memory_space<any>>
    %dma_start3A_15 = tpu.memref_squeeze %dma_start3A_14 : memref<1x384x384xf32, #tpu.memory_space<any>> -> memref<384x384xf32, #tpu.memory_space<any>>
    tpu.enqueue_dma source(%dma_start3A_15 : memref<384x384xf32, #tpu.memory_space<any>>) target(%arg8 : memref<384x384xf32, #tpu.memory_space<vmem>>) target_semaphore(%arg39 : memref<!tpu.dma_semaphore, #tpu.memory_space<semaphore_mem>>)
    %get3A_16 = arith.constant 3 : index
    %get3A_17 = memref.load %arg1[%get3A_16] : memref<32xi32, #tpu.memory_space<smem>>
    %dma_start3A_18 = arith.constant 0 : i32
    %dma_start3A_19 = arith.constant 0 : i32
    %dma_start3A_20 = tpu.memref_slice %arg2[%get3A_17, %dma_start3A_18, %dma_start3A_19] : memref<100x384x384xf32, #tpu.memory_space<any>> -> memref<1x384x384xf32, #tpu.memory_space<any>>
    %dma_start3A_21 = tpu.memref_squeeze %dma_start3A_20 : memref<1x384x384xf32, #tpu.memory_space<any>> -> memref<384x384xf32, #tpu.memory_space<any>>
    tpu.enqueue_dma source(%dma_start3A_21 : memref<384x384xf32, #tpu.memory_space<any>>) target(%arg9 : memref<384x384xf32, #tpu.memory_space<vmem>>) target_semaphore(%arg39 : memref<!tpu.dma_semaphore, #tpu.memory_space<semaphore_mem>>)
    %get3A_22 = arith.constant 4 : index
    %get3A_23 = memref.load %arg1[%get3A_22] : memref<32xi32, #tpu.memory_space<smem>>
    %dma_start3A_24 = arith.constant 0 : i32
    %dma_start3A_25 = arith.constant 0 : i32
    %dma_start3A_26 = tpu.memref_slice %arg2[%get3A_23, %dma_start3A_24, %dma_start3A_25] : memref<100x384x384xf32, #tpu.memory_space<any>> -> memref<1x384x384xf32, #tpu.memory_space<any>>
    %dma_start3A_27 = tpu.memref_squeeze %dma_start3A_26 : memref<1x384x384xf32, #tpu.memory_space<any>> -> memref<384x384xf32, #tpu.memory_space<any>>
    tpu.enqueue_dma source(%dma_start3A_27 : memref<384x384xf32, #tpu.memory_space<any>>) target(%arg10 : memref<384x384xf32, #tpu.memory_space<vmem>>) target_semaphore(%arg39 : memref<!tpu.dma_semaphore, #tpu.memory_space<semaphore_mem>>)
    %get3A_28 = arith.constant 5 : index
    %get3A_29 = memref.load %arg1[%get3A_28] : memref<32xi32, #tpu.memory_space<smem>>
    %dma_start3A_30 = arith.constant 0 : i32
    %dma_start3A_31 = arith.constant 0 : i32
    %dma_start3A_32 = tpu.memref_slice %arg2[%get3A_29, %dma_start3A_30, %dma_start3A_31] : memref<100x384x384xf32, #tpu.memory_space<any>> -> memref<1x384x384xf32, #tpu.memory_space<any>>
    %dma_start3A_33 = tpu.memref_squeeze %dma_start3A_32 : memref<1x384x384xf32, #tpu.memory_space<any>> -> memref<384x384xf32, #tpu.memory_space<any>>
    tpu.enqueue_dma source(%dma_start3A_33 : memref<384x384xf32, #tpu.memory_space<any>>) target(%arg11 : memref<384x384xf32, #tpu.memory_space<vmem>>) target_semaphore(%arg39 : memref<!tpu.dma_semaphore, #tpu.memory_space<semaphore_mem>>)
    %get3A_34 = arith.constant 6 : index
    %get3A_35 = memref.load %arg1[%get3A_34] : memref<32xi32, #tpu.memory_space<smem>>
    %dma_start3A_36 = arith.constant 0 : i32
    %dma_start3A_37 = arith.constant 0 : i32
    %dma_start3A_38 = tpu.memref_slice %arg2[%get3A_35, %dma_start3A_36, %dma_start3A_37] : memref<100x384x384xf32, #tpu.memory_space<any>> -> memref<1x384x384xf32, #tpu.memory_space<any>>
    %dma_start3A_39 = tpu.memref_squeeze %dma_start3A_38 : memref<1x384x384xf32, #tpu.memory_space<any>> -> memref<384x384xf32, #tpu.memory_space<any>>
    tpu.enqueue_dma source(%dma_start3A_39 : memref<384x384xf32, #tpu.memory_space<any>>) target(%arg12 : memref<384x384xf32, #tpu.memory_space<vmem>>) target_semaphore(%arg39 : memref<!tpu.dma_semaphore, #tpu.memory_space<semaphore_mem>>)
    %get3A_40 = arith.constant 7 : index
    %get3A_41 = memref.load %arg1[%get3A_40] : memref<32xi32, #tpu.memory_space<smem>>
    %dma_start3A_42 = arith.constant 0 : i32
    %dma_start3A_43 = arith.constant 0 : i32
    %dma_start3A_44 = tpu.memref_slice %arg2[%get3A_41, %dma_start3A_42, %dma_start3A_43] : memref<100x384x384xf32, #tpu.memory_space<any>> -> memref<1x384x384xf32, #tpu.memory_space<any>>
    %dma_start3A_45 = tpu.memref_squeeze %dma_start3A_44 : memref<1x384x384xf32, #tpu.memory_space<any>> -> memref<384x384xf32, #tpu.memory_space<any>>
    tpu.enqueue_dma source(%dma_start3A_45 : memref<384x384xf32, #tpu.memory_space<any>>) target(%arg13 : memref<384x384xf32, #tpu.memory_space<vmem>>) target_semaphore(%arg39 : memref<!tpu.dma_semaphore, #tpu.memory_space<semaphore_mem>>)
    %get3A_46 = arith.constant 8 : index
    %get3A_47 = memref.load %arg1[%get3A_46] : memref<32xi32, #tpu.memory_space<smem>>
    %dma_start3A_48 = arith.constant 0 : i32
    %dma_start3A_49 = arith.constant 0 : i32
    %dma_start3A_50 = tpu.memref_slice %arg2[%get3A_47, %dma_start3A_48, %dma_start3A_49] : memref<100x384x384xf32, #tpu.memory_space<any>> -> memref<1x384x384xf32, #tpu.memory_space<any>>
    %dma_start3A_51 = tpu.memref_squeeze %dma_start3A_50 : memref<1x384x384xf32, #tpu.memory_space<any>> -> memref<384x384xf32, #tpu.memory_space<any>>
    tpu.enqueue_dma source(%dma_start3A_51 : memref<384x384xf32, #tpu.memory_space<any>>) target(%arg14 : memref<384x384xf32, #tpu.memory_space<vmem>>) target_semaphore(%arg39 : memref<!tpu.dma_semaphore, #tpu.memory_space<semaphore_mem>>)
    %get3A_52 = arith.constant 9 : index
    %get3A_53 = memref.load %arg1[%get3A_52] : memref<32xi32, #tpu.memory_space<smem>>
    %dma_start3A_54 = arith.constant 0 : i32
    %dma_start3A_55 = arith.constant 0 : i32
    %dma_start3A_56 = tpu.memref_slice %arg2[%get3A_53, %dma_start3A_54, %dma_start3A_55] : memref<100x384x384xf32, #tpu.memory_space<any>> -> memref<1x384x384xf32, #tpu.memory_space<any>>
    %dma_start3A_57 = tpu.memref_squeeze %dma_start3A_56 : memref<1x384x384xf32, #tpu.memory_space<any>> -> memref<384x384xf32, #tpu.memory_space<any>>
    tpu.enqueue_dma source(%dma_start3A_57 : memref<384x384xf32, #tpu.memory_space<any>>) target(%arg15 : memref<384x384xf32, #tpu.memory_space<vmem>>) target_semaphore(%arg39 : memref<!tpu.dma_semaphore, #tpu.memory_space<semaphore_mem>>)
    %get3A_58 = arith.constant 10 : index
    %get3A_59 = memref.load %arg1[%get3A_58] : memref<32xi32, #tpu.memory_space<smem>>
    %dma_start3A_60 = arith.constant 0 : i32
    %dma_start3A_61 = arith.constant 0 : i32
    %dma_start3A_62 = tpu.memref_slice %arg2[%get3A_59, %dma_start3A_60, %dma_start3A_61] : memref<100x384x384xf32, #tpu.memory_space<any>> -> memref<1x384x384xf32, #tpu.memory_space<any>>
    %dma_start3A_63 = tpu.memref_squeeze %dma_start3A_62 : memref<1x384x384xf32, #tpu.memory_space<any>> -> memref<384x384xf32, #tpu.memory_space<any>>
    tpu.enqueue_dma source(%dma_start3A_63 : memref<384x384xf32, #tpu.memory_space<any>>) target(%arg16 : memref<384x384xf32, #tpu.memory_space<vmem>>) target_semaphore(%arg39 : memref<!tpu.dma_semaphore, #tpu.memory_space<semaphore_mem>>)
    %get3A_64 = arith.constant 11 : index
    %get3A_65 = memref.load %arg1[%get3A_64] : memref<32xi32, #tpu.memory_space<smem>>
    %dma_start3A_66 = arith.constant 0 : i32
    %dma_start3A_67 = arith.constant 0 : i32
    %dma_start3A_68 = tpu.memref_slice %arg2[%get3A_65, %dma_start3A_66, %dma_start3A_67] : memref<100x384x384xf32, #tpu.memory_space<any>> -> memref<1x384x384xf32, #tpu.memory_space<any>>
    %dma_start3A_69 = tpu.memref_squeeze %dma_start3A_68 : memref<1x384x384xf32, #tpu.memory_space<any>> -> memref<384x384xf32, #tpu.memory_space<any>>
    tpu.enqueue_dma source(%dma_start3A_69 : memref<384x384xf32, #tpu.memory_space<any>>) target(%arg17 : memref<384x384xf32, #tpu.memory_space<vmem>>) target_semaphore(%arg39 : memref<!tpu.dma_semaphore, #tpu.memory_space<semaphore_mem>>)
    %get3A_70 = arith.constant 12 : index
    %get3A_71 = memref.load %arg1[%get3A_70] : memref<32xi32, #tpu.memory_space<smem>>
    %dma_start3A_72 = arith.constant 0 : i32
    %dma_start3A_73 = arith.constant 0 : i32
    %dma_start3A_74 = tpu.memref_slice %arg2[%get3A_71, %dma_start3A_72, %dma_start3A_73] : memref<100x384x384xf32, #tpu.memory_space<any>> -> memref<1x384x384xf32, #tpu.memory_space<any>>
    %dma_start3A_75 = tpu.memref_squeeze %dma_start3A_74 : memref<1x384x384xf32, #tpu.memory_space<any>> -> memref<384x384xf32, #tpu.memory_space<any>>
    tpu.enqueue_dma source(%dma_start3A_75 : memref<384x384xf32, #tpu.memory_space<any>>) target(%arg18 : memref<384x384xf32, #tpu.memory_space<vmem>>) target_semaphore(%arg39 : memref<!tpu.dma_semaphore, #tpu.memory_space<semaphore_mem>>)
    %get3A_76 = arith.constant 13 : index
    %get3A_77 = memref.load %arg1[%get3A_76] : memref<32xi32, #tpu.memory_space<smem>>
    %dma_start3A_78 = arith.constant 0 : i32
    %dma_start3A_79 = arith.constant 0 : i32
    %dma_start3A_80 = tpu.memref_slice %arg2[%get3A_77, %dma_start3A_78, %dma_start3A_79] : memref<100x384x384xf32, #tpu.memory_space<any>> -> memref<1x384x384xf32, #tpu.memory_space<any>>
    %dma_start3A_81 = tpu.memref_squeeze %dma_start3A_80 : memref<1x384x384xf32, #tpu.memory_space<any>> -> memref<384x384xf32, #tpu.memory_space<any>>
    tpu.enqueue_dma source(%dma_start3A_81 : memref<384x384xf32, #tpu.memory_space<any>>) target(%arg19 : memref<384x384xf32, #tpu.memory_space<vmem>>) target_semaphore(%arg39 : memref<!tpu.dma_semaphore, #tpu.memory_space<semaphore_mem>>)
    %get3A_82 = arith.constant 14 : index
    %get3A_83 = memref.load %arg1[%get3A_82] : memref<32xi32, #tpu.memory_space<smem>>
    %dma_start3A_84 = arith.constant 0 : i32
    %dma_start3A_85 = arith.constant 0 : i32
    %dma_start3A_86 = tpu.memref_slice %arg2[%get3A_83, %dma_start3A_84, %dma_start3A_85] : memref<100x384x384xf32, #tpu.memory_space<any>> -> memref<1x384x384xf32, #tpu.memory_space<any>>
    %dma_start3A_87 = tpu.memref_squeeze %dma_start3A_86 : memref<1x384x384xf32, #tpu.memory_space<any>> -> memref<384x384xf32, #tpu.memory_space<any>>
    tpu.enqueue_dma source(%dma_start3A_87 : memref<384x384xf32, #tpu.memory_space<any>>) target(%arg20 : memref<384x384xf32, #tpu.memory_space<vmem>>) target_semaphore(%arg39 : memref<!tpu.dma_semaphore, #tpu.memory_space<semaphore_mem>>)
    %get3A_88 = arith.constant 15 : index
    %get3A_89 = memref.load %arg1[%get3A_88] : memref<32xi32, #tpu.memory_space<smem>>
    %dma_start3A_90 = arith.constant 0 : i32
    %dma_start3A_91 = arith.constant 0 : i32
    %dma_start3A_92 = tpu.memref_slice %arg2[%get3A_89, %dma_start3A_90, %dma_start3A_91] : memref<100x384x384xf32, #tpu.memory_space<any>> -> memref<1x384x384xf32, #tpu.memory_space<any>>
    %dma_start3A_93 = tpu.memref_squeeze %dma_start3A_92 : memref<1x384x384xf32, #tpu.memory_space<any>> -> memref<384x384xf32, #tpu.memory_space<any>>
    tpu.enqueue_dma source(%dma_start3A_93 : memref<384x384xf32, #tpu.memory_space<any>>) target(%arg21 : memref<384x384xf32, #tpu.memory_space<vmem>>) target_semaphore(%arg39 : memref<!tpu.dma_semaphore, #tpu.memory_space<semaphore_mem>>)
    %get3A_94 = arith.constant 16 : index
    %get3A_95 = memref.load %arg1[%get3A_94] : memref<32xi32, #tpu.memory_space<smem>>
    %dma_start3A_96 = arith.constant 0 : i32
    %dma_start3A_97 = arith.constant 0 : i32
    %dma_start3A_98 = tpu.memref_slice %arg2[%get3A_95, %dma_start3A_96, %dma_start3A_97] : memref<100x384x384xf32, #tpu.memory_space<any>> -> memref<1x384x384xf32, #tpu.memory_space<any>>
    %dma_start3A_99 = tpu.memref_squeeze %dma_start3A_98 : memref<1x384x384xf32, #tpu.memory_space<any>> -> memref<384x384xf32, #tpu.memory_space<any>>
    tpu.enqueue_dma source(%dma_start3A_99 : memref<384x384xf32, #tpu.memory_space<any>>) target(%arg22 : memref<384x384xf32, #tpu.memory_space<vmem>>) target_semaphore(%arg39 : memref<!tpu.dma_semaphore, #tpu.memory_space<semaphore_mem>>)
    %get3A_100 = arith.constant 17 : index
    %get3A_101 = memref.load %arg1[%get3A_100] : memref<32xi32, #tpu.memory_space<smem>>
    %dma_start3A_102 = arith.constant 0 : i32
    %dma_start3A_103 = arith.constant 0 : i32
    %dma_start3A_104 = tpu.memref_slice %arg2[%get3A_101, %dma_start3A_102, %dma_start3A_103] : memref<100x384x384xf32, #tpu.memory_space<any>> -> memref<1x384x384xf32, #tpu.memory_space<any>>
    %dma_start3A_105 = tpu.memref_squeeze %dma_start3A_104 : memref<1x384x384xf32, #tpu.memory_space<any>> -> memref<384x384xf32, #tpu.memory_space<any>>
    tpu.enqueue_dma source(%dma_start3A_105 : memref<384x384xf32, #tpu.memory_space<any>>) target(%arg23 : memref<384x384xf32, #tpu.memory_space<vmem>>) target_semaphore(%arg39 : memref<!tpu.dma_semaphore, #tpu.memory_space<semaphore_mem>>)
    %get3A_106 = arith.constant 18 : index
    %get3A_107 = memref.load %arg1[%get3A_106] : memref<32xi32, #tpu.memory_space<smem>>
    %dma_start3A_108 = arith.constant 0 : i32
    %dma_start3A_109 = arith.constant 0 : i32
    %dma_start3A_110 = tpu.memref_slice %arg2[%get3A_107, %dma_start3A_108, %dma_start3A_109] : memref<100x384x384xf32, #tpu.memory_space<any>> -> memref<1x384x384xf32, #tpu.memory_space<any>>
    %dma_start3A_111 = tpu.memref_squeeze %dma_start3A_110 : memref<1x384x384xf32, #tpu.memory_space<any>> -> memref<384x384xf32, #tpu.memory_space<any>>
    tpu.enqueue_dma source(%dma_start3A_111 : memref<384x384xf32, #tpu.memory_space<any>>) target(%arg24 : memref<384x384xf32, #tpu.memory_space<vmem>>) target_semaphore(%arg39 : memref<!tpu.dma_semaphore, #tpu.memory_space<semaphore_mem>>)
    %get3A_112 = arith.constant 19 : index
    %get3A_113 = memref.load %arg1[%get3A_112] : memref<32xi32, #tpu.memory_space<smem>>
    %dma_start3A_114 = arith.constant 0 : i32
    %dma_start3A_115 = arith.constant 0 : i32
    %dma_start3A_116 = tpu.memref_slice %arg2[%get3A_113, %dma_start3A_114, %dma_start3A_115] : memref<100x384x384xf32, #tpu.memory_space<any>> -> memref<1x384x384xf32, #tpu.memory_space<any>>
    %dma_start3A_117 = tpu.memref_squeeze %dma_start3A_116 : memref<1x384x384xf32, #tpu.memory_space<any>> -> memref<384x384xf32, #tpu.memory_space<any>>
    tpu.enqueue_dma source(%dma_start3A_117 : memref<384x384xf32, #tpu.memory_space<any>>) target(%arg25 : memref<384x384xf32, #tpu.memory_space<vmem>>) target_semaphore(%arg39 : memref<!tpu.dma_semaphore, #tpu.memory_space<semaphore_mem>>)
    %get3A_118 = arith.constant 20 : index
    %get3A_119 = memref.load %arg1[%get3A_118] : memref<32xi32, #tpu.memory_space<smem>>
    %dma_start3A_120 = arith.constant 0 : i32
    %dma_start3A_121 = arith.constant 0 : i32
    %dma_start3A_122 = tpu.memref_slice %arg2[%get3A_119, %dma_start3A_120, %dma_start3A_121] : memref<100x384x384xf32, #tpu.memory_space<any>> -> memref<1x384x384xf32, #tpu.memory_space<any>>
    %dma_start3A_123 = tpu.memref_squeeze %dma_start3A_122 : memref<1x384x384xf32, #tpu.memory_space<any>> -> memref<384x384xf32, #tpu.memory_space<any>>
    tpu.enqueue_dma source(%dma_start3A_123 : memref<384x384xf32, #tpu.memory_space<any>>) target(%arg26 : memref<384x384xf32, #tpu.memory_space<vmem>>) target_semaphore(%arg39 : memref<!tpu.dma_semaphore, #tpu.memory_space<semaphore_mem>>)
    %get3A_124 = arith.constant 21 : index
    %get3A_125 = memref.load %arg1[%get3A_124] : memref<32xi32, #tpu.memory_space<smem>>
    %dma_start3A_126 = arith.constant 0 : i32
    %dma_start3A_127 = arith.constant 0 : i32
    %dma_start3A_128 = tpu.memref_slice %arg2[%get3A_125, %dma_start3A_126, %dma_start3A_127] : memref<100x384x384xf32, #tpu.memory_space<any>> -> memref<1x384x384xf32, #tpu.memory_space<any>>
    %dma_start3A_129 = tpu.memref_squeeze %dma_start3A_128 : memref<1x384x384xf32, #tpu.memory_space<any>> -> memref<384x384xf32, #tpu.memory_space<any>>
    tpu.enqueue_dma source(%dma_start3A_129 : memref<384x384xf32, #tpu.memory_space<any>>) target(%arg27 : memref<384x384xf32, #tpu.memory_space<vmem>>) target_semaphore(%arg39 : memref<!tpu.dma_semaphore, #tpu.memory_space<semaphore_mem>>)
    %get3A_130 = arith.constant 22 : index
    %get3A_131 = memref.load %arg1[%get3A_130] : memref<32xi32, #tpu.memory_space<smem>>
    %dma_start3A_132 = arith.constant 0 : i32
    %dma_start3A_133 = arith.constant 0 : i32
    %dma_start3A_134 = tpu.memref_slice %arg2[%get3A_131, %dma_start3A_132, %dma_start3A_133] : memref<100x384x384xf32, #tpu.memory_space<any>> -> memref<1x384x384xf32, #tpu.memory_space<any>>
    %dma_start3A_135 = tpu.memref_squeeze %dma_start3A_134 : memref<1x384x384xf32, #tpu.memory_space<any>> -> memref<384x384xf32, #tpu.memory_space<any>>
    tpu.enqueue_dma source(%dma_start3A_135 : memref<384x384xf32, #tpu.memory_space<any>>) target(%arg28 : memref<384x384xf32, #tpu.memory_space<vmem>>) target_semaphore(%arg39 : memref<!tpu.dma_semaphore, #tpu.memory_space<semaphore_mem>>)
    %get3A_136 = arith.constant 23 : index
    %get3A_137 = memref.load %arg1[%get3A_136] : memref<32xi32, #tpu.memory_space<smem>>
    %dma_start3A_138 = arith.constant 0 : i32
    %dma_start3A_139 = arith.constant 0 : i32
    %dma_start3A_140 = tpu.memref_slice %arg2[%get3A_137, %dma_start3A_138, %dma_start3A_139] : memref<100x384x384xf32, #tpu.memory_space<any>> -> memref<1x384x384xf32, #tpu.memory_space<any>>
    %dma_start3A_141 = tpu.memref_squeeze %dma_start3A_140 : memref<1x384x384xf32, #tpu.memory_space<any>> -> memref<384x384xf32, #tpu.memory_space<any>>
    tpu.enqueue_dma source(%dma_start3A_141 : memref<384x384xf32, #tpu.memory_space<any>>) target(%arg29 : memref<384x384xf32, #tpu.memory_space<vmem>>) target_semaphore(%arg39 : memref<!tpu.dma_semaphore, #tpu.memory_space<semaphore_mem>>)
    %get3A_142 = arith.constant 24 : index
    %get3A_143 = memref.load %arg1[%get3A_142] : memref<32xi32, #tpu.memory_space<smem>>
    %dma_start3A_144 = arith.constant 0 : i32
    %dma_start3A_145 = arith.constant 0 : i32
    %dma_start3A_146 = tpu.memref_slice %arg2[%get3A_143, %dma_start3A_144, %dma_start3A_145] : memref<100x384x384xf32, #tpu.memory_space<any>> -> memref<1x384x384xf32, #tpu.memory_space<any>>
    %dma_start3A_147 = tpu.memref_squeeze %dma_start3A_146 : memref<1x384x384xf32, #tpu.memory_space<any>> -> memref<384x384xf32, #tpu.memory_space<any>>
    tpu.enqueue_dma source(%dma_start3A_147 : memref<384x384xf32, #tpu.memory_space<any>>) target(%arg30 : memref<384x384xf32, #tpu.memory_space<vmem>>) target_semaphore(%arg39 : memref<!tpu.dma_semaphore, #tpu.memory_space<semaphore_mem>>)
    %get3A_148 = arith.constant 25 : index
    %get3A_149 = memref.load %arg1[%get3A_148] : memref<32xi32, #tpu.memory_space<smem>>
    %dma_start3A_150 = arith.constant 0 : i32
    %dma_start3A_151 = arith.constant 0 : i32
    %dma_start3A_152 = tpu.memref_slice %arg2[%get3A_149, %dma_start3A_150, %dma_start3A_151] : memref<100x384x384xf32, #tpu.memory_space<any>> -> memref<1x384x384xf32, #tpu.memory_space<any>>
    %dma_start3A_153 = tpu.memref_squeeze %dma_start3A_152 : memref<1x384x384xf32, #tpu.memory_space<any>> -> memref<384x384xf32, #tpu.memory_space<any>>
    tpu.enqueue_dma source(%dma_start3A_153 : memref<384x384xf32, #tpu.memory_space<any>>) target(%arg31 : memref<384x384xf32, #tpu.memory_space<vmem>>) target_semaphore(%arg39 : memref<!tpu.dma_semaphore, #tpu.memory_space<semaphore_mem>>)
    %get3A_154 = arith.constant 26 : index
    %get3A_155 = memref.load %arg1[%get3A_154] : memref<32xi32, #tpu.memory_space<smem>>
    %dma_start3A_156 = arith.constant 0 : i32
    %dma_start3A_157 = arith.constant 0 : i32
    %dma_start3A_158 = tpu.memref_slice %arg2[%get3A_155, %dma_start3A_156, %dma_start3A_157] : memref<100x384x384xf32, #tpu.memory_space<any>> -> memref<1x384x384xf32, #tpu.memory_space<any>>
    %dma_start3A_159 = tpu.memref_squeeze %dma_start3A_158 : memref<1x384x384xf32, #tpu.memory_space<any>> -> memref<384x384xf32, #tpu.memory_space<any>>
    tpu.enqueue_dma source(%dma_start3A_159 : memref<384x384xf32, #tpu.memory_space<any>>) target(%arg32 : memref<384x384xf32, #tpu.memory_space<vmem>>) target_semaphore(%arg39 : memref<!tpu.dma_semaphore, #tpu.memory_space<semaphore_mem>>)
    %get3A_160 = arith.constant 27 : index
    %get3A_161 = memref.load %arg1[%get3A_160] : memref<32xi32, #tpu.memory_space<smem>>
    %dma_start3A_162 = arith.constant 0 : i32
    %dma_start3A_163 = arith.constant 0 : i32
    %dma_start3A_164 = tpu.memref_slice %arg2[%get3A_161, %dma_start3A_162, %dma_start3A_163] : memref<100x384x384xf32, #tpu.memory_space<any>> -> memref<1x384x384xf32, #tpu.memory_space<any>>
    %dma_start3A_165 = tpu.memref_squeeze %dma_start3A_164 : memref<1x384x384xf32, #tpu.memory_space<any>> -> memref<384x384xf32, #tpu.memory_space<any>>
    tpu.enqueue_dma source(%dma_start3A_165 : memref<384x384xf32, #tpu.memory_space<any>>) target(%arg33 : memref<384x384xf32, #tpu.memory_space<vmem>>) target_semaphore(%arg39 : memref<!tpu.dma_semaphore, #tpu.memory_space<semaphore_mem>>)
    %get3A_166 = arith.constant 28 : index
    %get3A_167 = memref.load %arg1[%get3A_166] : memref<32xi32, #tpu.memory_space<smem>>
    %dma_start3A_168 = arith.constant 0 : i32
    %dma_start3A_169 = arith.constant 0 : i32
    %dma_start3A_170 = tpu.memref_slice %arg2[%get3A_167, %dma_start3A_168, %dma_start3A_169] : memref<100x384x384xf32, #tpu.memory_space<any>> -> memref<1x384x384xf32, #tpu.memory_space<any>>
    %dma_start3A_171 = tpu.memref_squeeze %dma_start3A_170 : memref<1x384x384xf32, #tpu.memory_space<any>> -> memref<384x384xf32, #tpu.memory_space<any>>
    tpu.enqueue_dma source(%dma_start3A_171 : memref<384x384xf32, #tpu.memory_space<any>>) target(%arg34 : memref<384x384xf32, #tpu.memory_space<vmem>>) target_semaphore(%arg39 : memref<!tpu.dma_semaphore, #tpu.memory_space<semaphore_mem>>)
    %get3A_172 = arith.constant 29 : index
    %get3A_173 = memref.load %arg1[%get3A_172] : memref<32xi32, #tpu.memory_space<smem>>
    %dma_start3A_174 = arith.constant 0 : i32
    %dma_start3A_175 = arith.constant 0 : i32
    %dma_start3A_176 = tpu.memref_slice %arg2[%get3A_173, %dma_start3A_174, %dma_start3A_175] : memref<100x384x384xf32, #tpu.memory_space<any>> -> memref<1x384x384xf32, #tpu.memory_space<any>>
    %dma_start3A_177 = tpu.memref_squeeze %dma_start3A_176 : memref<1x384x384xf32, #tpu.memory_space<any>> -> memref<384x384xf32, #tpu.memory_space<any>>
    tpu.enqueue_dma source(%dma_start3A_177 : memref<384x384xf32, #tpu.memory_space<any>>) target(%arg35 : memref<384x384xf32, #tpu.memory_space<vmem>>) target_semaphore(%arg39 : memref<!tpu.dma_semaphore, #tpu.memory_space<semaphore_mem>>)
    %get3A_178 = arith.constant 30 : index
    %get3A_179 = memref.load %arg1[%get3A_178] : memref<32xi32, #tpu.memory_space<smem>>
    %dma_start3A_180 = arith.constant 0 : i32
    %dma_start3A_181 = arith.constant 0 : i32
    %dma_start3A_182 = tpu.memref_slice %arg2[%get3A_179, %dma_start3A_180, %dma_start3A_181] : memref<100x384x384xf32, #tpu.memory_space<any>> -> memref<1x384x384xf32, #tpu.memory_space<any>>
    %dma_start3A_183 = tpu.memref_squeeze %dma_start3A_182 : memref<1x384x384xf32, #tpu.memory_space<any>> -> memref<384x384xf32, #tpu.memory_space<any>>
    tpu.enqueue_dma source(%dma_start3A_183 : memref<384x384xf32, #tpu.memory_space<any>>) target(%arg36 : memref<384x384xf32, #tpu.memory_space<vmem>>) target_semaphore(%arg39 : memref<!tpu.dma_semaphore, #tpu.memory_space<semaphore_mem>>)
    %get3A_184 = arith.constant 31 : index
    %get3A_185 = memref.load %arg1[%get3A_184] : memref<32xi32, #tpu.memory_space<smem>>
    %dma_start3A_186 = arith.constant 0 : i32
    %dma_start3A_187 = arith.constant 0 : i32
    %dma_start3A_188 = tpu.memref_slice %arg2[%get3A_185, %dma_start3A_186, %dma_start3A_187] : memref<100x384x384xf32, #tpu.memory_space<any>> -> memref<1x384x384xf32, #tpu.memory_space<any>>
    %dma_start3A_189 = tpu.memref_squeeze %dma_start3A_188 : memref<1x384x384xf32, #tpu.memory_space<any>> -> memref<384x384xf32, #tpu.memory_space<any>>
    tpu.enqueue_dma source(%dma_start3A_189 : memref<384x384xf32, #tpu.memory_space<any>>) target(%arg37 : memref<384x384xf32, #tpu.memory_space<vmem>>) target_semaphore(%arg39 : memref<!tpu.dma_semaphore, #tpu.memory_space<semaphore_mem>>)
    %get3A_190 = arith.constant 0 : index
    %get3A_191 = memref.load %arg1[%get3A_190] : memref<32xi32, #tpu.memory_space<smem>>
    %dma_start3A_192 = arith.constant 0 : i32
    %dma_start3A_193 = arith.constant 0 : i32
    %dma_start3A_194 = tpu.memref_slice %arg38[%dma_start3A_192, %dma_start3A_193] : memref<32x128xf32, #tpu.memory_space<vmem>> -> memref<1x128xf32, #tpu.memory_space<vmem>>
    %dma_start3A_195 = tpu.memref_squeeze %dma_start3A_194 : memref<1x128xf32, #tpu.memory_space<vmem>> -> memref<128xf32, #tpu.memory_space<vmem>>
    %dma_start3A_196 = arith.constant 0 : i32
    %dma_start3A_197 = tpu.memref_slice %arg3[%get3A_191, %dma_start3A_196] : memref<100x128xf32, #tpu.memory_space<any>> -> memref<1x128xf32, #tpu.memory_space<any>>
    %dma_start3A_198 = tpu.memref_squeeze %dma_start3A_197 : memref<1x128xf32, #tpu.memory_space<any>> -> memref<128xf32, #tpu.memory_space<any>>
    tpu.enqueue_dma source(%dma_start3A_198 : memref<128xf32, #tpu.memory_space<any>>) target(%dma_start3A_195 : memref<128xf32, #tpu.memory_space<vmem>>) target_semaphore(%arg41 : memref<!tpu.dma_semaphore, #tpu.memory_space<semaphore_mem>>)
    %get3A_199 = arith.constant 1 : index
    %get3A_200 = memref.load %arg1[%get3A_199] : memref<32xi32, #tpu.memory_space<smem>>
    %dma_start3A_201 = arith.constant 1 : i32
    %dma_start3A_202 = arith.constant 0 : i32
    %dma_start3A_203 = tpu.memref_slice %arg38[%dma_start3A_201, %dma_start3A_202] : memref<32x128xf32, #tpu.memory_space<vmem>> -> memref<1x128xf32, #tpu.memory_space<vmem>>
    %dma_start3A_204 = tpu.memref_squeeze %dma_start3A_203 : memref<1x128xf32, #tpu.memory_space<vmem>> -> memref<128xf32, #tpu.memory_space<vmem>>
    %dma_start3A_205 = arith.constant 0 : i32
    %dma_start3A_206 = tpu.memref_slice %arg3[%get3A_200, %dma_start3A_205] : memref<100x128xf32, #tpu.memory_space<any>> -> memref<1x128xf32, #tpu.memory_space<any>>
    %dma_start3A_207 = tpu.memref_squeeze %dma_start3A_206 : memref<1x128xf32, #tpu.memory_space<any>> -> memref<128xf32, #tpu.memory_space<any>>
    tpu.enqueue_dma source(%dma_start3A_207 : memref<128xf32, #tpu.memory_space<any>>) target(%dma_start3A_204 : memref<128xf32, #tpu.memory_space<vmem>>) target_semaphore(%arg41 : memref<!tpu.dma_semaphore, #tpu.memory_space<semaphore_mem>>)
    %get3A_208 = arith.constant 2 : index
    %get3A_209 = memref.load %arg1[%get3A_208] : memref<32xi32, #tpu.memory_space<smem>>
    %dma_start3A_210 = arith.constant 2 : i32
    %dma_start3A_211 = arith.constant 0 : i32
    %dma_start3A_212 = tpu.memref_slice %arg38[%dma_start3A_210, %dma_start3A_211] : memref<32x128xf32, #tpu.memory_space<vmem>> -> memref<1x128xf32, #tpu.memory_space<vmem>>
    %dma_start3A_213 = tpu.memref_squeeze %dma_start3A_212 : memref<1x128xf32, #tpu.memory_space<vmem>> -> memref<128xf32, #tpu.memory_space<vmem>>
    %dma_start3A_214 = arith.constant 0 : i32
    %dma_start3A_215 = tpu.memref_slice %arg3[%get3A_209, %dma_start3A_214] : memref<100x128xf32, #tpu.memory_space<any>> -> memref<1x128xf32, #tpu.memory_space<any>>
    %dma_start3A_216 = tpu.memref_squeeze %dma_start3A_215 : memref<1x128xf32, #tpu.memory_space<any>> -> memref<128xf32, #tpu.memory_space<any>>
    tpu.enqueue_dma source(%dma_start3A_216 : memref<128xf32, #tpu.memory_space<any>>) target(%dma_start3A_213 : memref<128xf32, #tpu.memory_space<vmem>>) target_semaphore(%arg41 : memref<!tpu.dma_semaphore, #tpu.memory_space<semaphore_mem>>)
    %get3A_217 = arith.constant 3 : index
    %get3A_218 = memref.load %arg1[%get3A_217] : memref<32xi32, #tpu.memory_space<smem>>
    %dma_start3A_219 = arith.constant 3 : i32
    %dma_start3A_220 = arith.constant 0 : i32
    %dma_start3A_221 = tpu.memref_slice %arg38[%dma_start3A_219, %dma_start3A_220] : memref<32x128xf32, #tpu.memory_space<vmem>> -> memref<1x128xf32, #tpu.memory_space<vmem>>
    %dma_start3A_222 = tpu.memref_squeeze %dma_start3A_221 : memref<1x128xf32, #tpu.memory_space<vmem>> -> memref<128xf32, #tpu.memory_space<vmem>>
    %dma_start3A_223 = arith.constant 0 : i32
    %dma_start3A_224 = tpu.memref_slice %arg3[%get3A_218, %dma_start3A_223] : memref<100x128xf32, #tpu.memory_space<any>> -> memref<1x128xf32, #tpu.memory_space<any>>
    %dma_start3A_225 = tpu.memref_squeeze %dma_start3A_224 : memref<1x128xf32, #tpu.memory_space<any>> -> memref<128xf32, #tpu.memory_space<any>>
    tpu.enqueue_dma source(%dma_start3A_225 : memref<128xf32, #tpu.memory_space<any>>) target(%dma_start3A_222 : memref<128xf32, #tpu.memory_space<vmem>>) target_semaphore(%arg41 : memref<!tpu.dma_semaphore, #tpu.memory_space<semaphore_mem>>)
    %get3A_226 = arith.constant 4 : index
    %get3A_227 = memref.load %arg1[%get3A_226] : memref<32xi32, #tpu.memory_space<smem>>
    %dma_start3A_228 = arith.constant 4 : i32
    %dma_start3A_229 = arith.constant 0 : i32
    %dma_start3A_230 = tpu.memref_slice %arg38[%dma_start3A_228, %dma_start3A_229] : memref<32x128xf32, #tpu.memory_space<vmem>> -> memref<1x128xf32, #tpu.memory_space<vmem>>
    %dma_start3A_231 = tpu.memref_squeeze %dma_start3A_230 : memref<1x128xf32, #tpu.memory_space<vmem>> -> memref<128xf32, #tpu.memory_space<vmem>>
    %dma_start3A_232 = arith.constant 0 : i32
    %dma_start3A_233 = tpu.memref_slice %arg3[%get3A_227, %dma_start3A_232] : memref<100x128xf32, #tpu.memory_space<any>> -> memref<1x128xf32, #tpu.memory_space<any>>
    %dma_start3A_234 = tpu.memref_squeeze %dma_start3A_233 : memref<1x128xf32, #tpu.memory_space<any>> -> memref<128xf32, #tpu.memory_space<any>>
    tpu.enqueue_dma source(%dma_start3A_234 : memref<128xf32, #tpu.memory_space<any>>) target(%dma_start3A_231 : memref<128xf32, #tpu.memory_space<vmem>>) target_semaphore(%arg41 : memref<!tpu.dma_semaphore, #tpu.memory_space<semaphore_mem>>)
    %get3A_235 = arith.constant 5 : index
    %get3A_236 = memref.load %arg1[%get3A_235] : memref<32xi32, #tpu.memory_space<smem>>
    %dma_start3A_237 = arith.constant 5 : i32
    %dma_start3A_238 = arith.constant 0 : i32
    %dma_start3A_239 = tpu.memref_slice %arg38[%dma_start3A_237, %dma_start3A_238] : memref<32x128xf32, #tpu.memory_space<vmem>> -> memref<1x128xf32, #tpu.memory_space<vmem>>
    %dma_start3A_240 = tpu.memref_squeeze %dma_start3A_239 : memref<1x128xf32, #tpu.memory_space<vmem>> -> memref<128xf32, #tpu.memory_space<vmem>>
    %dma_start3A_241 = arith.constant 0 : i32
    %dma_start3A_242 = tpu.memref_slice %arg3[%get3A_236, %dma_start3A_241] : memref<100x128xf32, #tpu.memory_space<any>> -> memref<1x128xf32, #tpu.memory_space<any>>
    %dma_start3A_243 = tpu.memref_squeeze %dma_start3A_242 : memref<1x128xf32, #tpu.memory_space<any>> -> memref<128xf32, #tpu.memory_space<any>>
    tpu.enqueue_dma source(%dma_start3A_243 : memref<128xf32, #tpu.memory_space<any>>) target(%dma_start3A_240 : memref<128xf32, #tpu.memory_space<vmem>>) target_semaphore(%arg41 : memref<!tpu.dma_semaphore, #tpu.memory_space<semaphore_mem>>)
    %get3A_244 = arith.constant 6 : index
    %get3A_245 = memref.load %arg1[%get3A_244] : memref<32xi32, #tpu.memory_space<smem>>
    %dma_start3A_246 = arith.constant 6 : i32
    %dma_start3A_247 = arith.constant 0 : i32
    %dma_start3A_248 = tpu.memref_slice %arg38[%dma_start3A_246, %dma_start3A_247] : memref<32x128xf32, #tpu.memory_space<vmem>> -> memref<1x128xf32, #tpu.memory_space<vmem>>
    %dma_start3A_249 = tpu.memref_squeeze %dma_start3A_248 : memref<1x128xf32, #tpu.memory_space<vmem>> -> memref<128xf32, #tpu.memory_space<vmem>>
    %dma_start3A_250 = arith.constant 0 : i32
    %dma_start3A_251 = tpu.memref_slice %arg3[%get3A_245, %dma_start3A_250] : memref<100x128xf32, #tpu.memory_space<any>> -> memref<1x128xf32, #tpu.memory_space<any>>
    %dma_start3A_252 = tpu.memref_squeeze %dma_start3A_251 : memref<1x128xf32, #tpu.memory_space<any>> -> memref<128xf32, #tpu.memory_space<any>>
    tpu.enqueue_dma source(%dma_start3A_252 : memref<128xf32, #tpu.memory_space<any>>) target(%dma_start3A_249 : memref<128xf32, #tpu.memory_space<vmem>>) target_semaphore(%arg41 : memref<!tpu.dma_semaphore, #tpu.memory_space<semaphore_mem>>)
    %get3A_253 = arith.constant 7 : index
    %get3A_254 = memref.load %arg1[%get3A_253] : memref<32xi32, #tpu.memory_space<smem>>
    %dma_start3A_255 = arith.constant 7 : i32
    %dma_start3A_256 = arith.constant 0 : i32
    %dma_start3A_257 = tpu.memref_slice %arg38[%dma_start3A_255, %dma_start3A_256] : memref<32x128xf32, #tpu.memory_space<vmem>> -> memref<1x128xf32, #tpu.memory_space<vmem>>
    %dma_start3A_258 = tpu.memref_squeeze %dma_start3A_257 : memref<1x128xf32, #tpu.memory_space<vmem>> -> memref<128xf32, #tpu.memory_space<vmem>>
    %dma_start3A_259 = arith.constant 0 : i32
    %dma_start3A_260 = tpu.memref_slice %arg3[%get3A_254, %dma_start3A_259] : memref<100x128xf32, #tpu.memory_space<any>> -> memref<1x128xf32, #tpu.memory_space<any>>
    %dma_start3A_261 = tpu.memref_squeeze %dma_start3A_260 : memref<1x128xf32, #tpu.memory_space<any>> -> memref<128xf32, #tpu.memory_space<any>>
    tpu.enqueue_dma source(%dma_start3A_261 : memref<128xf32, #tpu.memory_space<any>>) target(%dma_start3A_258 : memref<128xf32, #tpu.memory_space<vmem>>) target_semaphore(%arg41 : memref<!tpu.dma_semaphore, #tpu.memory_space<semaphore_mem>>)
    %get3A_262 = arith.constant 8 : index
    %get3A_263 = memref.load %arg1[%get3A_262] : memref<32xi32, #tpu.memory_space<smem>>
    %dma_start3A_264 = arith.constant 8 : i32
    %dma_start3A_265 = arith.constant 0 : i32
    %dma_start3A_266 = tpu.memref_slice %arg38[%dma_start3A_264, %dma_start3A_265] : memref<32x128xf32, #tpu.memory_space<vmem>> -> memref<1x128xf32, #tpu.memory_space<vmem>>
    %dma_start3A_267 = tpu.memref_squeeze %dma_start3A_266 : memref<1x128xf32, #tpu.memory_space<vmem>> -> memref<128xf32, #tpu.memory_space<vmem>>
    %dma_start3A_268 = arith.constant 0 : i32
    %dma_start3A_269 = tpu.memref_slice %arg3[%get3A_263, %dma_start3A_268] : memref<100x128xf32, #tpu.memory_space<any>> -> memref<1x128xf32, #tpu.memory_space<any>>
    %dma_start3A_270 = tpu.memref_squeeze %dma_start3A_269 : memref<1x128xf32, #tpu.memory_space<any>> -> memref<128xf32, #tpu.memory_space<any>>
    tpu.enqueue_dma source(%dma_start3A_270 : memref<128xf32, #tpu.memory_space<any>>) target(%dma_start3A_267 : memref<128xf32, #tpu.memory_space<vmem>>) target_semaphore(%arg41 : memref<!tpu.dma_semaphore, #tpu.memory_space<semaphore_mem>>)
    %get3A_271 = arith.constant 9 : index
    %get3A_272 = memref.load %arg1[%get3A_271] : memref<32xi32, #tpu.memory_space<smem>>
    %dma_start3A_273 = arith.constant 9 : i32
    %dma_start3A_274 = arith.constant 0 : i32
    %dma_start3A_275 = tpu.memref_slice %arg38[%dma_start3A_273, %dma_start3A_274] : memref<32x128xf32, #tpu.memory_space<vmem>> -> memref<1x128xf32, #tpu.memory_space<vmem>>
    %dma_start3A_276 = tpu.memref_squeeze %dma_start3A_275 : memref<1x128xf32, #tpu.memory_space<vmem>> -> memref<128xf32, #tpu.memory_space<vmem>>
    %dma_start3A_277 = arith.constant 0 : i32
    %dma_start3A_278 = tpu.memref_slice %arg3[%get3A_272, %dma_start3A_277] : memref<100x128xf32, #tpu.memory_space<any>> -> memref<1x128xf32, #tpu.memory_space<any>>
    %dma_start3A_279 = tpu.memref_squeeze %dma_start3A_278 : memref<1x128xf32, #tpu.memory_space<any>> -> memref<128xf32, #tpu.memory_space<any>>
    tpu.enqueue_dma source(%dma_start3A_279 : memref<128xf32, #tpu.memory_space<any>>) target(%dma_start3A_276 : memref<128xf32, #tpu.memory_space<vmem>>) target_semaphore(%arg41 : memref<!tpu.dma_semaphore, #tpu.memory_space<semaphore_mem>>)
    %get3A_280 = arith.constant 10 : index
    %get3A_281 = memref.load %arg1[%get3A_280] : memref<32xi32, #tpu.memory_space<smem>>
    %dma_start3A_282 = arith.constant 10 : i32
    %dma_start3A_283 = arith.constant 0 : i32
    %dma_start3A_284 = tpu.memref_slice %arg38[%dma_start3A_282, %dma_start3A_283] : memref<32x128xf32, #tpu.memory_space<vmem>> -> memref<1x128xf32, #tpu.memory_space<vmem>>
    %dma_start3A_285 = tpu.memref_squeeze %dma_start3A_284 : memref<1x128xf32, #tpu.memory_space<vmem>> -> memref<128xf32, #tpu.memory_space<vmem>>
    %dma_start3A_286 = arith.constant 0 : i32
    %dma_start3A_287 = tpu.memref_slice %arg3[%get3A_281, %dma_start3A_286] : memref<100x128xf32, #tpu.memory_space<any>> -> memref<1x128xf32, #tpu.memory_space<any>>
    %dma_start3A_288 = tpu.memref_squeeze %dma_start3A_287 : memref<1x128xf32, #tpu.memory_space<any>> -> memref<128xf32, #tpu.memory_space<any>>
    tpu.enqueue_dma source(%dma_start3A_288 : memref<128xf32, #tpu.memory_space<any>>) target(%dma_start3A_285 : memref<128xf32, #tpu.memory_space<vmem>>) target_semaphore(%arg41 : memref<!tpu.dma_semaphore, #tpu.memory_space<semaphore_mem>>)
    %get3A_289 = arith.constant 11 : index
    %get3A_290 = memref.load %arg1[%get3A_289] : memref<32xi32, #tpu.memory_space<smem>>
    %dma_start3A_291 = arith.constant 11 : i32
    %dma_start3A_292 = arith.constant 0 : i32
    %dma_start3A_293 = tpu.memref_slice %arg38[%dma_start3A_291, %dma_start3A_292] : memref<32x128xf32, #tpu.memory_space<vmem>> -> memref<1x128xf32, #tpu.memory_space<vmem>>
    %dma_start3A_294 = tpu.memref_squeeze %dma_start3A_293 : memref<1x128xf32, #tpu.memory_space<vmem>> -> memref<128xf32, #tpu.memory_space<vmem>>
    %dma_start3A_295 = arith.constant 0 : i32
    %dma_start3A_296 = tpu.memref_slice %arg3[%get3A_290, %dma_start3A_295] : memref<100x128xf32, #tpu.memory_space<any>> -> memref<1x128xf32, #tpu.memory_space<any>>
    %dma_start3A_297 = tpu.memref_squeeze %dma_start3A_296 : memref<1x128xf32, #tpu.memory_space<any>> -> memref<128xf32, #tpu.memory_space<any>>
    tpu.enqueue_dma source(%dma_start3A_297 : memref<128xf32, #tpu.memory_space<any>>) target(%dma_start3A_294 : memref<128xf32, #tpu.memory_space<vmem>>) target_semaphore(%arg41 : memref<!tpu.dma_semaphore, #tpu.memory_space<semaphore_mem>>)
    %get3A_298 = arith.constant 12 : index
    %get3A_299 = memref.load %arg1[%get3A_298] : memref<32xi32, #tpu.memory_space<smem>>
    %dma_start3A_300 = arith.constant 12 : i32
    %dma_start3A_301 = arith.constant 0 : i32
    %dma_start3A_302 = tpu.memref_slice %arg38[%dma_start3A_300, %dma_start3A_301] : memref<32x128xf32, #tpu.memory_space<vmem>> -> memref<1x128xf32, #tpu.memory_space<vmem>>
    %dma_start3A_303 = tpu.memref_squeeze %dma_start3A_302 : memref<1x128xf32, #tpu.memory_space<vmem>> -> memref<128xf32, #tpu.memory_space<vmem>>
    %dma_start3A_304 = arith.constant 0 : i32
    %dma_start3A_305 = tpu.memref_slice %arg3[%get3A_299, %dma_start3A_304] : memref<100x128xf32, #tpu.memory_space<any>> -> memref<1x128xf32, #tpu.memory_space<any>>
    %dma_start3A_306 = tpu.memref_squeeze %dma_start3A_305 : memref<1x128xf32, #tpu.memory_space<any>> -> memref<128xf32, #tpu.memory_space<any>>
    tpu.enqueue_dma source(%dma_start3A_306 : memref<128xf32, #tpu.memory_space<any>>) target(%dma_start3A_303 : memref<128xf32, #tpu.memory_space<vmem>>) target_semaphore(%arg41 : memref<!tpu.dma_semaphore, #tpu.memory_space<semaphore_mem>>)
    %get3A_307 = arith.constant 13 : index
    %get3A_308 = memref.load %arg1[%get3A_307] : memref<32xi32, #tpu.memory_space<smem>>
    %dma_start3A_309 = arith.constant 13 : i32
    %dma_start3A_310 = arith.constant 0 : i32
    %dma_start3A_311 = tpu.memref_slice %arg38[%dma_start3A_309, %dma_start3A_310] : memref<32x128xf32, #tpu.memory_space<vmem>> -> memref<1x128xf32, #tpu.memory_space<vmem>>
    %dma_start3A_312 = tpu.memref_squeeze %dma_start3A_311 : memref<1x128xf32, #tpu.memory_space<vmem>> -> memref<128xf32, #tpu.memory_space<vmem>>
    %dma_start3A_313 = arith.constant 0 : i32
    %dma_start3A_314 = tpu.memref_slice %arg3[%get3A_308, %dma_start3A_313] : memref<100x128xf32, #tpu.memory_space<any>> -> memref<1x128xf32, #tpu.memory_space<any>>
    %dma_start3A_315 = tpu.memref_squeeze %dma_start3A_314 : memref<1x128xf32, #tpu.memory_space<any>> -> memref<128xf32, #tpu.memory_space<any>>
    tpu.enqueue_dma source(%dma_start3A_315 : memref<128xf32, #tpu.memory_space<any>>) target(%dma_start3A_312 : memref<128xf32, #tpu.memory_space<vmem>>) target_semaphore(%arg41 : memref<!tpu.dma_semaphore, #tpu.memory_space<semaphore_mem>>)
    %get3A_316 = arith.constant 14 : index
    %get3A_317 = memref.load %arg1[%get3A_316] : memref<32xi32, #tpu.memory_space<smem>>
    %dma_start3A_318 = arith.constant 14 : i32
    %dma_start3A_319 = arith.constant 0 : i32
    %dma_start3A_320 = tpu.memref_slice %arg38[%dma_start3A_318, %dma_start3A_319] : memref<32x128xf32, #tpu.memory_space<vmem>> -> memref<1x128xf32, #tpu.memory_space<vmem>>
    %dma_start3A_321 = tpu.memref_squeeze %dma_start3A_320 : memref<1x128xf32, #tpu.memory_space<vmem>> -> memref<128xf32, #tpu.memory_space<vmem>>
    %dma_start3A_322 = arith.constant 0 : i32
    %dma_start3A_323 = tpu.memref_slice %arg3[%get3A_317, %dma_start3A_322] : memref<100x128xf32, #tpu.memory_space<any>> -> memref<1x128xf32, #tpu.memory_space<any>>
    %dma_start3A_324 = tpu.memref_squeeze %dma_start3A_323 : memref<1x128xf32, #tpu.memory_space<any>> -> memref<128xf32, #tpu.memory_space<any>>
    tpu.enqueue_dma source(%dma_start3A_324 : memref<128xf32, #tpu.memory_space<any>>) target(%dma_start3A_321 : memref<128xf32, #tpu.memory_space<vmem>>) target_semaphore(%arg41 : memref<!tpu.dma_semaphore, #tpu.memory_space<semaphore_mem>>)
    %get3A_325 = arith.constant 15 : index
    %get3A_326 = memref.load %arg1[%get3A_325] : memref<32xi32, #tpu.memory_space<smem>>
    %dma_start3A_327 = arith.constant 15 : i32
    %dma_start3A_328 = arith.constant 0 : i32
    %dma_start3A_329 = tpu.memref_slice %arg38[%dma_start3A_327, %dma_start3A_328] : memref<32x128xf32, #tpu.memory_space<vmem>> -> memref<1x128xf32, #tpu.memory_space<vmem>>
    %dma_start3A_330 = tpu.memref_squeeze %dma_start3A_329 : memref<1x128xf32, #tpu.memory_space<vmem>> -> memref<128xf32, #tpu.memory_space<vmem>>
    %dma_start3A_331 = arith.constant 0 : i32
    %dma_start3A_332 = tpu.memref_slice %arg3[%get3A_326, %dma_start3A_331] : memref<100x128xf32, #tpu.memory_space<any>> -> memref<1x128xf32, #tpu.memory_space<any>>
    %dma_start3A_333 = tpu.memref_squeeze %dma_start3A_332 : memref<1x128xf32, #tpu.memory_space<any>> -> memref<128xf32, #tpu.memory_space<any>>
    tpu.enqueue_dma source(%dma_start3A_333 : memref<128xf32, #tpu.memory_space<any>>) target(%dma_start3A_330 : memref<128xf32, #tpu.memory_space<vmem>>) target_semaphore(%arg41 : memref<!tpu.dma_semaphore, #tpu.memory_space<semaphore_mem>>)
    %get3A_334 = arith.constant 16 : index
    %get3A_335 = memref.load %arg1[%get3A_334] : memref<32xi32, #tpu.memory_space<smem>>
    %dma_start3A_336 = arith.constant 16 : i32
    %dma_start3A_337 = arith.constant 0 : i32
    %dma_start3A_338 = tpu.memref_slice %arg38[%dma_start3A_336, %dma_start3A_337] : memref<32x128xf32, #tpu.memory_space<vmem>> -> memref<1x128xf32, #tpu.memory_space<vmem>>
    %dma_start3A_339 = tpu.memref_squeeze %dma_start3A_338 : memref<1x128xf32, #tpu.memory_space<vmem>> -> memref<128xf32, #tpu.memory_space<vmem>>
    %dma_start3A_340 = arith.constant 0 : i32
    %dma_start3A_341 = tpu.memref_slice %arg3[%get3A_335, %dma_start3A_340] : memref<100x128xf32, #tpu.memory_space<any>> -> memref<1x128xf32, #tpu.memory_space<any>>
    %dma_start3A_342 = tpu.memref_squeeze %dma_start3A_341 : memref<1x128xf32, #tpu.memory_space<any>> -> memref<128xf32, #tpu.memory_space<any>>
    tpu.enqueue_dma source(%dma_start3A_342 : memref<128xf32, #tpu.memory_space<any>>) target(%dma_start3A_339 : memref<128xf32, #tpu.memory_space<vmem>>) target_semaphore(%arg41 : memref<!tpu.dma_semaphore, #tpu.memory_space<semaphore_mem>>)
    %get3A_343 = arith.constant 17 : index
    %get3A_344 = memref.load %arg1[%get3A_343] : memref<32xi32, #tpu.memory_space<smem>>
    %dma_start3A_345 = arith.constant 17 : i32
    %dma_start3A_346 = arith.constant 0 : i32
    %dma_start3A_347 = tpu.memref_slice %arg38[%dma_start3A_345, %dma_start3A_346] : memref<32x128xf32, #tpu.memory_space<vmem>> -> memref<1x128xf32, #tpu.memory_space<vmem>>
    %dma_start3A_348 = tpu.memref_squeeze %dma_start3A_347 : memref<1x128xf32, #tpu.memory_space<vmem>> -> memref<128xf32, #tpu.memory_space<vmem>>
    %dma_start3A_349 = arith.constant 0 : i32
    %dma_start3A_350 = tpu.memref_slice %arg3[%get3A_344, %dma_start3A_349] : memref<100x128xf32, #tpu.memory_space<any>> -> memref<1x128xf32, #tpu.memory_space<any>>
    %dma_start3A_351 = tpu.memref_squeeze %dma_start3A_350 : memref<1x128xf32, #tpu.memory_space<any>> -> memref<128xf32, #tpu.memory_space<any>>
    tpu.enqueue_dma source(%dma_start3A_351 : memref<128xf32, #tpu.memory_space<any>>) target(%dma_start3A_348 : memref<128xf32, #tpu.memory_space<vmem>>) target_semaphore(%arg41 : memref<!tpu.dma_semaphore, #tpu.memory_space<semaphore_mem>>)
    %get3A_352 = arith.constant 18 : index
    %get3A_353 = memref.load %arg1[%get3A_352] : memref<32xi32, #tpu.memory_space<smem>>
    %dma_start3A_354 = arith.constant 18 : i32
    %dma_start3A_355 = arith.constant 0 : i32
    %dma_start3A_356 = tpu.memref_slice %arg38[%dma_start3A_354, %dma_start3A_355] : memref<32x128xf32, #tpu.memory_space<vmem>> -> memref<1x128xf32, #tpu.memory_space<vmem>>
    %dma_start3A_357 = tpu.memref_squeeze %dma_start3A_356 : memref<1x128xf32, #tpu.memory_space<vmem>> -> memref<128xf32, #tpu.memory_space<vmem>>
    %dma_start3A_358 = arith.constant 0 : i32
    %dma_start3A_359 = tpu.memref_slice %arg3[%get3A_353, %dma_start3A_358] : memref<100x128xf32, #tpu.memory_space<any>> -> memref<1x128xf32, #tpu.memory_space<any>>
    %dma_start3A_360 = tpu.memref_squeeze %dma_start3A_359 : memref<1x128xf32, #tpu.memory_space<any>> -> memref<128xf32, #tpu.memory_space<any>>
    tpu.enqueue_dma source(%dma_start3A_360 : memref<128xf32, #tpu.memory_space<any>>) target(%dma_start3A_357 : memref<128xf32, #tpu.memory_space<vmem>>) target_semaphore(%arg41 : memref<!tpu.dma_semaphore, #tpu.memory_space<semaphore_mem>>)
    %get3A_361 = arith.constant 19 : index
    %get3A_362 = memref.load %arg1[%get3A_361] : memref<32xi32, #tpu.memory_space<smem>>
    %dma_start3A_363 = arith.constant 19 : i32
    %dma_start3A_364 = arith.constant 0 : i32
    %dma_start3A_365 = tpu.memref_slice %arg38[%dma_start3A_363, %dma_start3A_364] : memref<32x128xf32, #tpu.memory_space<vmem>> -> memref<1x128xf32, #tpu.memory_space<vmem>>
    %dma_start3A_366 = tpu.memref_squeeze %dma_start3A_365 : memref<1x128xf32, #tpu.memory_space<vmem>> -> memref<128xf32, #tpu.memory_space<vmem>>
    %dma_start3A_367 = arith.constant 0 : i32
    %dma_start3A_368 = tpu.memref_slice %arg3[%get3A_362, %dma_start3A_367] : memref<100x128xf32, #tpu.memory_space<any>> -> memref<1x128xf32, #tpu.memory_space<any>>
    %dma_start3A_369 = tpu.memref_squeeze %dma_start3A_368 : memref<1x128xf32, #tpu.memory_space<any>> -> memref<128xf32, #tpu.memory_space<any>>
    tpu.enqueue_dma source(%dma_start3A_369 : memref<128xf32, #tpu.memory_space<any>>) target(%dma_start3A_366 : memref<128xf32, #tpu.memory_space<vmem>>) target_semaphore(%arg41 : memref<!tpu.dma_semaphore, #tpu.memory_space<semaphore_mem>>)
    %get3A_370 = arith.constant 20 : index
    %get3A_371 = memref.load %arg1[%get3A_370] : memref<32xi32, #tpu.memory_space<smem>>
    %dma_start3A_372 = arith.constant 20 : i32
    %dma_start3A_373 = arith.constant 0 : i32
    %dma_start3A_374 = tpu.memref_slice %arg38[%dma_start3A_372, %dma_start3A_373] : memref<32x128xf32, #tpu.memory_space<vmem>> -> memref<1x128xf32, #tpu.memory_space<vmem>>
    %dma_start3A_375 = tpu.memref_squeeze %dma_start3A_374 : memref<1x128xf32, #tpu.memory_space<vmem>> -> memref<128xf32, #tpu.memory_space<vmem>>
    %dma_start3A_376 = arith.constant 0 : i32
    %dma_start3A_377 = tpu.memref_slice %arg3[%get3A_371, %dma_start3A_376] : memref<100x128xf32, #tpu.memory_space<any>> -> memref<1x128xf32, #tpu.memory_space<any>>
    %dma_start3A_378 = tpu.memref_squeeze %dma_start3A_377 : memref<1x128xf32, #tpu.memory_space<any>> -> memref<128xf32, #tpu.memory_space<any>>
    tpu.enqueue_dma source(%dma_start3A_378 : memref<128xf32, #tpu.memory_space<any>>) target(%dma_start3A_375 : memref<128xf32, #tpu.memory_space<vmem>>) target_semaphore(%arg41 : memref<!tpu.dma_semaphore, #tpu.memory_space<semaphore_mem>>)
    %get3A_379 = arith.constant 21 : index
    %get3A_380 = memref.load %arg1[%get3A_379] : memref<32xi32, #tpu.memory_space<smem>>
    %dma_start3A_381 = arith.constant 21 : i32
    %dma_start3A_382 = arith.constant 0 : i32
    %dma_start3A_383 = tpu.memref_slice %arg38[%dma_start3A_381, %dma_start3A_382] : memref<32x128xf32, #tpu.memory_space<vmem>> -> memref<1x128xf32, #tpu.memory_space<vmem>>
    %dma_start3A_384 = tpu.memref_squeeze %dma_start3A_383 : memref<1x128xf32, #tpu.memory_space<vmem>> -> memref<128xf32, #tpu.memory_space<vmem>>
    %dma_start3A_385 = arith.constant 0 : i32
    %dma_start3A_386 = tpu.memref_slice %arg3[%get3A_380, %dma_start3A_385] : memref<100x128xf32, #tpu.memory_space<any>> -> memref<1x128xf32, #tpu.memory_space<any>>
    %dma_start3A_387 = tpu.memref_squeeze %dma_start3A_386 : memref<1x128xf32, #tpu.memory_space<any>> -> memref<128xf32, #tpu.memory_space<any>>
    tpu.enqueue_dma source(%dma_start3A_387 : memref<128xf32, #tpu.memory_space<any>>) target(%dma_start3A_384 : memref<128xf32, #tpu.memory_space<vmem>>) target_semaphore(%arg41 : memref<!tpu.dma_semaphore, #tpu.memory_space<semaphore_mem>>)
    %get3A_388 = arith.constant 22 : index
    %get3A_389 = memref.load %arg1[%get3A_388] : memref<32xi32, #tpu.memory_space<smem>>
    %dma_start3A_390 = arith.constant 22 : i32
    %dma_start3A_391 = arith.constant 0 : i32
    %dma_start3A_392 = tpu.memref_slice %arg38[%dma_start3A_390, %dma_start3A_391] : memref<32x128xf32, #tpu.memory_space<vmem>> -> memref<1x128xf32, #tpu.memory_space<vmem>>
    %dma_start3A_393 = tpu.memref_squeeze %dma_start3A_392 : memref<1x128xf32, #tpu.memory_space<vmem>> -> memref<128xf32, #tpu.memory_space<vmem>>
    %dma_start3A_394 = arith.constant 0 : i32
    %dma_start3A_395 = tpu.memref_slice %arg3[%get3A_389, %dma_start3A_394] : memref<100x128xf32, #tpu.memory_space<any>> -> memref<1x128xf32, #tpu.memory_space<any>>
    %dma_start3A_396 = tpu.memref_squeeze %dma_start3A_395 : memref<1x128xf32, #tpu.memory_space<any>> -> memref<128xf32, #tpu.memory_space<any>>
    tpu.enqueue_dma source(%dma_start3A_396 : memref<128xf32, #tpu.memory_space<any>>) target(%dma_start3A_393 : memref<128xf32, #tpu.memory_space<vmem>>) target_semaphore(%arg41 : memref<!tpu.dma_semaphore, #tpu.memory_space<semaphore_mem>>)
    %get3A_397 = arith.constant 23 : index
    %get3A_398 = memref.load %arg1[%get3A_397] : memref<32xi32, #tpu.memory_space<smem>>
    %dma_start3A_399 = arith.constant 23 : i32
    %dma_start3A_400 = arith.constant 0 : i32
    %dma_start3A_401 = tpu.memref_slice %arg38[%dma_start3A_399, %dma_start3A_400] : memref<32x128xf32, #tpu.memory_space<vmem>> -> memref<1x128xf32, #tpu.memory_space<vmem>>
    %dma_start3A_402 = tpu.memref_squeeze %dma_start3A_401 : memref<1x128xf32, #tpu.memory_space<vmem>> -> memref<128xf32, #tpu.memory_space<vmem>>
    %dma_start3A_403 = arith.constant 0 : i32
    %dma_start3A_404 = tpu.memref_slice %arg3[%get3A_398, %dma_start3A_403] : memref<100x128xf32, #tpu.memory_space<any>> -> memref<1x128xf32, #tpu.memory_space<any>>
    %dma_start3A_405 = tpu.memref_squeeze %dma_start3A_404 : memref<1x128xf32, #tpu.memory_space<any>> -> memref<128xf32, #tpu.memory_space<any>>
    tpu.enqueue_dma source(%dma_start3A_405 : memref<128xf32, #tpu.memory_space<any>>) target(%dma_start3A_402 : memref<128xf32, #tpu.memory_space<vmem>>) target_semaphore(%arg41 : memref<!tpu.dma_semaphore, #tpu.memory_space<semaphore_mem>>)
    %get3A_406 = arith.constant 24 : index
    %get3A_407 = memref.load %arg1[%get3A_406] : memref<32xi32, #tpu.memory_space<smem>>
    %dma_start3A_408 = arith.constant 24 : i32
    %dma_start3A_409 = arith.constant 0 : i32
    %dma_start3A_410 = tpu.memref_slice %arg38[%dma_start3A_408, %dma_start3A_409] : memref<32x128xf32, #tpu.memory_space<vmem>> -> memref<1x128xf32, #tpu.memory_space<vmem>>
    %dma_start3A_411 = tpu.memref_squeeze %dma_start3A_410 : memref<1x128xf32, #tpu.memory_space<vmem>> -> memref<128xf32, #tpu.memory_space<vmem>>
    %dma_start3A_412 = arith.constant 0 : i32
    %dma_start3A_413 = tpu.memref_slice %arg3[%get3A_407, %dma_start3A_412] : memref<100x128xf32, #tpu.memory_space<any>> -> memref<1x128xf32, #tpu.memory_space<any>>
    %dma_start3A_414 = tpu.memref_squeeze %dma_start3A_413 : memref<1x128xf32, #tpu.memory_space<any>> -> memref<128xf32, #tpu.memory_space<any>>
    tpu.enqueue_dma source(%dma_start3A_414 : memref<128xf32, #tpu.memory_space<any>>) target(%dma_start3A_411 : memref<128xf32, #tpu.memory_space<vmem>>) target_semaphore(%arg41 : memref<!tpu.dma_semaphore, #tpu.memory_space<semaphore_mem>>)
    %get3A_415 = arith.constant 25 : index
    %get3A_416 = memref.load %arg1[%get3A_415] : memref<32xi32, #tpu.memory_space<smem>>
    %dma_start3A_417 = arith.constant 25 : i32
    %dma_start3A_418 = arith.constant 0 : i32
    %dma_start3A_419 = tpu.memref_slice %arg38[%dma_start3A_417, %dma_start3A_418] : memref<32x128xf32, #tpu.memory_space<vmem>> -> memref<1x128xf32, #tpu.memory_space<vmem>>
    %dma_start3A_420 = tpu.memref_squeeze %dma_start3A_419 : memref<1x128xf32, #tpu.memory_space<vmem>> -> memref<128xf32, #tpu.memory_space<vmem>>
    %dma_start3A_421 = arith.constant 0 : i32
    %dma_start3A_422 = tpu.memref_slice %arg3[%get3A_416, %dma_start3A_421] : memref<100x128xf32, #tpu.memory_space<any>> -> memref<1x128xf32, #tpu.memory_space<any>>
    %dma_start3A_423 = tpu.memref_squeeze %dma_start3A_422 : memref<1x128xf32, #tpu.memory_space<any>> -> memref<128xf32, #tpu.memory_space<any>>
    tpu.enqueue_dma source(%dma_start3A_423 : memref<128xf32, #tpu.memory_space<any>>) target(%dma_start3A_420 : memref<128xf32, #tpu.memory_space<vmem>>) target_semaphore(%arg41 : memref<!tpu.dma_semaphore, #tpu.memory_space<semaphore_mem>>)
    %get3A_424 = arith.constant 26 : index
    %get3A_425 = memref.load %arg1[%get3A_424] : memref<32xi32, #tpu.memory_space<smem>>
    %dma_start3A_426 = arith.constant 26 : i32
    %dma_start3A_427 = arith.constant 0 : i32
    %dma_start3A_428 = tpu.memref_slice %arg38[%dma_start3A_426, %dma_start3A_427] : memref<32x128xf32, #tpu.memory_space<vmem>> -> memref<1x128xf32, #tpu.memory_space<vmem>>
    %dma_start3A_429 = tpu.memref_squeeze %dma_start3A_428 : memref<1x128xf32, #tpu.memory_space<vmem>> -> memref<128xf32, #tpu.memory_space<vmem>>
    %dma_start3A_430 = arith.constant 0 : i32
    %dma_start3A_431 = tpu.memref_slice %arg3[%get3A_425, %dma_start3A_430] : memref<100x128xf32, #tpu.memory_space<any>> -> memref<1x128xf32, #tpu.memory_space<any>>
    %dma_start3A_432 = tpu.memref_squeeze %dma_start3A_431 : memref<1x128xf32, #tpu.memory_space<any>> -> memref<128xf32, #tpu.memory_space<any>>
    tpu.enqueue_dma source(%dma_start3A_432 : memref<128xf32, #tpu.memory_space<any>>) target(%dma_start3A_429 : memref<128xf32, #tpu.memory_space<vmem>>) target_semaphore(%arg41 : memref<!tpu.dma_semaphore, #tpu.memory_space<semaphore_mem>>)
    %get3A_433 = arith.constant 27 : index
    %get3A_434 = memref.load %arg1[%get3A_433] : memref<32xi32, #tpu.memory_space<smem>>
    %dma_start3A_435 = arith.constant 27 : i32
    %dma_start3A_436 = arith.constant 0 : i32
    %dma_start3A_437 = tpu.memref_slice %arg38[%dma_start3A_435, %dma_start3A_436] : memref<32x128xf32, #tpu.memory_space<vmem>> -> memref<1x128xf32, #tpu.memory_space<vmem>>
    %dma_start3A_438 = tpu.memref_squeeze %dma_start3A_437 : memref<1x128xf32, #tpu.memory_space<vmem>> -> memref<128xf32, #tpu.memory_space<vmem>>
    %dma_start3A_439 = arith.constant 0 : i32
    %dma_start3A_440 = tpu.memref_slice %arg3[%get3A_434, %dma_start3A_439] : memref<100x128xf32, #tpu.memory_space<any>> -> memref<1x128xf32, #tpu.memory_space<any>>
    %dma_start3A_441 = tpu.memref_squeeze %dma_start3A_440 : memref<1x128xf32, #tpu.memory_space<any>> -> memref<128xf32, #tpu.memory_space<any>>
    tpu.enqueue_dma source(%dma_start3A_441 : memref<128xf32, #tpu.memory_space<any>>) target(%dma_start3A_438 : memref<128xf32, #tpu.memory_space<vmem>>) target_semaphore(%arg41 : memref<!tpu.dma_semaphore, #tpu.memory_space<semaphore_mem>>)
    %get3A_442 = arith.constant 28 : index
    %get3A_443 = memref.load %arg1[%get3A_442] : memref<32xi32, #tpu.memory_space<smem>>
    %dma_start3A_444 = arith.constant 28 : i32
    %dma_start3A_445 = arith.constant 0 : i32
    %dma_start3A_446 = tpu.memref_slice %arg38[%dma_start3A_444, %dma_start3A_445] : memref<32x128xf32, #tpu.memory_space<vmem>> -> memref<1x128xf32, #tpu.memory_space<vmem>>
    %dma_start3A_447 = tpu.memref_squeeze %dma_start3A_446 : memref<1x128xf32, #tpu.memory_space<vmem>> -> memref<128xf32, #tpu.memory_space<vmem>>
    %dma_start3A_448 = arith.constant 0 : i32
    %dma_start3A_449 = tpu.memref_slice %arg3[%get3A_443, %dma_start3A_448] : memref<100x128xf32, #tpu.memory_space<any>> -> memref<1x128xf32, #tpu.memory_space<any>>
    %dma_start3A_450 = tpu.memref_squeeze %dma_start3A_449 : memref<1x128xf32, #tpu.memory_space<any>> -> memref<128xf32, #tpu.memory_space<any>>
    tpu.enqueue_dma source(%dma_start3A_450 : memref<128xf32, #tpu.memory_space<any>>) target(%dma_start3A_447 : memref<128xf32, #tpu.memory_space<vmem>>) target_semaphore(%arg41 : memref<!tpu.dma_semaphore, #tpu.memory_space<semaphore_mem>>)
    %get3A_451 = arith.constant 29 : index
    %get3A_452 = memref.load %arg1[%get3A_451] : memref<32xi32, #tpu.memory_space<smem>>
    %dma_start3A_453 = arith.constant 29 : i32
    %dma_start3A_454 = arith.constant 0 : i32
    %dma_start3A_455 = tpu.memref_slice %arg38[%dma_start3A_453, %dma_start3A_454] : memref<32x128xf32, #tpu.memory_space<vmem>> -> memref<1x128xf32, #tpu.memory_space<vmem>>
    %dma_start3A_456 = tpu.memref_squeeze %dma_start3A_455 : memref<1x128xf32, #tpu.memory_space<vmem>> -> memref<128xf32, #tpu.memory_space<vmem>>
    %dma_start3A_457 = arith.constant 0 : i32
    %dma_start3A_458 = tpu.memref_slice %arg3[%get3A_452, %dma_start3A_457] : memref<100x128xf32, #tpu.memory_space<any>> -> memref<1x128xf32, #tpu.memory_space<any>>
    %dma_start3A_459 = tpu.memref_squeeze %dma_start3A_458 : memref<1x128xf32, #tpu.memory_space<any>> -> memref<128xf32, #tpu.memory_space<any>>
    tpu.enqueue_dma source(%dma_start3A_459 : memref<128xf32, #tpu.memory_space<any>>) target(%dma_start3A_456 : memref<128xf32, #tpu.memory_space<vmem>>) target_semaphore(%arg41 : memref<!tpu.dma_semaphore, #tpu.memory_space<semaphore_mem>>)
    %get3A_460 = arith.constant 30 : index
    %get3A_461 = memref.load %arg1[%get3A_460] : memref<32xi32, #tpu.memory_space<smem>>
    %dma_start3A_462 = arith.constant 30 : i32
    %dma_start3A_463 = arith.constant 0 : i32
    %dma_start3A_464 = tpu.memref_slice %arg38[%dma_start3A_462, %dma_start3A_463] : memref<32x128xf32, #tpu.memory_space<vmem>> -> memref<1x128xf32, #tpu.memory_space<vmem>>
    %dma_start3A_465 = tpu.memref_squeeze %dma_start3A_464 : memref<1x128xf32, #tpu.memory_space<vmem>> -> memref<128xf32, #tpu.memory_space<vmem>>
    %dma_start3A_466 = arith.constant 0 : i32
    %dma_start3A_467 = tpu.memref_slice %arg3[%get3A_461, %dma_start3A_466] : memref<100x128xf32, #tpu.memory_space<any>> -> memref<1x128xf32, #tpu.memory_space<any>>
    %dma_start3A_468 = tpu.memref_squeeze %dma_start3A_467 : memref<1x128xf32, #tpu.memory_space<any>> -> memref<128xf32, #tpu.memory_space<any>>
    tpu.enqueue_dma source(%dma_start3A_468 : memref<128xf32, #tpu.memory_space<any>>) target(%dma_start3A_465 : memref<128xf32, #tpu.memory_space<vmem>>) target_semaphore(%arg41 : memref<!tpu.dma_semaphore, #tpu.memory_space<semaphore_mem>>)
    %get3A_469 = arith.constant 31 : index
    %get3A_470 = memref.load %arg1[%get3A_469] : memref<32xi32, #tpu.memory_space<smem>>
    %dma_start3A_471 = arith.constant 31 : i32
    %dma_start3A_472 = arith.constant 0 : i32
    %dma_start3A_473 = tpu.memref_slice %arg38[%dma_start3A_471, %dma_start3A_472] : memref<32x128xf32, #tpu.memory_space<vmem>> -> memref<1x128xf32, #tpu.memory_space<vmem>>
    %dma_start3A_474 = tpu.memref_squeeze %dma_start3A_473 : memref<1x128xf32, #tpu.memory_space<vmem>> -> memref<128xf32, #tpu.memory_space<vmem>>
    %dma_start3A_475 = arith.constant 0 : i32
    %dma_start3A_476 = tpu.memref_slice %arg3[%get3A_470, %dma_start3A_475] : memref<100x128xf32, #tpu.memory_space<any>> -> memref<1x128xf32, #tpu.memory_space<any>>
    %dma_start3A_477 = tpu.memref_squeeze %dma_start3A_476 : memref<1x128xf32, #tpu.memory_space<any>> -> memref<128xf32, #tpu.memory_space<any>>
    tpu.enqueue_dma source(%dma_start3A_477 : memref<128xf32, #tpu.memory_space<any>>) target(%dma_start3A_474 : memref<128xf32, #tpu.memory_space<vmem>>) target_semaphore(%arg41 : memref<!tpu.dma_semaphore, #tpu.memory_space<semaphore_mem>>)
    %dma_wait3A = arith.constant 0 : i32
    %dma_wait3A_478 = arith.constant 0 : i32
    %dma_wait3A_479 = tpu.memref_slice %arg2[%get3A_0, %dma_wait3A, %dma_wait3A_478] : memref<100x384x384xf32, #tpu.memory_space<any>> -> memref<1x384x384xf32, #tpu.memory_space<any>>
    %dma_wait3A_480 = tpu.memref_squeeze %dma_wait3A_479 : memref<1x384x384xf32, #tpu.memory_space<any>> -> memref<384x384xf32, #tpu.memory_space<any>>
    tpu.wait_dma2 semaphore(%arg39 : memref<!tpu.dma_semaphore, #tpu.memory_space<semaphore_mem>>) src(%dma_wait3A_480 : memref<384x384xf32, #tpu.memory_space<any>>) dst(%arg6 : memref<384x384xf32, #tpu.memory_space<vmem>>)
    %dma_start3A_481 = arith.constant 0 : i32
    %dma_start3A_482 = arith.constant 0 : i32
    %dma_start3A_483 = arith.constant 0 : i32
    %dma_start3A_484 = tpu.memref_slice %arg4[%dma_start3A_481, %dma_start3A_482, %dma_start3A_483] : memref<32x384x384xf32, #tpu.memory_space<any>> -> memref<1x384x384xf32, #tpu.memory_space<any>>
    %dma_start3A_485 = tpu.memref_squeeze %dma_start3A_484 : memref<1x384x384xf32, #tpu.memory_space<any>> -> memref<384x384xf32, #tpu.memory_space<any>>
    tpu.enqueue_dma source(%arg6 : memref<384x384xf32, #tpu.memory_space<vmem>>) target(%dma_start3A_485 : memref<384x384xf32, #tpu.memory_space<any>>) target_semaphore(%arg40 : memref<!tpu.dma_semaphore, #tpu.memory_space<semaphore_mem>>)
    %dma_wait3A_486 = arith.constant 0 : i32
    %dma_wait3A_487 = arith.constant 0 : i32
    %dma_wait3A_488 = tpu.memref_slice %arg2[%get3A_5, %dma_wait3A_486, %dma_wait3A_487] : memref<100x384x384xf32, #tpu.memory_space<any>> -> memref<1x384x384xf32, #tpu.memory_space<any>>
    %dma_wait3A_489 = tpu.memref_squeeze %dma_wait3A_488 : memref<1x384x384xf32, #tpu.memory_space<any>> -> memref<384x384xf32, #tpu.memory_space<any>>
    tpu.wait_dma2 semaphore(%arg39 : memref<!tpu.dma_semaphore, #tpu.memory_space<semaphore_mem>>) src(%dma_wait3A_489 : memref<384x384xf32, #tpu.memory_space<any>>) dst(%arg7 : memref<384x384xf32, #tpu.memory_space<vmem>>)
    %dma_start3A_490 = arith.constant 1 : i32
    %dma_start3A_491 = arith.constant 0 : i32
    %dma_start3A_492 = arith.constant 0 : i32
    %dma_start3A_493 = tpu.memref_slice %arg4[%dma_start3A_490, %dma_start3A_491, %dma_start3A_492] : memref<32x384x384xf32, #tpu.memory_space<any>> -> memref<1x384x384xf32, #tpu.memory_space<any>>
    %dma_start3A_494 = tpu.memref_squeeze %dma_start3A_493 : memref<1x384x384xf32, #tpu.memory_space<any>> -> memref<384x384xf32, #tpu.memory_space<any>>
    tpu.enqueue_dma source(%arg7 : memref<384x384xf32, #tpu.memory_space<vmem>>) target(%dma_start3A_494 : memref<384x384xf32, #tpu.memory_space<any>>) target_semaphore(%arg40 : memref<!tpu.dma_semaphore, #tpu.memory_space<semaphore_mem>>)
    %dma_wait3A_495 = arith.constant 0 : i32
    %dma_wait3A_496 = arith.constant 0 : i32
    %dma_wait3A_497 = tpu.memref_slice %arg2[%get3A_11, %dma_wait3A_495, %dma_wait3A_496] : memref<100x384x384xf32, #tpu.memory_space<any>> -> memref<1x384x384xf32, #tpu.memory_space<any>>
    %dma_wait3A_498 = tpu.memref_squeeze %dma_wait3A_497 : memref<1x384x384xf32, #tpu.memory_space<any>> -> memref<384x384xf32, #tpu.memory_space<any>>
    tpu.wait_dma2 semaphore(%arg39 : memref<!tpu.dma_semaphore, #tpu.memory_space<semaphore_mem>>) src(%dma_wait3A_498 : memref<384x384xf32, #tpu.memory_space<any>>) dst(%arg8 : memref<384x384xf32, #tpu.memory_space<vmem>>)
    %dma_start3A_499 = arith.constant 2 : i32
    %dma_start3A_500 = arith.constant 0 : i32
    %dma_start3A_501 = arith.constant 0 : i32
    %dma_start3A_502 = tpu.memref_slice %arg4[%dma_start3A_499, %dma_start3A_500, %dma_start3A_501] : memref<32x384x384xf32, #tpu.memory_space<any>> -> memref<1x384x384xf32, #tpu.memory_space<any>>
    %dma_start3A_503 = tpu.memref_squeeze %dma_start3A_502 : memref<1x384x384xf32, #tpu.memory_space<any>> -> memref<384x384xf32, #tpu.memory_space<any>>
    tpu.enqueue_dma source(%arg8 : memref<384x384xf32, #tpu.memory_space<vmem>>) target(%dma_start3A_503 : memref<384x384xf32, #tpu.memory_space<any>>) target_semaphore(%arg40 : memref<!tpu.dma_semaphore, #tpu.memory_space<semaphore_mem>>)
    %dma_wait3A_504 = arith.constant 0 : i32
    %dma_wait3A_505 = arith.constant 0 : i32
    %dma_wait3A_506 = tpu.memref_slice %arg2[%get3A_17, %dma_wait3A_504, %dma_wait3A_505] : memref<100x384x384xf32, #tpu.memory_space<any>> -> memref<1x384x384xf32, #tpu.memory_space<any>>
    %dma_wait3A_507 = tpu.memref_squeeze %dma_wait3A_506 : memref<1x384x384xf32, #tpu.memory_space<any>> -> memref<384x384xf32, #tpu.memory_space<any>>
    tpu.wait_dma2 semaphore(%arg39 : memref<!tpu.dma_semaphore, #tpu.memory_space<semaphore_mem>>) src(%dma_wait3A_507 : memref<384x384xf32, #tpu.memory_space<any>>) dst(%arg9 : memref<384x384xf32, #tpu.memory_space<vmem>>)
    %dma_start3A_508 = arith.constant 3 : i32
    %dma_start3A_509 = arith.constant 0 : i32
    %dma_start3A_510 = arith.constant 0 : i32
    %dma_start3A_511 = tpu.memref_slice %arg4[%dma_start3A_508, %dma_start3A_509, %dma_start3A_510] : memref<32x384x384xf32, #tpu.memory_space<any>> -> memref<1x384x384xf32, #tpu.memory_space<any>>
    %dma_start3A_512 = tpu.memref_squeeze %dma_start3A_511 : memref<1x384x384xf32, #tpu.memory_space<any>> -> memref<384x384xf32, #tpu.memory_space<any>>
    tpu.enqueue_dma source(%arg9 : memref<384x384xf32, #tpu.memory_space<vmem>>) target(%dma_start3A_512 : memref<384x384xf32, #tpu.memory_space<any>>) target_semaphore(%arg40 : memref<!tpu.dma_semaphore, #tpu.memory_space<semaphore_mem>>)
    %dma_wait3A_513 = arith.constant 0 : i32
    %dma_wait3A_514 = arith.constant 0 : i32
    %dma_wait3A_515 = tpu.memref_slice %arg2[%get3A_23, %dma_wait3A_513, %dma_wait3A_514] : memref<100x384x384xf32, #tpu.memory_space<any>> -> memref<1x384x384xf32, #tpu.memory_space<any>>
    %dma_wait3A_516 = tpu.memref_squeeze %dma_wait3A_515 : memref<1x384x384xf32, #tpu.memory_space<any>> -> memref<384x384xf32, #tpu.memory_space<any>>
    tpu.wait_dma2 semaphore(%arg39 : memref<!tpu.dma_semaphore, #tpu.memory_space<semaphore_mem>>) src(%dma_wait3A_516 : memref<384x384xf32, #tpu.memory_space<any>>) dst(%arg10 : memref<384x384xf32, #tpu.memory_space<vmem>>)
    %dma_start3A_517 = arith.constant 4 : i32
    %dma_start3A_518 = arith.constant 0 : i32
    %dma_start3A_519 = arith.constant 0 : i32
    %dma_start3A_520 = tpu.memref_slice %arg4[%dma_start3A_517, %dma_start3A_518, %dma_start3A_519] : memref<32x384x384xf32, #tpu.memory_space<any>> -> memref<1x384x384xf32, #tpu.memory_space<any>>
    %dma_start3A_521 = tpu.memref_squeeze %dma_start3A_520 : memref<1x384x384xf32, #tpu.memory_space<any>> -> memref<384x384xf32, #tpu.memory_space<any>>
    tpu.enqueue_dma source(%arg10 : memref<384x384xf32, #tpu.memory_space<vmem>>) target(%dma_start3A_521 : memref<384x384xf32, #tpu.memory_space<any>>) target_semaphore(%arg40 : memref<!tpu.dma_semaphore, #tpu.memory_space<semaphore_mem>>)
    %dma_wait3A_522 = arith.constant 0 : i32
    %dma_wait3A_523 = arith.constant 0 : i32
    %dma_wait3A_524 = tpu.memref_slice %arg2[%get3A_29, %dma_wait3A_522, %dma_wait3A_523] : memref<100x384x384xf32, #tpu.memory_space<any>> -> memref<1x384x384xf32, #tpu.memory_space<any>>
    %dma_wait3A_525 = tpu.memref_squeeze %dma_wait3A_524 : memref<1x384x384xf32, #tpu.memory_space<any>> -> memref<384x384xf32, #tpu.memory_space<any>>
    tpu.wait_dma2 semaphore(%arg39 : memref<!tpu.dma_semaphore, #tpu.memory_space<semaphore_mem>>) src(%dma_wait3A_525 : memref<384x384xf32, #tpu.memory_space<any>>) dst(%arg11 : memref<384x384xf32, #tpu.memory_space<vmem>>)
    %dma_start3A_526 = arith.constant 5 : i32
    %dma_start3A_527 = arith.constant 0 : i32
    %dma_start3A_528 = arith.constant 0 : i32
    %dma_start3A_529 = tpu.memref_slice %arg4[%dma_start3A_526, %dma_start3A_527, %dma_start3A_528] : memref<32x384x384xf32, #tpu.memory_space<any>> -> memref<1x384x384xf32, #tpu.memory_space<any>>
    %dma_start3A_530 = tpu.memref_squeeze %dma_start3A_529 : memref<1x384x384xf32, #tpu.memory_space<any>> -> memref<384x384xf32, #tpu.memory_space<any>>
    tpu.enqueue_dma source(%arg11 : memref<384x384xf32, #tpu.memory_space<vmem>>) target(%dma_start3A_530 : memref<384x384xf32, #tpu.memory_space<any>>) target_semaphore(%arg40 : memref<!tpu.dma_semaphore, #tpu.memory_space<semaphore_mem>>)
    %dma_wait3A_531 = arith.constant 0 : i32
    %dma_wait3A_532 = arith.constant 0 : i32
    %dma_wait3A_533 = tpu.memref_slice %arg2[%get3A_35, %dma_wait3A_531, %dma_wait3A_532] : memref<100x384x384xf32, #tpu.memory_space<any>> -> memref<1x384x384xf32, #tpu.memory_space<any>>
    %dma_wait3A_534 = tpu.memref_squeeze %dma_wait3A_533 : memref<1x384x384xf32, #tpu.memory_space<any>> -> memref<384x384xf32, #tpu.memory_space<any>>
    tpu.wait_dma2 semaphore(%arg39 : memref<!tpu.dma_semaphore, #tpu.memory_space<semaphore_mem>>) src(%dma_wait3A_534 : memref<384x384xf32, #tpu.memory_space<any>>) dst(%arg12 : memref<384x384xf32, #tpu.memory_space<vmem>>)
    %dma_start3A_535 = arith.constant 6 : i32
    %dma_start3A_536 = arith.constant 0 : i32
    %dma_start3A_537 = arith.constant 0 : i32
    %dma_start3A_538 = tpu.memref_slice %arg4[%dma_start3A_535, %dma_start3A_536, %dma_start3A_537] : memref<32x384x384xf32, #tpu.memory_space<any>> -> memref<1x384x384xf32, #tpu.memory_space<any>>
    %dma_start3A_539 = tpu.memref_squeeze %dma_start3A_538 : memref<1x384x384xf32, #tpu.memory_space<any>> -> memref<384x384xf32, #tpu.memory_space<any>>
    tpu.enqueue_dma source(%arg12 : memref<384x384xf32, #tpu.memory_space<vmem>>) target(%dma_start3A_539 : memref<384x384xf32, #tpu.memory_space<any>>) target_semaphore(%arg40 : memref<!tpu.dma_semaphore, #tpu.memory_space<semaphore_mem>>)
    %dma_wait3A_540 = arith.constant 0 : i32
    %dma_wait3A_541 = arith.constant 0 : i32
    %dma_wait3A_542 = tpu.memref_slice %arg2[%get3A_41, %dma_wait3A_540, %dma_wait3A_541] : memref<100x384x384xf32, #tpu.memory_space<any>> -> memref<1x384x384xf32, #tpu.memory_space<any>>
    %dma_wait3A_543 = tpu.memref_squeeze %dma_wait3A_542 : memref<1x384x384xf32, #tpu.memory_space<any>> -> memref<384x384xf32, #tpu.memory_space<any>>
    tpu.wait_dma2 semaphore(%arg39 : memref<!tpu.dma_semaphore, #tpu.memory_space<semaphore_mem>>) src(%dma_wait3A_543 : memref<384x384xf32, #tpu.memory_space<any>>) dst(%arg13 : memref<384x384xf32, #tpu.memory_space<vmem>>)
    %dma_start3A_544 = arith.constant 7 : i32
    %dma_start3A_545 = arith.constant 0 : i32
    %dma_start3A_546 = arith.constant 0 : i32
    %dma_start3A_547 = tpu.memref_slice %arg4[%dma_start3A_544, %dma_start3A_545, %dma_start3A_546] : memref<32x384x384xf32, #tpu.memory_space<any>> -> memref<1x384x384xf32, #tpu.memory_space<any>>
    %dma_start3A_548 = tpu.memref_squeeze %dma_start3A_547 : memref<1x384x384xf32, #tpu.memory_space<any>> -> memref<384x384xf32, #tpu.memory_space<any>>
    tpu.enqueue_dma source(%arg13 : memref<384x384xf32, #tpu.memory_space<vmem>>) target(%dma_start3A_548 : memref<384x384xf32, #tpu.memory_space<any>>) target_semaphore(%arg40 : memref<!tpu.dma_semaphore, #tpu.memory_space<semaphore_mem>>)
    %dma_wait3A_549 = arith.constant 0 : i32
    %dma_wait3A_550 = arith.constant 0 : i32
    %dma_wait3A_551 = tpu.memref_slice %arg2[%get3A_47, %dma_wait3A_549, %dma_wait3A_550] : memref<100x384x384xf32, #tpu.memory_space<any>> -> memref<1x384x384xf32, #tpu.memory_space<any>>
    %dma_wait3A_552 = tpu.memref_squeeze %dma_wait3A_551 : memref<1x384x384xf32, #tpu.memory_space<any>> -> memref<384x384xf32, #tpu.memory_space<any>>
    tpu.wait_dma2 semaphore(%arg39 : memref<!tpu.dma_semaphore, #tpu.memory_space<semaphore_mem>>) src(%dma_wait3A_552 : memref<384x384xf32, #tpu.memory_space<any>>) dst(%arg14 : memref<384x384xf32, #tpu.memory_space<vmem>>)
    %dma_start3A_553 = arith.constant 8 : i32
    %dma_start3A_554 = arith.constant 0 : i32
    %dma_start3A_555 = arith.constant 0 : i32
    %dma_start3A_556 = tpu.memref_slice %arg4[%dma_start3A_553, %dma_start3A_554, %dma_start3A_555] : memref<32x384x384xf32, #tpu.memory_space<any>> -> memref<1x384x384xf32, #tpu.memory_space<any>>
    %dma_start3A_557 = tpu.memref_squeeze %dma_start3A_556 : memref<1x384x384xf32, #tpu.memory_space<any>> -> memref<384x384xf32, #tpu.memory_space<any>>
    tpu.enqueue_dma source(%arg14 : memref<384x384xf32, #tpu.memory_space<vmem>>) target(%dma_start3A_557 : memref<384x384xf32, #tpu.memory_space<any>>) target_semaphore(%arg40 : memref<!tpu.dma_semaphore, #tpu.memory_space<semaphore_mem>>)
    %dma_wait3A_558 = arith.constant 0 : i32
    %dma_wait3A_559 = arith.constant 0 : i32
    %dma_wait3A_560 = tpu.memref_slice %arg2[%get3A_53, %dma_wait3A_558, %dma_wait3A_559] : memref<100x384x384xf32, #tpu.memory_space<any>> -> memref<1x384x384xf32, #tpu.memory_space<any>>
    %dma_wait3A_561 = tpu.memref_squeeze %dma_wait3A_560 : memref<1x384x384xf32, #tpu.memory_space<any>> -> memref<384x384xf32, #tpu.memory_space<any>>
    tpu.wait_dma2 semaphore(%arg39 : memref<!tpu.dma_semaphore, #tpu.memory_space<semaphore_mem>>) src(%dma_wait3A_561 : memref<384x384xf32, #tpu.memory_space<any>>) dst(%arg15 : memref<384x384xf32, #tpu.memory_space<vmem>>)
    %dma_start3A_562 = arith.constant 9 : i32
    %dma_start3A_563 = arith.constant 0 : i32
    %dma_start3A_564 = arith.constant 0 : i32
    %dma_start3A_565 = tpu.memref_slice %arg4[%dma_start3A_562, %dma_start3A_563, %dma_start3A_564] : memref<32x384x384xf32, #tpu.memory_space<any>> -> memref<1x384x384xf32, #tpu.memory_space<any>>
    %dma_start3A_566 = tpu.memref_squeeze %dma_start3A_565 : memref<1x384x384xf32, #tpu.memory_space<any>> -> memref<384x384xf32, #tpu.memory_space<any>>
    tpu.enqueue_dma source(%arg15 : memref<384x384xf32, #tpu.memory_space<vmem>>) target(%dma_start3A_566 : memref<384x384xf32, #tpu.memory_space<any>>) target_semaphore(%arg40 : memref<!tpu.dma_semaphore, #tpu.memory_space<semaphore_mem>>)
    %dma_wait3A_567 = arith.constant 0 : i32
    %dma_wait3A_568 = arith.constant 0 : i32
    %dma_wait3A_569 = tpu.memref_slice %arg2[%get3A_59, %dma_wait3A_567, %dma_wait3A_568] : memref<100x384x384xf32, #tpu.memory_space<any>> -> memref<1x384x384xf32, #tpu.memory_space<any>>
    %dma_wait3A_570 = tpu.memref_squeeze %dma_wait3A_569 : memref<1x384x384xf32, #tpu.memory_space<any>> -> memref<384x384xf32, #tpu.memory_space<any>>
    tpu.wait_dma2 semaphore(%arg39 : memref<!tpu.dma_semaphore, #tpu.memory_space<semaphore_mem>>) src(%dma_wait3A_570 : memref<384x384xf32, #tpu.memory_space<any>>) dst(%arg16 : memref<384x384xf32, #tpu.memory_space<vmem>>)
    %dma_start3A_571 = arith.constant 10 : i32
    %dma_start3A_572 = arith.constant 0 : i32
    %dma_start3A_573 = arith.constant 0 : i32
    %dma_start3A_574 = tpu.memref_slice %arg4[%dma_start3A_571, %dma_start3A_572, %dma_start3A_573] : memref<32x384x384xf32, #tpu.memory_space<any>> -> memref<1x384x384xf32, #tpu.memory_space<any>>
    %dma_start3A_575 = tpu.memref_squeeze %dma_start3A_574 : memref<1x384x384xf32, #tpu.memory_space<any>> -> memref<384x384xf32, #tpu.memory_space<any>>
    tpu.enqueue_dma source(%arg16 : memref<384x384xf32, #tpu.memory_space<vmem>>) target(%dma_start3A_575 : memref<384x384xf32, #tpu.memory_space<any>>) target_semaphore(%arg40 : memref<!tpu.dma_semaphore, #tpu.memory_space<semaphore_mem>>)
    %dma_wait3A_576 = arith.constant 0 : i32
    %dma_wait3A_577 = arith.constant 0 : i32
    %dma_wait3A_578 = tpu.memref_slice %arg2[%get3A_65, %dma_wait3A_576, %dma_wait3A_577] : memref<100x384x384xf32, #tpu.memory_space<any>> -> memref<1x384x384xf32, #tpu.memory_space<any>>
    %dma_wait3A_579 = tpu.memref_squeeze %dma_wait3A_578 : memref<1x384x384xf32, #tpu.memory_space<any>> -> memref<384x384xf32, #tpu.memory_space<any>>
    tpu.wait_dma2 semaphore(%arg39 : memref<!tpu.dma_semaphore, #tpu.memory_space<semaphore_mem>>) src(%dma_wait3A_579 : memref<384x384xf32, #tpu.memory_space<any>>) dst(%arg17 : memref<384x384xf32, #tpu.memory_space<vmem>>)
    %dma_start3A_580 = arith.constant 11 : i32
    %dma_start3A_581 = arith.constant 0 : i32
    %dma_start3A_582 = arith.constant 0 : i32
    %dma_start3A_583 = tpu.memref_slice %arg4[%dma_start3A_580, %dma_start3A_581, %dma_start3A_582] : memref<32x384x384xf32, #tpu.memory_space<any>> -> memref<1x384x384xf32, #tpu.memory_space<any>>
    %dma_start3A_584 = tpu.memref_squeeze %dma_start3A_583 : memref<1x384x384xf32, #tpu.memory_space<any>> -> memref<384x384xf32, #tpu.memory_space<any>>
    tpu.enqueue_dma source(%arg17 : memref<384x384xf32, #tpu.memory_space<vmem>>) target(%dma_start3A_584 : memref<384x384xf32, #tpu.memory_space<any>>) target_semaphore(%arg40 : memref<!tpu.dma_semaphore, #tpu.memory_space<semaphore_mem>>)
    %dma_wait3A_585 = arith.constant 0 : i32
    %dma_wait3A_586 = arith.constant 0 : i32
    %dma_wait3A_587 = tpu.memref_slice %arg2[%get3A_71, %dma_wait3A_585, %dma_wait3A_586] : memref<100x384x384xf32, #tpu.memory_space<any>> -> memref<1x384x384xf32, #tpu.memory_space<any>>
    %dma_wait3A_588 = tpu.memref_squeeze %dma_wait3A_587 : memref<1x384x384xf32, #tpu.memory_space<any>> -> memref<384x384xf32, #tpu.memory_space<any>>
    tpu.wait_dma2 semaphore(%arg39 : memref<!tpu.dma_semaphore, #tpu.memory_space<semaphore_mem>>) src(%dma_wait3A_588 : memref<384x384xf32, #tpu.memory_space<any>>) dst(%arg18 : memref<384x384xf32, #tpu.memory_space<vmem>>)
    %dma_start3A_589 = arith.constant 12 : i32
    %dma_start3A_590 = arith.constant 0 : i32
    %dma_start3A_591 = arith.constant 0 : i32
    %dma_start3A_592 = tpu.memref_slice %arg4[%dma_start3A_589, %dma_start3A_590, %dma_start3A_591] : memref<32x384x384xf32, #tpu.memory_space<any>> -> memref<1x384x384xf32, #tpu.memory_space<any>>
    %dma_start3A_593 = tpu.memref_squeeze %dma_start3A_592 : memref<1x384x384xf32, #tpu.memory_space<any>> -> memref<384x384xf32, #tpu.memory_space<any>>
    tpu.enqueue_dma source(%arg18 : memref<384x384xf32, #tpu.memory_space<vmem>>) target(%dma_start3A_593 : memref<384x384xf32, #tpu.memory_space<any>>) target_semaphore(%arg40 : memref<!tpu.dma_semaphore, #tpu.memory_space<semaphore_mem>>)
    %dma_wait3A_594 = arith.constant 0 : i32
    %dma_wait3A_595 = arith.constant 0 : i32
    %dma_wait3A_596 = tpu.memref_slice %arg2[%get3A_77, %dma_wait3A_594, %dma_wait3A_595] : memref<100x384x384xf32, #tpu.memory_space<any>> -> memref<1x384x384xf32, #tpu.memory_space<any>>
    %dma_wait3A_597 = tpu.memref_squeeze %dma_wait3A_596 : memref<1x384x384xf32, #tpu.memory_space<any>> -> memref<384x384xf32, #tpu.memory_space<any>>
    tpu.wait_dma2 semaphore(%arg39 : memref<!tpu.dma_semaphore, #tpu.memory_space<semaphore_mem>>) src(%dma_wait3A_597 : memref<384x384xf32, #tpu.memory_space<any>>) dst(%arg19 : memref<384x384xf32, #tpu.memory_space<vmem>>)
    %dma_start3A_598 = arith.constant 13 : i32
    %dma_start3A_599 = arith.constant 0 : i32
    %dma_start3A_600 = arith.constant 0 : i32
    %dma_start3A_601 = tpu.memref_slice %arg4[%dma_start3A_598, %dma_start3A_599, %dma_start3A_600] : memref<32x384x384xf32, #tpu.memory_space<any>> -> memref<1x384x384xf32, #tpu.memory_space<any>>
    %dma_start3A_602 = tpu.memref_squeeze %dma_start3A_601 : memref<1x384x384xf32, #tpu.memory_space<any>> -> memref<384x384xf32, #tpu.memory_space<any>>
    tpu.enqueue_dma source(%arg19 : memref<384x384xf32, #tpu.memory_space<vmem>>) target(%dma_start3A_602 : memref<384x384xf32, #tpu.memory_space<any>>) target_semaphore(%arg40 : memref<!tpu.dma_semaphore, #tpu.memory_space<semaphore_mem>>)
    %dma_wait3A_603 = arith.constant 0 : i32
    %dma_wait3A_604 = arith.constant 0 : i32
    %dma_wait3A_605 = tpu.memref_slice %arg2[%get3A_83, %dma_wait3A_603, %dma_wait3A_604] : memref<100x384x384xf32, #tpu.memory_space<any>> -> memref<1x384x384xf32, #tpu.memory_space<any>>
    %dma_wait3A_606 = tpu.memref_squeeze %dma_wait3A_605 : memref<1x384x384xf32, #tpu.memory_space<any>> -> memref<384x384xf32, #tpu.memory_space<any>>
    tpu.wait_dma2 semaphore(%arg39 : memref<!tpu.dma_semaphore, #tpu.memory_space<semaphore_mem>>) src(%dma_wait3A_606 : memref<384x384xf32, #tpu.memory_space<any>>) dst(%arg20 : memref<384x384xf32, #tpu.memory_space<vmem>>)
    %dma_start3A_607 = arith.constant 14 : i32
    %dma_start3A_608 = arith.constant 0 : i32
    %dma_start3A_609 = arith.constant 0 : i32
    %dma_start3A_610 = tpu.memref_slice %arg4[%dma_start3A_607, %dma_start3A_608, %dma_start3A_609] : memref<32x384x384xf32, #tpu.memory_space<any>> -> memref<1x384x384xf32, #tpu.memory_space<any>>
    %dma_start3A_611 = tpu.memref_squeeze %dma_start3A_610 : memref<1x384x384xf32, #tpu.memory_space<any>> -> memref<384x384xf32, #tpu.memory_space<any>>
    tpu.enqueue_dma source(%arg20 : memref<384x384xf32, #tpu.memory_space<vmem>>) target(%dma_start3A_611 : memref<384x384xf32, #tpu.memory_space<any>>) target_semaphore(%arg40 : memref<!tpu.dma_semaphore, #tpu.memory_space<semaphore_mem>>)
    %dma_wait3A_612 = arith.constant 0 : i32
    %dma_wait3A_613 = arith.constant 0 : i32
    %dma_wait3A_614 = tpu.memref_slice %arg2[%get3A_89, %dma_wait3A_612, %dma_wait3A_613] : memref<100x384x384xf32, #tpu.memory_space<any>> -> memref<1x384x384xf32, #tpu.memory_space<any>>
    %dma_wait3A_615 = tpu.memref_squeeze %dma_wait3A_614 : memref<1x384x384xf32, #tpu.memory_space<any>> -> memref<384x384xf32, #tpu.memory_space<any>>
    tpu.wait_dma2 semaphore(%arg39 : memref<!tpu.dma_semaphore, #tpu.memory_space<semaphore_mem>>) src(%dma_wait3A_615 : memref<384x384xf32, #tpu.memory_space<any>>) dst(%arg21 : memref<384x384xf32, #tpu.memory_space<vmem>>)
    %dma_start3A_616 = arith.constant 15 : i32
    %dma_start3A_617 = arith.constant 0 : i32
    %dma_start3A_618 = arith.constant 0 : i32
    %dma_start3A_619 = tpu.memref_slice %arg4[%dma_start3A_616, %dma_start3A_617, %dma_start3A_618] : memref<32x384x384xf32, #tpu.memory_space<any>> -> memref<1x384x384xf32, #tpu.memory_space<any>>
    %dma_start3A_620 = tpu.memref_squeeze %dma_start3A_619 : memref<1x384x384xf32, #tpu.memory_space<any>> -> memref<384x384xf32, #tpu.memory_space<any>>
    tpu.enqueue_dma source(%arg21 : memref<384x384xf32, #tpu.memory_space<vmem>>) target(%dma_start3A_620 : memref<384x384xf32, #tpu.memory_space<any>>) target_semaphore(%arg40 : memref<!tpu.dma_semaphore, #tpu.memory_space<semaphore_mem>>)
    %dma_wait3A_621 = arith.constant 0 : i32
    %dma_wait3A_622 = arith.constant 0 : i32
    %dma_wait3A_623 = tpu.memref_slice %arg2[%get3A_95, %dma_wait3A_621, %dma_wait3A_622] : memref<100x384x384xf32, #tpu.memory_space<any>> -> memref<1x384x384xf32, #tpu.memory_space<any>>
    %dma_wait3A_624 = tpu.memref_squeeze %dma_wait3A_623 : memref<1x384x384xf32, #tpu.memory_space<any>> -> memref<384x384xf32, #tpu.memory_space<any>>
    tpu.wait_dma2 semaphore(%arg39 : memref<!tpu.dma_semaphore, #tpu.memory_space<semaphore_mem>>) src(%dma_wait3A_624 : memref<384x384xf32, #tpu.memory_space<any>>) dst(%arg22 : memref<384x384xf32, #tpu.memory_space<vmem>>)
    %dma_start3A_625 = arith.constant 16 : i32
    %dma_start3A_626 = arith.constant 0 : i32
    %dma_start3A_627 = arith.constant 0 : i32
    %dma_start3A_628 = tpu.memref_slice %arg4[%dma_start3A_625, %dma_start3A_626, %dma_start3A_627] : memref<32x384x384xf32, #tpu.memory_space<any>> -> memref<1x384x384xf32, #tpu.memory_space<any>>
    %dma_start3A_629 = tpu.memref_squeeze %dma_start3A_628 : memref<1x384x384xf32, #tpu.memory_space<any>> -> memref<384x384xf32, #tpu.memory_space<any>>
    tpu.enqueue_dma source(%arg22 : memref<384x384xf32, #tpu.memory_space<vmem>>) target(%dma_start3A_629 : memref<384x384xf32, #tpu.memory_space<any>>) target_semaphore(%arg40 : memref<!tpu.dma_semaphore, #tpu.memory_space<semaphore_mem>>)
    %dma_wait3A_630 = arith.constant 0 : i32
    %dma_wait3A_631 = arith.constant 0 : i32
    %dma_wait3A_632 = tpu.memref_slice %arg2[%get3A_101, %dma_wait3A_630, %dma_wait3A_631] : memref<100x384x384xf32, #tpu.memory_space<any>> -> memref<1x384x384xf32, #tpu.memory_space<any>>
    %dma_wait3A_633 = tpu.memref_squeeze %dma_wait3A_632 : memref<1x384x384xf32, #tpu.memory_space<any>> -> memref<384x384xf32, #tpu.memory_space<any>>
    tpu.wait_dma2 semaphore(%arg39 : memref<!tpu.dma_semaphore, #tpu.memory_space<semaphore_mem>>) src(%dma_wait3A_633 : memref<384x384xf32, #tpu.memory_space<any>>) dst(%arg23 : memref<384x384xf32, #tpu.memory_space<vmem>>)
    %dma_start3A_634 = arith.constant 17 : i32
    %dma_start3A_635 = arith.constant 0 : i32
    %dma_start3A_636 = arith.constant 0 : i32
    %dma_start3A_637 = tpu.memref_slice %arg4[%dma_start3A_634, %dma_start3A_635, %dma_start3A_636] : memref<32x384x384xf32, #tpu.memory_space<any>> -> memref<1x384x384xf32, #tpu.memory_space<any>>
    %dma_start3A_638 = tpu.memref_squeeze %dma_start3A_637 : memref<1x384x384xf32, #tpu.memory_space<any>> -> memref<384x384xf32, #tpu.memory_space<any>>
    tpu.enqueue_dma source(%arg23 : memref<384x384xf32, #tpu.memory_space<vmem>>) target(%dma_start3A_638 : memref<384x384xf32, #tpu.memory_space<any>>) target_semaphore(%arg40 : memref<!tpu.dma_semaphore, #tpu.memory_space<semaphore_mem>>)
    %dma_wait3A_639 = arith.constant 0 : i32
    %dma_wait3A_640 = arith.constant 0 : i32
    %dma_wait3A_641 = tpu.memref_slice %arg2[%get3A_107, %dma_wait3A_639, %dma_wait3A_640] : memref<100x384x384xf32, #tpu.memory_space<any>> -> memref<1x384x384xf32, #tpu.memory_space<any>>
    %dma_wait3A_642 = tpu.memref_squeeze %dma_wait3A_641 : memref<1x384x384xf32, #tpu.memory_space<any>> -> memref<384x384xf32, #tpu.memory_space<any>>
    tpu.wait_dma2 semaphore(%arg39 : memref<!tpu.dma_semaphore, #tpu.memory_space<semaphore_mem>>) src(%dma_wait3A_642 : memref<384x384xf32, #tpu.memory_space<any>>) dst(%arg24 : memref<384x384xf32, #tpu.memory_space<vmem>>)
    %dma_start3A_643 = arith.constant 18 : i32
    %dma_start3A_644 = arith.constant 0 : i32
    %dma_start3A_645 = arith.constant 0 : i32
    %dma_start3A_646 = tpu.memref_slice %arg4[%dma_start3A_643, %dma_start3A_644, %dma_start3A_645] : memref<32x384x384xf32, #tpu.memory_space<any>> -> memref<1x384x384xf32, #tpu.memory_space<any>>
    %dma_start3A_647 = tpu.memref_squeeze %dma_start3A_646 : memref<1x384x384xf32, #tpu.memory_space<any>> -> memref<384x384xf32, #tpu.memory_space<any>>
    tpu.enqueue_dma source(%arg24 : memref<384x384xf32, #tpu.memory_space<vmem>>) target(%dma_start3A_647 : memref<384x384xf32, #tpu.memory_space<any>>) target_semaphore(%arg40 : memref<!tpu.dma_semaphore, #tpu.memory_space<semaphore_mem>>)
    %dma_wait3A_648 = arith.constant 0 : i32
    %dma_wait3A_649 = arith.constant 0 : i32
    %dma_wait3A_650 = tpu.memref_slice %arg2[%get3A_113, %dma_wait3A_648, %dma_wait3A_649] : memref<100x384x384xf32, #tpu.memory_space<any>> -> memref<1x384x384xf32, #tpu.memory_space<any>>
    %dma_wait3A_651 = tpu.memref_squeeze %dma_wait3A_650 : memref<1x384x384xf32, #tpu.memory_space<any>> -> memref<384x384xf32, #tpu.memory_space<any>>
    tpu.wait_dma2 semaphore(%arg39 : memref<!tpu.dma_semaphore, #tpu.memory_space<semaphore_mem>>) src(%dma_wait3A_651 : memref<384x384xf32, #tpu.memory_space<any>>) dst(%arg25 : memref<384x384xf32, #tpu.memory_space<vmem>>)
    %dma_start3A_652 = arith.constant 19 : i32
    %dma_start3A_653 = arith.constant 0 : i32
    %dma_start3A_654 = arith.constant 0 : i32
    %dma_start3A_655 = tpu.memref_slice %arg4[%dma_start3A_652, %dma_start3A_653, %dma_start3A_654] : memref<32x384x384xf32, #tpu.memory_space<any>> -> memref<1x384x384xf32, #tpu.memory_space<any>>
    %dma_start3A_656 = tpu.memref_squeeze %dma_start3A_655 : memref<1x384x384xf32, #tpu.memory_space<any>> -> memref<384x384xf32, #tpu.memory_space<any>>
    tpu.enqueue_dma source(%arg25 : memref<384x384xf32, #tpu.memory_space<vmem>>) target(%dma_start3A_656 : memref<384x384xf32, #tpu.memory_space<any>>) target_semaphore(%arg40 : memref<!tpu.dma_semaphore, #tpu.memory_space<semaphore_mem>>)
    %dma_wait3A_657 = arith.constant 0 : i32
    %dma_wait3A_658 = arith.constant 0 : i32
    %dma_wait3A_659 = tpu.memref_slice %arg2[%get3A_119, %dma_wait3A_657, %dma_wait3A_658] : memref<100x384x384xf32, #tpu.memory_space<any>> -> memref<1x384x384xf32, #tpu.memory_space<any>>
    %dma_wait3A_660 = tpu.memref_squeeze %dma_wait3A_659 : memref<1x384x384xf32, #tpu.memory_space<any>> -> memref<384x384xf32, #tpu.memory_space<any>>
    tpu.wait_dma2 semaphore(%arg39 : memref<!tpu.dma_semaphore, #tpu.memory_space<semaphore_mem>>) src(%dma_wait3A_660 : memref<384x384xf32, #tpu.memory_space<any>>) dst(%arg26 : memref<384x384xf32, #tpu.memory_space<vmem>>)
    %dma_start3A_661 = arith.constant 20 : i32
    %dma_start3A_662 = arith.constant 0 : i32
    %dma_start3A_663 = arith.constant 0 : i32
    %dma_start3A_664 = tpu.memref_slice %arg4[%dma_start3A_661, %dma_start3A_662, %dma_start3A_663] : memref<32x384x384xf32, #tpu.memory_space<any>> -> memref<1x384x384xf32, #tpu.memory_space<any>>
    %dma_start3A_665 = tpu.memref_squeeze %dma_start3A_664 : memref<1x384x384xf32, #tpu.memory_space<any>> -> memref<384x384xf32, #tpu.memory_space<any>>
    tpu.enqueue_dma source(%arg26 : memref<384x384xf32, #tpu.memory_space<vmem>>) target(%dma_start3A_665 : memref<384x384xf32, #tpu.memory_space<any>>) target_semaphore(%arg40 : memref<!tpu.dma_semaphore, #tpu.memory_space<semaphore_mem>>)
    %dma_wait3A_666 = arith.constant 0 : i32
    %dma_wait3A_667 = arith.constant 0 : i32
    %dma_wait3A_668 = tpu.memref_slice %arg2[%get3A_125, %dma_wait3A_666, %dma_wait3A_667] : memref<100x384x384xf32, #tpu.memory_space<any>> -> memref<1x384x384xf32, #tpu.memory_space<any>>
    %dma_wait3A_669 = tpu.memref_squeeze %dma_wait3A_668 : memref<1x384x384xf32, #tpu.memory_space<any>> -> memref<384x384xf32, #tpu.memory_space<any>>
    tpu.wait_dma2 semaphore(%arg39 : memref<!tpu.dma_semaphore, #tpu.memory_space<semaphore_mem>>) src(%dma_wait3A_669 : memref<384x384xf32, #tpu.memory_space<any>>) dst(%arg27 : memref<384x384xf32, #tpu.memory_space<vmem>>)
    %dma_start3A_670 = arith.constant 21 : i32
    %dma_start3A_671 = arith.constant 0 : i32
    %dma_start3A_672 = arith.constant 0 : i32
    %dma_start3A_673 = tpu.memref_slice %arg4[%dma_start3A_670, %dma_start3A_671, %dma_start3A_672] : memref<32x384x384xf32, #tpu.memory_space<any>> -> memref<1x384x384xf32, #tpu.memory_space<any>>
    %dma_start3A_674 = tpu.memref_squeeze %dma_start3A_673 : memref<1x384x384xf32, #tpu.memory_space<any>> -> memref<384x384xf32, #tpu.memory_space<any>>
    tpu.enqueue_dma source(%arg27 : memref<384x384xf32, #tpu.memory_space<vmem>>) target(%dma_start3A_674 : memref<384x384xf32, #tpu.memory_space<any>>) target_semaphore(%arg40 : memref<!tpu.dma_semaphore, #tpu.memory_space<semaphore_mem>>)
    %dma_wait3A_675 = arith.constant 0 : i32
    %dma_wait3A_676 = arith.constant 0 : i32
    %dma_wait3A_677 = tpu.memref_slice %arg2[%get3A_131, %dma_wait3A_675, %dma_wait3A_676] : memref<100x384x384xf32, #tpu.memory_space<any>> -> memref<1x384x384xf32, #tpu.memory_space<any>>
    %dma_wait3A_678 = tpu.memref_squeeze %dma_wait3A_677 : memref<1x384x384xf32, #tpu.memory_space<any>> -> memref<384x384xf32, #tpu.memory_space<any>>
    tpu.wait_dma2 semaphore(%arg39 : memref<!tpu.dma_semaphore, #tpu.memory_space<semaphore_mem>>) src(%dma_wait3A_678 : memref<384x384xf32, #tpu.memory_space<any>>) dst(%arg28 : memref<384x384xf32, #tpu.memory_space<vmem>>)
    %dma_start3A_679 = arith.constant 22 : i32
    %dma_start3A_680 = arith.constant 0 : i32
    %dma_start3A_681 = arith.constant 0 : i32
    %dma_start3A_682 = tpu.memref_slice %arg4[%dma_start3A_679, %dma_start3A_680, %dma_start3A_681] : memref<32x384x384xf32, #tpu.memory_space<any>> -> memref<1x384x384xf32, #tpu.memory_space<any>>
    %dma_start3A_683 = tpu.memref_squeeze %dma_start3A_682 : memref<1x384x384xf32, #tpu.memory_space<any>> -> memref<384x384xf32, #tpu.memory_space<any>>
    tpu.enqueue_dma source(%arg28 : memref<384x384xf32, #tpu.memory_space<vmem>>) target(%dma_start3A_683 : memref<384x384xf32, #tpu.memory_space<any>>) target_semaphore(%arg40 : memref<!tpu.dma_semaphore, #tpu.memory_space<semaphore_mem>>)
    %dma_wait3A_684 = arith.constant 0 : i32
    %dma_wait3A_685 = arith.constant 0 : i32
    %dma_wait3A_686 = tpu.memref_slice %arg2[%get3A_137, %dma_wait3A_684, %dma_wait3A_685] : memref<100x384x384xf32, #tpu.memory_space<any>> -> memref<1x384x384xf32, #tpu.memory_space<any>>
    %dma_wait3A_687 = tpu.memref_squeeze %dma_wait3A_686 : memref<1x384x384xf32, #tpu.memory_space<any>> -> memref<384x384xf32, #tpu.memory_space<any>>
    tpu.wait_dma2 semaphore(%arg39 : memref<!tpu.dma_semaphore, #tpu.memory_space<semaphore_mem>>) src(%dma_wait3A_687 : memref<384x384xf32, #tpu.memory_space<any>>) dst(%arg29 : memref<384x384xf32, #tpu.memory_space<vmem>>)
    %dma_start3A_688 = arith.constant 23 : i32
    %dma_start3A_689 = arith.constant 0 : i32
    %dma_start3A_690 = arith.constant 0 : i32
    %dma_start3A_691 = tpu.memref_slice %arg4[%dma_start3A_688, %dma_start3A_689, %dma_start3A_690] : memref<32x384x384xf32, #tpu.memory_space<any>> -> memref<1x384x384xf32, #tpu.memory_space<any>>
    %dma_start3A_692 = tpu.memref_squeeze %dma_start3A_691 : memref<1x384x384xf32, #tpu.memory_space<any>> -> memref<384x384xf32, #tpu.memory_space<any>>
    tpu.enqueue_dma source(%arg29 : memref<384x384xf32, #tpu.memory_space<vmem>>) target(%dma_start3A_692 : memref<384x384xf32, #tpu.memory_space<any>>) target_semaphore(%arg40 : memref<!tpu.dma_semaphore, #tpu.memory_space<semaphore_mem>>)
    %dma_wait3A_693 = arith.constant 0 : i32
    %dma_wait3A_694 = arith.constant 0 : i32
    %dma_wait3A_695 = tpu.memref_slice %arg2[%get3A_143, %dma_wait3A_693, %dma_wait3A_694] : memref<100x384x384xf32, #tpu.memory_space<any>> -> memref<1x384x384xf32, #tpu.memory_space<any>>
    %dma_wait3A_696 = tpu.memref_squeeze %dma_wait3A_695 : memref<1x384x384xf32, #tpu.memory_space<any>> -> memref<384x384xf32, #tpu.memory_space<any>>
    tpu.wait_dma2 semaphore(%arg39 : memref<!tpu.dma_semaphore, #tpu.memory_space<semaphore_mem>>) src(%dma_wait3A_696 : memref<384x384xf32, #tpu.memory_space<any>>) dst(%arg30 : memref<384x384xf32, #tpu.memory_space<vmem>>)
    %dma_start3A_697 = arith.constant 24 : i32
    %dma_start3A_698 = arith.constant 0 : i32
    %dma_start3A_699 = arith.constant 0 : i32
    %dma_start3A_700 = tpu.memref_slice %arg4[%dma_start3A_697, %dma_start3A_698, %dma_start3A_699] : memref<32x384x384xf32, #tpu.memory_space<any>> -> memref<1x384x384xf32, #tpu.memory_space<any>>
    %dma_start3A_701 = tpu.memref_squeeze %dma_start3A_700 : memref<1x384x384xf32, #tpu.memory_space<any>> -> memref<384x384xf32, #tpu.memory_space<any>>
    tpu.enqueue_dma source(%arg30 : memref<384x384xf32, #tpu.memory_space<vmem>>) target(%dma_start3A_701 : memref<384x384xf32, #tpu.memory_space<any>>) target_semaphore(%arg40 : memref<!tpu.dma_semaphore, #tpu.memory_space<semaphore_mem>>)
    %dma_wait3A_702 = arith.constant 0 : i32
    %dma_wait3A_703 = arith.constant 0 : i32
    %dma_wait3A_704 = tpu.memref_slice %arg2[%get3A_149, %dma_wait3A_702, %dma_wait3A_703] : memref<100x384x384xf32, #tpu.memory_space<any>> -> memref<1x384x384xf32, #tpu.memory_space<any>>
    %dma_wait3A_705 = tpu.memref_squeeze %dma_wait3A_704 : memref<1x384x384xf32, #tpu.memory_space<any>> -> memref<384x384xf32, #tpu.memory_space<any>>
    tpu.wait_dma2 semaphore(%arg39 : memref<!tpu.dma_semaphore, #tpu.memory_space<semaphore_mem>>) src(%dma_wait3A_705 : memref<384x384xf32, #tpu.memory_space<any>>) dst(%arg31 : memref<384x384xf32, #tpu.memory_space<vmem>>)
    %dma_start3A_706 = arith.constant 25 : i32
    %dma_start3A_707 = arith.constant 0 : i32
    %dma_start3A_708 = arith.constant 0 : i32
    %dma_start3A_709 = tpu.memref_slice %arg4[%dma_start3A_706, %dma_start3A_707, %dma_start3A_708] : memref<32x384x384xf32, #tpu.memory_space<any>> -> memref<1x384x384xf32, #tpu.memory_space<any>>
    %dma_start3A_710 = tpu.memref_squeeze %dma_start3A_709 : memref<1x384x384xf32, #tpu.memory_space<any>> -> memref<384x384xf32, #tpu.memory_space<any>>
    tpu.enqueue_dma source(%arg31 : memref<384x384xf32, #tpu.memory_space<vmem>>) target(%dma_start3A_710 : memref<384x384xf32, #tpu.memory_space<any>>) target_semaphore(%arg40 : memref<!tpu.dma_semaphore, #tpu.memory_space<semaphore_mem>>)
    %dma_wait3A_711 = arith.constant 0 : i32
    %dma_wait3A_712 = arith.constant 0 : i32
    %dma_wait3A_713 = tpu.memref_slice %arg2[%get3A_155, %dma_wait3A_711, %dma_wait3A_712] : memref<100x384x384xf32, #tpu.memory_space<any>> -> memref<1x384x384xf32, #tpu.memory_space<any>>
    %dma_wait3A_714 = tpu.memref_squeeze %dma_wait3A_713 : memref<1x384x384xf32, #tpu.memory_space<any>> -> memref<384x384xf32, #tpu.memory_space<any>>
    tpu.wait_dma2 semaphore(%arg39 : memref<!tpu.dma_semaphore, #tpu.memory_space<semaphore_mem>>) src(%dma_wait3A_714 : memref<384x384xf32, #tpu.memory_space<any>>) dst(%arg32 : memref<384x384xf32, #tpu.memory_space<vmem>>)
    %dma_start3A_715 = arith.constant 26 : i32
    %dma_start3A_716 = arith.constant 0 : i32
    %dma_start3A_717 = arith.constant 0 : i32
    %dma_start3A_718 = tpu.memref_slice %arg4[%dma_start3A_715, %dma_start3A_716, %dma_start3A_717] : memref<32x384x384xf32, #tpu.memory_space<any>> -> memref<1x384x384xf32, #tpu.memory_space<any>>
    %dma_start3A_719 = tpu.memref_squeeze %dma_start3A_718 : memref<1x384x384xf32, #tpu.memory_space<any>> -> memref<384x384xf32, #tpu.memory_space<any>>
    tpu.enqueue_dma source(%arg32 : memref<384x384xf32, #tpu.memory_space<vmem>>) target(%dma_start3A_719 : memref<384x384xf32, #tpu.memory_space<any>>) target_semaphore(%arg40 : memref<!tpu.dma_semaphore, #tpu.memory_space<semaphore_mem>>)
    %dma_wait3A_720 = arith.constant 0 : i32
    %dma_wait3A_721 = arith.constant 0 : i32
    %dma_wait3A_722 = tpu.memref_slice %arg2[%get3A_161, %dma_wait3A_720, %dma_wait3A_721] : memref<100x384x384xf32, #tpu.memory_space<any>> -> memref<1x384x384xf32, #tpu.memory_space<any>>
    %dma_wait3A_723 = tpu.memref_squeeze %dma_wait3A_722 : memref<1x384x384xf32, #tpu.memory_space<any>> -> memref<384x384xf32, #tpu.memory_space<any>>
    tpu.wait_dma2 semaphore(%arg39 : memref<!tpu.dma_semaphore, #tpu.memory_space<semaphore_mem>>) src(%dma_wait3A_723 : memref<384x384xf32, #tpu.memory_space<any>>) dst(%arg33 : memref<384x384xf32, #tpu.memory_space<vmem>>)
    %dma_start3A_724 = arith.constant 27 : i32
    %dma_start3A_725 = arith.constant 0 : i32
    %dma_start3A_726 = arith.constant 0 : i32
    %dma_start3A_727 = tpu.memref_slice %arg4[%dma_start3A_724, %dma_start3A_725, %dma_start3A_726] : memref<32x384x384xf32, #tpu.memory_space<any>> -> memref<1x384x384xf32, #tpu.memory_space<any>>
    %dma_start3A_728 = tpu.memref_squeeze %dma_start3A_727 : memref<1x384x384xf32, #tpu.memory_space<any>> -> memref<384x384xf32, #tpu.memory_space<any>>
    tpu.enqueue_dma source(%arg33 : memref<384x384xf32, #tpu.memory_space<vmem>>) target(%dma_start3A_728 : memref<384x384xf32, #tpu.memory_space<any>>) target_semaphore(%arg40 : memref<!tpu.dma_semaphore, #tpu.memory_space<semaphore_mem>>)
    %dma_wait3A_729 = arith.constant 0 : i32
    %dma_wait3A_730 = arith.constant 0 : i32
    %dma_wait3A_731 = tpu.memref_slice %arg2[%get3A_167, %dma_wait3A_729, %dma_wait3A_730] : memref<100x384x384xf32, #tpu.memory_space<any>> -> memref<1x384x384xf32, #tpu.memory_space<any>>
    %dma_wait3A_732 = tpu.memref_squeeze %dma_wait3A_731 : memref<1x384x384xf32, #tpu.memory_space<any>> -> memref<384x384xf32, #tpu.memory_space<any>>
    tpu.wait_dma2 semaphore(%arg39 : memref<!tpu.dma_semaphore, #tpu.memory_space<semaphore_mem>>) src(%dma_wait3A_732 : memref<384x384xf32, #tpu.memory_space<any>>) dst(%arg34 : memref<384x384xf32, #tpu.memory_space<vmem>>)
    %dma_start3A_733 = arith.constant 28 : i32
    %dma_start3A_734 = arith.constant 0 : i32
    %dma_start3A_735 = arith.constant 0 : i32
    %dma_start3A_736 = tpu.memref_slice %arg4[%dma_start3A_733, %dma_start3A_734, %dma_start3A_735] : memref<32x384x384xf32, #tpu.memory_space<any>> -> memref<1x384x384xf32, #tpu.memory_space<any>>
    %dma_start3A_737 = tpu.memref_squeeze %dma_start3A_736 : memref<1x384x384xf32, #tpu.memory_space<any>> -> memref<384x384xf32, #tpu.memory_space<any>>
    tpu.enqueue_dma source(%arg34 : memref<384x384xf32, #tpu.memory_space<vmem>>) target(%dma_start3A_737 : memref<384x384xf32, #tpu.memory_space<any>>) target_semaphore(%arg40 : memref<!tpu.dma_semaphore, #tpu.memory_space<semaphore_mem>>)
    %dma_wait3A_738 = arith.constant 0 : i32
    %dma_wait3A_739 = arith.constant 0 : i32
    %dma_wait3A_740 = tpu.memref_slice %arg2[%get3A_173, %dma_wait3A_738, %dma_wait3A_739] : memref<100x384x384xf32, #tpu.memory_space<any>> -> memref<1x384x384xf32, #tpu.memory_space<any>>
    %dma_wait3A_741 = tpu.memref_squeeze %dma_wait3A_740 : memref<1x384x384xf32, #tpu.memory_space<any>> -> memref<384x384xf32, #tpu.memory_space<any>>
    tpu.wait_dma2 semaphore(%arg39 : memref<!tpu.dma_semaphore, #tpu.memory_space<semaphore_mem>>) src(%dma_wait3A_741 : memref<384x384xf32, #tpu.memory_space<any>>) dst(%arg35 : memref<384x384xf32, #tpu.memory_space<vmem>>)
    %dma_start3A_742 = arith.constant 29 : i32
    %dma_start3A_743 = arith.constant 0 : i32
    %dma_start3A_744 = arith.constant 0 : i32
    %dma_start3A_745 = tpu.memref_slice %arg4[%dma_start3A_742, %dma_start3A_743, %dma_start3A_744] : memref<32x384x384xf32, #tpu.memory_space<any>> -> memref<1x384x384xf32, #tpu.memory_space<any>>
    %dma_start3A_746 = tpu.memref_squeeze %dma_start3A_745 : memref<1x384x384xf32, #tpu.memory_space<any>> -> memref<384x384xf32, #tpu.memory_space<any>>
    tpu.enqueue_dma source(%arg35 : memref<384x384xf32, #tpu.memory_space<vmem>>) target(%dma_start3A_746 : memref<384x384xf32, #tpu.memory_space<any>>) target_semaphore(%arg40 : memref<!tpu.dma_semaphore, #tpu.memory_space<semaphore_mem>>)
    %dma_wait3A_747 = arith.constant 0 : i32
    %dma_wait3A_748 = arith.constant 0 : i32
    %dma_wait3A_749 = tpu.memref_slice %arg2[%get3A_179, %dma_wait3A_747, %dma_wait3A_748] : memref<100x384x384xf32, #tpu.memory_space<any>> -> memref<1x384x384xf32, #tpu.memory_space<any>>
    %dma_wait3A_750 = tpu.memref_squeeze %dma_wait3A_749 : memref<1x384x384xf32, #tpu.memory_space<any>> -> memref<384x384xf32, #tpu.memory_space<any>>
    tpu.wait_dma2 semaphore(%arg39 : memref<!tpu.dma_semaphore, #tpu.memory_space<semaphore_mem>>) src(%dma_wait3A_750 : memref<384x384xf32, #tpu.memory_space<any>>) dst(%arg36 : memref<384x384xf32, #tpu.memory_space<vmem>>)
    %dma_start3A_751 = arith.constant 30 : i32
    %dma_start3A_752 = arith.constant 0 : i32
    %dma_start3A_753 = arith.constant 0 : i32
    %dma_start3A_754 = tpu.memref_slice %arg4[%dma_start3A_751, %dma_start3A_752, %dma_start3A_753] : memref<32x384x384xf32, #tpu.memory_space<any>> -> memref<1x384x384xf32, #tpu.memory_space<any>>
    %dma_start3A_755 = tpu.memref_squeeze %dma_start3A_754 : memref<1x384x384xf32, #tpu.memory_space<any>> -> memref<384x384xf32, #tpu.memory_space<any>>
    tpu.enqueue_dma source(%arg36 : memref<384x384xf32, #tpu.memory_space<vmem>>) target(%dma_start3A_755 : memref<384x384xf32, #tpu.memory_space<any>>) target_semaphore(%arg40 : memref<!tpu.dma_semaphore, #tpu.memory_space<semaphore_mem>>)
    %dma_wait3A_756 = arith.constant 0 : i32
    %dma_wait3A_757 = arith.constant 0 : i32
    %dma_wait3A_758 = tpu.memref_slice %arg2[%get3A_185, %dma_wait3A_756, %dma_wait3A_757] : memref<100x384x384xf32, #tpu.memory_space<any>> -> memref<1x384x384xf32, #tpu.memory_space<any>>
    %dma_wait3A_759 = tpu.memref_squeeze %dma_wait3A_758 : memref<1x384x384xf32, #tpu.memory_space<any>> -> memref<384x384xf32, #tpu.memory_space<any>>
    tpu.wait_dma2 semaphore(%arg39 : memref<!tpu.dma_semaphore, #tpu.memory_space<semaphore_mem>>) src(%dma_wait3A_759 : memref<384x384xf32, #tpu.memory_space<any>>) dst(%arg37 : memref<384x384xf32, #tpu.memory_space<vmem>>)
    %dma_start3A_760 = arith.constant 31 : i32
    %dma_start3A_761 = arith.constant 0 : i32
    %dma_start3A_762 = arith.constant 0 : i32
    %dma_start3A_763 = tpu.memref_slice %arg4[%dma_start3A_760, %dma_start3A_761, %dma_start3A_762] : memref<32x384x384xf32, #tpu.memory_space<any>> -> memref<1x384x384xf32, #tpu.memory_space<any>>
    %dma_start3A_764 = tpu.memref_squeeze %dma_start3A_763 : memref<1x384x384xf32, #tpu.memory_space<any>> -> memref<384x384xf32, #tpu.memory_space<any>>
    tpu.enqueue_dma source(%arg37 : memref<384x384xf32, #tpu.memory_space<vmem>>) target(%dma_start3A_764 : memref<384x384xf32, #tpu.memory_space<any>>) target_semaphore(%arg40 : memref<!tpu.dma_semaphore, #tpu.memory_space<semaphore_mem>>)
    %dma_wait3A_765 = arith.constant 0 : i32
    %dma_wait3A_766 = arith.constant 0 : i32
    %dma_wait3A_767 = tpu.memref_slice %arg38[%dma_wait3A_765, %dma_wait3A_766] : memref<32x128xf32, #tpu.memory_space<vmem>> -> memref<1x128xf32, #tpu.memory_space<vmem>>
    %dma_wait3A_768 = tpu.memref_squeeze %dma_wait3A_767 : memref<1x128xf32, #tpu.memory_space<vmem>> -> memref<128xf32, #tpu.memory_space<vmem>>
    %dma_wait3A_769 = arith.constant 0 : i32
    %dma_wait3A_770 = tpu.memref_slice %arg3[%get3A_191, %dma_wait3A_769] : memref<100x128xf32, #tpu.memory_space<any>> -> memref<1x128xf32, #tpu.memory_space<any>>
    %dma_wait3A_771 = tpu.memref_squeeze %dma_wait3A_770 : memref<1x128xf32, #tpu.memory_space<any>> -> memref<128xf32, #tpu.memory_space<any>>
    tpu.wait_dma2 semaphore(%arg41 : memref<!tpu.dma_semaphore, #tpu.memory_space<semaphore_mem>>) src(%dma_wait3A_771 : memref<128xf32, #tpu.memory_space<any>>) dst(%dma_wait3A_768 : memref<128xf32, #tpu.memory_space<vmem>>)
    %dma_wait3A_772 = arith.constant 1 : i32
    %dma_wait3A_773 = arith.constant 0 : i32
    %dma_wait3A_774 = tpu.memref_slice %arg38[%dma_wait3A_772, %dma_wait3A_773] : memref<32x128xf32, #tpu.memory_space<vmem>> -> memref<1x128xf32, #tpu.memory_space<vmem>>
    %dma_wait3A_775 = tpu.memref_squeeze %dma_wait3A_774 : memref<1x128xf32, #tpu.memory_space<vmem>> -> memref<128xf32, #tpu.memory_space<vmem>>
    %dma_wait3A_776 = arith.constant 0 : i32
    %dma_wait3A_777 = tpu.memref_slice %arg3[%get3A_200, %dma_wait3A_776] : memref<100x128xf32, #tpu.memory_space<any>> -> memref<1x128xf32, #tpu.memory_space<any>>
    %dma_wait3A_778 = tpu.memref_squeeze %dma_wait3A_777 : memref<1x128xf32, #tpu.memory_space<any>> -> memref<128xf32, #tpu.memory_space<any>>
    tpu.wait_dma2 semaphore(%arg41 : memref<!tpu.dma_semaphore, #tpu.memory_space<semaphore_mem>>) src(%dma_wait3A_778 : memref<128xf32, #tpu.memory_space<any>>) dst(%dma_wait3A_775 : memref<128xf32, #tpu.memory_space<vmem>>)
    %dma_wait3A_779 = arith.constant 2 : i32
    %dma_wait3A_780 = arith.constant 0 : i32
    %dma_wait3A_781 = tpu.memref_slice %arg38[%dma_wait3A_779, %dma_wait3A_780] : memref<32x128xf32, #tpu.memory_space<vmem>> -> memref<1x128xf32, #tpu.memory_space<vmem>>
    %dma_wait3A_782 = tpu.memref_squeeze %dma_wait3A_781 : memref<1x128xf32, #tpu.memory_space<vmem>> -> memref<128xf32, #tpu.memory_space<vmem>>
    %dma_wait3A_783 = arith.constant 0 : i32
    %dma_wait3A_784 = tpu.memref_slice %arg3[%get3A_209, %dma_wait3A_783] : memref<100x128xf32, #tpu.memory_space<any>> -> memref<1x128xf32, #tpu.memory_space<any>>
    %dma_wait3A_785 = tpu.memref_squeeze %dma_wait3A_784 : memref<1x128xf32, #tpu.memory_space<any>> -> memref<128xf32, #tpu.memory_space<any>>
    tpu.wait_dma2 semaphore(%arg41 : memref<!tpu.dma_semaphore, #tpu.memory_space<semaphore_mem>>) src(%dma_wait3A_785 : memref<128xf32, #tpu.memory_space<any>>) dst(%dma_wait3A_782 : memref<128xf32, #tpu.memory_space<vmem>>)
    %dma_wait3A_786 = arith.constant 3 : i32
    %dma_wait3A_787 = arith.constant 0 : i32
    %dma_wait3A_788 = tpu.memref_slice %arg38[%dma_wait3A_786, %dma_wait3A_787] : memref<32x128xf32, #tpu.memory_space<vmem>> -> memref<1x128xf32, #tpu.memory_space<vmem>>
    %dma_wait3A_789 = tpu.memref_squeeze %dma_wait3A_788 : memref<1x128xf32, #tpu.memory_space<vmem>> -> memref<128xf32, #tpu.memory_space<vmem>>
    %dma_wait3A_790 = arith.constant 0 : i32
    %dma_wait3A_791 = tpu.memref_slice %arg3[%get3A_218, %dma_wait3A_790] : memref<100x128xf32, #tpu.memory_space<any>> -> memref<1x128xf32, #tpu.memory_space<any>>
    %dma_wait3A_792 = tpu.memref_squeeze %dma_wait3A_791 : memref<1x128xf32, #tpu.memory_space<any>> -> memref<128xf32, #tpu.memory_space<any>>
    tpu.wait_dma2 semaphore(%arg41 : memref<!tpu.dma_semaphore, #tpu.memory_space<semaphore_mem>>) src(%dma_wait3A_792 : memref<128xf32, #tpu.memory_space<any>>) dst(%dma_wait3A_789 : memref<128xf32, #tpu.memory_space<vmem>>)
    %dma_wait3A_793 = arith.constant 4 : i32
    %dma_wait3A_794 = arith.constant 0 : i32
    %dma_wait3A_795 = tpu.memref_slice %arg38[%dma_wait3A_793, %dma_wait3A_794] : memref<32x128xf32, #tpu.memory_space<vmem>> -> memref<1x128xf32, #tpu.memory_space<vmem>>
    %dma_wait3A_796 = tpu.memref_squeeze %dma_wait3A_795 : memref<1x128xf32, #tpu.memory_space<vmem>> -> memref<128xf32, #tpu.memory_space<vmem>>
    %dma_wait3A_797 = arith.constant 0 : i32
    %dma_wait3A_798 = tpu.memref_slice %arg3[%get3A_227, %dma_wait3A_797] : memref<100x128xf32, #tpu.memory_space<any>> -> memref<1x128xf32, #tpu.memory_space<any>>
    %dma_wait3A_799 = tpu.memref_squeeze %dma_wait3A_798 : memref<1x128xf32, #tpu.memory_space<any>> -> memref<128xf32, #tpu.memory_space<any>>
    tpu.wait_dma2 semaphore(%arg41 : memref<!tpu.dma_semaphore, #tpu.memory_space<semaphore_mem>>) src(%dma_wait3A_799 : memref<128xf32, #tpu.memory_space<any>>) dst(%dma_wait3A_796 : memref<128xf32, #tpu.memory_space<vmem>>)
    %dma_wait3A_800 = arith.constant 5 : i32
    %dma_wait3A_801 = arith.constant 0 : i32
    %dma_wait3A_802 = tpu.memref_slice %arg38[%dma_wait3A_800, %dma_wait3A_801] : memref<32x128xf32, #tpu.memory_space<vmem>> -> memref<1x128xf32, #tpu.memory_space<vmem>>
    %dma_wait3A_803 = tpu.memref_squeeze %dma_wait3A_802 : memref<1x128xf32, #tpu.memory_space<vmem>> -> memref<128xf32, #tpu.memory_space<vmem>>
    %dma_wait3A_804 = arith.constant 0 : i32
    %dma_wait3A_805 = tpu.memref_slice %arg3[%get3A_236, %dma_wait3A_804] : memref<100x128xf32, #tpu.memory_space<any>> -> memref<1x128xf32, #tpu.memory_space<any>>
    %dma_wait3A_806 = tpu.memref_squeeze %dma_wait3A_805 : memref<1x128xf32, #tpu.memory_space<any>> -> memref<128xf32, #tpu.memory_space<any>>
    tpu.wait_dma2 semaphore(%arg41 : memref<!tpu.dma_semaphore, #tpu.memory_space<semaphore_mem>>) src(%dma_wait3A_806 : memref<128xf32, #tpu.memory_space<any>>) dst(%dma_wait3A_803 : memref<128xf32, #tpu.memory_space<vmem>>)
    %dma_wait3A_807 = arith.constant 6 : i32
    %dma_wait3A_808 = arith.constant 0 : i32
    %dma_wait3A_809 = tpu.memref_slice %arg38[%dma_wait3A_807, %dma_wait3A_808] : memref<32x128xf32, #tpu.memory_space<vmem>> -> memref<1x128xf32, #tpu.memory_space<vmem>>
    %dma_wait3A_810 = tpu.memref_squeeze %dma_wait3A_809 : memref<1x128xf32, #tpu.memory_space<vmem>> -> memref<128xf32, #tpu.memory_space<vmem>>
    %dma_wait3A_811 = arith.constant 0 : i32
    %dma_wait3A_812 = tpu.memref_slice %arg3[%get3A_245, %dma_wait3A_811] : memref<100x128xf32, #tpu.memory_space<any>> -> memref<1x128xf32, #tpu.memory_space<any>>
    %dma_wait3A_813 = tpu.memref_squeeze %dma_wait3A_812 : memref<1x128xf32, #tpu.memory_space<any>> -> memref<128xf32, #tpu.memory_space<any>>
    tpu.wait_dma2 semaphore(%arg41 : memref<!tpu.dma_semaphore, #tpu.memory_space<semaphore_mem>>) src(%dma_wait3A_813 : memref<128xf32, #tpu.memory_space<any>>) dst(%dma_wait3A_810 : memref<128xf32, #tpu.memory_space<vmem>>)
    %dma_wait3A_814 = arith.constant 7 : i32
    %dma_wait3A_815 = arith.constant 0 : i32
    %dma_wait3A_816 = tpu.memref_slice %arg38[%dma_wait3A_814, %dma_wait3A_815] : memref<32x128xf32, #tpu.memory_space<vmem>> -> memref<1x128xf32, #tpu.memory_space<vmem>>
    %dma_wait3A_817 = tpu.memref_squeeze %dma_wait3A_816 : memref<1x128xf32, #tpu.memory_space<vmem>> -> memref<128xf32, #tpu.memory_space<vmem>>
    %dma_wait3A_818 = arith.constant 0 : i32
    %dma_wait3A_819 = tpu.memref_slice %arg3[%get3A_254, %dma_wait3A_818] : memref<100x128xf32, #tpu.memory_space<any>> -> memref<1x128xf32, #tpu.memory_space<any>>
    %dma_wait3A_820 = tpu.memref_squeeze %dma_wait3A_819 : memref<1x128xf32, #tpu.memory_space<any>> -> memref<128xf32, #tpu.memory_space<any>>
    tpu.wait_dma2 semaphore(%arg41 : memref<!tpu.dma_semaphore, #tpu.memory_space<semaphore_mem>>) src(%dma_wait3A_820 : memref<128xf32, #tpu.memory_space<any>>) dst(%dma_wait3A_817 : memref<128xf32, #tpu.memory_space<vmem>>)
    %dma_wait3A_821 = arith.constant 8 : i32
    %dma_wait3A_822 = arith.constant 0 : i32
    %dma_wait3A_823 = tpu.memref_slice %arg38[%dma_wait3A_821, %dma_wait3A_822] : memref<32x128xf32, #tpu.memory_space<vmem>> -> memref<1x128xf32, #tpu.memory_space<vmem>>
    %dma_wait3A_824 = tpu.memref_squeeze %dma_wait3A_823 : memref<1x128xf32, #tpu.memory_space<vmem>> -> memref<128xf32, #tpu.memory_space<vmem>>
    %dma_wait3A_825 = arith.constant 0 : i32
    %dma_wait3A_826 = tpu.memref_slice %arg3[%get3A_263, %dma_wait3A_825] : memref<100x128xf32, #tpu.memory_space<any>> -> memref<1x128xf32, #tpu.memory_space<any>>
    %dma_wait3A_827 = tpu.memref_squeeze %dma_wait3A_826 : memref<1x128xf32, #tpu.memory_space<any>> -> memref<128xf32, #tpu.memory_space<any>>
    tpu.wait_dma2 semaphore(%arg41 : memref<!tpu.dma_semaphore, #tpu.memory_space<semaphore_mem>>) src(%dma_wait3A_827 : memref<128xf32, #tpu.memory_space<any>>) dst(%dma_wait3A_824 : memref<128xf32, #tpu.memory_space<vmem>>)
    %dma_wait3A_828 = arith.constant 9 : i32
    %dma_wait3A_829 = arith.constant 0 : i32
    %dma_wait3A_830 = tpu.memref_slice %arg38[%dma_wait3A_828, %dma_wait3A_829] : memref<32x128xf32, #tpu.memory_space<vmem>> -> memref<1x128xf32, #tpu.memory_space<vmem>>
    %dma_wait3A_831 = tpu.memref_squeeze %dma_wait3A_830 : memref<1x128xf32, #tpu.memory_space<vmem>> -> memref<128xf32, #tpu.memory_space<vmem>>
    %dma_wait3A_832 = arith.constant 0 : i32
    %dma_wait3A_833 = tpu.memref_slice %arg3[%get3A_272, %dma_wait3A_832] : memref<100x128xf32, #tpu.memory_space<any>> -> memref<1x128xf32, #tpu.memory_space<any>>
    %dma_wait3A_834 = tpu.memref_squeeze %dma_wait3A_833 : memref<1x128xf32, #tpu.memory_space<any>> -> memref<128xf32, #tpu.memory_space<any>>
    tpu.wait_dma2 semaphore(%arg41 : memref<!tpu.dma_semaphore, #tpu.memory_space<semaphore_mem>>) src(%dma_wait3A_834 : memref<128xf32, #tpu.memory_space<any>>) dst(%dma_wait3A_831 : memref<128xf32, #tpu.memory_space<vmem>>)
    %dma_wait3A_835 = arith.constant 10 : i32
    %dma_wait3A_836 = arith.constant 0 : i32
    %dma_wait3A_837 = tpu.memref_slice %arg38[%dma_wait3A_835, %dma_wait3A_836] : memref<32x128xf32, #tpu.memory_space<vmem>> -> memref<1x128xf32, #tpu.memory_space<vmem>>
    %dma_wait3A_838 = tpu.memref_squeeze %dma_wait3A_837 : memref<1x128xf32, #tpu.memory_space<vmem>> -> memref<128xf32, #tpu.memory_space<vmem>>
    %dma_wait3A_839 = arith.constant 0 : i32
    %dma_wait3A_840 = tpu.memref_slice %arg3[%get3A_281, %dma_wait3A_839] : memref<100x128xf32, #tpu.memory_space<any>> -> memref<1x128xf32, #tpu.memory_space<any>>
    %dma_wait3A_841 = tpu.memref_squeeze %dma_wait3A_840 : memref<1x128xf32, #tpu.memory_space<any>> -> memref<128xf32, #tpu.memory_space<any>>
    tpu.wait_dma2 semaphore(%arg41 : memref<!tpu.dma_semaphore, #tpu.memory_space<semaphore_mem>>) src(%dma_wait3A_841 : memref<128xf32, #tpu.memory_space<any>>) dst(%dma_wait3A_838 : memref<128xf32, #tpu.memory_space<vmem>>)
    %dma_wait3A_842 = arith.constant 11 : i32
    %dma_wait3A_843 = arith.constant 0 : i32
    %dma_wait3A_844 = tpu.memref_slice %arg38[%dma_wait3A_842, %dma_wait3A_843] : memref<32x128xf32, #tpu.memory_space<vmem>> -> memref<1x128xf32, #tpu.memory_space<vmem>>
    %dma_wait3A_845 = tpu.memref_squeeze %dma_wait3A_844 : memref<1x128xf32, #tpu.memory_space<vmem>> -> memref<128xf32, #tpu.memory_space<vmem>>
    %dma_wait3A_846 = arith.constant 0 : i32
    %dma_wait3A_847 = tpu.memref_slice %arg3[%get3A_290, %dma_wait3A_846] : memref<100x128xf32, #tpu.memory_space<any>> -> memref<1x128xf32, #tpu.memory_space<any>>
    %dma_wait3A_848 = tpu.memref_squeeze %dma_wait3A_847 : memref<1x128xf32, #tpu.memory_space<any>> -> memref<128xf32, #tpu.memory_space<any>>
    tpu.wait_dma2 semaphore(%arg41 : memref<!tpu.dma_semaphore, #tpu.memory_space<semaphore_mem>>) src(%dma_wait3A_848 : memref<128xf32, #tpu.memory_space<any>>) dst(%dma_wait3A_845 : memref<128xf32, #tpu.memory_space<vmem>>)
    %dma_wait3A_849 = arith.constant 12 : i32
    %dma_wait3A_850 = arith.constant 0 : i32
    %dma_wait3A_851 = tpu.memref_slice %arg38[%dma_wait3A_849, %dma_wait3A_850] : memref<32x128xf32, #tpu.memory_space<vmem>> -> memref<1x128xf32, #tpu.memory_space<vmem>>
    %dma_wait3A_852 = tpu.memref_squeeze %dma_wait3A_851 : memref<1x128xf32, #tpu.memory_space<vmem>> -> memref<128xf32, #tpu.memory_space<vmem>>
    %dma_wait3A_853 = arith.constant 0 : i32
    %dma_wait3A_854 = tpu.memref_slice %arg3[%get3A_299, %dma_wait3A_853] : memref<100x128xf32, #tpu.memory_space<any>> -> memref<1x128xf32, #tpu.memory_space<any>>
    %dma_wait3A_855 = tpu.memref_squeeze %dma_wait3A_854 : memref<1x128xf32, #tpu.memory_space<any>> -> memref<128xf32, #tpu.memory_space<any>>
    tpu.wait_dma2 semaphore(%arg41 : memref<!tpu.dma_semaphore, #tpu.memory_space<semaphore_mem>>) src(%dma_wait3A_855 : memref<128xf32, #tpu.memory_space<any>>) dst(%dma_wait3A_852 : memref<128xf32, #tpu.memory_space<vmem>>)
    %dma_wait3A_856 = arith.constant 13 : i32
    %dma_wait3A_857 = arith.constant 0 : i32
    %dma_wait3A_858 = tpu.memref_slice %arg38[%dma_wait3A_856, %dma_wait3A_857] : memref<32x128xf32, #tpu.memory_space<vmem>> -> memref<1x128xf32, #tpu.memory_space<vmem>>
    %dma_wait3A_859 = tpu.memref_squeeze %dma_wait3A_858 : memref<1x128xf32, #tpu.memory_space<vmem>> -> memref<128xf32, #tpu.memory_space<vmem>>
    %dma_wait3A_860 = arith.constant 0 : i32
    %dma_wait3A_861 = tpu.memref_slice %arg3[%get3A_308, %dma_wait3A_860] : memref<100x128xf32, #tpu.memory_space<any>> -> memref<1x128xf32, #tpu.memory_space<any>>
    %dma_wait3A_862 = tpu.memref_squeeze %dma_wait3A_861 : memref<1x128xf32, #tpu.memory_space<any>> -> memref<128xf32, #tpu.memory_space<any>>
    tpu.wait_dma2 semaphore(%arg41 : memref<!tpu.dma_semaphore, #tpu.memory_space<semaphore_mem>>) src(%dma_wait3A_862 : memref<128xf32, #tpu.memory_space<any>>) dst(%dma_wait3A_859 : memref<128xf32, #tpu.memory_space<vmem>>)
    %dma_wait3A_863 = arith.constant 14 : i32
    %dma_wait3A_864 = arith.constant 0 : i32
    %dma_wait3A_865 = tpu.memref_slice %arg38[%dma_wait3A_863, %dma_wait3A_864] : memref<32x128xf32, #tpu.memory_space<vmem>> -> memref<1x128xf32, #tpu.memory_space<vmem>>
    %dma_wait3A_866 = tpu.memref_squeeze %dma_wait3A_865 : memref<1x128xf32, #tpu.memory_space<vmem>> -> memref<128xf32, #tpu.memory_space<vmem>>
    %dma_wait3A_867 = arith.constant 0 : i32
    %dma_wait3A_868 = tpu.memref_slice %arg3[%get3A_317, %dma_wait3A_867] : memref<100x128xf32, #tpu.memory_space<any>> -> memref<1x128xf32, #tpu.memory_space<any>>
    %dma_wait3A_869 = tpu.memref_squeeze %dma_wait3A_868 : memref<1x128xf32, #tpu.memory_space<any>> -> memref<128xf32, #tpu.memory_space<any>>
    tpu.wait_dma2 semaphore(%arg41 : memref<!tpu.dma_semaphore, #tpu.memory_space<semaphore_mem>>) src(%dma_wait3A_869 : memref<128xf32, #tpu.memory_space<any>>) dst(%dma_wait3A_866 : memref<128xf32, #tpu.memory_space<vmem>>)
    %dma_wait3A_870 = arith.constant 15 : i32
    %dma_wait3A_871 = arith.constant 0 : i32
    %dma_wait3A_872 = tpu.memref_slice %arg38[%dma_wait3A_870, %dma_wait3A_871] : memref<32x128xf32, #tpu.memory_space<vmem>> -> memref<1x128xf32, #tpu.memory_space<vmem>>
    %dma_wait3A_873 = tpu.memref_squeeze %dma_wait3A_872 : memref<1x128xf32, #tpu.memory_space<vmem>> -> memref<128xf32, #tpu.memory_space<vmem>>
    %dma_wait3A_874 = arith.constant 0 : i32
    %dma_wait3A_875 = tpu.memref_slice %arg3[%get3A_326, %dma_wait3A_874] : memref<100x128xf32, #tpu.memory_space<any>> -> memref<1x128xf32, #tpu.memory_space<any>>
    %dma_wait3A_876 = tpu.memref_squeeze %dma_wait3A_875 : memref<1x128xf32, #tpu.memory_space<any>> -> memref<128xf32, #tpu.memory_space<any>>
    tpu.wait_dma2 semaphore(%arg41 : memref<!tpu.dma_semaphore, #tpu.memory_space<semaphore_mem>>) src(%dma_wait3A_876 : memref<128xf32, #tpu.memory_space<any>>) dst(%dma_wait3A_873 : memref<128xf32, #tpu.memory_space<vmem>>)
    %dma_wait3A_877 = arith.constant 16 : i32
    %dma_wait3A_878 = arith.constant 0 : i32
    %dma_wait3A_879 = tpu.memref_slice %arg38[%dma_wait3A_877, %dma_wait3A_878] : memref<32x128xf32, #tpu.memory_space<vmem>> -> memref<1x128xf32, #tpu.memory_space<vmem>>
    %dma_wait3A_880 = tpu.memref_squeeze %dma_wait3A_879 : memref<1x128xf32, #tpu.memory_space<vmem>> -> memref<128xf32, #tpu.memory_space<vmem>>
    %dma_wait3A_881 = arith.constant 0 : i32
    %dma_wait3A_882 = tpu.memref_slice %arg3[%get3A_335, %dma_wait3A_881] : memref<100x128xf32, #tpu.memory_space<any>> -> memref<1x128xf32, #tpu.memory_space<any>>
    %dma_wait3A_883 = tpu.memref_squeeze %dma_wait3A_882 : memref<1x128xf32, #tpu.memory_space<any>> -> memref<128xf32, #tpu.memory_space<any>>
    tpu.wait_dma2 semaphore(%arg41 : memref<!tpu.dma_semaphore, #tpu.memory_space<semaphore_mem>>) src(%dma_wait3A_883 : memref<128xf32, #tpu.memory_space<any>>) dst(%dma_wait3A_880 : memref<128xf32, #tpu.memory_space<vmem>>)
    %dma_wait3A_884 = arith.constant 17 : i32
    %dma_wait3A_885 = arith.constant 0 : i32
    %dma_wait3A_886 = tpu.memref_slice %arg38[%dma_wait3A_884, %dma_wait3A_885] : memref<32x128xf32, #tpu.memory_space<vmem>> -> memref<1x128xf32, #tpu.memory_space<vmem>>
    %dma_wait3A_887 = tpu.memref_squeeze %dma_wait3A_886 : memref<1x128xf32, #tpu.memory_space<vmem>> -> memref<128xf32, #tpu.memory_space<vmem>>
    %dma_wait3A_888 = arith.constant 0 : i32
    %dma_wait3A_889 = tpu.memref_slice %arg3[%get3A_344, %dma_wait3A_888] : memref<100x128xf32, #tpu.memory_space<any>> -> memref<1x128xf32, #tpu.memory_space<any>>
    %dma_wait3A_890 = tpu.memref_squeeze %dma_wait3A_889 : memref<1x128xf32, #tpu.memory_space<any>> -> memref<128xf32, #tpu.memory_space<any>>
    tpu.wait_dma2 semaphore(%arg41 : memref<!tpu.dma_semaphore, #tpu.memory_space<semaphore_mem>>) src(%dma_wait3A_890 : memref<128xf32, #tpu.memory_space<any>>) dst(%dma_wait3A_887 : memref<128xf32, #tpu.memory_space<vmem>>)
    %dma_wait3A_891 = arith.constant 18 : i32
    %dma_wait3A_892 = arith.constant 0 : i32
    %dma_wait3A_893 = tpu.memref_slice %arg38[%dma_wait3A_891, %dma_wait3A_892] : memref<32x128xf32, #tpu.memory_space<vmem>> -> memref<1x128xf32, #tpu.memory_space<vmem>>
    %dma_wait3A_894 = tpu.memref_squeeze %dma_wait3A_893 : memref<1x128xf32, #tpu.memory_space<vmem>> -> memref<128xf32, #tpu.memory_space<vmem>>
    %dma_wait3A_895 = arith.constant 0 : i32
    %dma_wait3A_896 = tpu.memref_slice %arg3[%get3A_353, %dma_wait3A_895] : memref<100x128xf32, #tpu.memory_space<any>> -> memref<1x128xf32, #tpu.memory_space<any>>
    %dma_wait3A_897 = tpu.memref_squeeze %dma_wait3A_896 : memref<1x128xf32, #tpu.memory_space<any>> -> memref<128xf32, #tpu.memory_space<any>>
    tpu.wait_dma2 semaphore(%arg41 : memref<!tpu.dma_semaphore, #tpu.memory_space<semaphore_mem>>) src(%dma_wait3A_897 : memref<128xf32, #tpu.memory_space<any>>) dst(%dma_wait3A_894 : memref<128xf32, #tpu.memory_space<vmem>>)
    %dma_wait3A_898 = arith.constant 19 : i32
    %dma_wait3A_899 = arith.constant 0 : i32
    %dma_wait3A_900 = tpu.memref_slice %arg38[%dma_wait3A_898, %dma_wait3A_899] : memref<32x128xf32, #tpu.memory_space<vmem>> -> memref<1x128xf32, #tpu.memory_space<vmem>>
    %dma_wait3A_901 = tpu.memref_squeeze %dma_wait3A_900 : memref<1x128xf32, #tpu.memory_space<vmem>> -> memref<128xf32, #tpu.memory_space<vmem>>
    %dma_wait3A_902 = arith.constant 0 : i32
    %dma_wait3A_903 = tpu.memref_slice %arg3[%get3A_362, %dma_wait3A_902] : memref<100x128xf32, #tpu.memory_space<any>> -> memref<1x128xf32, #tpu.memory_space<any>>
    %dma_wait3A_904 = tpu.memref_squeeze %dma_wait3A_903 : memref<1x128xf32, #tpu.memory_space<any>> -> memref<128xf32, #tpu.memory_space<any>>
    tpu.wait_dma2 semaphore(%arg41 : memref<!tpu.dma_semaphore, #tpu.memory_space<semaphore_mem>>) src(%dma_wait3A_904 : memref<128xf32, #tpu.memory_space<any>>) dst(%dma_wait3A_901 : memref<128xf32, #tpu.memory_space<vmem>>)
    %dma_wait3A_905 = arith.constant 20 : i32
    %dma_wait3A_906 = arith.constant 0 : i32
    %dma_wait3A_907 = tpu.memref_slice %arg38[%dma_wait3A_905, %dma_wait3A_906] : memref<32x128xf32, #tpu.memory_space<vmem>> -> memref<1x128xf32, #tpu.memory_space<vmem>>
    %dma_wait3A_908 = tpu.memref_squeeze %dma_wait3A_907 : memref<1x128xf32, #tpu.memory_space<vmem>> -> memref<128xf32, #tpu.memory_space<vmem>>
    %dma_wait3A_909 = arith.constant 0 : i32
    %dma_wait3A_910 = tpu.memref_slice %arg3[%get3A_371, %dma_wait3A_909] : memref<100x128xf32, #tpu.memory_space<any>> -> memref<1x128xf32, #tpu.memory_space<any>>
    %dma_wait3A_911 = tpu.memref_squeeze %dma_wait3A_910 : memref<1x128xf32, #tpu.memory_space<any>> -> memref<128xf32, #tpu.memory_space<any>>
    tpu.wait_dma2 semaphore(%arg41 : memref<!tpu.dma_semaphore, #tpu.memory_space<semaphore_mem>>) src(%dma_wait3A_911 : memref<128xf32, #tpu.memory_space<any>>) dst(%dma_wait3A_908 : memref<128xf32, #tpu.memory_space<vmem>>)
    %dma_wait3A_912 = arith.constant 21 : i32
    %dma_wait3A_913 = arith.constant 0 : i32
    %dma_wait3A_914 = tpu.memref_slice %arg38[%dma_wait3A_912, %dma_wait3A_913] : memref<32x128xf32, #tpu.memory_space<vmem>> -> memref<1x128xf32, #tpu.memory_space<vmem>>
    %dma_wait3A_915 = tpu.memref_squeeze %dma_wait3A_914 : memref<1x128xf32, #tpu.memory_space<vmem>> -> memref<128xf32, #tpu.memory_space<vmem>>
    %dma_wait3A_916 = arith.constant 0 : i32
    %dma_wait3A_917 = tpu.memref_slice %arg3[%get3A_380, %dma_wait3A_916] : memref<100x128xf32, #tpu.memory_space<any>> -> memref<1x128xf32, #tpu.memory_space<any>>
    %dma_wait3A_918 = tpu.memref_squeeze %dma_wait3A_917 : memref<1x128xf32, #tpu.memory_space<any>> -> memref<128xf32, #tpu.memory_space<any>>
    tpu.wait_dma2 semaphore(%arg41 : memref<!tpu.dma_semaphore, #tpu.memory_space<semaphore_mem>>) src(%dma_wait3A_918 : memref<128xf32, #tpu.memory_space<any>>) dst(%dma_wait3A_915 : memref<128xf32, #tpu.memory_space<vmem>>)
    %dma_wait3A_919 = arith.constant 22 : i32
    %dma_wait3A_920 = arith.constant 0 : i32
    %dma_wait3A_921 = tpu.memref_slice %arg38[%dma_wait3A_919, %dma_wait3A_920] : memref<32x128xf32, #tpu.memory_space<vmem>> -> memref<1x128xf32, #tpu.memory_space<vmem>>
    %dma_wait3A_922 = tpu.memref_squeeze %dma_wait3A_921 : memref<1x128xf32, #tpu.memory_space<vmem>> -> memref<128xf32, #tpu.memory_space<vmem>>
    %dma_wait3A_923 = arith.constant 0 : i32
    %dma_wait3A_924 = tpu.memref_slice %arg3[%get3A_389, %dma_wait3A_923] : memref<100x128xf32, #tpu.memory_space<any>> -> memref<1x128xf32, #tpu.memory_space<any>>
    %dma_wait3A_925 = tpu.memref_squeeze %dma_wait3A_924 : memref<1x128xf32, #tpu.memory_space<any>> -> memref<128xf32, #tpu.memory_space<any>>
    tpu.wait_dma2 semaphore(%arg41 : memref<!tpu.dma_semaphore, #tpu.memory_space<semaphore_mem>>) src(%dma_wait3A_925 : memref<128xf32, #tpu.memory_space<any>>) dst(%dma_wait3A_922 : memref<128xf32, #tpu.memory_space<vmem>>)
    %dma_wait3A_926 = arith.constant 23 : i32
    %dma_wait3A_927 = arith.constant 0 : i32
    %dma_wait3A_928 = tpu.memref_slice %arg38[%dma_wait3A_926, %dma_wait3A_927] : memref<32x128xf32, #tpu.memory_space<vmem>> -> memref<1x128xf32, #tpu.memory_space<vmem>>
    %dma_wait3A_929 = tpu.memref_squeeze %dma_wait3A_928 : memref<1x128xf32, #tpu.memory_space<vmem>> -> memref<128xf32, #tpu.memory_space<vmem>>
    %dma_wait3A_930 = arith.constant 0 : i32
    %dma_wait3A_931 = tpu.memref_slice %arg3[%get3A_398, %dma_wait3A_930] : memref<100x128xf32, #tpu.memory_space<any>> -> memref<1x128xf32, #tpu.memory_space<any>>
    %dma_wait3A_932 = tpu.memref_squeeze %dma_wait3A_931 : memref<1x128xf32, #tpu.memory_space<any>> -> memref<128xf32, #tpu.memory_space<any>>
    tpu.wait_dma2 semaphore(%arg41 : memref<!tpu.dma_semaphore, #tpu.memory_space<semaphore_mem>>) src(%dma_wait3A_932 : memref<128xf32, #tpu.memory_space<any>>) dst(%dma_wait3A_929 : memref<128xf32, #tpu.memory_space<vmem>>)
    %dma_wait3A_933 = arith.constant 24 : i32
    %dma_wait3A_934 = arith.constant 0 : i32
    %dma_wait3A_935 = tpu.memref_slice %arg38[%dma_wait3A_933, %dma_wait3A_934] : memref<32x128xf32, #tpu.memory_space<vmem>> -> memref<1x128xf32, #tpu.memory_space<vmem>>
    %dma_wait3A_936 = tpu.memref_squeeze %dma_wait3A_935 : memref<1x128xf32, #tpu.memory_space<vmem>> -> memref<128xf32, #tpu.memory_space<vmem>>
    %dma_wait3A_937 = arith.constant 0 : i32
    %dma_wait3A_938 = tpu.memref_slice %arg3[%get3A_407, %dma_wait3A_937] : memref<100x128xf32, #tpu.memory_space<any>> -> memref<1x128xf32, #tpu.memory_space<any>>
    %dma_wait3A_939 = tpu.memref_squeeze %dma_wait3A_938 : memref<1x128xf32, #tpu.memory_space<any>> -> memref<128xf32, #tpu.memory_space<any>>
    tpu.wait_dma2 semaphore(%arg41 : memref<!tpu.dma_semaphore, #tpu.memory_space<semaphore_mem>>) src(%dma_wait3A_939 : memref<128xf32, #tpu.memory_space<any>>) dst(%dma_wait3A_936 : memref<128xf32, #tpu.memory_space<vmem>>)
    %dma_wait3A_940 = arith.constant 25 : i32
    %dma_wait3A_941 = arith.constant 0 : i32
    %dma_wait3A_942 = tpu.memref_slice %arg38[%dma_wait3A_940, %dma_wait3A_941] : memref<32x128xf32, #tpu.memory_space<vmem>> -> memref<1x128xf32, #tpu.memory_space<vmem>>
    %dma_wait3A_943 = tpu.memref_squeeze %dma_wait3A_942 : memref<1x128xf32, #tpu.memory_space<vmem>> -> memref<128xf32, #tpu.memory_space<vmem>>
    %dma_wait3A_944 = arith.constant 0 : i32
    %dma_wait3A_945 = tpu.memref_slice %arg3[%get3A_416, %dma_wait3A_944] : memref<100x128xf32, #tpu.memory_space<any>> -> memref<1x128xf32, #tpu.memory_space<any>>
    %dma_wait3A_946 = tpu.memref_squeeze %dma_wait3A_945 : memref<1x128xf32, #tpu.memory_space<any>> -> memref<128xf32, #tpu.memory_space<any>>
    tpu.wait_dma2 semaphore(%arg41 : memref<!tpu.dma_semaphore, #tpu.memory_space<semaphore_mem>>) src(%dma_wait3A_946 : memref<128xf32, #tpu.memory_space<any>>) dst(%dma_wait3A_943 : memref<128xf32, #tpu.memory_space<vmem>>)
    %dma_wait3A_947 = arith.constant 26 : i32
    %dma_wait3A_948 = arith.constant 0 : i32
    %dma_wait3A_949 = tpu.memref_slice %arg38[%dma_wait3A_947, %dma_wait3A_948] : memref<32x128xf32, #tpu.memory_space<vmem>> -> memref<1x128xf32, #tpu.memory_space<vmem>>
    %dma_wait3A_950 = tpu.memref_squeeze %dma_wait3A_949 : memref<1x128xf32, #tpu.memory_space<vmem>> -> memref<128xf32, #tpu.memory_space<vmem>>
    %dma_wait3A_951 = arith.constant 0 : i32
    %dma_wait3A_952 = tpu.memref_slice %arg3[%get3A_425, %dma_wait3A_951] : memref<100x128xf32, #tpu.memory_space<any>> -> memref<1x128xf32, #tpu.memory_space<any>>
    %dma_wait3A_953 = tpu.memref_squeeze %dma_wait3A_952 : memref<1x128xf32, #tpu.memory_space<any>> -> memref<128xf32, #tpu.memory_space<any>>
    tpu.wait_dma2 semaphore(%arg41 : memref<!tpu.dma_semaphore, #tpu.memory_space<semaphore_mem>>) src(%dma_wait3A_953 : memref<128xf32, #tpu.memory_space<any>>) dst(%dma_wait3A_950 : memref<128xf32, #tpu.memory_space<vmem>>)
    %dma_wait3A_954 = arith.constant 27 : i32
    %dma_wait3A_955 = arith.constant 0 : i32
    %dma_wait3A_956 = tpu.memref_slice %arg38[%dma_wait3A_954, %dma_wait3A_955] : memref<32x128xf32, #tpu.memory_space<vmem>> -> memref<1x128xf32, #tpu.memory_space<vmem>>
    %dma_wait3A_957 = tpu.memref_squeeze %dma_wait3A_956 : memref<1x128xf32, #tpu.memory_space<vmem>> -> memref<128xf32, #tpu.memory_space<vmem>>
    %dma_wait3A_958 = arith.constant 0 : i32
    %dma_wait3A_959 = tpu.memref_slice %arg3[%get3A_434, %dma_wait3A_958] : memref<100x128xf32, #tpu.memory_space<any>> -> memref<1x128xf32, #tpu.memory_space<any>>
    %dma_wait3A_960 = tpu.memref_squeeze %dma_wait3A_959 : memref<1x128xf32, #tpu.memory_space<any>> -> memref<128xf32, #tpu.memory_space<any>>
    tpu.wait_dma2 semaphore(%arg41 : memref<!tpu.dma_semaphore, #tpu.memory_space<semaphore_mem>>) src(%dma_wait3A_960 : memref<128xf32, #tpu.memory_space<any>>) dst(%dma_wait3A_957 : memref<128xf32, #tpu.memory_space<vmem>>)
    %dma_wait3A_961 = arith.constant 28 : i32
    %dma_wait3A_962 = arith.constant 0 : i32
    %dma_wait3A_963 = tpu.memref_slice %arg38[%dma_wait3A_961, %dma_wait3A_962] : memref<32x128xf32, #tpu.memory_space<vmem>> -> memref<1x128xf32, #tpu.memory_space<vmem>>
    %dma_wait3A_964 = tpu.memref_squeeze %dma_wait3A_963 : memref<1x128xf32, #tpu.memory_space<vmem>> -> memref<128xf32, #tpu.memory_space<vmem>>
    %dma_wait3A_965 = arith.constant 0 : i32
    %dma_wait3A_966 = tpu.memref_slice %arg3[%get3A_443, %dma_wait3A_965] : memref<100x128xf32, #tpu.memory_space<any>> -> memref<1x128xf32, #tpu.memory_space<any>>
    %dma_wait3A_967 = tpu.memref_squeeze %dma_wait3A_966 : memref<1x128xf32, #tpu.memory_space<any>> -> memref<128xf32, #tpu.memory_space<any>>
    tpu.wait_dma2 semaphore(%arg41 : memref<!tpu.dma_semaphore, #tpu.memory_space<semaphore_mem>>) src(%dma_wait3A_967 : memref<128xf32, #tpu.memory_space<any>>) dst(%dma_wait3A_964 : memref<128xf32, #tpu.memory_space<vmem>>)
    %dma_wait3A_968 = arith.constant 29 : i32
    %dma_wait3A_969 = arith.constant 0 : i32
    %dma_wait3A_970 = tpu.memref_slice %arg38[%dma_wait3A_968, %dma_wait3A_969] : memref<32x128xf32, #tpu.memory_space<vmem>> -> memref<1x128xf32, #tpu.memory_space<vmem>>
    %dma_wait3A_971 = tpu.memref_squeeze %dma_wait3A_970 : memref<1x128xf32, #tpu.memory_space<vmem>> -> memref<128xf32, #tpu.memory_space<vmem>>
    %dma_wait3A_972 = arith.constant 0 : i32
    %dma_wait3A_973 = tpu.memref_slice %arg3[%get3A_452, %dma_wait3A_972] : memref<100x128xf32, #tpu.memory_space<any>> -> memref<1x128xf32, #tpu.memory_space<any>>
    %dma_wait3A_974 = tpu.memref_squeeze %dma_wait3A_973 : memref<1x128xf32, #tpu.memory_space<any>> -> memref<128xf32, #tpu.memory_space<any>>
    tpu.wait_dma2 semaphore(%arg41 : memref<!tpu.dma_semaphore, #tpu.memory_space<semaphore_mem>>) src(%dma_wait3A_974 : memref<128xf32, #tpu.memory_space<any>>) dst(%dma_wait3A_971 : memref<128xf32, #tpu.memory_space<vmem>>)
    %dma_wait3A_975 = arith.constant 30 : i32
    %dma_wait3A_976 = arith.constant 0 : i32
    %dma_wait3A_977 = tpu.memref_slice %arg38[%dma_wait3A_975, %dma_wait3A_976] : memref<32x128xf32, #tpu.memory_space<vmem>> -> memref<1x128xf32, #tpu.memory_space<vmem>>
    %dma_wait3A_978 = tpu.memref_squeeze %dma_wait3A_977 : memref<1x128xf32, #tpu.memory_space<vmem>> -> memref<128xf32, #tpu.memory_space<vmem>>
    %dma_wait3A_979 = arith.constant 0 : i32
    %dma_wait3A_980 = tpu.memref_slice %arg3[%get3A_461, %dma_wait3A_979] : memref<100x128xf32, #tpu.memory_space<any>> -> memref<1x128xf32, #tpu.memory_space<any>>
    %dma_wait3A_981 = tpu.memref_squeeze %dma_wait3A_980 : memref<1x128xf32, #tpu.memory_space<any>> -> memref<128xf32, #tpu.memory_space<any>>
    tpu.wait_dma2 semaphore(%arg41 : memref<!tpu.dma_semaphore, #tpu.memory_space<semaphore_mem>>) src(%dma_wait3A_981 : memref<128xf32, #tpu.memory_space<any>>) dst(%dma_wait3A_978 : memref<128xf32, #tpu.memory_space<vmem>>)
    %dma_wait3A_982 = arith.constant 31 : i32
    %dma_wait3A_983 = arith.constant 0 : i32
    %dma_wait3A_984 = tpu.memref_slice %arg38[%dma_wait3A_982, %dma_wait3A_983] : memref<32x128xf32, #tpu.memory_space<vmem>> -> memref<1x128xf32, #tpu.memory_space<vmem>>
    %dma_wait3A_985 = tpu.memref_squeeze %dma_wait3A_984 : memref<1x128xf32, #tpu.memory_space<vmem>> -> memref<128xf32, #tpu.memory_space<vmem>>
    %dma_wait3A_986 = arith.constant 0 : i32
    %dma_wait3A_987 = tpu.memref_slice %arg3[%get3A_470, %dma_wait3A_986] : memref<100x128xf32, #tpu.memory_space<any>> -> memref<1x128xf32, #tpu.memory_space<any>>
    %dma_wait3A_988 = tpu.memref_squeeze %dma_wait3A_987 : memref<1x128xf32, #tpu.memory_space<any>> -> memref<128xf32, #tpu.memory_space<any>>
    tpu.wait_dma2 semaphore(%arg41 : memref<!tpu.dma_semaphore, #tpu.memory_space<semaphore_mem>>) src(%dma_wait3A_988 : memref<128xf32, #tpu.memory_space<any>>) dst(%dma_wait3A_985 : memref<128xf32, #tpu.memory_space<vmem>>)
    tpu.enqueue_dma source(%arg38 : memref<32x128xf32, #tpu.memory_space<vmem>>) target(%arg5 : memref<32x128xf32, #tpu.memory_space<any>>) target_semaphore(%arg42 : memref<!tpu.dma_semaphore, #tpu.memory_space<semaphore_mem>>)
    tpu.wait_dma2 semaphore(%arg42 : memref<!tpu.dma_semaphore, #tpu.memory_space<semaphore_mem>>) src(%arg38 : memref<32x128xf32, #tpu.memory_space<vmem>>) dst(%arg5 : memref<32x128xf32, #tpu.memory_space<any>>)
    %dma_wait3A_989 = arith.constant 0 : i32
    %dma_wait3A_990 = arith.constant 0 : i32
    %dma_wait3A_991 = arith.constant 0 : i32
    %dma_wait3A_992 = tpu.memref_slice %arg4[%dma_wait3A_989, %dma_wait3A_990, %dma_wait3A_991] : memref<32x384x384xf32, #tpu.memory_space<any>> -> memref<1x384x384xf32, #tpu.memory_space<any>>
    %dma_wait3A_993 = tpu.memref_squeeze %dma_wait3A_992 : memref<1x384x384xf32, #tpu.memory_space<any>> -> memref<384x384xf32, #tpu.memory_space<any>>
    tpu.wait_dma2 semaphore(%arg40 : memref<!tpu.dma_semaphore, #tpu.memory_space<semaphore_mem>>) src(%arg6 : memref<384x384xf32, #tpu.memory_space<vmem>>) dst(%dma_wait3A_993 : memref<384x384xf32, #tpu.memory_space<any>>)
    %dma_wait3A_994 = arith.constant 1 : i32
    %dma_wait3A_995 = arith.constant 0 : i32
    %dma_wait3A_996 = arith.constant 0 : i32
    %dma_wait3A_997 = tpu.memref_slice %arg4[%dma_wait3A_994, %dma_wait3A_995, %dma_wait3A_996] : memref<32x384x384xf32, #tpu.memory_space<any>> -> memref<1x384x384xf32, #tpu.memory_space<any>>
    %dma_wait3A_998 = tpu.memref_squeeze %dma_wait3A_997 : memref<1x384x384xf32, #tpu.memory_space<any>> -> memref<384x384xf32, #tpu.memory_space<any>>
    tpu.wait_dma2 semaphore(%arg40 : memref<!tpu.dma_semaphore, #tpu.memory_space<semaphore_mem>>) src(%arg7 : memref<384x384xf32, #tpu.memory_space<vmem>>) dst(%dma_wait3A_998 : memref<384x384xf32, #tpu.memory_space<any>>)
    %dma_wait3A_999 = arith.constant 2 : i32
    %dma_wait3A_1000 = arith.constant 0 : i32
    %dma_wait3A_1001 = arith.constant 0 : i32
    %dma_wait3A_1002 = tpu.memref_slice %arg4[%dma_wait3A_999, %dma_wait3A_1000, %dma_wait3A_1001] : memref<32x384x384xf32, #tpu.memory_space<any>> -> memref<1x384x384xf32, #tpu.memory_space<any>>
    %dma_wait3A_1003 = tpu.memref_squeeze %dma_wait3A_1002 : memref<1x384x384xf32, #tpu.memory_space<any>> -> memref<384x384xf32, #tpu.memory_space<any>>
    tpu.wait_dma2 semaphore(%arg40 : memref<!tpu.dma_semaphore, #tpu.memory_space<semaphore_mem>>) src(%arg8 : memref<384x384xf32, #tpu.memory_space<vmem>>) dst(%dma_wait3A_1003 : memref<384x384xf32, #tpu.memory_space<any>>)
    %dma_wait3A_1004 = arith.constant 3 : i32
    %dma_wait3A_1005 = arith.constant 0 : i32
    %dma_wait3A_1006 = arith.constant 0 : i32
    %dma_wait3A_1007 = tpu.memref_slice %arg4[%dma_wait3A_1004, %dma_wait3A_1005, %dma_wait3A_1006] : memref<32x384x384xf32, #tpu.memory_space<any>> -> memref<1x384x384xf32, #tpu.memory_space<any>>
    %dma_wait3A_1008 = tpu.memref_squeeze %dma_wait3A_1007 : memref<1x384x384xf32, #tpu.memory_space<any>> -> memref<384x384xf32, #tpu.memory_space<any>>
    tpu.wait_dma2 semaphore(%arg40 : memref<!tpu.dma_semaphore, #tpu.memory_space<semaphore_mem>>) src(%arg9 : memref<384x384xf32, #tpu.memory_space<vmem>>) dst(%dma_wait3A_1008 : memref<384x384xf32, #tpu.memory_space<any>>)
    %dma_wait3A_1009 = arith.constant 4 : i32
    %dma_wait3A_1010 = arith.constant 0 : i32
    %dma_wait3A_1011 = arith.constant 0 : i32
    %dma_wait3A_1012 = tpu.memref_slice %arg4[%dma_wait3A_1009, %dma_wait3A_1010, %dma_wait3A_1011] : memref<32x384x384xf32, #tpu.memory_space<any>> -> memref<1x384x384xf32, #tpu.memory_space<any>>
    %dma_wait3A_1013 = tpu.memref_squeeze %dma_wait3A_1012 : memref<1x384x384xf32, #tpu.memory_space<any>> -> memref<384x384xf32, #tpu.memory_space<any>>
    tpu.wait_dma2 semaphore(%arg40 : memref<!tpu.dma_semaphore, #tpu.memory_space<semaphore_mem>>) src(%arg10 : memref<384x384xf32, #tpu.memory_space<vmem>>) dst(%dma_wait3A_1013 : memref<384x384xf32, #tpu.memory_space<any>>)
    %dma_wait3A_1014 = arith.constant 5 : i32
    %dma_wait3A_1015 = arith.constant 0 : i32
    %dma_wait3A_1016 = arith.constant 0 : i32
    %dma_wait3A_1017 = tpu.memref_slice %arg4[%dma_wait3A_1014, %dma_wait3A_1015, %dma_wait3A_1016] : memref<32x384x384xf32, #tpu.memory_space<any>> -> memref<1x384x384xf32, #tpu.memory_space<any>>
    %dma_wait3A_1018 = tpu.memref_squeeze %dma_wait3A_1017 : memref<1x384x384xf32, #tpu.memory_space<any>> -> memref<384x384xf32, #tpu.memory_space<any>>
    tpu.wait_dma2 semaphore(%arg40 : memref<!tpu.dma_semaphore, #tpu.memory_space<semaphore_mem>>) src(%arg11 : memref<384x384xf32, #tpu.memory_space<vmem>>) dst(%dma_wait3A_1018 : memref<384x384xf32, #tpu.memory_space<any>>)
    %dma_wait3A_1019 = arith.constant 6 : i32
    %dma_wait3A_1020 = arith.constant 0 : i32
    %dma_wait3A_1021 = arith.constant 0 : i32
    %dma_wait3A_1022 = tpu.memref_slice %arg4[%dma_wait3A_1019, %dma_wait3A_1020, %dma_wait3A_1021] : memref<32x384x384xf32, #tpu.memory_space<any>> -> memref<1x384x384xf32, #tpu.memory_space<any>>
    %dma_wait3A_1023 = tpu.memref_squeeze %dma_wait3A_1022 : memref<1x384x384xf32, #tpu.memory_space<any>> -> memref<384x384xf32, #tpu.memory_space<any>>
    tpu.wait_dma2 semaphore(%arg40 : memref<!tpu.dma_semaphore, #tpu.memory_space<semaphore_mem>>) src(%arg12 : memref<384x384xf32, #tpu.memory_space<vmem>>) dst(%dma_wait3A_1023 : memref<384x384xf32, #tpu.memory_space<any>>)
    %dma_wait3A_1024 = arith.constant 7 : i32
    %dma_wait3A_1025 = arith.constant 0 : i32
    %dma_wait3A_1026 = arith.constant 0 : i32
    %dma_wait3A_1027 = tpu.memref_slice %arg4[%dma_wait3A_1024, %dma_wait3A_1025, %dma_wait3A_1026] : memref<32x384x384xf32, #tpu.memory_space<any>> -> memref<1x384x384xf32, #tpu.memory_space<any>>
    %dma_wait3A_1028 = tpu.memref_squeeze %dma_wait3A_1027 : memref<1x384x384xf32, #tpu.memory_space<any>> -> memref<384x384xf32, #tpu.memory_space<any>>
    tpu.wait_dma2 semaphore(%arg40 : memref<!tpu.dma_semaphore, #tpu.memory_space<semaphore_mem>>) src(%arg13 : memref<384x384xf32, #tpu.memory_space<vmem>>) dst(%dma_wait3A_1028 : memref<384x384xf32, #tpu.memory_space<any>>)
    %dma_wait3A_1029 = arith.constant 8 : i32
    %dma_wait3A_1030 = arith.constant 0 : i32
    %dma_wait3A_1031 = arith.constant 0 : i32
    %dma_wait3A_1032 = tpu.memref_slice %arg4[%dma_wait3A_1029, %dma_wait3A_1030, %dma_wait3A_1031] : memref<32x384x384xf32, #tpu.memory_space<any>> -> memref<1x384x384xf32, #tpu.memory_space<any>>
    %dma_wait3A_1033 = tpu.memref_squeeze %dma_wait3A_1032 : memref<1x384x384xf32, #tpu.memory_space<any>> -> memref<384x384xf32, #tpu.memory_space<any>>
    tpu.wait_dma2 semaphore(%arg40 : memref<!tpu.dma_semaphore, #tpu.memory_space<semaphore_mem>>) src(%arg14 : memref<384x384xf32, #tpu.memory_space<vmem>>) dst(%dma_wait3A_1033 : memref<384x384xf32, #tpu.memory_space<any>>)
    %dma_wait3A_1034 = arith.constant 9 : i32
    %dma_wait3A_1035 = arith.constant 0 : i32
    %dma_wait3A_1036 = arith.constant 0 : i32
    %dma_wait3A_1037 = tpu.memref_slice %arg4[%dma_wait3A_1034, %dma_wait3A_1035, %dma_wait3A_1036] : memref<32x384x384xf32, #tpu.memory_space<any>> -> memref<1x384x384xf32, #tpu.memory_space<any>>
    %dma_wait3A_1038 = tpu.memref_squeeze %dma_wait3A_1037 : memref<1x384x384xf32, #tpu.memory_space<any>> -> memref<384x384xf32, #tpu.memory_space<any>>
    tpu.wait_dma2 semaphore(%arg40 : memref<!tpu.dma_semaphore, #tpu.memory_space<semaphore_mem>>) src(%arg15 : memref<384x384xf32, #tpu.memory_space<vmem>>) dst(%dma_wait3A_1038 : memref<384x384xf32, #tpu.memory_space<any>>)
    %dma_wait3A_1039 = arith.constant 10 : i32
    %dma_wait3A_1040 = arith.constant 0 : i32
    %dma_wait3A_1041 = arith.constant 0 : i32
    %dma_wait3A_1042 = tpu.memref_slice %arg4[%dma_wait3A_1039, %dma_wait3A_1040, %dma_wait3A_1041] : memref<32x384x384xf32, #tpu.memory_space<any>> -> memref<1x384x384xf32, #tpu.memory_space<any>>
    %dma_wait3A_1043 = tpu.memref_squeeze %dma_wait3A_1042 : memref<1x384x384xf32, #tpu.memory_space<any>> -> memref<384x384xf32, #tpu.memory_space<any>>
    tpu.wait_dma2 semaphore(%arg40 : memref<!tpu.dma_semaphore, #tpu.memory_space<semaphore_mem>>) src(%arg16 : memref<384x384xf32, #tpu.memory_space<vmem>>) dst(%dma_wait3A_1043 : memref<384x384xf32, #tpu.memory_space<any>>)
    %dma_wait3A_1044 = arith.constant 11 : i32
    %dma_wait3A_1045 = arith.constant 0 : i32
    %dma_wait3A_1046 = arith.constant 0 : i32
    %dma_wait3A_1047 = tpu.memref_slice %arg4[%dma_wait3A_1044, %dma_wait3A_1045, %dma_wait3A_1046] : memref<32x384x384xf32, #tpu.memory_space<any>> -> memref<1x384x384xf32, #tpu.memory_space<any>>
    %dma_wait3A_1048 = tpu.memref_squeeze %dma_wait3A_1047 : memref<1x384x384xf32, #tpu.memory_space<any>> -> memref<384x384xf32, #tpu.memory_space<any>>
    tpu.wait_dma2 semaphore(%arg40 : memref<!tpu.dma_semaphore, #tpu.memory_space<semaphore_mem>>) src(%arg17 : memref<384x384xf32, #tpu.memory_space<vmem>>) dst(%dma_wait3A_1048 : memref<384x384xf32, #tpu.memory_space<any>>)
    %dma_wait3A_1049 = arith.constant 12 : i32
    %dma_wait3A_1050 = arith.constant 0 : i32
    %dma_wait3A_1051 = arith.constant 0 : i32
    %dma_wait3A_1052 = tpu.memref_slice %arg4[%dma_wait3A_1049, %dma_wait3A_1050, %dma_wait3A_1051] : memref<32x384x384xf32, #tpu.memory_space<any>> -> memref<1x384x384xf32, #tpu.memory_space<any>>
    %dma_wait3A_1053 = tpu.memref_squeeze %dma_wait3A_1052 : memref<1x384x384xf32, #tpu.memory_space<any>> -> memref<384x384xf32, #tpu.memory_space<any>>
    tpu.wait_dma2 semaphore(%arg40 : memref<!tpu.dma_semaphore, #tpu.memory_space<semaphore_mem>>) src(%arg18 : memref<384x384xf32, #tpu.memory_space<vmem>>) dst(%dma_wait3A_1053 : memref<384x384xf32, #tpu.memory_space<any>>)
    %dma_wait3A_1054 = arith.constant 13 : i32
    %dma_wait3A_1055 = arith.constant 0 : i32
    %dma_wait3A_1056 = arith.constant 0 : i32
    %dma_wait3A_1057 = tpu.memref_slice %arg4[%dma_wait3A_1054, %dma_wait3A_1055, %dma_wait3A_1056] : memref<32x384x384xf32, #tpu.memory_space<any>> -> memref<1x384x384xf32, #tpu.memory_space<any>>
    %dma_wait3A_1058 = tpu.memref_squeeze %dma_wait3A_1057 : memref<1x384x384xf32, #tpu.memory_space<any>> -> memref<384x384xf32, #tpu.memory_space<any>>
    tpu.wait_dma2 semaphore(%arg40 : memref<!tpu.dma_semaphore, #tpu.memory_space<semaphore_mem>>) src(%arg19 : memref<384x384xf32, #tpu.memory_space<vmem>>) dst(%dma_wait3A_1058 : memref<384x384xf32, #tpu.memory_space<any>>)
    %dma_wait3A_1059 = arith.constant 14 : i32
    %dma_wait3A_1060 = arith.constant 0 : i32
    %dma_wait3A_1061 = arith.constant 0 : i32
    %dma_wait3A_1062 = tpu.memref_slice %arg4[%dma_wait3A_1059, %dma_wait3A_1060, %dma_wait3A_1061] : memref<32x384x384xf32, #tpu.memory_space<any>> -> memref<1x384x384xf32, #tpu.memory_space<any>>
    %dma_wait3A_1063 = tpu.memref_squeeze %dma_wait3A_1062 : memref<1x384x384xf32, #tpu.memory_space<any>> -> memref<384x384xf32, #tpu.memory_space<any>>
    tpu.wait_dma2 semaphore(%arg40 : memref<!tpu.dma_semaphore, #tpu.memory_space<semaphore_mem>>) src(%arg20 : memref<384x384xf32, #tpu.memory_space<vmem>>) dst(%dma_wait3A_1063 : memref<384x384xf32, #tpu.memory_space<any>>)
    %dma_wait3A_1064 = arith.constant 15 : i32
    %dma_wait3A_1065 = arith.constant 0 : i32
    %dma_wait3A_1066 = arith.constant 0 : i32
    %dma_wait3A_1067 = tpu.memref_slice %arg4[%dma_wait3A_1064, %dma_wait3A_1065, %dma_wait3A_1066] : memref<32x384x384xf32, #tpu.memory_space<any>> -> memref<1x384x384xf32, #tpu.memory_space<any>>
    %dma_wait3A_1068 = tpu.memref_squeeze %dma_wait3A_1067 : memref<1x384x384xf32, #tpu.memory_space<any>> -> memref<384x384xf32, #tpu.memory_space<any>>
    tpu.wait_dma2 semaphore(%arg40 : memref<!tpu.dma_semaphore, #tpu.memory_space<semaphore_mem>>) src(%arg21 : memref<384x384xf32, #tpu.memory_space<vmem>>) dst(%dma_wait3A_1068 : memref<384x384xf32, #tpu.memory_space<any>>)
    %dma_wait3A_1069 = arith.constant 16 : i32
    %dma_wait3A_1070 = arith.constant 0 : i32
    %dma_wait3A_1071 = arith.constant 0 : i32
    %dma_wait3A_1072 = tpu.memref_slice %arg4[%dma_wait3A_1069, %dma_wait3A_1070, %dma_wait3A_1071] : memref<32x384x384xf32, #tpu.memory_space<any>> -> memref<1x384x384xf32, #tpu.memory_space<any>>
    %dma_wait3A_1073 = tpu.memref_squeeze %dma_wait3A_1072 : memref<1x384x384xf32, #tpu.memory_space<any>> -> memref<384x384xf32, #tpu.memory_space<any>>
    tpu.wait_dma2 semaphore(%arg40 : memref<!tpu.dma_semaphore, #tpu.memory_space<semaphore_mem>>) src(%arg22 : memref<384x384xf32, #tpu.memory_space<vmem>>) dst(%dma_wait3A_1073 : memref<384x384xf32, #tpu.memory_space<any>>)
    %dma_wait3A_1074 = arith.constant 17 : i32
    %dma_wait3A_1075 = arith.constant 0 : i32
    %dma_wait3A_1076 = arith.constant 0 : i32
    %dma_wait3A_1077 = tpu.memref_slice %arg4[%dma_wait3A_1074, %dma_wait3A_1075, %dma_wait3A_1076] : memref<32x384x384xf32, #tpu.memory_space<any>> -> memref<1x384x384xf32, #tpu.memory_space<any>>
    %dma_wait3A_1078 = tpu.memref_squeeze %dma_wait3A_1077 : memref<1x384x384xf32, #tpu.memory_space<any>> -> memref<384x384xf32, #tpu.memory_space<any>>
    tpu.wait_dma2 semaphore(%arg40 : memref<!tpu.dma_semaphore, #tpu.memory_space<semaphore_mem>>) src(%arg23 : memref<384x384xf32, #tpu.memory_space<vmem>>) dst(%dma_wait3A_1078 : memref<384x384xf32, #tpu.memory_space<any>>)
    %dma_wait3A_1079 = arith.constant 18 : i32
    %dma_wait3A_1080 = arith.constant 0 : i32
    %dma_wait3A_1081 = arith.constant 0 : i32
    %dma_wait3A_1082 = tpu.memref_slice %arg4[%dma_wait3A_1079, %dma_wait3A_1080, %dma_wait3A_1081] : memref<32x384x384xf32, #tpu.memory_space<any>> -> memref<1x384x384xf32, #tpu.memory_space<any>>
    %dma_wait3A_1083 = tpu.memref_squeeze %dma_wait3A_1082 : memref<1x384x384xf32, #tpu.memory_space<any>> -> memref<384x384xf32, #tpu.memory_space<any>>
    tpu.wait_dma2 semaphore(%arg40 : memref<!tpu.dma_semaphore, #tpu.memory_space<semaphore_mem>>) src(%arg24 : memref<384x384xf32, #tpu.memory_space<vmem>>) dst(%dma_wait3A_1083 : memref<384x384xf32, #tpu.memory_space<any>>)
    %dma_wait3A_1084 = arith.constant 19 : i32
    %dma_wait3A_1085 = arith.constant 0 : i32
    %dma_wait3A_1086 = arith.constant 0 : i32
    %dma_wait3A_1087 = tpu.memref_slice %arg4[%dma_wait3A_1084, %dma_wait3A_1085, %dma_wait3A_1086] : memref<32x384x384xf32, #tpu.memory_space<any>> -> memref<1x384x384xf32, #tpu.memory_space<any>>
    %dma_wait3A_1088 = tpu.memref_squeeze %dma_wait3A_1087 : memref<1x384x384xf32, #tpu.memory_space<any>> -> memref<384x384xf32, #tpu.memory_space<any>>
    tpu.wait_dma2 semaphore(%arg40 : memref<!tpu.dma_semaphore, #tpu.memory_space<semaphore_mem>>) src(%arg25 : memref<384x384xf32, #tpu.memory_space<vmem>>) dst(%dma_wait3A_1088 : memref<384x384xf32, #tpu.memory_space<any>>)
    %dma_wait3A_1089 = arith.constant 20 : i32
    %dma_wait3A_1090 = arith.constant 0 : i32
    %dma_wait3A_1091 = arith.constant 0 : i32
    %dma_wait3A_1092 = tpu.memref_slice %arg4[%dma_wait3A_1089, %dma_wait3A_1090, %dma_wait3A_1091] : memref<32x384x384xf32, #tpu.memory_space<any>> -> memref<1x384x384xf32, #tpu.memory_space<any>>
    %dma_wait3A_1093 = tpu.memref_squeeze %dma_wait3A_1092 : memref<1x384x384xf32, #tpu.memory_space<any>> -> memref<384x384xf32, #tpu.memory_space<any>>
    tpu.wait_dma2 semaphore(%arg40 : memref<!tpu.dma_semaphore, #tpu.memory_space<semaphore_mem>>) src(%arg26 : memref<384x384xf32, #tpu.memory_space<vmem>>) dst(%dma_wait3A_1093 : memref<384x384xf32, #tpu.memory_space<any>>)
    %dma_wait3A_1094 = arith.constant 21 : i32
    %dma_wait3A_1095 = arith.constant 0 : i32
    %dma_wait3A_1096 = arith.constant 0 : i32
    %dma_wait3A_1097 = tpu.memref_slice %arg4[%dma_wait3A_1094, %dma_wait3A_1095, %dma_wait3A_1096] : memref<32x384x384xf32, #tpu.memory_space<any>> -> memref<1x384x384xf32, #tpu.memory_space<any>>
    %dma_wait3A_1098 = tpu.memref_squeeze %dma_wait3A_1097 : memref<1x384x384xf32, #tpu.memory_space<any>> -> memref<384x384xf32, #tpu.memory_space<any>>
    tpu.wait_dma2 semaphore(%arg40 : memref<!tpu.dma_semaphore, #tpu.memory_space<semaphore_mem>>) src(%arg27 : memref<384x384xf32, #tpu.memory_space<vmem>>) dst(%dma_wait3A_1098 : memref<384x384xf32, #tpu.memory_space<any>>)
    %dma_wait3A_1099 = arith.constant 22 : i32
    %dma_wait3A_1100 = arith.constant 0 : i32
    %dma_wait3A_1101 = arith.constant 0 : i32
    %dma_wait3A_1102 = tpu.memref_slice %arg4[%dma_wait3A_1099, %dma_wait3A_1100, %dma_wait3A_1101] : memref<32x384x384xf32, #tpu.memory_space<any>> -> memref<1x384x384xf32, #tpu.memory_space<any>>
    %dma_wait3A_1103 = tpu.memref_squeeze %dma_wait3A_1102 : memref<1x384x384xf32, #tpu.memory_space<any>> -> memref<384x384xf32, #tpu.memory_space<any>>
    tpu.wait_dma2 semaphore(%arg40 : memref<!tpu.dma_semaphore, #tpu.memory_space<semaphore_mem>>) src(%arg28 : memref<384x384xf32, #tpu.memory_space<vmem>>) dst(%dma_wait3A_1103 : memref<384x384xf32, #tpu.memory_space<any>>)
    %dma_wait3A_1104 = arith.constant 23 : i32
    %dma_wait3A_1105 = arith.constant 0 : i32
    %dma_wait3A_1106 = arith.constant 0 : i32
    %dma_wait3A_1107 = tpu.memref_slice %arg4[%dma_wait3A_1104, %dma_wait3A_1105, %dma_wait3A_1106] : memref<32x384x384xf32, #tpu.memory_space<any>> -> memref<1x384x384xf32, #tpu.memory_space<any>>
    %dma_wait3A_1108 = tpu.memref_squeeze %dma_wait3A_1107 : memref<1x384x384xf32, #tpu.memory_space<any>> -> memref<384x384xf32, #tpu.memory_space<any>>
    tpu.wait_dma2 semaphore(%arg40 : memref<!tpu.dma_semaphore, #tpu.memory_space<semaphore_mem>>) src(%arg29 : memref<384x384xf32, #tpu.memory_space<vmem>>) dst(%dma_wait3A_1108 : memref<384x384xf32, #tpu.memory_space<any>>)
    %dma_wait3A_1109 = arith.constant 24 : i32
    %dma_wait3A_1110 = arith.constant 0 : i32
    %dma_wait3A_1111 = arith.constant 0 : i32
    %dma_wait3A_1112 = tpu.memref_slice %arg4[%dma_wait3A_1109, %dma_wait3A_1110, %dma_wait3A_1111] : memref<32x384x384xf32, #tpu.memory_space<any>> -> memref<1x384x384xf32, #tpu.memory_space<any>>
    %dma_wait3A_1113 = tpu.memref_squeeze %dma_wait3A_1112 : memref<1x384x384xf32, #tpu.memory_space<any>> -> memref<384x384xf32, #tpu.memory_space<any>>
    tpu.wait_dma2 semaphore(%arg40 : memref<!tpu.dma_semaphore, #tpu.memory_space<semaphore_mem>>) src(%arg30 : memref<384x384xf32, #tpu.memory_space<vmem>>) dst(%dma_wait3A_1113 : memref<384x384xf32, #tpu.memory_space<any>>)
    %dma_wait3A_1114 = arith.constant 25 : i32
    %dma_wait3A_1115 = arith.constant 0 : i32
    %dma_wait3A_1116 = arith.constant 0 : i32
    %dma_wait3A_1117 = tpu.memref_slice %arg4[%dma_wait3A_1114, %dma_wait3A_1115, %dma_wait3A_1116] : memref<32x384x384xf32, #tpu.memory_space<any>> -> memref<1x384x384xf32, #tpu.memory_space<any>>
    %dma_wait3A_1118 = tpu.memref_squeeze %dma_wait3A_1117 : memref<1x384x384xf32, #tpu.memory_space<any>> -> memref<384x384xf32, #tpu.memory_space<any>>
    tpu.wait_dma2 semaphore(%arg40 : memref<!tpu.dma_semaphore, #tpu.memory_space<semaphore_mem>>) src(%arg31 : memref<384x384xf32, #tpu.memory_space<vmem>>) dst(%dma_wait3A_1118 : memref<384x384xf32, #tpu.memory_space<any>>)
    %dma_wait3A_1119 = arith.constant 26 : i32
    %dma_wait3A_1120 = arith.constant 0 : i32
    %dma_wait3A_1121 = arith.constant 0 : i32
    %dma_wait3A_1122 = tpu.memref_slice %arg4[%dma_wait3A_1119, %dma_wait3A_1120, %dma_wait3A_1121] : memref<32x384x384xf32, #tpu.memory_space<any>> -> memref<1x384x384xf32, #tpu.memory_space<any>>
    %dma_wait3A_1123 = tpu.memref_squeeze %dma_wait3A_1122 : memref<1x384x384xf32, #tpu.memory_space<any>> -> memref<384x384xf32, #tpu.memory_space<any>>
    tpu.wait_dma2 semaphore(%arg40 : memref<!tpu.dma_semaphore, #tpu.memory_space<semaphore_mem>>) src(%arg32 : memref<384x384xf32, #tpu.memory_space<vmem>>) dst(%dma_wait3A_1123 : memref<384x384xf32, #tpu.memory_space<any>>)
    %dma_wait3A_1124 = arith.constant 27 : i32
    %dma_wait3A_1125 = arith.constant 0 : i32
    %dma_wait3A_1126 = arith.constant 0 : i32
    %dma_wait3A_1127 = tpu.memref_slice %arg4[%dma_wait3A_1124, %dma_wait3A_1125, %dma_wait3A_1126] : memref<32x384x384xf32, #tpu.memory_space<any>> -> memref<1x384x384xf32, #tpu.memory_space<any>>
    %dma_wait3A_1128 = tpu.memref_squeeze %dma_wait3A_1127 : memref<1x384x384xf32, #tpu.memory_space<any>> -> memref<384x384xf32, #tpu.memory_space<any>>
    tpu.wait_dma2 semaphore(%arg40 : memref<!tpu.dma_semaphore, #tpu.memory_space<semaphore_mem>>) src(%arg33 : memref<384x384xf32, #tpu.memory_space<vmem>>) dst(%dma_wait3A_1128 : memref<384x384xf32, #tpu.memory_space<any>>)
    %dma_wait3A_1129 = arith.constant 28 : i32
    %dma_wait3A_1130 = arith.constant 0 : i32
    %dma_wait3A_1131 = arith.constant 0 : i32
    %dma_wait3A_1132 = tpu.memref_slice %arg4[%dma_wait3A_1129, %dma_wait3A_1130, %dma_wait3A_1131] : memref<32x384x384xf32, #tpu.memory_space<any>> -> memref<1x384x384xf32, #tpu.memory_space<any>>
    %dma_wait3A_1133 = tpu.memref_squeeze %dma_wait3A_1132 : memref<1x384x384xf32, #tpu.memory_space<any>> -> memref<384x384xf32, #tpu.memory_space<any>>
    tpu.wait_dma2 semaphore(%arg40 : memref<!tpu.dma_semaphore, #tpu.memory_space<semaphore_mem>>) src(%arg34 : memref<384x384xf32, #tpu.memory_space<vmem>>) dst(%dma_wait3A_1133 : memref<384x384xf32, #tpu.memory_space<any>>)
    %dma_wait3A_1134 = arith.constant 29 : i32
    %dma_wait3A_1135 = arith.constant 0 : i32
    %dma_wait3A_1136 = arith.constant 0 : i32
    %dma_wait3A_1137 = tpu.memref_slice %arg4[%dma_wait3A_1134, %dma_wait3A_1135, %dma_wait3A_1136] : memref<32x384x384xf32, #tpu.memory_space<any>> -> memref<1x384x384xf32, #tpu.memory_space<any>>
    %dma_wait3A_1138 = tpu.memref_squeeze %dma_wait3A_1137 : memref<1x384x384xf32, #tpu.memory_space<any>> -> memref<384x384xf32, #tpu.memory_space<any>>
    tpu.wait_dma2 semaphore(%arg40 : memref<!tpu.dma_semaphore, #tpu.memory_space<semaphore_mem>>) src(%arg35 : memref<384x384xf32, #tpu.memory_space<vmem>>) dst(%dma_wait3A_1138 : memref<384x384xf32, #tpu.memory_space<any>>)
    %dma_wait3A_1139 = arith.constant 30 : i32
    %dma_wait3A_1140 = arith.constant 0 : i32
    %dma_wait3A_1141 = arith.constant 0 : i32
    %dma_wait3A_1142 = tpu.memref_slice %arg4[%dma_wait3A_1139, %dma_wait3A_1140, %dma_wait3A_1141] : memref<32x384x384xf32, #tpu.memory_space<any>> -> memref<1x384x384xf32, #tpu.memory_space<any>>
    %dma_wait3A_1143 = tpu.memref_squeeze %dma_wait3A_1142 : memref<1x384x384xf32, #tpu.memory_space<any>> -> memref<384x384xf32, #tpu.memory_space<any>>
    tpu.wait_dma2 semaphore(%arg40 : memref<!tpu.dma_semaphore, #tpu.memory_space<semaphore_mem>>) src(%arg36 : memref<384x384xf32, #tpu.memory_space<vmem>>) dst(%dma_wait3A_1143 : memref<384x384xf32, #tpu.memory_space<any>>)
    %dma_wait3A_1144 = arith.constant 31 : i32
    %dma_wait3A_1145 = arith.constant 0 : i32
    %dma_wait3A_1146 = arith.constant 0 : i32
    %dma_wait3A_1147 = tpu.memref_slice %arg4[%dma_wait3A_1144, %dma_wait3A_1145, %dma_wait3A_1146] : memref<32x384x384xf32, #tpu.memory_space<any>> -> memref<1x384x384xf32, #tpu.memory_space<any>>
    %dma_wait3A_1148 = tpu.memref_squeeze %dma_wait3A_1147 : memref<1x384x384xf32, #tpu.memory_space<any>> -> memref<384x384xf32, #tpu.memory_space<any>>
    tpu.wait_dma2 semaphore(%arg40 : memref<!tpu.dma_semaphore, #tpu.memory_space<semaphore_mem>>) src(%arg37 : memref<384x384xf32, #tpu.memory_space<vmem>>) dst(%dma_wait3A_1148 : memref<384x384xf32, #tpu.memory_space<any>>)
    return
  }
}

</mosaic_0001>

<sc_bundles>
// kernel: kernel.4.cloned.1.call-start
scs
__scs_entry_jumppad:
0x0: {  	(pc) =	sbr.rel $0x88, $3  }
0x1: {  	(tag) =	ssettag $0x0;
	lr =	simm.s32 $0x1  }
0x2: {  	[smem:$0x3F9A] =	sst lr;
	_ =	strace $0xD0000000  }
0x3: {  	_ = 	snop  }
0x4: {  	_ = 	snop  }
0x5: {  	_ = 	snop  }
0x6: {  	_ = 	snop  }
0x7: {  	_ = 	snop  }
__scs_overlays_trampoline_lowered:
0x8: {  	[smem:$0x3FA9] =	sst s0  }
0x9: {  	[smem:$0x3FAA] =	sst s1  }
0xa: {  	[smem:$0x3FAB] =	sst s2  }
0xb: {  	[smem:$0x3FAC] =	sst s3  }
0xc: {  	[smem:$0x3FAD] =	sst s4  }
0xd: {  	[smem:$0x3FAE] =	sst s5  }
0xe: {  	[smem:$0x3FAF] =	sst s6  }
0xf: {  	[smem:$0x3FB0] =	sst s7  }
0x10: {  	[smem:$0x3FB1] =	sst s8  }
0x11: {  	[smem:$0x3FB2] =	sst s9;
	s0 =	simm.s32 @!p0 $0x0  }
0x12: {  	s1 =	sld [smem:$0x3F98];
	s0 =	simm.s32 @p0 $0x1  }
0x13: {  	[smem:$0x3FB3] =	sst s0;
	s0 =	simm.s32 @!p1 $0x0  }
0x14: {  	s2 =	sld [smem:$0x3F97];
	s0 =	simm.s32 @p1 $0x1  }
0x15: {  	[smem:$0x3FB4] =	sst s0;
	s0 =	simm.s32 @!p2 $0x0  }
0x16: {  	s3 =	sld [smem:$0x3FDB];
	s0 =	simm.s32 @p2 $0x1  }
0x17: {  	s4 =	simm.s32 $0x1BF5;
	[smem:$0x3FB6] =	sst s0  }
0x18: {  	s0 =	sld [smem:$0x3F99];
	_ =	swait.ge [sflag:s4], $0x0  }
0x19: {  	s7 =	sld [smem:$0x3F9A]  }
0x1a: {  	s8 =	sadd.s32 $0xFFFFE003, lr  }
0x1b: {  	s9 =	sadd.s32 $0xFFFFFEF7, lr;
	s5 =	simm.s32 $0xFFFFFFFF;
	p2 =	slt.u32 s8, $0xFFFFF086  }
0x1c: {  	p1 =	slt.u32 s9, $0xF7A;
	s5 =	simm.s32 @!p2 $0x0  }
0x1d: {  	s5 =	simm.s32 @p1 $0x1;
	p0 =	seq.s32 s7, s2  }
0x1e: {  	s7 =	smul.u32 @!p0 $0xF7A, s2;
	p2 =	seq.s32 @!p0 s5, $0x0  }
0x1f: {  	s9 =	smul.u32 $0xF7A, s1;
	s8 =	simm.s32 @!p0 $0x1BF5;
	p2 =	por !p2, p0  }
0x20: {  	[sflag:s8] =	ssyncset.s32 @!p0 $0xFFFFF086;
	s6 =	sadd.s32 @!p0 s3, s7;
	s7 =	simm.s32 @!p0 $0x108  }
0x21: {  	s3 =	sadd.s32 s3, s9;
	s6 =	sadd.s32 @!p0 $0x88, s6;
	s7 =	simm.s32 @p2 $0x1082  }
0x22: {  	[simem:s7], [sflag:s8] =	dma.local @!p0 [hbm:s6], $0xF7A  }
0x23: {  	s9 =	sor.u32 $0xD0000000, s2;
	s6 =	simm.s32 $0x108;
	_ =	swait.ge @!p0 [sflag:s8], $0x0  }
0x24: {  	s3 =	sadd.s32 $0x88, s3;
	s6 =	simm.s32 @!p1 $0x1082;
	[sflag:s4] =	ssyncset.s32 $0xFFFFF086  }
0x25: {  	[simem:s6], [sflag:s4] =	dma.local [hbm:s3], $0xF7A  }
0x26: {  	[smem:$0x3F9A] =	sst s1;
	(tag) =	ssettag s2;
	_ =	strace s9  }
0x27: {  	s1 =	sld [smem:$0x3FAA]  }
0x28: {  	s2 =	sld [smem:$0x3FAB]  }
0x29: {  	s4 =	sld [smem:$0x3FAD]  }
0x2a: {  	p0 =	seq.s32 s5, $0x0;
	s5 =	sld [smem:$0x3FAE]  }
0x2b: {  	s6 =	sld [smem:$0x3FAF]  }
0x2c: {  	s7 =	sld [smem:$0x3FB0]  }
0x2d: {  	s3 =	simm.s32 $0x108;
	s8 =	sld [smem:$0x3FB1]  }
0x2e: {  	s3 =	simm.s32 @!p0 $0x1082;
	s9 =	sld [smem:$0x3FB2]  }
0x2f: {  	lr =	sadd.s32 s0, s3;
	s0 =	sld [smem:$0x3FA9]  }
0x30: {  	s3 =	sld [smem:$0x3FAC]  }
0x31: {  	[smem:$0x3FB5] =	sst s10  }
0x32: {  	s10 =	sld [smem:$0x3FB3];
	_ =	sdelay $0x3  }
0x33: {  	p0 =	seq.s32 s10, $0x1;
	s10 =	sld [smem:$0x3FB5];
	_ =	sdelay $0x3  }
0x34: {  	[smem:$0x3FB5] =	sst s10  }
0x35: {  	s10 =	sld [smem:$0x3FB4];
	_ =	sdelay $0x3  }
0x36: {  	p1 =	seq.s32 s10, $0x1;
	s10 =	sld [smem:$0x3FB5];
	_ =	sdelay $0x3  }
0x37: {  	[smem:$0x3FB5] =	sst s10  }
0x38: {  	s10 =	sld [smem:$0x3FB6]  }
0x39: {  	_ = 	snop;
	(pc) =	sbr.ind lr, $3  }
0x3a: {  	_ = 	snop  }
0x3b: {  	_ = 	snop  }
0x3c: {  	p2 =	seq.s32 s10, $0x1;
	s10 =	sld [smem:$0x3FB5]  }
0x3d: {  	_ =	shalt  }
0x3e: {  	_ =	shalt  }
0x3f: {  	_ =	shalt  }
0x40: {  	_ =	shalt  }
0x41: {  	_ =	shalt  }
0x42: {  	_ =	shalt  }
0x43: {  	_ =	shalt  }
0x44: {  	_ =	shalt  }
0x45: {  	_ =	shalt  }
0x46: {  	_ =	shalt  }
0x47: {  	_ =	shalt  }
0x48: {  	_ =	shalt  }
0x49: {  	_ =	shalt  }
0x4a: {  	_ =	shalt  }
0x4b: {  	_ =	shalt  }
0x4c: {  	_ =	shalt  }
0x4d: {  	_ =	shalt  }
0x4e: {  	_ =	shalt  }
0x4f: {  	_ =	shalt  }
0x50: {  	_ =	shalt  }
0x51: {  	_ =	shalt  }
0x52: {  	_ =	shalt  }
0x53: {  	_ =	shalt  }
0x54: {  	_ =	shalt  }
0x55: {  	_ =	shalt  }
0x56: {  	_ =	shalt  }
0x57: {  	_ =	shalt  }
0x58: {  	_ =	shalt  }
0x59: {  	_ =	shalt  }
0x5a: {  	_ =	shalt  }
0x5b: {  	_ =	shalt  }
0x5c: {  	_ =	shalt  }
0x5d: {  	_ =	shalt  }
0x5e: {  	_ =	shalt  }
0x5f: {  	_ =	shalt  }
0x60: {  	_ =	shalt  }
0x61: {  	_ =	shalt  }
0x62: {  	_ =	shalt  }
0x63: {  	_ =	shalt  }
0x64: {  	_ =	shalt  }
0x65: {  	_ =	shalt  }
0x66: {  	_ =	shalt  }
0x67: {  	_ =	shalt  }
0x68: {  	_ =	shalt  }
0x69: {  	_ =	shalt  }
0x6a: {  	_ =	shalt  }
0x6b: {  	_ =	shalt  }
0x6c: {  	_ =	shalt  }
0x6d: {  	_ =	shalt  }
0x6e: {  	_ =	shalt  }
0x6f: {  	_ =	shalt  }
0x70: {  	_ =	shalt  }
0x71: {  	_ =	shalt  }
0x72: {  	_ =	shalt  }
0x73: {  	_ =	shalt  }
0x74: {  	_ =	shalt  }
0x75: {  	_ =	shalt  }
0x76: {  	_ =	shalt  }
0x77: {  	_ =	shalt  }
0x78: {  	_ =	shalt  }
0x79: {  	_ =	shalt  }
0x7a: {  	_ =	shalt  }
0x7b: {  	_ =	shalt  }
0x7c: {  	_ =	shalt  }
0x7d: {  	_ =	shalt  }
0x7e: {  	_ =	shalt  }
0x7f: {  	_ =	shalt  }
0x80: {  	_ =	shalt  }
0x81: {  	_ =	shalt  }
0x82: {  	_ =	shalt  }
0x83: {  	_ =	shalt  }
0x84: {  	_ =	shalt  }
0x85: {  	_ =	shalt  }
0x86: {  	_ =	shalt  }
0x87: {  	_ =	shalt  }
.Lfunc_end0:
.L_simem_size_0:
called_computation_lowered:
.L_overlay_start_0:
0x88: {  	s2 =	sld [smem:$0x3FD9]  }
0x89: {  	s3 =	sld [smem:$0x3FFE];
	_ =	sdelay $0x1  }
0x8a: {  	s1 =	srdreg.scid  }
0x8b: {  	s0 =	sand.u32 $0x1, s1  }
0x8c: {  	s14 =	sshll.u32 s0, $0xA;
	s2 =	sadd.s32 s3, s2  }
0x8d: {  	s2 =	sadd.s32 s2, s14  }
0x8e: {  	[smem:$0x3FC1] =	sst s2  }
0x8f: {  	_ = 	snop  }
0x90: {  	s2 =	sld [smem:$0x3FD0];
	_ =	sdelay $0x2  }
0x91: {  	s4 =	simm.s32 $0xA;
	s5 =	simm.s32 $0x10;
	s15 =	sld [smem:$0x3FC9]  }
0x92: {  	[smem:s5], [sflag:s4] =	dma.local [hbm:s2], $0x1  }
0x93: {  	_ =	swait.eq [sflag:s4], $0x1  }
0x94: {  	[sflag:s4] =	ssyncset.done $0x0  }
0x95: {  	[sflag:s4] =	ssyncadd.s32 $0xFFFFFFFF  }
0x96: {  	s16 =	sld [smem:$0x10];
	(tm) =	ssettm $0x1  }
0x97: {  	s17 =	sld [smem:$0x3FFB];
	_ =	sdelay $0x3  }
0x98: {  	_ =	strace s17  }
0x99: {  	s4 =	sld [smem:$0x3FFC];
	_ =	sdelay $0x3  }
0x9a: {  	_ =	strace s4  }
0x9b: {  	s4 =	sld [smem:$0x3FFD];
	_ =	sdelay $0x3  }
0x9c: {  	_ =	strace s4  }
0x9d: {  	_ =	strace $0x8FFFFFFF  }
0x9e: {  	s18 =	sld [smem:$0x3FDB];
	_ =	sdelay $0x1  }
0x9f: {  	s19 =	simm.s32 $_scs_section_size  }
0xa0: {  	s6 =	simm.s32 $_size__tile_overlayer_lowered;
	s7 =	simm.s32 $_tile_overlayer_lowered  }
0xa1: {  	s22 =	simm.s32 $0x1BFF;
	s21 =	sshll.u32 s7, $0x1;
	s4 =	sadd.s32 s19, s18  }
0xa2: {  	s8 =	simm.s32 $0x0;
	s20 =	sshll.u32 s6, $0x1;
	s6 =	sadd.s32 s21, s4  }
0xa3: {  	[timem:s8], [sflag:s22] =	dma.local [hbm:s6], s20  }
0xa4: {  	_ =	swait.ge [sflag:s22], s20  }
0xa5: {  	s5 =	ssub.s32 $0x0, s20;
	[sflag:s22] =	ssyncset.done $0x0  }
0xa6: {  	[sflag:s22] =	ssyncadd.s32 s5;
	_ =	sdelay $0x1  }
0xa7: {  	s23 =	simm.s32 $0x1B8B  }
0xa8: {  	_ =	swait.ge [sflag:s23], $0x1  }
0xa9: {  	[sflag:s23] =	ssyncset.done $0x0  }
0xaa: {  	s25 =	simm.s32 $0x1B8E;
	s24 =	sld [smem:$0x3FFE];
	[sflag:s23] =	ssyncadd.s32 $0xFFFFFFFF  }
0xab: {  	s26 =	simm.s32 $execute0_lowered;
	[smem:$0x3FD2] =	sst s25  }
0xac: {  	s6 =	sshll.u32 s26, $0x1;
	_ =	strace $0x80000046;
	[dreg:$0x1] =	wrdreg $0xFFFFFFFF  }
0xad: {  	s28 =	simm.s32 $_size_execute0_lowered;
	s4 =	sadd.s32 s4, s6;
	[dreg:$0x0] =	wrdreg $0x0  }
0xae: {  	s6 =	sshll.u32 s28, $0x1;
	[dreg:$0x2] =	wrdreg s4  }
0xaf: {  	[dreg:$0x3] =	wrdreg s6  }
0xb0: {  	[dreg:$0x4] =	wrdreg $0xC0  }
0xb1: {  	_ =	task [dreg:s8], $0x5FFFF  }
0xb2: {  	[dreg:$0x1] =	wrdreg $0xFFFFFFFF  }
0xb3: {  	[dreg:$0x0] =	wrdreg $0x60  }
0xb4: {  	[dreg:$0x2] =	wrdreg s15  }
0xb5: {  	[dreg:$0x3] =	wrdreg s24  }
0xb6: {  	[dreg:$0x4] =	wrdreg s16  }
0xb7: {  	[dreg:$0x5] =	wrdreg $0x9  }
0xb8: {  	_ =	task.clear_ibuf [dreg:s8], $0x6FFFF;
	_ =	strace $0x90000046  }
0xb9: {  	s29 =	simm.s32 $0x9;
	_ =	strace $0x80000048  }
0xba: {  	_ =	swait.ge [sflag:s29], $0x1  }
0xbb: {  	[sflag:s29] =	ssyncadd.s32 $0xFFFFFFFF  }
0xbc: {  	_ =	strace $0x90000048  }
0xbd: {  	_ =	sfence  }
0xbe: {  	s30 =	sld [smem:$0x0];
	_ =	sdelay $0x2  }
0xbf: {  	s31 =	sshll.u32 s1, $0xD;
	s1 =	sshrl.u32 s1, $0x2  }
0xc0: {  	s3 =	sand.u32 $0x4000, s31;
	s1 =	sadd.s32 s1, s30  }
0xc1: {  	s0 =	sor.u32 s3, s0;
	s1 =	sshll.u32 s1, $0x11  }
0xc2: {  	s0 =	sor.u32 s1, s0  }
0xc3: {  	s0 =	sadd.s32 $0x8F2B, s0  }
0xc4: {  	[sflag:s0] =	ssyncadd.remote.s32 $0x1  }
0xc5: {  	_ =	sfence.sel $0xFFFF  }
0xc6: {  	[dreg:$0x0] =	wrdreg $0xFFFFFFFF;
	(pc) =	sbr.abs _section_cstart, $3  }
0xc7: {  	[dreg:$0x1] =	wrdreg $0xFFFFFFFF  }
0xc8: {  	_ =	task.clear_ibuf [dreg:s8], $0x2FFFF;
	_ =	strace $0x9FFFFFFF  }
0xc9: {  	(tm) =	ssettm $0x7FFFFFFF  }
tec
execute0_lowered:
.L_overlay_start_1:
0x0: {  	(tag) =	ssettag $0x1  }
0x1: {  	s0 =	srdreg.scid;
	s1 =	stileid.u32  }
0x2: {  	s0 =	sand.u32 $0x1, s0;
	s1 =	sshll.u32 s1, $0x1  }
0x3: {  	s1 =	sor.u32 s0, s1  }
0x4: {  	s2 =	rddreg [dreg:$0x0];
	s3 =	smul.u32 $0x480, s1  }
0x5: {  	s4 =	rddreg [dreg:$0x1]  }
0x6: {  	s5 =	rddreg [dreg:$0x2];
	s6 =	sshrl.u32 s3, $0x3  }
0x7: {  	s1 =	sshll.u32 s1, $0x8;
	s3 =	simm.s32 $0x0;
	s7 =	smul.u32 $0xC00, s6  }
0x8: {  	s1 =	sadd.s32 s1, s4;
	[smem:$0x7FF] =	sst s3;
	s16 =	smul.u32 $0x180, s6  }
0x9: {  	s1 =	sadd.s32 $0x1200, s1;
	_ =	strace $0x80000047;
	s17 =	sshrl.u32 s7, $0x3  }
0xa: {  	[dreg:$0x4] =	wrdreg s1;
	s6 =	sadd.s32 s5, s17;
	s5 =	sadd.s32 s5, s16  }
0xb: {  	s18 =	sadd.s32 $0x1200, s6;
	[dreg:$0x10] =	wrdreg s5  }
0xc: {  	s19 =	sadd.s32 $0x2400, s5;
	[dreg:$0x5] =	wrdreg s18  }
0xd: {  	s20 =	sadd.s32 $0x3600, s5;
	[dreg:$0x6] =	wrdreg s19  }
0xe: {  	s21 =	sadd.s32 $0x4800, s5;
	[dreg:$0x7] =	wrdreg s20  }
0xf: {  	s31 =	simm.s32 $0x1;
	s22 =	sadd.s32 $0x5A00, s5;
	[dreg:$0x8] =	wrdreg s21  }
0x10: {  	s0 =	ssub.s32 $0x2, s0;
	s23 =	sadd.s32 $0x6C00, s5;
	[dreg:$0x9] =	wrdreg s22  }
0x11: {  	s28 =	sshrl.u32 s0, $0x1;
	s24 =	sadd.s32 $0x7E00, s5;
	[dreg:$0xa] =	wrdreg s23  }
0x12: {  	s0 =	ssub.s32 s0, s28;
	s25 =	sadd.s32 $0x9000, s5;
	[dreg:$0xb] =	wrdreg s24  }
0x13: {  	s4 =	simm.s32 $0x2;
	s26 =	sadd.s32 $0xA200, s5;
	[dreg:$0xc] =	wrdreg s25  }
0x14: {  	v2 =	vlaneseq.u32;
	s29 =	sadd.s32 $0xB400, s5;
	s30 =	sadd.s32 $0xC600, s5;
	[dreg:$0xd] =	wrdreg s26  }
0x15: {  	vm0 =	vmmov $0xffff;
	vm1 =	vmmov $0xff;
	v1 =	vshrl.u32 v2, $0x3;
	s5 =	sadd.s32 $0x100, s2;
	s6 =	smax.u32 s0, $0x1;
	[dreg:$0xe] =	wrdreg s29  }
0x16: {  	v0 =	vand.u32 $0x7, v2;
	v2 =	vor.u32 $0x8, v2;
	v1 =	vmul.u32 $0x8, v1;
	s0 =	simm.s32 $0x800;
	[dreg:$0xf] =	wrdreg s30;
	s26 =	simm.s32 $0x12800  }
.LBB2_1:
0x17: {  	s7 =	rddreg [dreg:$0x4];
	s11 =	simm.s32 $0x3  }
0x18: {  	[tilespmem:s3], [sflag:$0x3] =	stream.linear.gather [hbm4b:s7+s3], $0x600, $0x38;
	[tilespmem:$0x1B800] =	vst v63  }
0x19: {  	_ =	swait.ge [sflag:s11], $0x600  }
0x1a: {  	[sflag:s11] =	ssyncset.done $0x0  }
0x1b: {  	[sflag:s11] =	ssyncadd.s32 $0xFFFFFA00  }
0x1c: {  	v3 =	vld [tilespmem:$0x0];
	_ =	sdelay $0x4  }
0x1d: {  	v4 =	vshrl.u32 v3, $0x3  }
0x1e: {  	v4 =	vmul.u32 $0x18, v4  }
0x1f: {  	v3 =	vand.u32 $0x7, v3  }
0x20: {  	v3 =	vor.u32 v3, v4  }
0x21: {  	v4 =	vperm.xlane v3, v0;
	_ =	sdelay $0x1  }
0x22: {  	v4 =	vadd.s32 v1, v4;
	_ =	sdelay $0x1  }
0x23: {  	v3 =	vperm.xlane v3, v2;
	_ =	sdelay $0x1  }
0x24: {  	v3 =	vadd.s32 v1, v3  }
0x25: {  	[tilespmem:s0], [sflag:$0x1] =	stream.indirect_vreg.gather [hbm4b:s2+s3], $0x80, v4, vm0, $0xb8;
	[tilespmem:$0x1B800] =	vst v63  }
0x26: {  	s1 =	simm.s32 $0x1000  }
0x27: {  	[tilespmem:s1], [sflag:$0x1] =	stream.indirect_vreg.gather [hbm4b:s5+s3], $0x80, v4, vm1, $0xb8;
	[tilespmem:$0x1B800] =	vst v63  }
0x28: {  	s12 =	simm.s32 $0x1400  }
0x29: {  	[tilespmem:s12], [sflag:$0x1] =	stream.indirect_vreg.gather [hbm4b:s2+s3], $0x80, v3, vm0, $0xb8;
	[tilespmem:$0x1B800] =	vst v63  }
0x2a: {  	s13 =	simm.s32 $0x1C00  }
0x2b: {  	[tilespmem:s13], [sflag:$0x1] =	stream.indirect_vreg.gather [hbm4b:s5+s3], $0x80, v3, vm1, $0xb8;
	[tilespmem:$0x1B800] =	vst v63  }
0x2c: {  	v3 =	vld [tilespmem:$0x10];
	_ =	sdelay $0x4  }
0x2d: {  	v49 =	vshrl.u32 v3, $0x3  }
0x2e: {  	v4 =	vmul.u32 $0x18, v49  }
0x2f: {  	v3 =	vand.u32 $0x7, v3  }
0x30: {  	v3 =	vor.u32 v3, v4  }
0x31: {  	v4 =	vperm.xlane v3, v0;
	_ =	sdelay $0x1  }
0x32: {  	v4 =	vadd.s32 v1, v4;
	_ =	sdelay $0x1  }
0x33: {  	v3 =	vperm.xlane v3, v2;
	_ =	sdelay $0x1  }
0x34: {  	s14 =	simm.s32 $0x2000;
	v3 =	vadd.s32 v1, v3  }
0x35: {  	[tilespmem:s14], [sflag:$0x1] =	stream.indirect_vreg.gather [hbm4b:s2+s3], $0x80, v4, vm0, $0xb8;
	[tilespmem:$0x1B800] =	vst v63  }
0x36: {  	s15 =	simm.s32 $0x2800  }
0x37: {  	[tilespmem:s15], [sflag:$0x1] =	stream.indirect_vreg.gather [hbm4b:s5+s3], $0x80, v4, vm1, $0xb8;
	[tilespmem:$0x1B800] =	vst v63  }
0x38: {  	s16 =	simm.s32 $0x2C00  }
0x39: {  	[tilespmem:s16], [sflag:$0x1] =	stream.indirect_vreg.gather [hbm4b:s2+s3], $0x80, v3, vm0, $0xb8;
	[tilespmem:$0x1B800] =	vst v63  }
0x3a: {  	s17 =	simm.s32 $0x3400  }
0x3b: {  	[tilespmem:s17], [sflag:$0x1] =	stream.indirect_vreg.gather [hbm4b:s5+s3], $0x80, v3, vm1, $0xb8;
	[tilespmem:$0x1B800] =	vst v63  }
0x3c: {  	v3 =	vld [tilespmem:$0x20];
	_ =	sdelay $0x4  }
0x3d: {  	v50 =	vshrl.u32 v3, $0x3  }
0x3e: {  	v4 =	vmul.u32 $0x18, v50  }
0x3f: {  	v3 =	vand.u32 $0x7, v3  }
0x40: {  	v3 =	vor.u32 v3, v4  }
0x41: {  	v4 =	vperm.xlane v3, v0;
	_ =	sdelay $0x1  }
0x42: {  	v4 =	vadd.s32 v1, v4;
	_ =	sdelay $0x1  }
0x43: {  	v3 =	vperm.xlane v3, v2;
	_ =	sdelay $0x1  }
0x44: {  	s18 =	simm.s32 $0x3800;
	v3 =	vadd.s32 v1, v3  }
0x45: {  	[tilespmem:s18], [sflag:$0x1] =	stream.indirect_vreg.gather [hbm4b:s2+s3], $0x80, v4, vm0, $0xb8;
	[tilespmem:$0x1B800] =	vst v63  }
0x46: {  	s19 =	simm.s32 $0x4000  }
0x47: {  	[tilespmem:s19], [sflag:$0x1] =	stream.indirect_vreg.gather [hbm4b:s5+s3], $0x80, v4, vm1, $0xb8;
	[tilespmem:$0x1B800] =	vst v63  }
0x48: {  	s20 =	simm.s32 $0x4400  }
0x49: {  	[tilespmem:s20], [sflag:$0x1] =	stream.indirect_vreg.gather [hbm4b:s2+s3], $0x80, v3, vm0, $0xb8;
	[tilespmem:$0x1B800] =	vst v63  }
0x4a: {  	s21 =	simm.s32 $0x4C00  }
0x4b: {  	[tilespmem:s21], [sflag:$0x1] =	stream.indirect_vreg.gather [hbm4b:s5+s3], $0x80, v3, vm1, $0xb8;
	[tilespmem:$0x1B800] =	vst v63  }
0x4c: {  	v3 =	vld [tilespmem:$0x30];
	_ =	sdelay $0x4  }
0x4d: {  	v51 =	vshrl.u32 v3, $0x3  }
0x4e: {  	v4 =	vmul.u32 $0x18, v51  }
0x4f: {  	v3 =	vand.u32 $0x7, v3  }
0x50: {  	v3 =	vor.u32 v3, v4  }
0x51: {  	v4 =	vperm.xlane v3, v0;
	_ =	sdelay $0x1  }
0x52: {  	v4 =	vadd.s32 v1, v4;
	_ =	sdelay $0x1  }
0x53: {  	v3 =	vperm.xlane v3, v2;
	_ =	sdelay $0x1  }
0x54: {  	s22 =	simm.s32 $0x5000;
	v3 =	vadd.s32 v1, v3  }
0x55: {  	[tilespmem:s22], [sflag:$0x1] =	stream.indirect_vreg.gather [hbm4b:s2+s3], $0x80, v4, vm0, $0xb8;
	[tilespmem:$0x1B800] =	vst v63  }
0x56: {  	s23 =	simm.s32 $0x5800  }
0x57: {  	[tilespmem:s23], [sflag:$0x1] =	stream.indirect_vreg.gather [hbm4b:s5+s3], $0x80, v4, vm1, $0xb8;
	[tilespmem:$0x1B800] =	vst v63  }
0x58: {  	s24 =	simm.s32 $0x5C00  }
0x59: {  	[tilespmem:s24], [sflag:$0x1] =	stream.indirect_vreg.gather [hbm4b:s2+s3], $0x80, v3, vm0, $0xb8;
	[tilespmem:$0x1B800] =	vst v63  }
0x5a: {  	s25 =	simm.s32 $0x6400  }
0x5b: {  	[tilespmem:s25], [sflag:$0x1] =	stream.indirect_vreg.gather [hbm4b:s5+s3], $0x80, v3, vm1, $0xb8;
	[tilespmem:$0x1B800] =	vst v63  }
0x5c: {  	v3 =	vld [tilespmem:$0x40];
	_ =	sdelay $0x4  }
0x5d: {  	v52 =	vshrl.u32 v3, $0x3  }
0x5e: {  	v4 =	vmul.u32 $0x18, v52  }
0x5f: {  	v3 =	vand.u32 $0x7, v3  }
0x60: {  	v3 =	vor.u32 v3, v4  }
0x61: {  	v4 =	vperm.xlane v3, v0;
	_ =	sdelay $0x1  }
0x62: {  	v4 =	vadd.s32 v1, v4;
	_ =	sdelay $0x1  }
0x63: {  	v3 =	vperm.xlane v3, v2;
	_ =	sdelay $0x1  }
0x64: {  	s28 =	simm.s32 $0x6800;
	v3 =	vadd.s32 v1, v3  }
0x65: {  	[tilespmem:s28], [sflag:$0x1] =	stream.indirect_vreg.gather [hbm4b:s2+s3], $0x80, v4, vm0, $0xb8;
	[tilespmem:$0x1B800] =	vst v63  }
0x66: {  	s29 =	simm.s32 $0x7000  }
0x67: {  	[tilespmem:s29], [sflag:$0x1] =	stream.indirect_vreg.gather [hbm4b:s5+s3], $0x80, v4, vm1, $0xb8;
	[tilespmem:$0x1B800] =	vst v63  }
0x68: {  	s30 =	simm.s32 $0x7400  }
0x69: {  	[tilespmem:s30], [sflag:$0x1] =	stream.indirect_vreg.gather [hbm4b:s2+s3], $0x80, v3, vm0, $0xb8;
	[tilespmem:$0x1B800] =	vst v63  }
0x6a: {  	s7 =	simm.s32 $0x7C00  }
0x6b: {  	[tilespmem:s7], [sflag:$0x1] =	stream.indirect_vreg.gather [hbm4b:s5+s3], $0x80, v3, vm1, $0xb8;
	[tilespmem:$0x1B800] =	vst v63  }
0x6c: {  	v3 =	vld [tilespmem:$0x50];
	_ =	sdelay $0x4  }
0x6d: {  	v53 =	vshrl.u32 v3, $0x3  }
0x6e: {  	v4 =	vmul.u32 $0x18, v53  }
0x6f: {  	v3 =	vand.u32 $0x7, v3  }
0x70: {  	v3 =	vor.u32 v3, v4  }
0x71: {  	v4 =	vperm.xlane v3, v0;
	_ =	sdelay $0x1  }
0x72: {  	v4 =	vadd.s32 v1, v4;
	_ =	sdelay $0x1  }
0x73: {  	v3 =	vperm.xlane v3, v2;
	_ =	sdelay $0x1  }
0x74: {  	s8 =	simm.s32 $0x8000;
	v3 =	vadd.s32 v1, v3  }
0x75: {  	[tilespmem:s8], [sflag:$0x1] =	stream.indirect_vreg.gather [hbm4b:s2+s3], $0x80, v4, vm0, $0xb8;
	[tilespmem:$0x1B800] =	vst v63  }
0x76: {  	s10 =	simm.s32 $0x8800  }
0x77: {  	[tilespmem:s10], [sflag:$0x1] =	stream.indirect_vreg.gather [hbm4b:s5+s3], $0x80, v4, vm1, $0xb8;
	[tilespmem:$0x1B800] =	vst v63  }
0x78: {  	s11 =	simm.s32 $0x8C00  }
0x79: {  	[tilespmem:s11], [sflag:$0x1] =	stream.indirect_vreg.gather [hbm4b:s2+s3], $0x80, v3, vm0, $0xb8;
	[tilespmem:$0x1B800] =	vst v63  }
0x7a: {  	s12 =	simm.s32 $0x9400  }
0x7b: {  	[tilespmem:s12], [sflag:$0x1] =	stream.indirect_vreg.gather [hbm4b:s5+s3], $0x80, v3, vm1, $0xb8;
	[tilespmem:$0x1B800] =	vst v63  }
0x7c: {  	v3 =	vld [tilespmem:$0x80];
	_ =	sdelay $0x4  }
0x7d: {  	v54 =	vshrl.u32 v3, $0x3  }
0x7e: {  	v4 =	vmul.u32 $0x18, v54  }
0x7f: {  	v3 =	vand.u32 $0x7, v3  }
0x80: {  	v3 =	vor.u32 v3, v4  }
0x81: {  	v4 =	vperm.xlane v3, v0;
	_ =	sdelay $0x1  }
0x82: {  	v4 =	vadd.s32 v1, v4;
	_ =	sdelay $0x1  }
0x83: {  	v3 =	vperm.xlane v3, v2;
	_ =	sdelay $0x1  }
0x84: {  	s1 =	simm.s32 $0x9800;
	v3 =	vadd.s32 v1, v3  }
0x85: {  	[tilespmem:s1], [sflag:$0x1] =	stream.indirect_vreg.gather [hbm4b:s2+s3], $0x80, v4, vm0, $0xb8;
	[tilespmem:$0x1B800] =	vst v63  }
0x86: {  	s13 =	simm.s32 $0xA000  }
0x87: {  	[tilespmem:s13], [sflag:$0x1] =	stream.indirect_vreg.gather [hbm4b:s5+s3], $0x80, v4, vm1, $0xb8;
	[tilespmem:$0x1B800] =	vst v63  }
0x88: {  	s14 =	simm.s32 $0xA400  }
0x89: {  	[tilespmem:s14], [sflag:$0x1] =	stream.indirect_vreg.gather [hbm4b:s2+s3], $0x80, v3, vm0, $0xb8;
	[tilespmem:$0x1B800] =	vst v63  }
0x8a: {  	s16 =	simm.s32 $0xAC00  }
0x8b: {  	[tilespmem:s16], [sflag:$0x1] =	stream.indirect_vreg.gather [hbm4b:s5+s3], $0x80, v3, vm1, $0xb8;
	[tilespmem:$0x1B800] =	vst v63  }
0x8c: {  	v3 =	vld [tilespmem:$0x90];
	_ =	sdelay $0x4  }
0x8d: {  	v55 =	vshrl.u32 v3, $0x3  }
0x8e: {  	v4 =	vmul.u32 $0x18, v55  }
0x8f: {  	v3 =	vand.u32 $0x7, v3  }
0x90: {  	v3 =	vor.u32 v3, v4  }
0x91: {  	v4 =	vperm.xlane v3, v0;
	_ =	sdelay $0x1  }
0x92: {  	v4 =	vadd.s32 v1, v4;
	_ =	sdelay $0x1  }
0x93: {  	v3 =	vperm.xlane v3, v2;
	_ =	sdelay $0x1  }
0x94: {  	s17 =	simm.s32 $0xB000;
	v3 =	vadd.s32 v1, v3  }
0x95: {  	[tilespmem:s17], [sflag:$0x1] =	stream.indirect_vreg.gather [hbm4b:s2+s3], $0x80, v4, vm0, $0xb8;
	[tilespmem:$0x1B800] =	vst v63  }
0x96: {  	s19 =	simm.s32 $0xB800  }
0x97: {  	[tilespmem:s19], [sflag:$0x1] =	stream.indirect_vreg.gather [hbm4b:s5+s3], $0x80, v4, vm1, $0xb8;
	[tilespmem:$0x1B800] =	vst v63  }
0x98: {  	s20 =	simm.s32 $0xBC00  }
0x99: {  	[tilespmem:s20], [sflag:$0x1] =	stream.indirect_vreg.gather [hbm4b:s2+s3], $0x80, v3, vm0, $0xb8;
	[tilespmem:$0x1B800] =	vst v63  }
0x9a: {  	s22 =	simm.s32 $0xC400  }
0x9b: {  	[tilespmem:s22], [sflag:$0x1] =	stream.indirect_vreg.gather [hbm4b:s5+s3], $0x80, v3, vm1, $0xb8;
	[tilespmem:$0x1B800] =	vst v63  }
0x9c: {  	v3 =	vld [tilespmem:$0xA0];
	_ =	sdelay $0x4  }
0x9d: {  	v56 =	vshrl.u32 v3, $0x3  }
0x9e: {  	v4 =	vmul.u32 $0x18, v56  }
0x9f: {  	v3 =	vand.u32 $0x7, v3  }
0xa0: {  	v3 =	vor.u32 v3, v4  }
0xa1: {  	v4 =	vperm.xlane v3, v0;
	_ =	sdelay $0x1  }
0xa2: {  	v4 =	vadd.s32 v1, v4;
	_ =	sdelay $0x1  }
0xa3: {  	v3 =	vperm.xlane v3, v2;
	_ =	sdelay $0x1  }
0xa4: {  	s23 =	simm.s32 $0xC800;
	v3 =	vadd.s32 v1, v3  }
0xa5: {  	[tilespmem:s23], [sflag:$0x1] =	stream.indirect_vreg.gather [hbm4b:s2+s3], $0x80, v4, vm0, $0xb8;
	[tilespmem:$0x1B800] =	vst v63  }
0xa6: {  	s25 =	simm.s32 $0xD000  }
0xa7: {  	[tilespmem:s25], [sflag:$0x1] =	stream.indirect_vreg.gather [hbm4b:s5+s3], $0x80, v4, vm1, $0xb8;
	[tilespmem:$0x1B800] =	vst v63  }
0xa8: {  	s29 =	simm.s32 $0xD400  }
0xa9: {  	[tilespmem:s29], [sflag:$0x1] =	stream.indirect_vreg.gather [hbm4b:s2+s3], $0x80, v3, vm0, $0xb8;
	[tilespmem:$0x1B800] =	vst v63  }
0xaa: {  	s30 =	simm.s32 $0xDC00  }
0xab: {  	[tilespmem:s30], [sflag:$0x1] =	stream.indirect_vreg.gather [hbm4b:s5+s3], $0x80, v3, vm1, $0xb8;
	[tilespmem:$0x1B800] =	vst v63  }
0xac: {  	v3 =	vld [tilespmem:$0xB0];
	_ =	sdelay $0x4  }
0xad: {  	v57 =	vshrl.u32 v3, $0x3  }
0xae: {  	v4 =	vmul.u32 $0x18, v57  }
0xaf: {  	v3 =	vand.u32 $0x7, v3  }
0xb0: {  	v3 =	vor.u32 v3, v4  }
0xb1: {  	v4 =	vperm.xlane v3, v0;
	_ =	sdelay $0x1  }
0xb2: {  	v4 =	vadd.s32 v1, v4;
	_ =	sdelay $0x1  }
0xb3: {  	v3 =	vperm.xlane v3, v2;
	_ =	sdelay $0x1  }
0xb4: {  	s10 =	simm.s32 $0xE000;
	v3 =	vadd.s32 v1, v3  }
0xb5: {  	[tilespmem:s10], [sflag:$0x1] =	stream.indirect_vreg.gather [hbm4b:s2+s3], $0x80, v4, vm0, $0xb8;
	[tilespmem:$0x1B800] =	vst v63  }
0xb6: {  	s11 =	simm.s32 $0xE800  }
0xb7: {  	[tilespmem:s11], [sflag:$0x1] =	stream.indirect_vreg.gather [hbm4b:s5+s3], $0x80, v4, vm1, $0xb8;
	[tilespmem:$0x1B800] =	vst v63  }
0xb8: {  	s12 =	simm.s32 $0xEC00  }
0xb9: {  	[tilespmem:s12], [sflag:$0x1] =	stream.indirect_vreg.gather [hbm4b:s2+s3], $0x80, v3, vm0, $0xb8;
	[tilespmem:$0x1B800] =	vst v63  }
0xba: {  	s13 =	simm.s32 $0xF400  }
0xbb: {  	[tilespmem:s13], [sflag:$0x1] =	stream.indirect_vreg.gather [hbm4b:s5+s3], $0x80, v3, vm1, $0xb8;
	[tilespmem:$0x1B800] =	vst v63  }
0xbc: {  	v3 =	vld [tilespmem:$0xC0];
	_ =	sdelay $0x4  }
0xbd: {  	v58 =	vshrl.u32 v3, $0x3  }
0xbe: {  	v4 =	vmul.u32 $0x18, v58  }
0xbf: {  	v3 =	vand.u32 $0x7, v3  }
0xc0: {  	v3 =	vor.u32 v3, v4  }
0xc1: {  	v4 =	vperm.xlane v3, v0;
	_ =	sdelay $0x1  }
0xc2: {  	v4 =	vadd.s32 v1, v4;
	_ =	sdelay $0x1  }
0xc3: {  	v3 =	vperm.xlane v3, v2;
	_ =	sdelay $0x1  }
0xc4: {  	s14 =	simm.s32 $0xF800;
	v3 =	vadd.s32 v1, v3  }
0xc5: {  	[tilespmem:s14], [sflag:$0x1] =	stream.indirect_vreg.gather [hbm4b:s2+s3], $0x80, v4, vm0, $0xb8;
	[tilespmem:$0x1B800] =	vst v63  }
0xc6: {  	s16 =	simm.s32 $0x10000  }
0xc7: {  	[tilespmem:s16], [sflag:$0x1] =	stream.indirect_vreg.gather [hbm4b:s5+s3], $0x80, v4, vm1, $0xb8;
	[tilespmem:$0x1B800] =	vst v63  }
0xc8: {  	s17 =	simm.s32 $0x10400  }
0xc9: {  	[tilespmem:s17], [sflag:$0x1] =	stream.indirect_vreg.gather [hbm4b:s2+s3], $0x80, v3, vm0, $0xb8;
	[tilespmem:$0x1B800] =	vst v63  }
0xca: {  	s19 =	simm.s32 $0x10C00  }
0xcb: {  	[tilespmem:s19], [sflag:$0x1] =	stream.indirect_vreg.gather [hbm4b:s5+s3], $0x80, v3, vm1, $0xb8;
	[tilespmem:$0x1B800] =	vst v63  }
0xcc: {  	v3 =	vld [tilespmem:$0xD0];
	_ =	sdelay $0x4  }
0xcd: {  	v59 =	vshrl.u32 v3, $0x3  }
0xce: {  	v4 =	vmul.u32 $0x18, v59  }
0xcf: {  	v3 =	vand.u32 $0x7, v3  }
0xd0: {  	v3 =	vor.u32 v3, v4  }
0xd1: {  	v4 =	vperm.xlane v3, v0;
	_ =	sdelay $0x1  }
0xd2: {  	v4 =	vadd.s32 v1, v4;
	_ =	sdelay $0x1  }
0xd3: {  	v3 =	vperm.xlane v3, v2;
	_ =	sdelay $0x1  }
0xd4: {  	s20 =	simm.s32 $0x11000;
	v3 =	vadd.s32 v1, v3  }
0xd5: {  	[tilespmem:s20], [sflag:$0x1] =	stream.indirect_vreg.gather [hbm4b:s2+s3], $0x80, v4, vm0, $0xb8;
	[tilespmem:$0x1B800] =	vst v63  }
0xd6: {  	s22 =	simm.s32 $0x11800  }
0xd7: {  	[tilespmem:s22], [sflag:$0x1] =	stream.indirect_vreg.gather [hbm4b:s5+s3], $0x80, v4, vm1, $0xb8;
	[tilespmem:$0x1B800] =	vst v63  }
0xd8: {  	s23 =	simm.s32 $0x11C00  }
0xd9: {  	[tilespmem:s23], [sflag:$0x1] =	stream.indirect_vreg.gather [hbm4b:s2+s3], $0x80, v3, vm0, $0xb8;
	[tilespmem:$0x1B800] =	vst v63  }
0xda: {  	s25 =	simm.s32 $0x12400  }
0xdb: {  	[tilespmem:s25], [sflag:$0x1] =	stream.indirect_vreg.gather [hbm4b:s5+s3], $0x80, v3, vm1, $0xb8;
	[tilespmem:$0x1B800] =	vst v63  }
0xdc: {  	_ =	swait.ge [sflag:s31], $0x9000  }
0xdd: {  	[sflag:s31] =	ssyncset.done $0x0  }
0xde: {  	[sflag:s31] =	ssyncadd.s32 $0xFFFF7000  }
0xdf: {  	v3 =	vld [tilespmem:$0x100];
	_ =	sdelay $0x4  }
0xe0: {  	v60 =	vshrl.u32 v3, $0x3  }
0xe1: {  	v4 =	vmul.u32 $0x18, v60  }
0xe2: {  	v3 =	vand.u32 $0x7, v3  }
0xe3: {  	v3 =	vor.u32 v3, v4  }
0xe4: {  	v4 =	vperm.xlane v3, v0;
	_ =	sdelay $0x1  }
0xe5: {  	v4 =	vadd.s32 v1, v4;
	_ =	sdelay $0x1  }
0xe6: {  	v3 =	vperm.xlane v3, v2;
	_ =	sdelay $0x1  }
0xe7: {  	v3 =	vadd.s32 v1, v3  }
0xe8: {  	[tilespmem:s26], [sflag:$0x1] =	stream.indirect_vreg.gather [hbm4b:s2+s3], $0x80, v4, vm0, $0xb8;
	[tilespmem:$0x1B800] =	vst v63  }
0xe9: {  	s10 =	simm.s32 $0x13000  }
0xea: {  	[tilespmem:s10], [sflag:$0x1] =	stream.indirect_vreg.gather [hbm4b:s5+s3], $0x80, v4, vm1, $0xb8;
	[tilespmem:$0x1B800] =	vst v63  }
0xeb: {  	s11 =	simm.s32 $0x13400  }
0xec: {  	[tilespmem:s11], [sflag:$0x1] =	stream.indirect_vreg.gather [hbm4b:s2+s3], $0x80, v3, vm0, $0xb8;
	[tilespmem:$0x1B800] =	vst v63  }
0xed: {  	s12 =	simm.s32 $0x13C00  }
0xee: {  	[tilespmem:s12], [sflag:$0x1] =	stream.indirect_vreg.gather [hbm4b:s5+s3], $0x80, v3, vm1, $0xb8;
	[tilespmem:$0x1B800] =	vst v63  }
0xef: {  	v3 =	vld [tilespmem:$0x110];
	_ =	sdelay $0x4  }
0xf0: {  	v61 =	vshrl.u32 v3, $0x3  }
0xf1: {  	v4 =	vmul.u32 $0x18, v61  }
0xf2: {  	v3 =	vand.u32 $0x7, v3  }
0xf3: {  	v3 =	vor.u32 v3, v4  }
0xf4: {  	v4 =	vperm.xlane v3, v0;
	_ =	sdelay $0x1  }
0xf5: {  	v4 =	vadd.s32 v1, v4;
	_ =	sdelay $0x1  }
0xf6: {  	v3 =	vperm.xlane v3, v2;
	_ =	sdelay $0x1  }
0xf7: {  	s13 =	simm.s32 $0x14000;
	v3 =	vadd.s32 v1, v3  }
0xf8: {  	[tilespmem:s13], [sflag:$0x1] =	stream.indirect_vreg.gather [hbm4b:s2+s3], $0x80, v4, vm0, $0xb8;
	[tilespmem:$0x1B800] =	vst v63  }
0xf9: {  	s14 =	simm.s32 $0x14800  }
0xfa: {  	[tilespmem:s14], [sflag:$0x1] =	stream.indirect_vreg.gather [hbm4b:s5+s3], $0x80, v4, vm1, $0xb8;
	[tilespmem:$0x1B800] =	vst v63  }
0xfb: {  	s16 =	simm.s32 $0x14C00  }
0xfc: {  	[tilespmem:s16], [sflag:$0x1] =	stream.indirect_vreg.gather [hbm4b:s2+s3], $0x80, v3, vm0, $0xb8;
	[tilespmem:$0x1B800] =	vst v63  }
0xfd: {  	s17 =	simm.s32 $0x15400  }
0xfe: {  	[tilespmem:s17], [sflag:$0x1] =	stream.indirect_vreg.gather [hbm4b:s5+s3], $0x80, v3, vm1, $0xb8;
	[tilespmem:$0x1B800] =	vst v63  }
0xff: {  	v3 =	vld [tilespmem:$0x120];
	_ =	sdelay $0x4  }
0x100: {  	v62 =	vshrl.u32 v3, $0x3  }
0x101: {  	v4 =	vmul.u32 $0x18, v62  }
0x102: {  	v3 =	vand.u32 $0x7, v3  }
0x103: {  	v3 =	vor.u32 v3, v4  }
0x104: {  	v4 =	vperm.xlane v3, v0;
	_ =	sdelay $0x1  }
0x105: {  	v4 =	vadd.s32 v1, v4;
	_ =	sdelay $0x1  }
0x106: {  	v3 =	vperm.xlane v3, v2;
	_ =	sdelay $0x1  }
0x107: {  	s19 =	simm.s32 $0x15800;
	v3 =	vadd.s32 v1, v3  }
0x108: {  	[tilespmem:s19], [sflag:$0x1] =	stream.indirect_vreg.gather [hbm4b:s2+s3], $0x80, v4, vm0, $0xb8;
	[tilespmem:$0x1B800] =	vst v63  }
0x109: {  	s20 =	simm.s32 $0x16000  }
0x10a: {  	[tilespmem:s20], [sflag:$0x1] =	stream.indirect_vreg.gather [hbm4b:s5+s3], $0x80, v4, vm1, $0xb8;
	[tilespmem:$0x1B800] =	vst v63  }
0x10b: {  	s22 =	simm.s32 $0x16400  }
0x10c: {  	[tilespmem:s22], [sflag:$0x1] =	stream.indirect_vreg.gather [hbm4b:s2+s3], $0x80, v3, vm0, $0xb8;
	[tilespmem:$0x1B800] =	vst v63  }
0x10d: {  	s23 =	simm.s32 $0x16C00  }
0x10e: {  	[tilespmem:s23], [sflag:$0x1] =	stream.indirect_vreg.gather [hbm4b:s5+s3], $0x80, v3, vm1, $0xb8;
	[tilespmem:$0x1B800] =	vst v63  }
0x10f: {  	v3 =	vld [tilespmem:$0x130];
	_ =	sdelay $0x4  }
0x110: {  	v63 =	vshrl.u32 v3, $0x3  }
0x111: {  	v4 =	vmul.u32 $0x18, v63  }
0x112: {  	v3 =	vand.u32 $0x7, v3  }
0x113: {  	v3 =	vor.u32 v3, v4  }
0x114: {  	v4 =	vperm.xlane v3, v0;
	_ =	sdelay $0x1  }
0x115: {  	v4 =	vadd.s32 v1, v4;
	_ =	sdelay $0x1  }
0x116: {  	v3 =	vperm.xlane v3, v2;
	_ =	sdelay $0x1  }
0x117: {  	s25 =	simm.s32 $0x17000;
	v3 =	vadd.s32 v1, v3  }
0x118: {  	[tilespmem:s25], [sflag:$0x1] =	stream.indirect_vreg.gather [hbm4b:s2+s3], $0x80, v4, vm0, $0xb8;
	[tilespmem:$0x1B800] =	vst v63  }
0x119: {  	s10 =	simm.s32 $0x17800  }
0x11a: {  	[tilespmem:s10], [sflag:$0x1] =	stream.indirect_vreg.gather [hbm4b:s5+s3], $0x80, v4, vm1, $0xb8;
	[tilespmem:$0x1B800] =	vst v63  }
0x11b: {  	s11 =	simm.s32 $0x17C00  }
0x11c: {  	[tilespmem:s11], [sflag:$0x1] =	stream.indirect_vreg.gather [hbm4b:s2+s3], $0x80, v3, vm0, $0xb8;
	[tilespmem:$0x1B800] =	vst v63  }
0x11d: {  	s12 =	simm.s32 $0x18400  }
0x11e: {  	[tilespmem:s12], [sflag:$0x1] =	stream.indirect_vreg.gather [hbm4b:s5+s3], $0x80, v3, vm1, $0xb8;
	[tilespmem:$0x1B800] =	vst v63  }
0x11f: {  	v3 =	vld [tilespmem:$0x140];
	_ =	sdelay $0x4  }
0x120: {  	v8 =	vshrl.u32 v3, $0x3  }
0x121: {  	v4 =	vmul.u32 $0x18, v8  }
0x122: {  	v3 =	vand.u32 $0x7, v3  }
0x123: {  	v3 =	vor.u32 v3, v4  }
0x124: {  	v4 =	vperm.xlane v3, v0;
	_ =	sdelay $0x1  }
0x125: {  	v4 =	vadd.s32 v1, v4;
	_ =	sdelay $0x1  }
0x126: {  	v3 =	vperm.xlane v3, v2;
	_ =	sdelay $0x1  }
0x127: {  	s13 =	simm.s32 $0x18800;
	v3 =	vadd.s32 v1, v3  }
0x128: {  	[tilespmem:s13], [sflag:$0x1] =	stream.indirect_vreg.gather [hbm4b:s2+s3], $0x80, v4, vm0, $0xb8;
	[tilespmem:$0x1B800] =	vst v63  }
0x129: {  	s14 =	simm.s32 $0x19000  }
0x12a: {  	[tilespmem:s14], [sflag:$0x1] =	stream.indirect_vreg.gather [hbm4b:s5+s3], $0x80, v4, vm1, $0xb8;
	[tilespmem:$0x1B800] =	vst v63  }
0x12b: {  	s16 =	simm.s32 $0x19400  }
0x12c: {  	[tilespmem:s16], [sflag:$0x1] =	stream.indirect_vreg.gather [hbm4b:s2+s3], $0x80, v3, vm0, $0xb8;
	[tilespmem:$0x1B800] =	vst v63  }
0x12d: {  	s17 =	simm.s32 $0x19C00  }
0x12e: {  	[tilespmem:s17], [sflag:$0x1] =	stream.indirect_vreg.gather [hbm4b:s5+s3], $0x80, v3, vm1, $0xb8;
	[tilespmem:$0x1B800] =	vst v63  }
0x12f: {  	v3 =	vld [tilespmem:$0x150];
	_ =	sdelay $0x4  }
0x130: {  	v9 =	vshrl.u32 v3, $0x3  }
0x131: {  	v4 =	vmul.u32 $0x18, v9  }
0x132: {  	v3 =	vand.u32 $0x7, v3  }
0x133: {  	v3 =	vor.u32 v3, v4  }
0x134: {  	v4 =	vperm.xlane v3, v0;
	_ =	sdelay $0x1  }
0x135: {  	v4 =	vadd.s32 v1, v4;
	_ =	sdelay $0x1  }
0x136: {  	v3 =	vperm.xlane v3, v2;
	_ =	sdelay $0x1  }
0x137: {  	s19 =	simm.s32 $0x1A000;
	v3 =	vadd.s32 v1, v3  }
0x138: {  	[tilespmem:s19], [sflag:$0x1] =	stream.indirect_vreg.gather [hbm4b:s2+s3], $0x80, v4, vm0, $0xb8;
	[tilespmem:$0x1B800] =	vst v63  }
0x139: {  	s20 =	simm.s32 $0x1A800  }
0x13a: {  	[tilespmem:s20], [sflag:$0x1] =	stream.indirect_vreg.gather [hbm4b:s5+s3], $0x80, v4, vm1, $0xb8;
	[tilespmem:$0x1B800] =	vst v63  }
0x13b: {  	s22 =	simm.s32 $0x1AC00  }
0x13c: {  	[tilespmem:s22], [sflag:$0x1] =	stream.indirect_vreg.gather [hbm4b:s2+s3], $0x80, v3, vm0, $0xb8;
	[tilespmem:$0x1B800] =	vst v63  }
0x13d: {  	s23 =	simm.s32 $0x1B400  }
0x13e: {  	[tilespmem:s23], [sflag:$0x1] =	stream.indirect_vreg.gather [hbm4b:s5+s3], $0x80, v3, vm1, $0xb8;
	[tilespmem:$0x1B800] =	vst v63  }
0x13f: {  	s25 =	rddreg [dreg:$0x10]  }
0x140: {  	[hbm4b:s25+s3] =	stream.linear.scatter [tilespmem:s0], [sflag:$0x2], $0x9000, $0x38;
	[tilespmem:$0x1B800] =	vst v63  }
0x141: {  	_ =	swait.ge [sflag:s31], $0x9000  }
0x142: {  	[sflag:s31] =	ssyncset.done $0x0  }
0x143: {  	[sflag:s31] =	ssyncadd.s32 $0xFFFF7000  }
0x144: {  	_ =	swait.ge [sflag:s4], $0x9000  }
0x145: {  	[sflag:s4] =	ssyncset.done $0x0  }
0x146: {  	[sflag:s4] =	ssyncadd.s32 $0xFFFF7000  }
0x147: {  	v3 =	vld [tilespmem:$0x180];
	_ =	sdelay $0x4  }
0x148: {  	v10 =	vshrl.u32 v3, $0x3  }
0x149: {  	v4 =	vmul.u32 $0x18, v10  }
0x14a: {  	v3 =	vand.u32 $0x7, v3  }
0x14b: {  	v3 =	vor.u32 v3, v4  }
0x14c: {  	v4 =	vperm.xlane v3, v0;
	_ =	sdelay $0x1  }
0x14d: {  	v4 =	vadd.s32 v1, v4;
	_ =	sdelay $0x1  }
0x14e: {  	v3 =	vperm.xlane v3, v2;
	_ =	sdelay $0x1  }
0x14f: {  	v3 =	vadd.s32 v1, v3  }
0x150: {  	[tilespmem:s0], [sflag:$0x1] =	stream.indirect_vreg.gather [hbm4b:s2+s3], $0x80, v4, vm0, $0xb8;
	[tilespmem:$0x1B800] =	vst v63  }
0x151: {  	s10 =	simm.s32 $0x1000  }
0x152: {  	[tilespmem:s10], [sflag:$0x1] =	stream.indirect_vreg.gather [hbm4b:s5+s3], $0x80, v4, vm1, $0xb8;
	[tilespmem:$0x1B800] =	vst v63  }
0x153: {  	s11 =	simm.s32 $0x1400  }
0x154: {  	[tilespmem:s11], [sflag:$0x1] =	stream.indirect_vreg.gather [hbm4b:s2+s3], $0x80, v3, vm0, $0xb8;
	[tilespmem:$0x1B800] =	vst v63  }
0x155: {  	s9 =	simm.s32 $0x1C00  }
0x156: {  	[tilespmem:s9], [sflag:$0x1] =	stream.indirect_vreg.gather [hbm4b:s5+s3], $0x80, v3, vm1, $0xb8;
	[tilespmem:$0x1B800] =	vst v63  }
0x157: {  	v3 =	vld [tilespmem:$0x190];
	_ =	sdelay $0x4  }
0x158: {  	v11 =	vshrl.u32 v3, $0x3  }
0x159: {  	v4 =	vmul.u32 $0x18, v11  }
0x15a: {  	v3 =	vand.u32 $0x7, v3  }
0x15b: {  	v3 =	vor.u32 v3, v4  }
0x15c: {  	v4 =	vperm.xlane v3, v0;
	_ =	sdelay $0x1  }
0x15d: {  	v4 =	vadd.s32 v1, v4;
	_ =	sdelay $0x1  }
0x15e: {  	v3 =	vperm.xlane v3, v2;
	_ =	sdelay $0x1  }
0x15f: {  	s12 =	simm.s32 $0x2000;
	v3 =	vadd.s32 v1, v3  }
0x160: {  	[tilespmem:s12], [sflag:$0x1] =	stream.indirect_vreg.gather [hbm4b:s2+s3], $0x80, v4, vm0, $0xb8;
	[tilespmem:$0x1B800] =	vst v63  }
0x161: {  	s13 =	simm.s32 $0x2800  }
0x162: {  	[tilespmem:s13], [sflag:$0x1] =	stream.indirect_vreg.gather [hbm4b:s5+s3], $0x80, v4, vm1, $0xb8;
	[tilespmem:$0x1B800] =	vst v63  }
0x163: {  	s14 =	simm.s32 $0x2C00  }
0x164: {  	[tilespmem:s14], [sflag:$0x1] =	stream.indirect_vreg.gather [hbm4b:s2+s3], $0x80, v3, vm0, $0xb8;
	[tilespmem:$0x1B800] =	vst v63  }
0x165: {  	s15 =	simm.s32 $0x3400  }
0x166: {  	[tilespmem:s15], [sflag:$0x1] =	stream.indirect_vreg.gather [hbm4b:s5+s3], $0x80, v3, vm1, $0xb8;
	[tilespmem:$0x1B800] =	vst v63  }
0x167: {  	v3 =	vld [tilespmem:$0x1A0];
	_ =	sdelay $0x4  }
0x168: {  	v12 =	vshrl.u32 v3, $0x3  }
0x169: {  	v4 =	vmul.u32 $0x18, v12  }
0x16a: {  	v3 =	vand.u32 $0x7, v3  }
0x16b: {  	v3 =	vor.u32 v3, v4  }
0x16c: {  	v4 =	vperm.xlane v3, v0;
	_ =	sdelay $0x1  }
0x16d: {  	v4 =	vadd.s32 v1, v4;
	_ =	sdelay $0x1  }
0x16e: {  	v3 =	vperm.xlane v3, v2;
	_ =	sdelay $0x1  }
0x16f: {  	s15 =	simm.s32 $0x3800;
	v3 =	vadd.s32 v1, v3  }
0x170: {  	[tilespmem:s15], [sflag:$0x1] =	stream.indirect_vreg.gather [hbm4b:s2+s3], $0x80, v4, vm0, $0xb8;
	[tilespmem:$0x1B800] =	vst v63  }
0x171: {  	s16 =	simm.s32 $0x4000  }
0x172: {  	[tilespmem:s16], [sflag:$0x1] =	stream.indirect_vreg.gather [hbm4b:s5+s3], $0x80, v4, vm1, $0xb8;
	[tilespmem:$0x1B800] =	vst v63  }
0x173: {  	s17 =	simm.s32 $0x4400  }
0x174: {  	[tilespmem:s17], [sflag:$0x1] =	stream.indirect_vreg.gather [hbm4b:s2+s3], $0x80, v3, vm0, $0xb8;
	[tilespmem:$0x1B800] =	vst v63  }
0x175: {  	s18 =	simm.s32 $0x4C00  }
0x176: {  	[tilespmem:s18], [sflag:$0x1] =	stream.indirect_vreg.gather [hbm4b:s5+s3], $0x80, v3, vm1, $0xb8;
	[tilespmem:$0x1B800] =	vst v63  }
0x177: {  	v3 =	vld [tilespmem:$0x1B0];
	_ =	sdelay $0x4  }
0x178: {  	v13 =	vshrl.u32 v3, $0x3  }
0x179: {  	v4 =	vmul.u32 $0x18, v13  }
0x17a: {  	v3 =	vand.u32 $0x7, v3  }
0x17b: {  	v3 =	vor.u32 v3, v4  }
0x17c: {  	v4 =	vperm.xlane v3, v0;
	_ =	sdelay $0x1  }
0x17d: {  	v4 =	vadd.s32 v1, v4;
	_ =	sdelay $0x1  }
0x17e: {  	v3 =	vperm.xlane v3, v2;
	_ =	sdelay $0x1  }
0x17f: {  	s18 =	simm.s32 $0x5000;
	v3 =	vadd.s32 v1, v3  }
0x180: {  	[tilespmem:s18], [sflag:$0x1] =	stream.indirect_vreg.gather [hbm4b:s2+s3], $0x80, v4, vm0, $0xb8;
	[tilespmem:$0x1B800] =	vst v63  }
0x181: {  	s19 =	simm.s32 $0x5800  }
0x182: {  	[tilespmem:s19], [sflag:$0x1] =	stream.indirect_vreg.gather [hbm4b:s5+s3], $0x80, v4, vm1, $0xb8;
	[tilespmem:$0x1B800] =	vst v63  }
0x183: {  	s20 =	simm.s32 $0x5C00  }
0x184: {  	[tilespmem:s20], [sflag:$0x1] =	stream.indirect_vreg.gather [hbm4b:s2+s3], $0x80, v3, vm0, $0xb8;
	[tilespmem:$0x1B800] =	vst v63  }
0x185: {  	s21 =	simm.s32 $0x6400  }
0x186: {  	[tilespmem:s21], [sflag:$0x1] =	stream.indirect_vreg.gather [hbm4b:s5+s3], $0x80, v3, vm1, $0xb8;
	[tilespmem:$0x1B800] =	vst v63  }
0x187: {  	v3 =	vld [tilespmem:$0x1C0];
	_ =	sdelay $0x4  }
0x188: {  	v14 =	vshrl.u32 v3, $0x3  }
0x189: {  	v4 =	vmul.u32 $0x18, v14  }
0x18a: {  	v3 =	vand.u32 $0x7, v3  }
0x18b: {  	v3 =	vor.u32 v3, v4  }
0x18c: {  	v4 =	vperm.xlane v3, v0;
	_ =	sdelay $0x1  }
0x18d: {  	v4 =	vadd.s32 v1, v4;
	_ =	sdelay $0x1  }
0x18e: {  	v3 =	vperm.xlane v3, v2;
	_ =	sdelay $0x1  }
0x18f: {  	s21 =	simm.s32 $0x6800;
	v3 =	vadd.s32 v1, v3  }
0x190: {  	[tilespmem:s21], [sflag:$0x1] =	stream.indirect_vreg.gather [hbm4b:s2+s3], $0x80, v4, vm0, $0xb8;
	[tilespmem:$0x1B800] =	vst v63  }
0x191: {  	s22 =	simm.s32 $0x7000  }
0x192: {  	[tilespmem:s22], [sflag:$0x1] =	stream.indirect_vreg.gather [hbm4b:s5+s3], $0x80, v4, vm1, $0xb8;
	[tilespmem:$0x1B800] =	vst v63  }
0x193: {  	s23 =	simm.s32 $0x7400  }
0x194: {  	[tilespmem:s23], [sflag:$0x1] =	stream.indirect_vreg.gather [hbm4b:s2+s3], $0x80, v3, vm0, $0xb8;
	[tilespmem:$0x1B800] =	vst v63  }
0x195: {  	s24 =	simm.s32 $0x7C00  }
0x196: {  	[tilespmem:s24], [sflag:$0x1] =	stream.indirect_vreg.gather [hbm4b:s5+s3], $0x80, v3, vm1, $0xb8;
	[tilespmem:$0x1B800] =	vst v63  }
0x197: {  	v3 =	vld [tilespmem:$0x1D0];
	_ =	sdelay $0x4  }
0x198: {  	v15 =	vshrl.u32 v3, $0x3  }
0x199: {  	v4 =	vmul.u32 $0x18, v15  }
0x19a: {  	v3 =	vand.u32 $0x7, v3  }
0x19b: {  	v3 =	vor.u32 v3, v4  }
0x19c: {  	v4 =	vperm.xlane v3, v0;
	_ =	sdelay $0x1  }
0x19d: {  	v4 =	vadd.s32 v1, v4;
	_ =	sdelay $0x1  }
0x19e: {  	v3 =	vperm.xlane v3, v2;
	_ =	sdelay $0x1  }
0x19f: {  	s24 =	simm.s32 $0x8000;
	v3 =	vadd.s32 v1, v3  }
0x1a0: {  	[tilespmem:s24], [sflag:$0x1] =	stream.indirect_vreg.gather [hbm4b:s2+s3], $0x80, v4, vm0, $0xb8;
	[tilespmem:$0x1B800] =	vst v63  }
0x1a1: {  	s25 =	simm.s32 $0x8800  }
0x1a2: {  	[tilespmem:s25], [sflag:$0x1] =	stream.indirect_vreg.gather [hbm4b:s5+s3], $0x80, v4, vm1, $0xb8;
	[tilespmem:$0x1B800] =	vst v63  }
0x1a3: {  	s9 =	simm.s32 $0x8C00  }
0x1a4: {  	[tilespmem:s9], [sflag:$0x1] =	stream.indirect_vreg.gather [hbm4b:s2+s3], $0x80, v3, vm0, $0xb8;
	[tilespmem:$0x1B800] =	vst v63  }
0x1a5: {  	s8 =	simm.s32 $0x9400  }
0x1a6: {  	[tilespmem:s8], [sflag:$0x1] =	stream.indirect_vreg.gather [hbm4b:s5+s3], $0x80, v3, vm1, $0xb8;
	[tilespmem:$0x1B800] =	vst v63  }
0x1a7: {  	s7 =	rddreg [dreg:$0x5]  }
0x1a8: {  	[hbm4b:s7+s3] =	stream.linear.scatter [tilespmem:s1], [sflag:$0x2], $0x9000, $0x38;
	[tilespmem:$0x1B800] =	vst v63  }
0x1a9: {  	_ =	swait.ge [sflag:s31], $0x9000  }
0x1aa: {  	[sflag:s31] =	ssyncset.done $0x0  }
0x1ab: {  	[sflag:s31] =	ssyncadd.s32 $0xFFFF7000  }
0x1ac: {  	_ =	swait.ge [sflag:s4], $0x9000  }
0x1ad: {  	[sflag:s4] =	ssyncset.done $0x0  }
0x1ae: {  	[sflag:s4] =	ssyncadd.s32 $0xFFFF7000  }
0x1af: {  	v3 =	vld [tilespmem:$0x200];
	_ =	sdelay $0x4  }
0x1b0: {  	v16 =	vshrl.u32 v3, $0x3  }
0x1b1: {  	v4 =	vmul.u32 $0x18, v16  }
0x1b2: {  	v3 =	vand.u32 $0x7, v3  }
0x1b3: {  	v3 =	vor.u32 v3, v4  }
0x1b4: {  	v4 =	vperm.xlane v3, v0;
	_ =	sdelay $0x1  }
0x1b5: {  	v4 =	vadd.s32 v1, v4;
	_ =	sdelay $0x1  }
0x1b6: {  	v3 =	vperm.xlane v3, v2;
	_ =	sdelay $0x1  }
0x1b7: {  	v3 =	vadd.s32 v1, v3  }
0x1b8: {  	[tilespmem:s1], [sflag:$0x1] =	stream.indirect_vreg.gather [hbm4b:s2+s3], $0x80, v4, vm0, $0xb8;
	[tilespmem:$0x1B800] =	vst v63  }
0x1b9: {  	s8 =	simm.s32 $0xA000  }
0x1ba: {  	[tilespmem:s8], [sflag:$0x1] =	stream.indirect_vreg.gather [hbm4b:s5+s3], $0x80, v4, vm1, $0xb8;
	[tilespmem:$0x1B800] =	vst v63  }
0x1bb: {  	s8 =	simm.s32 $0xA400  }
0x1bc: {  	[tilespmem:s8], [sflag:$0x1] =	stream.indirect_vreg.gather [hbm4b:s2+s3], $0x80, v3, vm0, $0xb8;
	[tilespmem:$0x1B800] =	vst v63  }
0x1bd: {  	s8 =	simm.s32 $0xAC00  }
0x1be: {  	[tilespmem:s8], [sflag:$0x1] =	stream.indirect_vreg.gather [hbm4b:s5+s3], $0x80, v3, vm1, $0xb8;
	[tilespmem:$0x1B800] =	vst v63  }
0x1bf: {  	v3 =	vld [tilespmem:$0x210];
	_ =	sdelay $0x4  }
0x1c0: {  	v17 =	vshrl.u32 v3, $0x3  }
0x1c1: {  	v4 =	vmul.u32 $0x18, v17  }
0x1c2: {  	v3 =	vand.u32 $0x7, v3  }
0x1c3: {  	v3 =	vor.u32 v3, v4  }
0x1c4: {  	v4 =	vperm.xlane v3, v0;
	_ =	sdelay $0x1  }
0x1c5: {  	v4 =	vadd.s32 v1, v4;
	_ =	sdelay $0x1  }
0x1c6: {  	v3 =	vperm.xlane v3, v2;
	_ =	sdelay $0x1  }
0x1c7: {  	s8 =	simm.s32 $0xB000;
	v3 =	vadd.s32 v1, v3  }
0x1c8: {  	[tilespmem:s8], [sflag:$0x1] =	stream.indirect_vreg.gather [hbm4b:s2+s3], $0x80, v4, vm0, $0xb8;
	[tilespmem:$0x1B800] =	vst v63  }
0x1c9: {  	s8 =	simm.s32 $0xB800  }
0x1ca: {  	[tilespmem:s8], [sflag:$0x1] =	stream.indirect_vreg.gather [hbm4b:s5+s3], $0x80, v4, vm1, $0xb8;
	[tilespmem:$0x1B800] =	vst v63  }
0x1cb: {  	s8 =	simm.s32 $0xBC00  }
0x1cc: {  	[tilespmem:s8], [sflag:$0x1] =	stream.indirect_vreg.gather [hbm4b:s2+s3], $0x80, v3, vm0, $0xb8;
	[tilespmem:$0x1B800] =	vst v63  }
0x1cd: {  	s28 =	simm.s32 $0xC400  }
0x1ce: {  	[tilespmem:s28], [sflag:$0x1] =	stream.indirect_vreg.gather [hbm4b:s5+s3], $0x80, v3, vm1, $0xb8;
	[tilespmem:$0x1B800] =	vst v63  }
0x1cf: {  	v3 =	vld [tilespmem:$0x220];
	_ =	sdelay $0x4  }
0x1d0: {  	v18 =	vshrl.u32 v3, $0x3  }
0x1d1: {  	v4 =	vmul.u32 $0x18, v18  }
0x1d2: {  	v3 =	vand.u32 $0x7, v3  }
0x1d3: {  	v3 =	vor.u32 v3, v4  }
0x1d4: {  	v4 =	vperm.xlane v3, v0;
	_ =	sdelay $0x1  }
0x1d5: {  	v4 =	vadd.s32 v1, v4;
	_ =	sdelay $0x1  }
0x1d6: {  	v3 =	vperm.xlane v3, v2;
	_ =	sdelay $0x1  }
0x1d7: {  	s28 =	simm.s32 $0xC800;
	v3 =	vadd.s32 v1, v3  }
0x1d8: {  	[tilespmem:s28], [sflag:$0x1] =	stream.indirect_vreg.gather [hbm4b:s2+s3], $0x80, v4, vm0, $0xb8;
	[tilespmem:$0x1B800] =	vst v63  }
0x1d9: {  	s8 =	simm.s32 $0xD000  }
0x1da: {  	[tilespmem:s8], [sflag:$0x1] =	stream.indirect_vreg.gather [hbm4b:s5+s3], $0x80, v4, vm1, $0xb8;
	[tilespmem:$0x1B800] =	vst v63  }
0x1db: {  	s28 =	simm.s32 $0xD400  }
0x1dc: {  	[tilespmem:s28], [sflag:$0x1] =	stream.indirect_vreg.gather [hbm4b:s2+s3], $0x80, v3, vm0, $0xb8;
	[tilespmem:$0x1B800] =	vst v63  }
0x1dd: {  	s29 =	simm.s32 $0xDC00  }
0x1de: {  	[tilespmem:s29], [sflag:$0x1] =	stream.indirect_vreg.gather [hbm4b:s5+s3], $0x80, v3, vm1, $0xb8;
	[tilespmem:$0x1B800] =	vst v63  }
0x1df: {  	v3 =	vld [tilespmem:$0x230];
	_ =	sdelay $0x4  }
0x1e0: {  	v19 =	vshrl.u32 v3, $0x3  }
0x1e1: {  	v4 =	vmul.u32 $0x18, v19  }
0x1e2: {  	v3 =	vand.u32 $0x7, v3  }
0x1e3: {  	v3 =	vor.u32 v3, v4  }
0x1e4: {  	v4 =	vperm.xlane v3, v0;
	_ =	sdelay $0x1  }
0x1e5: {  	v4 =	vadd.s32 v1, v4;
	_ =	sdelay $0x1  }
0x1e6: {  	v3 =	vperm.xlane v3, v2;
	_ =	sdelay $0x1  }
0x1e7: {  	s8 =	simm.s32 $0xE000;
	v3 =	vadd.s32 v1, v3  }
0x1e8: {  	[tilespmem:s8], [sflag:$0x1] =	stream.indirect_vreg.gather [hbm4b:s2+s3], $0x80, v4, vm0, $0xb8;
	[tilespmem:$0x1B800] =	vst v63  }
0x1e9: {  	s28 =	simm.s32 $0xE800  }
0x1ea: {  	[tilespmem:s28], [sflag:$0x1] =	stream.indirect_vreg.gather [hbm4b:s5+s3], $0x80, v4, vm1, $0xb8;
	[tilespmem:$0x1B800] =	vst v63  }
0x1eb: {  	s29 =	simm.s32 $0xEC00  }
0x1ec: {  	[tilespmem:s29], [sflag:$0x1] =	stream.indirect_vreg.gather [hbm4b:s2+s3], $0x80, v3, vm0, $0xb8;
	[tilespmem:$0x1B800] =	vst v63  }
0x1ed: {  	s30 =	simm.s32 $0xF400  }
0x1ee: {  	[tilespmem:s30], [sflag:$0x1] =	stream.indirect_vreg.gather [hbm4b:s5+s3], $0x80, v3, vm1, $0xb8;
	[tilespmem:$0x1B800] =	vst v63  }
0x1ef: {  	v3 =	vld [tilespmem:$0x240];
	_ =	sdelay $0x4  }
0x1f0: {  	v20 =	vshrl.u32 v3, $0x3  }
0x1f1: {  	v4 =	vmul.u32 $0x18, v20  }
0x1f2: {  	v3 =	vand.u32 $0x7, v3  }
0x1f3: {  	v3 =	vor.u32 v3, v4  }
0x1f4: {  	v4 =	vperm.xlane v3, v0;
	_ =	sdelay $0x1  }
0x1f5: {  	v4 =	vadd.s32 v1, v4;
	_ =	sdelay $0x1  }
0x1f6: {  	v3 =	vperm.xlane v3, v2;
	_ =	sdelay $0x1  }
0x1f7: {  	s30 =	simm.s32 $0xF800;
	v3 =	vadd.s32 v1, v3  }
0x1f8: {  	[tilespmem:s30], [sflag:$0x1] =	stream.indirect_vreg.gather [hbm4b:s2+s3], $0x80, v4, vm0, $0xb8;
	[tilespmem:$0x1B800] =	vst v63  }
0x1f9: {  	s8 =	simm.s32 $0x10000  }
0x1fa: {  	[tilespmem:s8], [sflag:$0x1] =	stream.indirect_vreg.gather [hbm4b:s5+s3], $0x80, v4, vm1, $0xb8;
	[tilespmem:$0x1B800] =	vst v63  }
0x1fb: {  	s28 =	simm.s32 $0x10400  }
0x1fc: {  	[tilespmem:s28], [sflag:$0x1] =	stream.indirect_vreg.gather [hbm4b:s2+s3], $0x80, v3, vm0, $0xb8;
	[tilespmem:$0x1B800] =	vst v63  }
0x1fd: {  	s29 =	simm.s32 $0x10C00  }
0x1fe: {  	[tilespmem:s29], [sflag:$0x1] =	stream.indirect_vreg.gather [hbm4b:s5+s3], $0x80, v3, vm1, $0xb8;
	[tilespmem:$0x1B800] =	vst v63  }
0x1ff: {  	v3 =	vld [tilespmem:$0x250];
	_ =	sdelay $0x4  }
0x200: {  	v21 =	vshrl.u32 v3, $0x3  }
0x201: {  	v4 =	vmul.u32 $0x18, v21  }
0x202: {  	v3 =	vand.u32 $0x7, v3  }
0x203: {  	v3 =	vor.u32 v3, v4  }
0x204: {  	v4 =	vperm.xlane v3, v0;
	_ =	sdelay $0x1  }
0x205: {  	v4 =	vadd.s32 v1, v4;
	_ =	sdelay $0x1  }
0x206: {  	v3 =	vperm.xlane v3, v2;
	_ =	sdelay $0x1  }
0x207: {  	s30 =	simm.s32 $0x11000;
	v3 =	vadd.s32 v1, v3  }
0x208: {  	[tilespmem:s30], [sflag:$0x1] =	stream.indirect_vreg.gather [hbm4b:s2+s3], $0x80, v4, vm0, $0xb8;
	[tilespmem:$0x1B800] =	vst v63  }
0x209: {  	s8 =	simm.s32 $0x11800  }
0x20a: {  	[tilespmem:s8], [sflag:$0x1] =	stream.indirect_vreg.gather [hbm4b:s5+s3], $0x80, v4, vm1, $0xb8;
	[tilespmem:$0x1B800] =	vst v63  }
0x20b: {  	s28 =	simm.s32 $0x11C00  }
0x20c: {  	[tilespmem:s28], [sflag:$0x1] =	stream.indirect_vreg.gather [hbm4b:s2+s3], $0x80, v3, vm0, $0xb8;
	[tilespmem:$0x1B800] =	vst v63  }
0x20d: {  	s30 =	simm.s32 $0x12400  }
0x20e: {  	[tilespmem:s30], [sflag:$0x1] =	stream.indirect_vreg.gather [hbm4b:s5+s3], $0x80, v3, vm1, $0xb8;
	[tilespmem:$0x1B800] =	vst v63  }
0x20f: {  	s29 =	rddreg [dreg:$0x6]  }
0x210: {  	[hbm4b:s29+s3] =	stream.linear.scatter [tilespmem:s26], [sflag:$0x2], $0x9000, $0x38;
	[tilespmem:$0x1B800] =	vst v63  }
0x211: {  	_ =	swait.ge [sflag:s31], $0x9000  }
0x212: {  	[sflag:s31] =	ssyncset.done $0x0  }
0x213: {  	[sflag:s31] =	ssyncadd.s32 $0xFFFF7000  }
0x214: {  	_ =	swait.ge [sflag:s4], $0x9000  }
0x215: {  	[sflag:s4] =	ssyncset.done $0x0  }
0x216: {  	[sflag:s4] =	ssyncadd.s32 $0xFFFF7000  }
0x217: {  	v3 =	vld [tilespmem:$0x280];
	_ =	sdelay $0x4  }
0x218: {  	v22 =	vshrl.u32 v3, $0x3  }
0x219: {  	v4 =	vmul.u32 $0x18, v22  }
0x21a: {  	v3 =	vand.u32 $0x7, v3  }
0x21b: {  	v3 =	vor.u32 v3, v4  }
0x21c: {  	v4 =	vperm.xlane v3, v0;
	_ =	sdelay $0x1  }
0x21d: {  	v4 =	vadd.s32 v1, v4;
	_ =	sdelay $0x1  }
0x21e: {  	v3 =	vperm.xlane v3, v2;
	_ =	sdelay $0x1  }
0x21f: {  	v3 =	vadd.s32 v1, v3  }
0x220: {  	[tilespmem:s26], [sflag:$0x1] =	stream.indirect_vreg.gather [hbm4b:s2+s3], $0x80, v4, vm0, $0xb8;
	[tilespmem:$0x1B800] =	vst v63  }
0x221: {  	s28 =	simm.s32 $0x13000  }
0x222: {  	[tilespmem:s28], [sflag:$0x1] =	stream.indirect_vreg.gather [hbm4b:s5+s3], $0x80, v4, vm1, $0xb8;
	[tilespmem:$0x1B800] =	vst v63  }
0x223: {  	s29 =	simm.s32 $0x13400  }
0x224: {  	[tilespmem:s29], [sflag:$0x1] =	stream.indirect_vreg.gather [hbm4b:s2+s3], $0x80, v3, vm0, $0xb8;
	[tilespmem:$0x1B800] =	vst v63  }
0x225: {  	s30 =	simm.s32 $0x13C00  }
0x226: {  	[tilespmem:s30], [sflag:$0x1] =	stream.indirect_vreg.gather [hbm4b:s5+s3], $0x80, v3, vm1, $0xb8;
	[tilespmem:$0x1B800] =	vst v63  }
0x227: {  	v3 =	vld [tilespmem:$0x290];
	_ =	sdelay $0x4  }
0x228: {  	v23 =	vshrl.u32 v3, $0x3  }
0x229: {  	v4 =	vmul.u32 $0x18, v23  }
0x22a: {  	v3 =	vand.u32 $0x7, v3  }
0x22b: {  	v3 =	vor.u32 v3, v4  }
0x22c: {  	v4 =	vperm.xlane v3, v0;
	_ =	sdelay $0x1  }
0x22d: {  	v4 =	vadd.s32 v1, v4;
	_ =	sdelay $0x1  }
0x22e: {  	v3 =	vperm.xlane v3, v2;
	_ =	sdelay $0x1  }
0x22f: {  	s8 =	simm.s32 $0x14000;
	v3 =	vadd.s32 v1, v3  }
0x230: {  	[tilespmem:s8], [sflag:$0x1] =	stream.indirect_vreg.gather [hbm4b:s2+s3], $0x80, v4, vm0, $0xb8;
	[tilespmem:$0x1B800] =	vst v63  }
0x231: {  	s30 =	simm.s32 $0x14800  }
0x232: {  	[tilespmem:s30], [sflag:$0x1] =	stream.indirect_vreg.gather [hbm4b:s5+s3], $0x80, v4, vm1, $0xb8;
	[tilespmem:$0x1B800] =	vst v63  }
0x233: {  	s8 =	simm.s32 $0x14C00  }
0x234: {  	[tilespmem:s8], [sflag:$0x1] =	stream.indirect_vreg.gather [hbm4b:s2+s3], $0x80, v3, vm0, $0xb8;
	[tilespmem:$0x1B800] =	vst v63  }
0x235: {  	s8 =	simm.s32 $0x15400  }
0x236: {  	[tilespmem:s8], [sflag:$0x1] =	stream.indirect_vreg.gather [hbm4b:s5+s3], $0x80, v3, vm1, $0xb8;
	[tilespmem:$0x1B800] =	vst v63  }
0x237: {  	v3 =	vld [tilespmem:$0x2A0];
	_ =	sdelay $0x4  }
0x238: {  	v24 =	vshrl.u32 v3, $0x3  }
0x239: {  	v4 =	vmul.u32 $0x18, v24  }
0x23a: {  	v3 =	vand.u32 $0x7, v3  }
0x23b: {  	v3 =	vor.u32 v3, v4  }
0x23c: {  	v4 =	vperm.xlane v3, v0;
	_ =	sdelay $0x1  }
0x23d: {  	v4 =	vadd.s32 v1, v4;
	_ =	sdelay $0x1  }
0x23e: {  	v3 =	vperm.xlane v3, v2;
	_ =	sdelay $0x1  }
0x23f: {  	s8 =	simm.s32 $0x15800;
	v3 =	vadd.s32 v1, v3  }
0x240: {  	[tilespmem:s8], [sflag:$0x1] =	stream.indirect_vreg.gather [hbm4b:s2+s3], $0x80, v4, vm0, $0xb8;
	[tilespmem:$0x1B800] =	vst v63  }
0x241: {  	s8 =	simm.s32 $0x16000  }
0x242: {  	[tilespmem:s8], [sflag:$0x1] =	stream.indirect_vreg.gather [hbm4b:s5+s3], $0x80, v4, vm1, $0xb8;
	[tilespmem:$0x1B800] =	vst v63  }
0x243: {  	s8 =	simm.s32 $0x16400  }
0x244: {  	[tilespmem:s8], [sflag:$0x1] =	stream.indirect_vreg.gather [hbm4b:s2+s3], $0x80, v3, vm0, $0xb8;
	[tilespmem:$0x1B800] =	vst v63  }
0x245: {  	s8 =	simm.s32 $0x16C00  }
0x246: {  	[tilespmem:s8], [sflag:$0x1] =	stream.indirect_vreg.gather [hbm4b:s5+s3], $0x80, v3, vm1, $0xb8;
	[tilespmem:$0x1B800] =	vst v63  }
0x247: {  	v3 =	vld [tilespmem:$0x2B0];
	_ =	sdelay $0x4  }
0x248: {  	v25 =	vshrl.u32 v3, $0x3  }
0x249: {  	v4 =	vmul.u32 $0x18, v25  }
0x24a: {  	v3 =	vand.u32 $0x7, v3  }
0x24b: {  	v3 =	vor.u32 v3, v4  }
0x24c: {  	v4 =	vperm.xlane v3, v0;
	_ =	sdelay $0x1  }
0x24d: {  	v4 =	vadd.s32 v1, v4;
	_ =	sdelay $0x1  }
0x24e: {  	v3 =	vperm.xlane v3, v2;
	_ =	sdelay $0x1  }
0x24f: {  	s8 =	simm.s32 $0x17000;
	v3 =	vadd.s32 v1, v3  }
0x250: {  	[tilespmem:s8], [sflag:$0x1] =	stream.indirect_vreg.gather [hbm4b:s2+s3], $0x80, v4, vm0, $0xb8;
	[tilespmem:$0x1B800] =	vst v63  }
0x251: {  	s8 =	simm.s32 $0x17800  }
0x252: {  	[tilespmem:s8], [sflag:$0x1] =	stream.indirect_vreg.gather [hbm4b:s5+s3], $0x80, v4, vm1, $0xb8;
	[tilespmem:$0x1B800] =	vst v63  }
0x253: {  	s8 =	simm.s32 $0x17C00  }
0x254: {  	[tilespmem:s8], [sflag:$0x1] =	stream.indirect_vreg.gather [hbm4b:s2+s3], $0x80, v3, vm0, $0xb8;
	[tilespmem:$0x1B800] =	vst v63  }
0x255: {  	s8 =	simm.s32 $0x18400  }
0x256: {  	[tilespmem:s8], [sflag:$0x1] =	stream.indirect_vreg.gather [hbm4b:s5+s3], $0x80, v3, vm1, $0xb8;
	[tilespmem:$0x1B800] =	vst v63  }
0x257: {  	v3 =	vld [tilespmem:$0x2C0];
	_ =	sdelay $0x4  }
0x258: {  	v26 =	vshrl.u32 v3, $0x3  }
0x259: {  	v4 =	vmul.u32 $0x18, v26  }
0x25a: {  	v3 =	vand.u32 $0x7, v3  }
0x25b: {  	v3 =	vor.u32 v3, v4  }
0x25c: {  	v4 =	vperm.xlane v3, v0;
	_ =	sdelay $0x1  }
0x25d: {  	v4 =	vadd.s32 v1, v4;
	_ =	sdelay $0x1  }
0x25e: {  	v3 =	vperm.xlane v3, v2;
	_ =	sdelay $0x1  }
0x25f: {  	s8 =	simm.s32 $0x18800;
	v3 =	vadd.s32 v1, v3  }
0x260: {  	[tilespmem:s8], [sflag:$0x1] =	stream.indirect_vreg.gather [hbm4b:s2+s3], $0x80, v4, vm0, $0xb8;
	[tilespmem:$0x1B800] =	vst v63  }
0x261: {  	s8 =	simm.s32 $0x19000  }
0x262: {  	[tilespmem:s8], [sflag:$0x1] =	stream.indirect_vreg.gather [hbm4b:s5+s3], $0x80, v4, vm1, $0xb8;
	[tilespmem:$0x1B800] =	vst v63  }
0x263: {  	s8 =	simm.s32 $0x19400  }
0x264: {  	[tilespmem:s8], [sflag:$0x1] =	stream.indirect_vreg.gather [hbm4b:s2+s3], $0x80, v3, vm0, $0xb8;
	[tilespmem:$0x1B800] =	vst v63  }
0x265: {  	s8 =	simm.s32 $0x19C00  }
0x266: {  	[tilespmem:s8], [sflag:$0x1] =	stream.indirect_vreg.gather [hbm4b:s5+s3], $0x80, v3, vm1, $0xb8;
	[tilespmem:$0x1B800] =	vst v63  }
0x267: {  	v3 =	vld [tilespmem:$0x2D0];
	_ =	sdelay $0x4  }
0x268: {  	v27 =	vshrl.u32 v3, $0x3  }
0x269: {  	v4 =	vmul.u32 $0x18, v27  }
0x26a: {  	v3 =	vand.u32 $0x7, v3  }
0x26b: {  	v3 =	vor.u32 v3, v4  }
0x26c: {  	v4 =	vperm.xlane v3, v0;
	_ =	sdelay $0x1  }
0x26d: {  	v4 =	vadd.s32 v1, v4;
	_ =	sdelay $0x1  }
0x26e: {  	v3 =	vperm.xlane v3, v2;
	_ =	sdelay $0x1  }
0x26f: {  	s8 =	simm.s32 $0x1A000;
	v3 =	vadd.s32 v1, v3  }
0x270: {  	[tilespmem:s8], [sflag:$0x1] =	stream.indirect_vreg.gather [hbm4b:s2+s3], $0x80, v4, vm0, $0xb8;
	[tilespmem:$0x1B800] =	vst v63  }
0x271: {  	s8 =	simm.s32 $0x1A800  }
0x272: {  	[tilespmem:s8], [sflag:$0x1] =	stream.indirect_vreg.gather [hbm4b:s5+s3], $0x80, v4, vm1, $0xb8;
	[tilespmem:$0x1B800] =	vst v63  }
0x273: {  	s8 =	simm.s32 $0x1AC00  }
0x274: {  	[tilespmem:s8], [sflag:$0x1] =	stream.indirect_vreg.gather [hbm4b:s2+s3], $0x80, v3, vm0, $0xb8;
	[tilespmem:$0x1B800] =	vst v63  }
0x275: {  	s8 =	simm.s32 $0x1B400  }
0x276: {  	[tilespmem:s8], [sflag:$0x1] =	stream.indirect_vreg.gather [hbm4b:s5+s3], $0x80, v3, vm1, $0xb8;
	[tilespmem:$0x1B800] =	vst v63  }
0x277: {  	s7 =	rddreg [dreg:$0x7]  }
0x278: {  	[hbm4b:s7+s3] =	stream.linear.scatter [tilespmem:s0], [sflag:$0x2], $0x9000, $0x38;
	[tilespmem:$0x1B800] =	vst v63  }
0x279: {  	_ =	swait.ge [sflag:s31], $0x9000  }
0x27a: {  	[sflag:s31] =	ssyncset.done $0x0  }
0x27b: {  	[sflag:s31] =	ssyncadd.s32 $0xFFFF7000  }
0x27c: {  	_ =	swait.ge [sflag:s4], $0x9000  }
0x27d: {  	[sflag:s4] =	ssyncset.done $0x0  }
0x27e: {  	[sflag:s4] =	ssyncadd.s32 $0xFFFF7000  }
0x27f: {  	v3 =	vld [tilespmem:$0x300];
	_ =	sdelay $0x4  }
0x280: {  	v28 =	vshrl.u32 v3, $0x3  }
0x281: {  	v4 =	vmul.u32 $0x18, v28  }
0x282: {  	v3 =	vand.u32 $0x7, v3  }
0x283: {  	v3 =	vor.u32 v3, v4  }
0x284: {  	v4 =	vperm.xlane v3, v0;
	_ =	sdelay $0x1  }
0x285: {  	v4 =	vadd.s32 v1, v4;
	_ =	sdelay $0x1  }
0x286: {  	v3 =	vperm.xlane v3, v2;
	_ =	sdelay $0x1  }
0x287: {  	v3 =	vadd.s32 v1, v3  }
0x288: {  	[tilespmem:s0], [sflag:$0x1] =	stream.indirect_vreg.gather [hbm4b:s2+s3], $0x80, v4, vm0, $0xb8;
	[tilespmem:$0x1B800] =	vst v63  }
0x289: {  	_ = 	snop  }
0x28a: {  	[tilespmem:s10], [sflag:$0x1] =	stream.indirect_vreg.gather [hbm4b:s5+s3], $0x80, v4, vm1, $0xb8;
	[tilespmem:$0x1B800] =	vst v63  }
0x28b: {  	_ = 	snop  }
0x28c: {  	[tilespmem:s11], [sflag:$0x1] =	stream.indirect_vreg.gather [hbm4b:s2+s3], $0x80, v3, vm0, $0xb8;
	[tilespmem:$0x1B800] =	vst v63  }
0x28d: {  	s8 =	simm.s32 $0x1C00  }
0x28e: {  	[tilespmem:s8], [sflag:$0x1] =	stream.indirect_vreg.gather [hbm4b:s5+s3], $0x80, v3, vm1, $0xb8;
	[tilespmem:$0x1B800] =	vst v63  }
0x28f: {  	v3 =	vld [tilespmem:$0x310];
	_ =	sdelay $0x4  }
0x290: {  	v29 =	vshrl.u32 v3, $0x3  }
0x291: {  	v4 =	vmul.u32 $0x18, v29  }
0x292: {  	v3 =	vand.u32 $0x7, v3  }
0x293: {  	v3 =	vor.u32 v3, v4  }
0x294: {  	v4 =	vperm.xlane v3, v0;
	_ =	sdelay $0x1  }
0x295: {  	v4 =	vadd.s32 v1, v4;
	_ =	sdelay $0x1  }
0x296: {  	v3 =	vperm.xlane v3, v2;
	_ =	sdelay $0x1  }
0x297: {  	v3 =	vadd.s32 v1, v3  }
0x298: {  	[tilespmem:s12], [sflag:$0x1] =	stream.indirect_vreg.gather [hbm4b:s2+s3], $0x80, v4, vm0, $0xb8;
	[tilespmem:$0x1B800] =	vst v63  }
0x299: {  	_ = 	snop  }
0x29a: {  	[tilespmem:s13], [sflag:$0x1] =	stream.indirect_vreg.gather [hbm4b:s5+s3], $0x80, v4, vm1, $0xb8;
	[tilespmem:$0x1B800] =	vst v63  }
0x29b: {  	_ = 	snop  }
0x29c: {  	[tilespmem:s14], [sflag:$0x1] =	stream.indirect_vreg.gather [hbm4b:s2+s3], $0x80, v3, vm0, $0xb8;
	[tilespmem:$0x1B800] =	vst v63  }
0x29d: {  	s8 =	simm.s32 $0x3400  }
0x29e: {  	[tilespmem:s8], [sflag:$0x1] =	stream.indirect_vreg.gather [hbm4b:s5+s3], $0x80, v3, vm1, $0xb8;
	[tilespmem:$0x1B800] =	vst v63  }
0x29f: {  	v3 =	vld [tilespmem:$0x320];
	_ =	sdelay $0x4  }
0x2a0: {  	v30 =	vshrl.u32 v3, $0x3  }
0x2a1: {  	v4 =	vmul.u32 $0x18, v30  }
0x2a2: {  	v3 =	vand.u32 $0x7, v3  }
0x2a3: {  	v3 =	vor.u32 v3, v4  }
0x2a4: {  	v4 =	vperm.xlane v3, v0;
	_ =	sdelay $0x1  }
0x2a5: {  	v4 =	vadd.s32 v1, v4;
	_ =	sdelay $0x1  }
0x2a6: {  	v3 =	vperm.xlane v3, v2;
	_ =	sdelay $0x1  }
0x2a7: {  	v3 =	vadd.s32 v1, v3  }
0x2a8: {  	[tilespmem:s15], [sflag:$0x1] =	stream.indirect_vreg.gather [hbm4b:s2+s3], $0x80, v4, vm0, $0xb8;
	[tilespmem:$0x1B800] =	vst v63  }
0x2a9: {  	_ = 	snop  }
0x2aa: {  	[tilespmem:s16], [sflag:$0x1] =	stream.indirect_vreg.gather [hbm4b:s5+s3], $0x80, v4, vm1, $0xb8;
	[tilespmem:$0x1B800] =	vst v63  }
0x2ab: {  	_ = 	snop  }
0x2ac: {  	[tilespmem:s17], [sflag:$0x1] =	stream.indirect_vreg.gather [hbm4b:s2+s3], $0x80, v3, vm0, $0xb8;
	[tilespmem:$0x1B800] =	vst v63  }
0x2ad: {  	s8 =	simm.s32 $0x4C00  }
0x2ae: {  	[tilespmem:s8], [sflag:$0x1] =	stream.indirect_vreg.gather [hbm4b:s5+s3], $0x80, v3, vm1, $0xb8;
	[tilespmem:$0x1B800] =	vst v63  }
0x2af: {  	v3 =	vld [tilespmem:$0x330];
	_ =	sdelay $0x4  }
0x2b0: {  	v31 =	vshrl.u32 v3, $0x3  }
0x2b1: {  	v4 =	vmul.u32 $0x18, v31  }
0x2b2: {  	v3 =	vand.u32 $0x7, v3  }
0x2b3: {  	v3 =	vor.u32 v3, v4  }
0x2b4: {  	v4 =	vperm.xlane v3, v0;
	_ =	sdelay $0x1  }
0x2b5: {  	v4 =	vadd.s32 v1, v4;
	_ =	sdelay $0x1  }
0x2b6: {  	v3 =	vperm.xlane v3, v2;
	_ =	sdelay $0x1  }
0x2b7: {  	v3 =	vadd.s32 v1, v3  }
0x2b8: {  	[tilespmem:s18], [sflag:$0x1] =	stream.indirect_vreg.gather [hbm4b:s2+s3], $0x80, v4, vm0, $0xb8;
	[tilespmem:$0x1B800] =	vst v63  }
0x2b9: {  	_ = 	snop  }
0x2ba: {  	[tilespmem:s19], [sflag:$0x1] =	stream.indirect_vreg.gather [hbm4b:s5+s3], $0x80, v4, vm1, $0xb8;
	[tilespmem:$0x1B800] =	vst v63  }
0x2bb: {  	_ = 	snop  }
0x2bc: {  	[tilespmem:s20], [sflag:$0x1] =	stream.indirect_vreg.gather [hbm4b:s2+s3], $0x80, v3, vm0, $0xb8;
	[tilespmem:$0x1B800] =	vst v63  }
0x2bd: {  	s8 =	simm.s32 $0x6400  }
0x2be: {  	[tilespmem:s8], [sflag:$0x1] =	stream.indirect_vreg.gather [hbm4b:s5+s3], $0x80, v3, vm1, $0xb8;
	[tilespmem:$0x1B800] =	vst v63  }
0x2bf: {  	v3 =	vld [tilespmem:$0x340];
	_ =	sdelay $0x4  }
0x2c0: {  	v32 =	vshrl.u32 v3, $0x3  }
0x2c1: {  	v4 =	vmul.u32 $0x18, v32  }
0x2c2: {  	v3 =	vand.u32 $0x7, v3  }
0x2c3: {  	v3 =	vor.u32 v3, v4  }
0x2c4: {  	v4 =	vperm.xlane v3, v0;
	_ =	sdelay $0x1  }
0x2c5: {  	v4 =	vadd.s32 v1, v4;
	_ =	sdelay $0x1  }
0x2c6: {  	v3 =	vperm.xlane v3, v2;
	_ =	sdelay $0x1  }
0x2c7: {  	v3 =	vadd.s32 v1, v3  }
0x2c8: {  	[tilespmem:s21], [sflag:$0x1] =	stream.indirect_vreg.gather [hbm4b:s2+s3], $0x80, v4, vm0, $0xb8;
	[tilespmem:$0x1B800] =	vst v63  }
0x2c9: {  	_ = 	snop  }
0x2ca: {  	[tilespmem:s22], [sflag:$0x1] =	stream.indirect_vreg.gather [hbm4b:s5+s3], $0x80, v4, vm1, $0xb8;
	[tilespmem:$0x1B800] =	vst v63  }
0x2cb: {  	_ = 	snop  }
0x2cc: {  	[tilespmem:s23], [sflag:$0x1] =	stream.indirect_vreg.gather [hbm4b:s2+s3], $0x80, v3, vm0, $0xb8;
	[tilespmem:$0x1B800] =	vst v63  }
0x2cd: {  	s8 =	simm.s32 $0x7C00  }
0x2ce: {  	[tilespmem:s8], [sflag:$0x1] =	stream.indirect_vreg.gather [hbm4b:s5+s3], $0x80, v3, vm1, $0xb8;
	[tilespmem:$0x1B800] =	vst v63  }
0x2cf: {  	v3 =	vld [tilespmem:$0x350];
	_ =	sdelay $0x4  }
0x2d0: {  	v33 =	vshrl.u32 v3, $0x3  }
0x2d1: {  	v4 =	vmul.u32 $0x18, v33  }
0x2d2: {  	v3 =	vand.u32 $0x7, v3  }
0x2d3: {  	v3 =	vor.u32 v3, v4  }
0x2d4: {  	v4 =	vperm.xlane v3, v0;
	_ =	sdelay $0x1  }
0x2d5: {  	v4 =	vadd.s32 v1, v4;
	_ =	sdelay $0x1  }
0x2d6: {  	v3 =	vperm.xlane v3, v2;
	_ =	sdelay $0x1  }
0x2d7: {  	v3 =	vadd.s32 v1, v3  }
0x2d8: {  	[tilespmem:s24], [sflag:$0x1] =	stream.indirect_vreg.gather [hbm4b:s2+s3], $0x80, v4, vm0, $0xb8;
	[tilespmem:$0x1B800] =	vst v63  }
0x2d9: {  	_ = 	snop  }
0x2da: {  	[tilespmem:s25], [sflag:$0x1] =	stream.indirect_vreg.gather [hbm4b:s5+s3], $0x80, v4, vm1, $0xb8;
	[tilespmem:$0x1B800] =	vst v63  }
0x2db: {  	_ = 	snop  }
0x2dc: {  	[tilespmem:s9], [sflag:$0x1] =	stream.indirect_vreg.gather [hbm4b:s2+s3], $0x80, v3, vm0, $0xb8;
	[tilespmem:$0x1B800] =	vst v63  }
0x2dd: {  	s8 =	simm.s32 $0x9400  }
0x2de: {  	[tilespmem:s8], [sflag:$0x1] =	stream.indirect_vreg.gather [hbm4b:s5+s3], $0x80, v3, vm1, $0xb8;
	[tilespmem:$0x1B800] =	vst v63  }
0x2df: {  	s7 =	rddreg [dreg:$0x8]  }
0x2e0: {  	[hbm4b:s7+s3] =	stream.linear.scatter [tilespmem:s1], [sflag:$0x2], $0x9000, $0x38;
	[tilespmem:$0x1B800] =	vst v63  }
0x2e1: {  	_ =	swait.ge [sflag:s31], $0x9000  }
0x2e2: {  	[sflag:s31] =	ssyncset.done $0x0  }
0x2e3: {  	[sflag:s31] =	ssyncadd.s32 $0xFFFF7000  }
0x2e4: {  	_ =	swait.ge [sflag:s4], $0x9000  }
0x2e5: {  	[sflag:s4] =	ssyncset.done $0x0  }
0x2e6: {  	[sflag:s4] =	ssyncadd.s32 $0xFFFF7000  }
0x2e7: {  	v3 =	vld [tilespmem:$0x380];
	_ =	sdelay $0x4  }
0x2e8: {  	v34 =	vshrl.u32 v3, $0x3  }
0x2e9: {  	v4 =	vmul.u32 $0x18, v34  }
0x2ea: {  	v3 =	vand.u32 $0x7, v3  }
0x2eb: {  	v3 =	vor.u32 v3, v4  }
0x2ec: {  	v4 =	vperm.xlane v3, v0;
	_ =	sdelay $0x1  }
0x2ed: {  	v4 =	vadd.s32 v1, v4;
	_ =	sdelay $0x1  }
0x2ee: {  	v3 =	vperm.xlane v3, v2;
	_ =	sdelay $0x1  }
0x2ef: {  	v3 =	vadd.s32 v1, v3  }
0x2f0: {  	[tilespmem:s1], [sflag:$0x1] =	stream.indirect_vreg.gather [hbm4b:s2+s3], $0x80, v4, vm0, $0xb8;
	[tilespmem:$0x1B800] =	vst v63  }
0x2f1: {  	s8 =	simm.s32 $0xA000  }
0x2f2: {  	[tilespmem:s8], [sflag:$0x1] =	stream.indirect_vreg.gather [hbm4b:s5+s3], $0x80, v4, vm1, $0xb8;
	[tilespmem:$0x1B800] =	vst v63  }
0x2f3: {  	s8 =	simm.s32 $0xA400  }
0x2f4: {  	[tilespmem:s8], [sflag:$0x1] =	stream.indirect_vreg.gather [hbm4b:s2+s3], $0x80, v3, vm0, $0xb8;
	[tilespmem:$0x1B800] =	vst v63  }
0x2f5: {  	s8 =	simm.s32 $0xAC00  }
0x2f6: {  	[tilespmem:s8], [sflag:$0x1] =	stream.indirect_vreg.gather [hbm4b:s5+s3], $0x80, v3, vm1, $0xb8;
	[tilespmem:$0x1B800] =	vst v63  }
0x2f7: {  	v3 =	vld [tilespmem:$0x390];
	_ =	sdelay $0x4  }
0x2f8: {  	v35 =	vshrl.u32 v3, $0x3  }
0x2f9: {  	v4 =	vmul.u32 $0x18, v35  }
0x2fa: {  	v3 =	vand.u32 $0x7, v3  }
0x2fb: {  	v3 =	vor.u32 v3, v4  }
0x2fc: {  	v4 =	vperm.xlane v3, v0;
	_ =	sdelay $0x1  }
0x2fd: {  	v4 =	vadd.s32 v1, v4;
	_ =	sdelay $0x1  }
0x2fe: {  	v3 =	vperm.xlane v3, v2;
	_ =	sdelay $0x1  }
0x2ff: {  	s8 =	simm.s32 $0xB000;
	v3 =	vadd.s32 v1, v3  }
0x300: {  	[tilespmem:s8], [sflag:$0x1] =	stream.indirect_vreg.gather [hbm4b:s2+s3], $0x80, v4, vm0, $0xb8;
	[tilespmem:$0x1B800] =	vst v63  }
0x301: {  	s8 =	simm.s32 $0xB800  }
0x302: {  	[tilespmem:s8], [sflag:$0x1] =	stream.indirect_vreg.gather [hbm4b:s5+s3], $0x80, v4, vm1, $0xb8;
	[tilespmem:$0x1B800] =	vst v63  }
0x303: {  	s8 =	simm.s32 $0xBC00  }
0x304: {  	[tilespmem:s8], [sflag:$0x1] =	stream.indirect_vreg.gather [hbm4b:s2+s3], $0x80, v3, vm0, $0xb8;
	[tilespmem:$0x1B800] =	vst v63  }
0x305: {  	s8 =	simm.s32 $0xC400  }
0x306: {  	[tilespmem:s8], [sflag:$0x1] =	stream.indirect_vreg.gather [hbm4b:s5+s3], $0x80, v3, vm1, $0xb8;
	[tilespmem:$0x1B800] =	vst v63  }
0x307: {  	v3 =	vld [tilespmem:$0x3A0];
	_ =	sdelay $0x4  }
0x308: {  	v36 =	vshrl.u32 v3, $0x3  }
0x309: {  	v4 =	vmul.u32 $0x18, v36  }
0x30a: {  	v3 =	vand.u32 $0x7, v3  }
0x30b: {  	v3 =	vor.u32 v3, v4  }
0x30c: {  	v4 =	vperm.xlane v3, v0;
	_ =	sdelay $0x1  }
0x30d: {  	v4 =	vadd.s32 v1, v4;
	_ =	sdelay $0x1  }
0x30e: {  	v3 =	vperm.xlane v3, v2;
	_ =	sdelay $0x1  }
0x30f: {  	s8 =	simm.s32 $0xC800;
	v3 =	vadd.s32 v1, v3  }
0x310: {  	[tilespmem:s8], [sflag:$0x1] =	stream.indirect_vreg.gather [hbm4b:s2+s3], $0x80, v4, vm0, $0xb8;
	[tilespmem:$0x1B800] =	vst v63  }
0x311: {  	s8 =	simm.s32 $0xD000  }
0x312: {  	[tilespmem:s8], [sflag:$0x1] =	stream.indirect_vreg.gather [hbm4b:s5+s3], $0x80, v4, vm1, $0xb8;
	[tilespmem:$0x1B800] =	vst v63  }
0x313: {  	s8 =	simm.s32 $0xD400  }
0x314: {  	[tilespmem:s8], [sflag:$0x1] =	stream.indirect_vreg.gather [hbm4b:s2+s3], $0x80, v3, vm0, $0xb8;
	[tilespmem:$0x1B800] =	vst v63  }
0x315: {  	s8 =	simm.s32 $0xDC00  }
0x316: {  	[tilespmem:s8], [sflag:$0x1] =	stream.indirect_vreg.gather [hbm4b:s5+s3], $0x80, v3, vm1, $0xb8;
	[tilespmem:$0x1B800] =	vst v63  }
0x317: {  	v3 =	vld [tilespmem:$0x3B0];
	_ =	sdelay $0x4  }
0x318: {  	v37 =	vshrl.u32 v3, $0x3  }
0x319: {  	v4 =	vmul.u32 $0x18, v37  }
0x31a: {  	v3 =	vand.u32 $0x7, v3  }
0x31b: {  	v3 =	vor.u32 v3, v4  }
0x31c: {  	v4 =	vperm.xlane v3, v0;
	_ =	sdelay $0x1  }
0x31d: {  	v4 =	vadd.s32 v1, v4;
	_ =	sdelay $0x1  }
0x31e: {  	v3 =	vperm.xlane v3, v2;
	_ =	sdelay $0x1  }
0x31f: {  	s8 =	simm.s32 $0xE000;
	v3 =	vadd.s32 v1, v3  }
0x320: {  	[tilespmem:s8], [sflag:$0x1] =	stream.indirect_vreg.gather [hbm4b:s2+s3], $0x80, v4, vm0, $0xb8;
	[tilespmem:$0x1B800] =	vst v63  }
0x321: {  	s8 =	simm.s32 $0xE800  }
0x322: {  	[tilespmem:s8], [sflag:$0x1] =	stream.indirect_vreg.gather [hbm4b:s5+s3], $0x80, v4, vm1, $0xb8;
	[tilespmem:$0x1B800] =	vst v63  }
0x323: {  	s8 =	simm.s32 $0xEC00  }
0x324: {  	[tilespmem:s8], [sflag:$0x1] =	stream.indirect_vreg.gather [hbm4b:s2+s3], $0x80, v3, vm0, $0xb8;
	[tilespmem:$0x1B800] =	vst v63  }
0x325: {  	s8 =	simm.s32 $0xF400  }
0x326: {  	[tilespmem:s8], [sflag:$0x1] =	stream.indirect_vreg.gather [hbm4b:s5+s3], $0x80, v3, vm1, $0xb8;
	[tilespmem:$0x1B800] =	vst v63  }
0x327: {  	v3 =	vld [tilespmem:$0x3C0];
	_ =	sdelay $0x4  }
0x328: {  	v38 =	vshrl.u32 v3, $0x3  }
0x329: {  	v4 =	vmul.u32 $0x18, v38  }
0x32a: {  	v3 =	vand.u32 $0x7, v3  }
0x32b: {  	v3 =	vor.u32 v3, v4  }
0x32c: {  	v4 =	vperm.xlane v3, v0;
	_ =	sdelay $0x1  }
0x32d: {  	v4 =	vadd.s32 v1, v4;
	_ =	sdelay $0x1  }
0x32e: {  	v3 =	vperm.xlane v3, v2;
	_ =	sdelay $0x1  }
0x32f: {  	s8 =	simm.s32 $0xF800;
	v3 =	vadd.s32 v1, v3  }
0x330: {  	[tilespmem:s8], [sflag:$0x1] =	stream.indirect_vreg.gather [hbm4b:s2+s3], $0x80, v4, vm0, $0xb8;
	[tilespmem:$0x1B800] =	vst v63  }
0x331: {  	s8 =	simm.s32 $0x10000  }
0x332: {  	[tilespmem:s8], [sflag:$0x1] =	stream.indirect_vreg.gather [hbm4b:s5+s3], $0x80, v4, vm1, $0xb8;
	[tilespmem:$0x1B800] =	vst v63  }
0x333: {  	s8 =	simm.s32 $0x10400  }
0x334: {  	[tilespmem:s8], [sflag:$0x1] =	stream.indirect_vreg.gather [hbm4b:s2+s3], $0x80, v3, vm0, $0xb8;
	[tilespmem:$0x1B800] =	vst v63  }
0x335: {  	s8 =	simm.s32 $0x10C00  }
0x336: {  	[tilespmem:s8], [sflag:$0x1] =	stream.indirect_vreg.gather [hbm4b:s5+s3], $0x80, v3, vm1, $0xb8;
	[tilespmem:$0x1B800] =	vst v63  }
0x337: {  	v3 =	vld [tilespmem:$0x3D0];
	_ =	sdelay $0x4  }
0x338: {  	v39 =	vshrl.u32 v3, $0x3  }
0x339: {  	v4 =	vmul.u32 $0x18, v39  }
0x33a: {  	v3 =	vand.u32 $0x7, v3  }
0x33b: {  	v3 =	vor.u32 v3, v4  }
0x33c: {  	v4 =	vperm.xlane v3, v0;
	_ =	sdelay $0x1  }
0x33d: {  	v4 =	vadd.s32 v1, v4;
	_ =	sdelay $0x1  }
0x33e: {  	v3 =	vperm.xlane v3, v2;
	_ =	sdelay $0x1  }
0x33f: {  	s8 =	simm.s32 $0x11000;
	v3 =	vadd.s32 v1, v3  }
0x340: {  	[tilespmem:s8], [sflag:$0x1] =	stream.indirect_vreg.gather [hbm4b:s2+s3], $0x80, v4, vm0, $0xb8;
	[tilespmem:$0x1B800] =	vst v63  }
0x341: {  	s8 =	simm.s32 $0x11800  }
0x342: {  	[tilespmem:s8], [sflag:$0x1] =	stream.indirect_vreg.gather [hbm4b:s5+s3], $0x80, v4, vm1, $0xb8;
	[tilespmem:$0x1B800] =	vst v63  }
0x343: {  	s8 =	simm.s32 $0x11C00  }
0x344: {  	[tilespmem:s8], [sflag:$0x1] =	stream.indirect_vreg.gather [hbm4b:s2+s3], $0x80, v3, vm0, $0xb8;
	[tilespmem:$0x1B800] =	vst v63  }
0x345: {  	s8 =	simm.s32 $0x12400  }
0x346: {  	[tilespmem:s8], [sflag:$0x1] =	stream.indirect_vreg.gather [hbm4b:s5+s3], $0x80, v3, vm1, $0xb8;
	[tilespmem:$0x1B800] =	vst v63  }
0x347: {  	s7 =	rddreg [dreg:$0x9]  }
0x348: {  	[hbm4b:s7+s3] =	stream.linear.scatter [tilespmem:s26], [sflag:$0x2], $0x9000, $0x38;
	[tilespmem:$0x1B800] =	vst v63  }
0x349: {  	_ =	swait.ge [sflag:s31], $0x9000  }
0x34a: {  	[sflag:s31] =	ssyncset.done $0x0  }
0x34b: {  	[sflag:s31] =	ssyncadd.s32 $0xFFFF7000  }
0x34c: {  	_ =	swait.ge [sflag:s4], $0x9000  }
0x34d: {  	[sflag:s4] =	ssyncset.done $0x0  }
0x34e: {  	[sflag:s4] =	ssyncadd.s32 $0xFFFF7000  }
0x34f: {  	v3 =	vld [tilespmem:$0x400];
	_ =	sdelay $0x4  }
0x350: {  	v40 =	vshrl.u32 v3, $0x3  }
0x351: {  	v4 =	vmul.u32 $0x18, v40  }
0x352: {  	v3 =	vand.u32 $0x7, v3  }
0x353: {  	v3 =	vor.u32 v3, v4  }
0x354: {  	v4 =	vperm.xlane v3, v0;
	_ =	sdelay $0x1  }
0x355: {  	v4 =	vadd.s32 v1, v4;
	_ =	sdelay $0x1  }
0x356: {  	v3 =	vperm.xlane v3, v2;
	_ =	sdelay $0x1  }
0x357: {  	v3 =	vadd.s32 v1, v3  }
0x358: {  	[tilespmem:s26], [sflag:$0x1] =	stream.indirect_vreg.gather [hbm4b:s2+s3], $0x80, v4, vm0, $0xb8;
	[tilespmem:$0x1B800] =	vst v63  }
0x359: {  	s28 =	simm.s32 $0x13000  }
0x35a: {  	[tilespmem:s28], [sflag:$0x1] =	stream.indirect_vreg.gather [hbm4b:s5+s3], $0x80, v4, vm1, $0xb8;
	[tilespmem:$0x1B800] =	vst v63  }
0x35b: {  	s29 =	simm.s32 $0x13400  }
0x35c: {  	[tilespmem:s29], [sflag:$0x1] =	stream.indirect_vreg.gather [hbm4b:s2+s3], $0x80, v3, vm0, $0xb8;
	[tilespmem:$0x1B800] =	vst v63  }
0x35d: {  	s8 =	simm.s32 $0x13C00  }
0x35e: {  	[tilespmem:s8], [sflag:$0x1] =	stream.indirect_vreg.gather [hbm4b:s5+s3], $0x80, v3, vm1, $0xb8;
	[tilespmem:$0x1B800] =	vst v63  }
0x35f: {  	v3 =	vld [tilespmem:$0x410];
	_ =	sdelay $0x4  }
0x360: {  	v41 =	vshrl.u32 v3, $0x3  }
0x361: {  	v4 =	vmul.u32 $0x18, v41  }
0x362: {  	v3 =	vand.u32 $0x7, v3  }
0x363: {  	v3 =	vor.u32 v3, v4  }
0x364: {  	v4 =	vperm.xlane v3, v0;
	_ =	sdelay $0x1  }
0x365: {  	v4 =	vadd.s32 v1, v4;
	_ =	sdelay $0x1  }
0x366: {  	v3 =	vperm.xlane v3, v2;
	_ =	sdelay $0x1  }
0x367: {  	s8 =	simm.s32 $0x14000;
	v3 =	vadd.s32 v1, v3  }
0x368: {  	[tilespmem:s8], [sflag:$0x1] =	stream.indirect_vreg.gather [hbm4b:s2+s3], $0x80, v4, vm0, $0xb8;
	[tilespmem:$0x1B800] =	vst v63  }
0x369: {  	s30 =	simm.s32 $0x14800  }
0x36a: {  	[tilespmem:s30], [sflag:$0x1] =	stream.indirect_vreg.gather [hbm4b:s5+s3], $0x80, v4, vm1, $0xb8;
	[tilespmem:$0x1B800] =	vst v63  }
0x36b: {  	s8 =	simm.s32 $0x14C00  }
0x36c: {  	[tilespmem:s8], [sflag:$0x1] =	stream.indirect_vreg.gather [hbm4b:s2+s3], $0x80, v3, vm0, $0xb8;
	[tilespmem:$0x1B800] =	vst v63  }
0x36d: {  	s8 =	simm.s32 $0x15400  }
0x36e: {  	[tilespmem:s8], [sflag:$0x1] =	stream.indirect_vreg.gather [hbm4b:s5+s3], $0x80, v3, vm1, $0xb8;
	[tilespmem:$0x1B800] =	vst v63  }
0x36f: {  	v3 =	vld [tilespmem:$0x420];
	_ =	sdelay $0x4  }
0x370: {  	v42 =	vshrl.u32 v3, $0x3  }
0x371: {  	v4 =	vmul.u32 $0x18, v42  }
0x372: {  	v3 =	vand.u32 $0x7, v3  }
0x373: {  	v3 =	vor.u32 v3, v4  }
0x374: {  	v4 =	vperm.xlane v3, v0;
	_ =	sdelay $0x1  }
0x375: {  	v4 =	vadd.s32 v1, v4;
	_ =	sdelay $0x1  }
0x376: {  	v3 =	vperm.xlane v3, v2;
	_ =	sdelay $0x1  }
0x377: {  	s8 =	simm.s32 $0x15800;
	v3 =	vadd.s32 v1, v3  }
0x378: {  	[tilespmem:s8], [sflag:$0x1] =	stream.indirect_vreg.gather [hbm4b:s2+s3], $0x80, v4, vm0, $0xb8;
	[tilespmem:$0x1B800] =	vst v63  }
0x379: {  	s8 =	simm.s32 $0x16000  }
0x37a: {  	[tilespmem:s8], [sflag:$0x1] =	stream.indirect_vreg.gather [hbm4b:s5+s3], $0x80, v4, vm1, $0xb8;
	[tilespmem:$0x1B800] =	vst v63  }
0x37b: {  	s8 =	simm.s32 $0x16400  }
0x37c: {  	[tilespmem:s8], [sflag:$0x1] =	stream.indirect_vreg.gather [hbm4b:s2+s3], $0x80, v3, vm0, $0xb8;
	[tilespmem:$0x1B800] =	vst v63  }
0x37d: {  	s8 =	simm.s32 $0x16C00  }
0x37e: {  	[tilespmem:s8], [sflag:$0x1] =	stream.indirect_vreg.gather [hbm4b:s5+s3], $0x80, v3, vm1, $0xb8;
	[tilespmem:$0x1B800] =	vst v63  }
0x37f: {  	v3 =	vld [tilespmem:$0x430];
	_ =	sdelay $0x4  }
0x380: {  	v43 =	vshrl.u32 v3, $0x3  }
0x381: {  	v4 =	vmul.u32 $0x18, v43  }
0x382: {  	v3 =	vand.u32 $0x7, v3  }
0x383: {  	v3 =	vor.u32 v3, v4  }
0x384: {  	v4 =	vperm.xlane v3, v0;
	_ =	sdelay $0x1  }
0x385: {  	v4 =	vadd.s32 v1, v4;
	_ =	sdelay $0x1  }
0x386: {  	v3 =	vperm.xlane v3, v2;
	_ =	sdelay $0x1  }
0x387: {  	s8 =	simm.s32 $0x17000;
	v3 =	vadd.s32 v1, v3  }
0x388: {  	[tilespmem:s8], [sflag:$0x1] =	stream.indirect_vreg.gather [hbm4b:s2+s3], $0x80, v4, vm0, $0xb8;
	[tilespmem:$0x1B800] =	vst v63  }
0x389: {  	s8 =	simm.s32 $0x17800  }
0x38a: {  	[tilespmem:s8], [sflag:$0x1] =	stream.indirect_vreg.gather [hbm4b:s5+s3], $0x80, v4, vm1, $0xb8;
	[tilespmem:$0x1B800] =	vst v63  }
0x38b: {  	s8 =	simm.s32 $0x17C00  }
0x38c: {  	[tilespmem:s8], [sflag:$0x1] =	stream.indirect_vreg.gather [hbm4b:s2+s3], $0x80, v3, vm0, $0xb8;
	[tilespmem:$0x1B800] =	vst v63  }
0x38d: {  	s8 =	simm.s32 $0x18400  }
0x38e: {  	[tilespmem:s8], [sflag:$0x1] =	stream.indirect_vreg.gather [hbm4b:s5+s3], $0x80, v3, vm1, $0xb8;
	[tilespmem:$0x1B800] =	vst v63  }
0x38f: {  	v3 =	vld [tilespmem:$0x440];
	_ =	sdelay $0x4  }
0x390: {  	v44 =	vshrl.u32 v3, $0x3  }
0x391: {  	v4 =	vmul.u32 $0x18, v44  }
0x392: {  	v3 =	vand.u32 $0x7, v3  }
0x393: {  	v3 =	vor.u32 v3, v4  }
0x394: {  	v4 =	vperm.xlane v3, v0;
	_ =	sdelay $0x1  }
0x395: {  	v4 =	vadd.s32 v1, v4;
	_ =	sdelay $0x1  }
0x396: {  	v3 =	vperm.xlane v3, v2;
	_ =	sdelay $0x1  }
0x397: {  	s8 =	simm.s32 $0x18800;
	v3 =	vadd.s32 v1, v3  }
0x398: {  	[tilespmem:s8], [sflag:$0x1] =	stream.indirect_vreg.gather [hbm4b:s2+s3], $0x80, v4, vm0, $0xb8;
	[tilespmem:$0x1B800] =	vst v63  }
0x399: {  	s8 =	simm.s32 $0x19000  }
0x39a: {  	[tilespmem:s8], [sflag:$0x1] =	stream.indirect_vreg.gather [hbm4b:s5+s3], $0x80, v4, vm1, $0xb8;
	[tilespmem:$0x1B800] =	vst v63  }
0x39b: {  	s8 =	simm.s32 $0x19400  }
0x39c: {  	[tilespmem:s8], [sflag:$0x1] =	stream.indirect_vreg.gather [hbm4b:s2+s3], $0x80, v3, vm0, $0xb8;
	[tilespmem:$0x1B800] =	vst v63  }
0x39d: {  	s8 =	simm.s32 $0x19C00  }
0x39e: {  	[tilespmem:s8], [sflag:$0x1] =	stream.indirect_vreg.gather [hbm4b:s5+s3], $0x80, v3, vm1, $0xb8;
	[tilespmem:$0x1B800] =	vst v63  }
0x39f: {  	v3 =	vld [tilespmem:$0x450];
	_ =	sdelay $0x4  }
0x3a0: {  	v45 =	vshrl.u32 v3, $0x3  }
0x3a1: {  	v4 =	vmul.u32 $0x18, v45  }
0x3a2: {  	v3 =	vand.u32 $0x7, v3  }
0x3a3: {  	v3 =	vor.u32 v3, v4  }
0x3a4: {  	v4 =	vperm.xlane v3, v0;
	_ =	sdelay $0x1  }
0x3a5: {  	v4 =	vadd.s32 v1, v4;
	_ =	sdelay $0x1  }
0x3a6: {  	v3 =	vperm.xlane v3, v2;
	_ =	sdelay $0x1  }
0x3a7: {  	s8 =	simm.s32 $0x1A000;
	v3 =	vadd.s32 v1, v3  }
0x3a8: {  	[tilespmem:s8], [sflag:$0x1] =	stream.indirect_vreg.gather [hbm4b:s2+s3], $0x80, v4, vm0, $0xb8;
	[tilespmem:$0x1B800] =	vst v63  }
0x3a9: {  	s8 =	simm.s32 $0x1A800  }
0x3aa: {  	[tilespmem:s8], [sflag:$0x1] =	stream.indirect_vreg.gather [hbm4b:s5+s3], $0x80, v4, vm1, $0xb8;
	[tilespmem:$0x1B800] =	vst v63  }
0x3ab: {  	s8 =	simm.s32 $0x1AC00  }
0x3ac: {  	[tilespmem:s8], [sflag:$0x1] =	stream.indirect_vreg.gather [hbm4b:s2+s3], $0x80, v3, vm0, $0xb8;
	[tilespmem:$0x1B800] =	vst v63  }
0x3ad: {  	s8 =	simm.s32 $0x1B400  }
0x3ae: {  	[tilespmem:s8], [sflag:$0x1] =	stream.indirect_vreg.gather [hbm4b:s5+s3], $0x80, v3, vm1, $0xb8;
	[tilespmem:$0x1B800] =	vst v63  }
0x3af: {  	s7 =	rddreg [dreg:$0xa]  }
0x3b0: {  	[hbm4b:s7+s3] =	stream.linear.scatter [tilespmem:s0], [sflag:$0x2], $0x9000, $0x38;
	[tilespmem:$0x1B800] =	vst v63  }
0x3b1: {  	_ =	swait.ge [sflag:s31], $0x9000  }
0x3b2: {  	[sflag:s31] =	ssyncset.done $0x0  }
0x3b3: {  	[sflag:s31] =	ssyncadd.s32 $0xFFFF7000  }
0x3b4: {  	_ =	swait.ge [sflag:s4], $0x9000  }
0x3b5: {  	[sflag:s4] =	ssyncset.done $0x0  }
0x3b6: {  	[sflag:s4] =	ssyncadd.s32 $0xFFFF7000  }
0x3b7: {  	v3 =	vld [tilespmem:$0x480];
	_ =	sdelay $0x4  }
0x3b8: {  	v46 =	vshrl.u32 v3, $0x3  }
0x3b9: {  	v4 =	vmul.u32 $0x18, v46  }
0x3ba: {  	v3 =	vand.u32 $0x7, v3  }
0x3bb: {  	v3 =	vor.u32 v3, v4  }
0x3bc: {  	v4 =	vperm.xlane v3, v0;
	_ =	sdelay $0x1  }
0x3bd: {  	v4 =	vadd.s32 v1, v4;
	_ =	sdelay $0x1  }
0x3be: {  	v3 =	vperm.xlane v3, v2;
	_ =	sdelay $0x1  }
0x3bf: {  	v3 =	vadd.s32 v1, v3  }
0x3c0: {  	[tilespmem:s0], [sflag:$0x1] =	stream.indirect_vreg.gather [hbm4b:s2+s3], $0x80, v4, vm0, $0xb8;
	[tilespmem:$0x1B800] =	vst v63  }
0x3c1: {  	s10 =	simm.s32 $0x1000  }
0x3c2: {  	[tilespmem:s10], [sflag:$0x1] =	stream.indirect_vreg.gather [hbm4b:s5+s3], $0x80, v4, vm1, $0xb8;
	[tilespmem:$0x1B800] =	vst v63  }
0x3c3: {  	s11 =	simm.s32 $0x1400  }
0x3c4: {  	[tilespmem:s11], [sflag:$0x1] =	stream.indirect_vreg.gather [hbm4b:s2+s3], $0x80, v3, vm0, $0xb8;
	[tilespmem:$0x1B800] =	vst v63  }
0x3c5: {  	s11 =	simm.s32 $0x1C00  }
0x3c6: {  	[tilespmem:s11], [sflag:$0x1] =	stream.indirect_vreg.gather [hbm4b:s5+s3], $0x80, v3, vm1, $0xb8;
	[tilespmem:$0x1B800] =	vst v63  }
0x3c7: {  	v3 =	vld [tilespmem:$0x490];
	_ =	sdelay $0x4  }
0x3c8: {  	v47 =	vshrl.u32 v3, $0x3  }
0x3c9: {  	v4 =	vmul.u32 $0x18, v47  }
0x3ca: {  	v3 =	vand.u32 $0x7, v3  }
0x3cb: {  	v3 =	vor.u32 v3, v4  }
0x3cc: {  	v4 =	vperm.xlane v3, v0;
	_ =	sdelay $0x1  }
0x3cd: {  	v4 =	vadd.s32 v1, v4;
	_ =	sdelay $0x1  }
0x3ce: {  	v3 =	vperm.xlane v3, v2;
	_ =	sdelay $0x1  }
0x3cf: {  	s12 =	simm.s32 $0x2000;
	v3 =	vadd.s32 v1, v3  }
0x3d0: {  	[tilespmem:s12], [sflag:$0x1] =	stream.indirect_vreg.gather [hbm4b:s2+s3], $0x80, v4, vm0, $0xb8;
	[tilespmem:$0x1B800] =	vst v63  }
0x3d1: {  	s13 =	simm.s32 $0x2800  }
0x3d2: {  	[tilespmem:s13], [sflag:$0x1] =	stream.indirect_vreg.gather [hbm4b:s5+s3], $0x80, v4, vm1, $0xb8;
	[tilespmem:$0x1B800] =	vst v63  }
0x3d3: {  	s14 =	simm.s32 $0x2C00  }
0x3d4: {  	[tilespmem:s14], [sflag:$0x1] =	stream.indirect_vreg.gather [hbm4b:s2+s3], $0x80, v3, vm0, $0xb8;
	[tilespmem:$0x1B800] =	vst v63  }
0x3d5: {  	s13 =	simm.s32 $0x3400  }
0x3d6: {  	[tilespmem:s13], [sflag:$0x1] =	stream.indirect_vreg.gather [hbm4b:s5+s3], $0x80, v3, vm1, $0xb8;
	[tilespmem:$0x1B800] =	vst v63  }
0x3d7: {  	v3 =	vld [tilespmem:$0x4A0];
	_ =	sdelay $0x4  }
0x3d8: {  	v48 =	vshrl.u32 v3, $0x3  }
0x3d9: {  	v4 =	vmul.u32 $0x18, v48  }
0x3da: {  	v3 =	vand.u32 $0x7, v3  }
0x3db: {  	v3 =	vor.u32 v3, v4  }
0x3dc: {  	v4 =	vperm.xlane v3, v0;
	_ =	sdelay $0x1  }
0x3dd: {  	v4 =	vadd.s32 v1, v4;
	_ =	sdelay $0x1  }
0x3de: {  	v3 =	vperm.xlane v3, v2;
	_ =	sdelay $0x1  }
0x3df: {  	s15 =	simm.s32 $0x3800;
	v3 =	vadd.s32 v1, v3  }
0x3e0: {  	[tilespmem:s15], [sflag:$0x1] =	stream.indirect_vreg.gather [hbm4b:s2+s3], $0x80, v4, vm0, $0xb8;
	[tilespmem:$0x1B800] =	vst v63  }
0x3e1: {  	s16 =	simm.s32 $0x4000  }
0x3e2: {  	[tilespmem:s16], [sflag:$0x1] =	stream.indirect_vreg.gather [hbm4b:s5+s3], $0x80, v4, vm1, $0xb8;
	[tilespmem:$0x1B800] =	vst v63  }
0x3e3: {  	s17 =	simm.s32 $0x4400  }
0x3e4: {  	[tilespmem:s17], [sflag:$0x1] =	stream.indirect_vreg.gather [hbm4b:s2+s3], $0x80, v3, vm0, $0xb8;
	[tilespmem:$0x1B800] =	vst v63  }
0x3e5: {  	s14 =	simm.s32 $0x4C00  }
0x3e6: {  	[tilespmem:s14], [sflag:$0x1] =	stream.indirect_vreg.gather [hbm4b:s5+s3], $0x80, v3, vm1, $0xb8;
	[tilespmem:$0x1B800] =	vst v63  }
0x3e7: {  	v3 =	vld [tilespmem:$0x4B0];
	_ =	sdelay $0x4  }
0x3e8: {  	v49 =	vshrl.u32 v3, $0x3  }
0x3e9: {  	v4 =	vmul.u32 $0x18, v49  }
0x3ea: {  	v3 =	vand.u32 $0x7, v3  }
0x3eb: {  	v3 =	vor.u32 v3, v4  }
0x3ec: {  	v4 =	vperm.xlane v3, v0;
	_ =	sdelay $0x1  }
0x3ed: {  	v4 =	vadd.s32 v1, v4;
	_ =	sdelay $0x1  }
0x3ee: {  	v3 =	vperm.xlane v3, v2;
	_ =	sdelay $0x1  }
0x3ef: {  	s18 =	simm.s32 $0x5000;
	v3 =	vadd.s32 v1, v3  }
0x3f0: {  	[tilespmem:s18], [sflag:$0x1] =	stream.indirect_vreg.gather [hbm4b:s2+s3], $0x80, v4, vm0, $0xb8;
	[tilespmem:$0x1B800] =	vst v63  }
0x3f1: {  	s19 =	simm.s32 $0x5800  }
0x3f2: {  	[tilespmem:s19], [sflag:$0x1] =	stream.indirect_vreg.gather [hbm4b:s5+s3], $0x80, v4, vm1, $0xb8;
	[tilespmem:$0x1B800] =	vst v63  }
0x3f3: {  	s20 =	simm.s32 $0x5C00  }
0x3f4: {  	[tilespmem:s20], [sflag:$0x1] =	stream.indirect_vreg.gather [hbm4b:s2+s3], $0x80, v3, vm0, $0xb8;
	[tilespmem:$0x1B800] =	vst v63  }
0x3f5: {  	s15 =	simm.s32 $0x6400  }
0x3f6: {  	[tilespmem:s15], [sflag:$0x1] =	stream.indirect_vreg.gather [hbm4b:s5+s3], $0x80, v3, vm1, $0xb8;
	[tilespmem:$0x1B800] =	vst v63  }
0x3f7: {  	v3 =	vld [tilespmem:$0x4C0];
	_ =	sdelay $0x4  }
0x3f8: {  	v50 =	vshrl.u32 v3, $0x3  }
0x3f9: {  	v4 =	vmul.u32 $0x18, v50  }
0x3fa: {  	v3 =	vand.u32 $0x7, v3  }
0x3fb: {  	v3 =	vor.u32 v3, v4  }
0x3fc: {  	v4 =	vperm.xlane v3, v0;
	_ =	sdelay $0x1  }
0x3fd: {  	v4 =	vadd.s32 v1, v4;
	_ =	sdelay $0x1  }
0x3fe: {  	v3 =	vperm.xlane v3, v2;
	_ =	sdelay $0x1  }
0x3ff: {  	s21 =	simm.s32 $0x6800;
	v3 =	vadd.s32 v1, v3  }
0x400: {  	[tilespmem:s21], [sflag:$0x1] =	stream.indirect_vreg.gather [hbm4b:s2+s3], $0x80, v4, vm0, $0xb8;
	[tilespmem:$0x1B800] =	vst v63  }
0x401: {  	s22 =	simm.s32 $0x7000  }
0x402: {  	[tilespmem:s22], [sflag:$0x1] =	stream.indirect_vreg.gather [hbm4b:s5+s3], $0x80, v4, vm1, $0xb8;
	[tilespmem:$0x1B800] =	vst v63  }
0x403: {  	s23 =	simm.s32 $0x7400  }
0x404: {  	[tilespmem:s23], [sflag:$0x1] =	stream.indirect_vreg.gather [hbm4b:s2+s3], $0x80, v3, vm0, $0xb8;
	[tilespmem:$0x1B800] =	vst v63  }
0x405: {  	s16 =	simm.s32 $0x7C00  }
0x406: {  	[tilespmem:s16], [sflag:$0x1] =	stream.indirect_vreg.gather [hbm4b:s5+s3], $0x80, v3, vm1, $0xb8;
	[tilespmem:$0x1B800] =	vst v63  }
0x407: {  	v3 =	vld [tilespmem:$0x4D0];
	_ =	sdelay $0x4  }
0x408: {  	v51 =	vshrl.u32 v3, $0x3  }
0x409: {  	v4 =	vmul.u32 $0x18, v51  }
0x40a: {  	v3 =	vand.u32 $0x7, v3  }
0x40b: {  	v3 =	vor.u32 v3, v4  }
0x40c: {  	v4 =	vperm.xlane v3, v0;
	_ =	sdelay $0x1  }
0x40d: {  	v4 =	vadd.s32 v1, v4;
	_ =	sdelay $0x1  }
0x40e: {  	v3 =	vperm.xlane v3, v2;
	_ =	sdelay $0x1  }
0x40f: {  	s24 =	simm.s32 $0x8000;
	v3 =	vadd.s32 v1, v3  }
0x410: {  	[tilespmem:s24], [sflag:$0x1] =	stream.indirect_vreg.gather [hbm4b:s2+s3], $0x80, v4, vm0, $0xb8;
	[tilespmem:$0x1B800] =	vst v63  }
0x411: {  	s25 =	simm.s32 $0x8800  }
0x412: {  	[tilespmem:s25], [sflag:$0x1] =	stream.indirect_vreg.gather [hbm4b:s5+s3], $0x80, v4, vm1, $0xb8;
	[tilespmem:$0x1B800] =	vst v63  }
0x413: {  	s9 =	simm.s32 $0x8C00  }
0x414: {  	[tilespmem:s9], [sflag:$0x1] =	stream.indirect_vreg.gather [hbm4b:s2+s3], $0x80, v3, vm0, $0xb8;
	[tilespmem:$0x1B800] =	vst v63  }
0x415: {  	s18 =	simm.s32 $0x9400  }
0x416: {  	[tilespmem:s18], [sflag:$0x1] =	stream.indirect_vreg.gather [hbm4b:s5+s3], $0x80, v3, vm1, $0xb8;
	[tilespmem:$0x1B800] =	vst v63  }
0x417: {  	s17 =	rddreg [dreg:$0xb]  }
0x418: {  	[hbm4b:s17+s3] =	stream.linear.scatter [tilespmem:s1], [sflag:$0x2], $0x9000, $0x38;
	[tilespmem:$0x1B800] =	vst v63  }
0x419: {  	_ =	swait.ge [sflag:s31], $0x9000  }
0x41a: {  	[sflag:s31] =	ssyncset.done $0x0  }
0x41b: {  	[sflag:s31] =	ssyncadd.s32 $0xFFFF7000  }
0x41c: {  	_ =	swait.ge [sflag:s4], $0x9000  }
0x41d: {  	[sflag:s4] =	ssyncset.done $0x0  }
0x41e: {  	[sflag:s4] =	ssyncadd.s32 $0xFFFF7000  }
0x41f: {  	v3 =	vld [tilespmem:$0x500];
	_ =	sdelay $0x4  }
0x420: {  	v52 =	vshrl.u32 v3, $0x3  }
0x421: {  	v4 =	vmul.u32 $0x18, v52  }
0x422: {  	v3 =	vand.u32 $0x7, v3  }
0x423: {  	v3 =	vor.u32 v3, v4  }
0x424: {  	v4 =	vperm.xlane v3, v0;
	_ =	sdelay $0x1  }
0x425: {  	v4 =	vadd.s32 v1, v4;
	_ =	sdelay $0x1  }
0x426: {  	v3 =	vperm.xlane v3, v2;
	_ =	sdelay $0x1  }
0x427: {  	v3 =	vadd.s32 v1, v3  }
0x428: {  	[tilespmem:s1], [sflag:$0x1] =	stream.indirect_vreg.gather [hbm4b:s2+s3], $0x80, v4, vm0, $0xb8;
	[tilespmem:$0x1B800] =	vst v63  }
0x429: {  	s19 =	simm.s32 $0xA000  }
0x42a: {  	[tilespmem:s19], [sflag:$0x1] =	stream.indirect_vreg.gather [hbm4b:s5+s3], $0x80, v4, vm1, $0xb8;
	[tilespmem:$0x1B800] =	vst v63  }
0x42b: {  	s20 =	simm.s32 $0xA400  }
0x42c: {  	[tilespmem:s20], [sflag:$0x1] =	stream.indirect_vreg.gather [hbm4b:s2+s3], $0x80, v3, vm0, $0xb8;
	[tilespmem:$0x1B800] =	vst v63  }
0x42d: {  	s21 =	simm.s32 $0xAC00  }
0x42e: {  	[tilespmem:s21], [sflag:$0x1] =	stream.indirect_vreg.gather [hbm4b:s5+s3], $0x80, v3, vm1, $0xb8;
	[tilespmem:$0x1B800] =	vst v63  }
0x42f: {  	v3 =	vld [tilespmem:$0x510];
	_ =	sdelay $0x4  }
0x430: {  	v53 =	vshrl.u32 v3, $0x3  }
0x431: {  	v4 =	vmul.u32 $0x18, v53  }
0x432: {  	v3 =	vand.u32 $0x7, v3  }
0x433: {  	v3 =	vor.u32 v3, v4  }
0x434: {  	v4 =	vperm.xlane v3, v0;
	_ =	sdelay $0x1  }
0x435: {  	v4 =	vadd.s32 v1, v4;
	_ =	sdelay $0x1  }
0x436: {  	v3 =	vperm.xlane v3, v2;
	_ =	sdelay $0x1  }
0x437: {  	s22 =	simm.s32 $0xB000;
	v3 =	vadd.s32 v1, v3  }
0x438: {  	[tilespmem:s22], [sflag:$0x1] =	stream.indirect_vreg.gather [hbm4b:s2+s3], $0x80, v4, vm0, $0xb8;
	[tilespmem:$0x1B800] =	vst v63  }
0x439: {  	s23 =	simm.s32 $0xB800  }
0x43a: {  	[tilespmem:s23], [sflag:$0x1] =	stream.indirect_vreg.gather [hbm4b:s5+s3], $0x80, v4, vm1, $0xb8;
	[tilespmem:$0x1B800] =	vst v63  }
0x43b: {  	s24 =	simm.s32 $0xBC00  }
0x43c: {  	[tilespmem:s24], [sflag:$0x1] =	stream.indirect_vreg.gather [hbm4b:s2+s3], $0x80, v3, vm0, $0xb8;
	[tilespmem:$0x1B800] =	vst v63  }
0x43d: {  	s25 =	simm.s32 $0xC400  }
0x43e: {  	[tilespmem:s25], [sflag:$0x1] =	stream.indirect_vreg.gather [hbm4b:s5+s3], $0x80, v3, vm1, $0xb8;
	[tilespmem:$0x1B800] =	vst v63  }
0x43f: {  	v3 =	vld [tilespmem:$0x520];
	_ =	sdelay $0x4  }
0x440: {  	v54 =	vshrl.u32 v3, $0x3  }
0x441: {  	v4 =	vmul.u32 $0x18, v54  }
0x442: {  	v3 =	vand.u32 $0x7, v3  }
0x443: {  	v3 =	vor.u32 v3, v4  }
0x444: {  	v4 =	vperm.xlane v3, v0;
	_ =	sdelay $0x1  }
0x445: {  	v4 =	vadd.s32 v1, v4;
	_ =	sdelay $0x1  }
0x446: {  	v3 =	vperm.xlane v3, v2;
	_ =	sdelay $0x1  }
0x447: {  	s9 =	simm.s32 $0xC800;
	v3 =	vadd.s32 v1, v3  }
0x448: {  	[tilespmem:s9], [sflag:$0x1] =	stream.indirect_vreg.gather [hbm4b:s2+s3], $0x80, v4, vm0, $0xb8;
	[tilespmem:$0x1B800] =	vst v63  }
0x449: {  	s10 =	simm.s32 $0xD000  }
0x44a: {  	[tilespmem:s10], [sflag:$0x1] =	stream.indirect_vreg.gather [hbm4b:s5+s3], $0x80, v4, vm1, $0xb8;
	[tilespmem:$0x1B800] =	vst v63  }
0x44b: {  	s11 =	simm.s32 $0xD400  }
0x44c: {  	[tilespmem:s11], [sflag:$0x1] =	stream.indirect_vreg.gather [hbm4b:s2+s3], $0x80, v3, vm0, $0xb8;
	[tilespmem:$0x1B800] =	vst v63  }
0x44d: {  	s12 =	simm.s32 $0xDC00  }
0x44e: {  	[tilespmem:s12], [sflag:$0x1] =	stream.indirect_vreg.gather [hbm4b:s5+s3], $0x80, v3, vm1, $0xb8;
	[tilespmem:$0x1B800] =	vst v63  }
0x44f: {  	v3 =	vld [tilespmem:$0x530];
	_ =	sdelay $0x4  }
0x450: {  	v55 =	vshrl.u32 v3, $0x3  }
0x451: {  	v4 =	vmul.u32 $0x18, v55  }
0x452: {  	v3 =	vand.u32 $0x7, v3  }
0x453: {  	v3 =	vor.u32 v3, v4  }
0x454: {  	v4 =	vperm.xlane v3, v0;
	_ =	sdelay $0x1  }
0x455: {  	v4 =	vadd.s32 v1, v4;
	_ =	sdelay $0x1  }
0x456: {  	v3 =	vperm.xlane v3, v2;
	_ =	sdelay $0x1  }
0x457: {  	s13 =	simm.s32 $0xE000;
	v3 =	vadd.s32 v1, v3  }
0x458: {  	[tilespmem:s13], [sflag:$0x1] =	stream.indirect_vreg.gather [hbm4b:s2+s3], $0x80, v4, vm0, $0xb8;
	[tilespmem:$0x1B800] =	vst v63  }
0x459: {  	s14 =	simm.s32 $0xE800  }
0x45a: {  	[tilespmem:s14], [sflag:$0x1] =	stream.indirect_vreg.gather [hbm4b:s5+s3], $0x80, v4, vm1, $0xb8;
	[tilespmem:$0x1B800] =	vst v63  }
0x45b: {  	s15 =	simm.s32 $0xEC00  }
0x45c: {  	[tilespmem:s15], [sflag:$0x1] =	stream.indirect_vreg.gather [hbm4b:s2+s3], $0x80, v3, vm0, $0xb8;
	[tilespmem:$0x1B800] =	vst v63  }
0x45d: {  	s16 =	simm.s32 $0xF400  }
0x45e: {  	[tilespmem:s16], [sflag:$0x1] =	stream.indirect_vreg.gather [hbm4b:s5+s3], $0x80, v3, vm1, $0xb8;
	[tilespmem:$0x1B800] =	vst v63  }
0x45f: {  	v3 =	vld [tilespmem:$0x540];
	_ =	sdelay $0x4  }
0x460: {  	v56 =	vshrl.u32 v3, $0x3  }
0x461: {  	v4 =	vmul.u32 $0x18, v56  }
0x462: {  	v3 =	vand.u32 $0x7, v3  }
0x463: {  	v3 =	vor.u32 v3, v4  }
0x464: {  	v4 =	vperm.xlane v3, v0;
	_ =	sdelay $0x1  }
0x465: {  	v4 =	vadd.s32 v1, v4;
	_ =	sdelay $0x1  }
0x466: {  	v3 =	vperm.xlane v3, v2;
	_ =	sdelay $0x1  }
0x467: {  	s17 =	simm.s32 $0xF800;
	v3 =	vadd.s32 v1, v3  }
0x468: {  	[tilespmem:s17], [sflag:$0x1] =	stream.indirect_vreg.gather [hbm4b:s2+s3], $0x80, v4, vm0, $0xb8;
	[tilespmem:$0x1B800] =	vst v63  }
0x469: {  	s18 =	simm.s32 $0x10000  }
0x46a: {  	[tilespmem:s18], [sflag:$0x1] =	stream.indirect_vreg.gather [hbm4b:s5+s3], $0x80, v4, vm1, $0xb8;
	[tilespmem:$0x1B800] =	vst v63  }
0x46b: {  	s19 =	simm.s32 $0x10400  }
0x46c: {  	[tilespmem:s19], [sflag:$0x1] =	stream.indirect_vreg.gather [hbm4b:s2+s3], $0x80, v3, vm0, $0xb8;
	[tilespmem:$0x1B800] =	vst v63  }
0x46d: {  	s20 =	simm.s32 $0x10C00  }
0x46e: {  	[tilespmem:s20], [sflag:$0x1] =	stream.indirect_vreg.gather [hbm4b:s5+s3], $0x80, v3, vm1, $0xb8;
	[tilespmem:$0x1B800] =	vst v63  }
0x46f: {  	v3 =	vld [tilespmem:$0x550];
	_ =	sdelay $0x4  }
0x470: {  	v57 =	vshrl.u32 v3, $0x3  }
0x471: {  	v4 =	vmul.u32 $0x18, v57  }
0x472: {  	v3 =	vand.u32 $0x7, v3  }
0x473: {  	v3 =	vor.u32 v3, v4  }
0x474: {  	v4 =	vperm.xlane v3, v0;
	_ =	sdelay $0x1  }
0x475: {  	v4 =	vadd.s32 v1, v4;
	_ =	sdelay $0x1  }
0x476: {  	v3 =	vperm.xlane v3, v2;
	_ =	sdelay $0x1  }
0x477: {  	s21 =	simm.s32 $0x11000;
	v3 =	vadd.s32 v1, v3  }
0x478: {  	[tilespmem:s21], [sflag:$0x1] =	stream.indirect_vreg.gather [hbm4b:s2+s3], $0x80, v4, vm0, $0xb8;
	[tilespmem:$0x1B800] =	vst v63  }
0x479: {  	s22 =	simm.s32 $0x11800  }
0x47a: {  	[tilespmem:s22], [sflag:$0x1] =	stream.indirect_vreg.gather [hbm4b:s5+s3], $0x80, v4, vm1, $0xb8;
	[tilespmem:$0x1B800] =	vst v63  }
0x47b: {  	s23 =	simm.s32 $0x11C00  }
0x47c: {  	[tilespmem:s23], [sflag:$0x1] =	stream.indirect_vreg.gather [hbm4b:s2+s3], $0x80, v3, vm0, $0xb8;
	[tilespmem:$0x1B800] =	vst v63  }
0x47d: {  	s25 =	simm.s32 $0x12400  }
0x47e: {  	[tilespmem:s25], [sflag:$0x1] =	stream.indirect_vreg.gather [hbm4b:s5+s3], $0x80, v3, vm1, $0xb8;
	[tilespmem:$0x1B800] =	vst v63  }
0x47f: {  	s24 =	rddreg [dreg:$0xc]  }
0x480: {  	[hbm4b:s24+s3] =	stream.linear.scatter [tilespmem:s26], [sflag:$0x2], $0x9000, $0x38;
	[tilespmem:$0x1B800] =	vst v63  }
0x481: {  	_ =	swait.ge [sflag:s31], $0x9000  }
0x482: {  	[sflag:s31] =	ssyncset.done $0x0  }
0x483: {  	[sflag:s31] =	ssyncadd.s32 $0xFFFF7000  }
0x484: {  	_ =	swait.ge [sflag:s4], $0x9000  }
0x485: {  	[sflag:s4] =	ssyncset.done $0x0  }
0x486: {  	[sflag:s4] =	ssyncadd.s32 $0xFFFF7000  }
0x487: {  	v3 =	vld [tilespmem:$0x580];
	_ =	sdelay $0x4  }
0x488: {  	v58 =	vshrl.u32 v3, $0x3  }
0x489: {  	v4 =	vmul.u32 $0x18, v58  }
0x48a: {  	v3 =	vand.u32 $0x7, v3  }
0x48b: {  	v3 =	vor.u32 v3, v4  }
0x48c: {  	v4 =	vperm.xlane v3, v0;
	_ =	sdelay $0x1  }
0x48d: {  	v4 =	vadd.s32 v1, v4;
	_ =	sdelay $0x1  }
0x48e: {  	v3 =	vperm.xlane v3, v2;
	_ =	sdelay $0x1  }
0x48f: {  	v3 =	vadd.s32 v1, v3  }
0x490: {  	[tilespmem:s26], [sflag:$0x1] =	stream.indirect_vreg.gather [hbm4b:s2+s3], $0x80, v4, vm0, $0xb8;
	[tilespmem:$0x1B800] =	vst v63  }
0x491: {  	s28 =	simm.s32 $0x13000  }
0x492: {  	[tilespmem:s28], [sflag:$0x1] =	stream.indirect_vreg.gather [hbm4b:s5+s3], $0x80, v4, vm1, $0xb8;
	[tilespmem:$0x1B800] =	vst v63  }
0x493: {  	s29 =	simm.s32 $0x13400  }
0x494: {  	[tilespmem:s29], [sflag:$0x1] =	stream.indirect_vreg.gather [hbm4b:s2+s3], $0x80, v3, vm0, $0xb8;
	[tilespmem:$0x1B800] =	vst v63  }
0x495: {  	s28 =	simm.s32 $0x13C00  }
0x496: {  	[tilespmem:s28], [sflag:$0x1] =	stream.indirect_vreg.gather [hbm4b:s5+s3], $0x80, v3, vm1, $0xb8;
	[tilespmem:$0x1B800] =	vst v63  }
0x497: {  	v3 =	vld [tilespmem:$0x590];
	_ =	sdelay $0x4  }
0x498: {  	v59 =	vshrl.u32 v3, $0x3  }
0x499: {  	v4 =	vmul.u32 $0x18, v59  }
0x49a: {  	v3 =	vand.u32 $0x7, v3  }
0x49b: {  	v3 =	vor.u32 v3, v4  }
0x49c: {  	v4 =	vperm.xlane v3, v0;
	_ =	sdelay $0x1  }
0x49d: {  	v4 =	vadd.s32 v1, v4;
	_ =	sdelay $0x1  }
0x49e: {  	v3 =	vperm.xlane v3, v2;
	_ =	sdelay $0x1  }
0x49f: {  	s29 =	simm.s32 $0x14000;
	v3 =	vadd.s32 v1, v3  }
0x4a0: {  	[tilespmem:s29], [sflag:$0x1] =	stream.indirect_vreg.gather [hbm4b:s2+s3], $0x80, v4, vm0, $0xb8;
	[tilespmem:$0x1B800] =	vst v63  }
0x4a1: {  	s30 =	simm.s32 $0x14800  }
0x4a2: {  	[tilespmem:s30], [sflag:$0x1] =	stream.indirect_vreg.gather [hbm4b:s5+s3], $0x80, v4, vm1, $0xb8;
	[tilespmem:$0x1B800] =	vst v63  }
0x4a3: {  	s9 =	simm.s32 $0x14C00  }
0x4a4: {  	[tilespmem:s9], [sflag:$0x1] =	stream.indirect_vreg.gather [hbm4b:s2+s3], $0x80, v3, vm0, $0xb8;
	[tilespmem:$0x1B800] =	vst v63  }
0x4a5: {  	s10 =	simm.s32 $0x15400  }
0x4a6: {  	[tilespmem:s10], [sflag:$0x1] =	stream.indirect_vreg.gather [hbm4b:s5+s3], $0x80, v3, vm1, $0xb8;
	[tilespmem:$0x1B800] =	vst v63  }
0x4a7: {  	v3 =	vld [tilespmem:$0x5A0];
	_ =	sdelay $0x4  }
0x4a8: {  	v60 =	vshrl.u32 v3, $0x3  }
0x4a9: {  	v4 =	vmul.u32 $0x18, v60  }
0x4aa: {  	v3 =	vand.u32 $0x7, v3  }
0x4ab: {  	v3 =	vor.u32 v3, v4  }
0x4ac: {  	v4 =	vperm.xlane v3, v0;
	_ =	sdelay $0x1  }
0x4ad: {  	v4 =	vadd.s32 v1, v4;
	_ =	sdelay $0x1  }
0x4ae: {  	v3 =	vperm.xlane v3, v2;
	_ =	sdelay $0x1  }
0x4af: {  	s11 =	simm.s32 $0x15800;
	v3 =	vadd.s32 v1, v3  }
0x4b0: {  	[tilespmem:s11], [sflag:$0x1] =	stream.indirect_vreg.gather [hbm4b:s2+s3], $0x80, v4, vm0, $0xb8;
	[tilespmem:$0x1B800] =	vst v63  }
0x4b1: {  	s12 =	simm.s32 $0x16000  }
0x4b2: {  	[tilespmem:s12], [sflag:$0x1] =	stream.indirect_vreg.gather [hbm4b:s5+s3], $0x80, v4, vm1, $0xb8;
	[tilespmem:$0x1B800] =	vst v63  }
0x4b3: {  	s13 =	simm.s32 $0x16400  }
0x4b4: {  	[tilespmem:s13], [sflag:$0x1] =	stream.indirect_vreg.gather [hbm4b:s2+s3], $0x80, v3, vm0, $0xb8;
	[tilespmem:$0x1B800] =	vst v63  }
0x4b5: {  	s14 =	simm.s32 $0x16C00  }
0x4b6: {  	[tilespmem:s14], [sflag:$0x1] =	stream.indirect_vreg.gather [hbm4b:s5+s3], $0x80, v3, vm1, $0xb8;
	[tilespmem:$0x1B800] =	vst v63  }
0x4b7: {  	v3 =	vld [tilespmem:$0x5B0];
	_ =	sdelay $0x4  }
0x4b8: {  	v61 =	vshrl.u32 v3, $0x3  }
0x4b9: {  	v4 =	vmul.u32 $0x18, v61  }
0x4ba: {  	v3 =	vand.u32 $0x7, v3  }
0x4bb: {  	v3 =	vor.u32 v3, v4  }
0x4bc: {  	v4 =	vperm.xlane v3, v0;
	_ =	sdelay $0x1  }
0x4bd: {  	v4 =	vadd.s32 v1, v4;
	_ =	sdelay $0x1  }
0x4be: {  	v3 =	vperm.xlane v3, v2;
	_ =	sdelay $0x1  }
0x4bf: {  	s15 =	simm.s32 $0x17000;
	v3 =	vadd.s32 v1, v3  }
0x4c0: {  	[tilespmem:s15], [sflag:$0x1] =	stream.indirect_vreg.gather [hbm4b:s2+s3], $0x80, v4, vm0, $0xb8;
	[tilespmem:$0x1B800] =	vst v63  }
0x4c1: {  	s16 =	simm.s32 $0x17800  }
0x4c2: {  	[tilespmem:s16], [sflag:$0x1] =	stream.indirect_vreg.gather [hbm4b:s5+s3], $0x80, v4, vm1, $0xb8;
	[tilespmem:$0x1B800] =	vst v63  }
0x4c3: {  	s17 =	simm.s32 $0x17C00  }
0x4c4: {  	[tilespmem:s17], [sflag:$0x1] =	stream.indirect_vreg.gather [hbm4b:s2+s3], $0x80, v3, vm0, $0xb8;
	[tilespmem:$0x1B800] =	vst v63  }
0x4c5: {  	s18 =	simm.s32 $0x18400  }
0x4c6: {  	[tilespmem:s18], [sflag:$0x1] =	stream.indirect_vreg.gather [hbm4b:s5+s3], $0x80, v3, vm1, $0xb8;
	[tilespmem:$0x1B800] =	vst v63  }
0x4c7: {  	v3 =	vld [tilespmem:$0x5C0];
	_ =	sdelay $0x4  }
0x4c8: {  	v62 =	vshrl.u32 v3, $0x3  }
0x4c9: {  	v4 =	vmul.u32 $0x18, v62  }
0x4ca: {  	v3 =	vand.u32 $0x7, v3  }
0x4cb: {  	v3 =	vor.u32 v3, v4  }
0x4cc: {  	v4 =	vperm.xlane v3, v0;
	_ =	sdelay $0x1  }
0x4cd: {  	v4 =	vadd.s32 v1, v4;
	_ =	sdelay $0x1  }
0x4ce: {  	v3 =	vperm.xlane v3, v2;
	_ =	sdelay $0x1  }
0x4cf: {  	s19 =	simm.s32 $0x18800;
	v3 =	vadd.s32 v1, v3  }
0x4d0: {  	[tilespmem:s19], [sflag:$0x1] =	stream.indirect_vreg.gather [hbm4b:s2+s3], $0x80, v4, vm0, $0xb8;
	[tilespmem:$0x1B800] =	vst v63  }
0x4d1: {  	s20 =	simm.s32 $0x19000  }
0x4d2: {  	[tilespmem:s20], [sflag:$0x1] =	stream.indirect_vreg.gather [hbm4b:s5+s3], $0x80, v4, vm1, $0xb8;
	[tilespmem:$0x1B800] =	vst v63  }
0x4d3: {  	s21 =	simm.s32 $0x19400  }
0x4d4: {  	[tilespmem:s21], [sflag:$0x1] =	stream.indirect_vreg.gather [hbm4b:s2+s3], $0x80, v3, vm0, $0xb8;
	[tilespmem:$0x1B800] =	vst v63  }
0x4d5: {  	s22 =	simm.s32 $0x19C00  }
0x4d6: {  	[tilespmem:s22], [sflag:$0x1] =	stream.indirect_vreg.gather [hbm4b:s5+s3], $0x80, v3, vm1, $0xb8;
	[tilespmem:$0x1B800] =	vst v63  }
0x4d7: {  	v3 =	vld [tilespmem:$0x5D0];
	_ =	sdelay $0x4  }
0x4d8: {  	v63 =	vshrl.u32 v3, $0x3  }
0x4d9: {  	v4 =	vmul.u32 $0x18, v63  }
0x4da: {  	v3 =	vand.u32 $0x7, v3  }
0x4db: {  	v3 =	vor.u32 v3, v4  }
0x4dc: {  	v4 =	vperm.xlane v3, v0;
	_ =	sdelay $0x1  }
0x4dd: {  	v4 =	vadd.s32 v1, v4;
	_ =	sdelay $0x1  }
0x4de: {  	v3 =	vperm.xlane v3, v2;
	_ =	sdelay $0x1  }
0x4df: {  	s23 =	simm.s32 $0x1A000;
	v3 =	vadd.s32 v1, v3  }
0x4e0: {  	[tilespmem:s23], [sflag:$0x1] =	stream.indirect_vreg.gather [hbm4b:s2+s3], $0x80, v4, vm0, $0xb8;
	[tilespmem:$0x1B800] =	vst v63  }
0x4e1: {  	s24 =	simm.s32 $0x1A800  }
0x4e2: {  	[tilespmem:s24], [sflag:$0x1] =	stream.indirect_vreg.gather [hbm4b:s5+s3], $0x80, v4, vm1, $0xb8;
	[tilespmem:$0x1B800] =	vst v63  }
0x4e3: {  	s25 =	simm.s32 $0x1AC00  }
0x4e4: {  	[tilespmem:s25], [sflag:$0x1] =	stream.indirect_vreg.gather [hbm4b:s2+s3], $0x80, v3, vm0, $0xb8;
	[tilespmem:$0x1B800] =	vst v63  }
0x4e5: {  	s8 =	simm.s32 $0x1B400  }
0x4e6: {  	[tilespmem:s8], [sflag:$0x1] =	stream.indirect_vreg.gather [hbm4b:s5+s3], $0x80, v3, vm1, $0xb8;
	[tilespmem:$0x1B800] =	vst v63  }
0x4e7: {  	s28 =	rddreg [dreg:$0xd]  }
0x4e8: {  	[hbm4b:s28+s3] =	stream.linear.scatter [tilespmem:s0], [sflag:$0x2], $0x9000, $0x38;
	[tilespmem:$0x1B800] =	vst v63  }
0x4e9: {  	_ =	swait.ge [sflag:s31], $0x9000  }
0x4ea: {  	[sflag:s31] =	ssyncset.done $0x0  }
0x4eb: {  	s29 =	rddreg [dreg:$0xe];
	[sflag:s31] =	ssyncadd.s32 $0xFFFF7000  }
0x4ec: {  	[hbm4b:s29+s3] =	stream.linear.scatter [tilespmem:s1], [sflag:$0x2], $0x9000, $0x38;
	[tilespmem:$0x1B800] =	vst v63  }
0x4ed: {  	_ =	swait.ge [sflag:s31], $0x9000  }
0x4ee: {  	[sflag:s31] =	ssyncset.done $0x0  }
0x4ef: {  	s30 =	rddreg [dreg:$0xf];
	[sflag:s31] =	ssyncadd.s32 $0xFFFF7000  }
0x4f0: {  	[hbm4b:s30+s3] =	stream.linear.scatter [tilespmem:s26], [sflag:$0x2], $0x9000, $0x38;
	[tilespmem:$0x1B800] =	vst v63  }
0x4f1: {  	_ =	swait.ge [sflag:s4], $0x9000  }
0x4f2: {  	[sflag:s4] =	ssyncset.done $0x0  }
0x4f3: {  	[sflag:s4] =	ssyncadd.s32 $0xFFFF7000  }
0x4f4: {  	p0 =	sne.s32 s6, $0x1;
	_ =	swait.ge [sflag:s4], $0x9000  }
.Ltmp0:
0x4f5: {  	[sflag:s4] =	ssyncset.done $0x0;
	(pc) =	sbr.rel @p0 .LBB2_1-.Ltmp0, $4  }
0x4f6: {  	[sflag:s4] =	ssyncadd.s32 $0xFFFF7000  }
0x4f7: {  	_ =	swait.ge [sflag:s4], $0x9000  }
0x4f8: {  	[sflag:s4] =	ssyncset.done $0x0  }
0x4f9: {  	s6 =	sadd.s32 $0xFFFFFFFF, s6;
	[sflag:s4] =	ssyncadd.s32 $0xFFFF7000  }
0x4fa: {  	_ =	sfence.sel $0x180000  }
0x4fb: {  	[bflag:$0x0] =	sbarrier.arrive $0xFFFF  }
0x4fc: {  	_ =	strace $0x90000047  }
0x4fd: {  	s0 =	stileid.u32;
	[bflag:$0x2] =	sbarrier.arrive $0xFFFF  }
0x4fe: {  	p0 =	sne.s32 s0, $0x0;
	s0 =	rddreg [dreg:$0x3]  }
0x4ff: {  	s0 =	sadd.s32 @!p0 $0x100000, s0  }
0x500: {  	[sflag:s0] =	ssyncadd.tile.s32 @!p0 $0x1;
	_ =	shalt  }
.Lfunc_end2:
_tile_overlayer_lowered:
.L_overlay_start_2:
0x501: {  	(tag) =	ssettag $0x2  }
0x502: {  	s0 =	rddreg [dreg:$0x0];
	s2 =	stileid.u32  }
0x503: {  	s1 =	rddreg [dreg:$0x1];
	p0 =	sne.s32 s2, $0x0  }
0x504: {  	s3 =	rddreg [dreg:$0x2];
	[bflag:$0x3] =	sbarrier.arrive $0xFFFF;
	s2 =	simm.s32 @!p0 $0x1C03  }
0x505: {  	[timem:s3], [sflag:s2] =	dma.local @!p0 [hbm:s0], s1  }
0x506: {  	s0 =	simm.s32 @!p0 $0x3  }
0x507: {  	_ =	swait.ge @!p0 [sflag:s0], s1  }
0x508: {  	s1 =	ssub.s32 @!p0 $0x0, s1;
	[sflag:s0] =	ssyncset.done @!p0 $0x0  }
0x509: {  	[sflag:s0] =	ssyncadd.s32 @!p0 s1  }
0x50a: {  	[bflag:$0x3] =	sbarrier.arrive $0xFFFF  }
0x50b: {  	_ =	shalt  }

</sc_bundles>
